<compile_context>
chip_gen: v7x
topology: tpu7x:2x2x1
jax: 0.10.2.dev20260603
libtpu: 0.0.44.dev20260713+nightly
codegen_flags: <defaults>
</compile_context>

<pallas_src>
import functools

import jax
import jax.numpy as jnp
from jax import lax
from jax.experimental import pallas as pl
from jax.experimental.pallas import tpu as pltpu
from jax.experimental.pallas import tpu_sc as plsc

N = 10000
NPAD = 10240
E = 320000
F = 128
G = 64
NC, NS = 2, 16
NW = NC * NS
EPB = 96
CH = 108
EPAD = NW * EPB * CH
RPT = NPAD // NS
BLK = 512
BI = 256
WIN = 3 * BI
NB = NPAD // BI


_agg_out = (
    jax.ShapeDtypeStruct((NC, NPAD, F), jnp.float32),
    jax.ShapeDtypeStruct((NC, NPAD), jnp.float32),
)


def _sc_agg_body(h, srcp, dstp, kept1, zrow, zdeg, outs, outd,
                 src_v, dst_v, rows_v, kf_v, kept_sh, acc_sh, deg_sh,
                 isem0, isem1, isem2, gsem0, gsem1, gsem2,
                 ksem0, ksem1, ksem2, ssem0, ssem1, ssem2):
  c = lax.axis_index("c")
  s = lax.axis_index("s")
  wid = c * NS + s
  r0 = s * RPT
  pltpu.sync_copy(zrow.at[pl.ds(r0, RPT)], acc_sh.at[pl.ds(r0, RPT)])
  pltpu.sync_copy(zdeg.at[pl.ds(r0, RPT)], deg_sh.at[pl.ds(r0, RPT)])
  pltpu.sync_copy(kept1.at[pl.ds(r0, RPT)], kept_sh.at[pl.ds(r0, RPT)])
  ebase = wid * (CH * EPB)

  isems = (isem0, isem1, isem2)
  gsems = (gsem0, gsem1, gsem2)
  ksems = (ksem0, ksem1, ksem2)
  ssems = (ssem0, ssem1, ssem2)

  def start_idx(ci, b):
    base = ebase + ci * EPB
    pltpu.async_copy(srcp.at[pl.ds(base, EPB)], src_v.at[b], isems[b])
    pltpu.async_copy(dstp.at[pl.ds(base, EPB)], dst_v.at[b], isems[b])

  def wait_idx(b):
    pltpu.make_async_copy(srcp.at[pl.ds(0, EPB)], src_v.at[b],
                          isems[b]).wait()
    pltpu.make_async_copy(dstp.at[pl.ds(0, EPB)], dst_v.at[b],
                          isems[b]).wait()

  def start_gather(b):
    pltpu.async_copy(h.at[src_v.at[b]], rows_v.at[b], gsems[b])
    pltpu.async_copy(kept_sh.at[src_v.at[b]], kf_v.at[b], ksems[b])

  def wait_gather(b):
    pltpu.make_async_copy(h.at[src_v.at[b]], rows_v.at[b], gsems[b]).wait()
    pltpu.make_async_copy(kept_sh.at[src_v.at[b]], kf_v.at[b],
                          ksems[b]).wait()

  def start_scatter(b):
    pltpu.async_copy(rows_v.at[b], acc_sh.at[dst_v.at[b]], ssems[b],
                     add=True)
    pltpu.async_copy(kf_v.at[b], deg_sh.at[dst_v.at[b]], ssems[b], add=True)

  def wait_scatter(b):
    pltpu.make_async_copy(rows_v.at[b], acc_sh.at[dst_v.at[b]],
                          ssems[b]).wait()
    pltpu.make_async_copy(kf_v.at[b], deg_sh.at[dst_v.at[b]],
                          ssems[b]).wait()

  plsc.subcore_barrier()
  start_idx(0, 0)
  start_idx(1, 1)
  wait_idx(0)
  start_gather(0)

  def step(ci, b, bn, bp):
    @pl.when(ci + 1 < CH)
    def _():
      wait_idx(bn)
      start_gather(bn)

    wait_gather(b)
    start_scatter(b)

    @pl.when(jnp.logical_and(ci >= 1, ci + 2 < CH))
    def _():
      wait_scatter(bp)

    @pl.when(ci + 2 < CH)
    def _():
      start_idx(ci + 2, bp)

  def body(j, carry):
    c0 = 3 * j
    step(c0, 0, 1, 2)
    step(c0 + 1, 1, 2, 0)
    step(c0 + 2, 2, 0, 1)
    return carry

  lax.fori_loop(0, CH // 3, body, 0)
  wait_scatter((CH - 3) % 3)
  wait_scatter((CH - 2) % 3)
  wait_scatter((CH - 1) % 3)
  plsc.subcore_barrier()
  pltpu.sync_copy(acc_sh.at[pl.ds(r0, RPT)], outs.at[c, pl.ds(r0, RPT)])
  pltpu.sync_copy(deg_sh.at[pl.ds(r0, RPT)], outd.at[c, pl.ds(r0, RPT)])


@functools.lru_cache(maxsize=None)
def _make_sc_aggregate():
  return pl.kernel(
      _sc_agg_body,
      out_type=_agg_out,
      mesh=plsc.VectorSubcoreMesh(core_axis_name="c", subcore_axis_name="s"),
      scratch_types=[
          pltpu.VMEM((3, EPB), jnp.int32),
          pltpu.VMEM((3, EPB), jnp.int32),
          pltpu.VMEM((3, EPB, F), jnp.float32),
          pltpu.VMEM((3, EPB), jnp.float32),
          pltpu.VMEM_SHARED((NPAD,), jnp.float32),
          pltpu.VMEM_SHARED((NPAD, F), jnp.float32),
          pltpu.VMEM_SHARED((NPAD,), jnp.float32),
      ] + [pltpu.SemaphoreType.DMA] * 12,
  )


def _sc_aggregate(h, srcp, dstp, kept1, zrow, zdeg):
  return _make_sc_aggregate()(h, srcp, dstp, kept1, zrow, zdeg)


def _lrs_body(s2, d2, acol, h, bcol, prow, brow, arow, pcol,
              wl, bl, wr, pw, eye, counts0,
              hnew_ref, keptc_ref, krow_ref, rank_ref, rrow_ref,
              gmax_ref, gaps_ref, cnt_ref,
              hmid_sc, scol_sc, srow_sc, counts_sc):
  k = pl.program_id(0)
  i = pl.program_id(1)
  row0 = pl.multiple_of(i * BI, 128)

  @pl.when(k == 0)
  def _layer():
    ssum = s2[0] + s2[1]
    drow = d2[0:1, :] + d2[1:2, :]
    deg = lax.dot_general(eye[...], drow, (((1,), (1,)), ((), ())),
                          preferred_element_type=jnp.float32)
    keptc = acol[...]
    mean = ssum * keptc / jnp.maximum(deg, 1.0)
    z = (lax.dot_general(mean, wl[...], (((1,), (1,)), ((), ())),
                         preferred_element_type=jnp.float32)
         + bl[...]
         + lax.dot_general(h[...], wr[...], (((1,), (1,)), ((), ())),
                           preferred_element_type=jnp.float32))
    hmid = jnp.maximum(z, 0.0)
    hmid_sc[pl.ds(row0, BI), :] = hmid
    pwv = pw[...]
    nrm = jnp.sqrt(jnp.sum(pwv * pwv))
    score = jnp.tanh(jnp.sum(hmid * pwv, axis=1, keepdims=True) / nrm)
    scol_sc[pl.ds(row0, BI), :] = score
    srow_sc[:, pl.ds(row0, BI)] = lax.dot_general(
        score, eye[...], (((0,), (0,)), ((), ())),
        preferred_element_type=jnp.float32)
    gids = lax.broadcasted_iota(jnp.int32, (1, G), 1).astype(jnp.float32)
    cnt0 = jnp.sum(jnp.where((bcol[...] == gids) & (keptc > 0.5), 1.0, 0.0),
                   axis=0, keepdims=True)

    @pl.when(i == 0)
    def _():
      counts_sc[...] = counts0[...]

    counts_sc[...] += cnt0

  @pl.when(k == 1)
  def _rsel():
    start = pl.multiple_of(jnp.clip(i * BI - BI, 0, NPAD - WIN), 128)
    sj = srow_sc[:, pl.ds(start, WIN)]
    pj = prow[:, pl.ds(start, WIN)]
    bj = brow[:, pl.ds(start, WIN)]
    aj = arow[:, pl.ds(start, WIN)]
    si = scol_sc[pl.ds(row0, BI), :]
    pi = pcol[...]
    bi = bcol[...]
    beats = (sj > si) | ((sj == si) & (pj < pi))
    valid = (bj == bi) & (aj > 0.5)
    rank = jnp.sum(jnp.where(beats & valid, 1.0, 0.0), axis=1, keepdims=True)
    rank_ref[...] = rank
    rrow_ref[...] = lax.dot_general(rank, eye[...], (((0,), (0,)), ((), ())),
                                    preferred_element_type=jnp.float32)
    kvec = jnp.ceil(0.5 * counts_sc[...])
    gids = lax.broadcasted_iota(jnp.int32, (1, G), 1).astype(jnp.float32)
    onehot = bi == gids
    k_i = jnp.sum(jnp.where(onehot, kvec, 0.0), axis=1, keepdims=True)
    keptn = (acol[...] > 0.5) & (rank < k_i)
    keptf = jnp.where(keptn, 1.0, 0.0)
    hnew = hmid_sc[pl.ds(row0, BI), :] * si * keptf
    hnew_ref[...] = hnew
    keptc_ref[...] = keptf
    krow_ref[...] = lax.dot_general(keptf, eye[...], (((0,), (0,)), ((), ())),
                                    preferred_element_type=jnp.float32)
    onehot_f = jnp.where(onehot & keptn, 1.0, 0.0)
    gaps = lax.dot_general(onehot_f, hnew, (((0,), (0,)), ((), ())),
                           preferred_element_type=jnp.float32)
    cnt = jnp.sum(onehot_f, axis=0)[:, None]

    @pl.when(i == 0)
    def _():
      gaps_ref[...] = jnp.zeros_like(gaps_ref)
      cnt_ref[...] = jnp.zeros_like(cnt_ref)
      gmax_ref[...] = jnp.full_like(gmax_ref, -3e38)

    gaps_ref[...] += gaps
    cnt_ref[...] += cnt
    gmin = jnp.min(bi).astype(jnp.int32)
    gmax = jnp.max(bi).astype(jnp.int32)

    def gbody(g, carry):
      mask = (bi == g.astype(jnp.float32)) & keptn
      gm = jnp.max(jnp.where(mask, hnew, -3e38), axis=0, keepdims=True)
      cur = gmax_ref[pl.ds(g, 1), :]
      gmax_ref[pl.ds(g, 1), :] = jnp.maximum(cur, gm)
      return carry

    lax.fori_loop(gmin, gmax + 1, gbody, 0)


def _lrs_step(s2, d2, keptc, h, bat_col, prow, bat_row, arow, pos_col,
              wl, bl, wr, pw, eye, counts0):
  full_row = pl.BlockSpec((1, NPAD), lambda k, i: (0, 0))
  col = pl.BlockSpec((BI, 1), lambda k, i: (i, 0))
  return pl.pallas_call(
      _lrs_body,
      grid=(2, NB),
      in_specs=[
          pl.BlockSpec((NC, BI, F), lambda k, i: (0, i * (1 - k), 0)),
          pl.BlockSpec((NC, BI), lambda k, i: (0, i * (1 - k))),
          col,
          pl.BlockSpec((BI, F), lambda k, i: (i * (1 - k), 0)),
          col, full_row, full_row, full_row, col,
          pl.BlockSpec((F, F), lambda k, i: (0, 0)),
          pl.BlockSpec((1, F), lambda k, i: (0, 0)),
          pl.BlockSpec((F, F), lambda k, i: (0, 0)),
          pl.BlockSpec((1, F), lambda k, i: (0, 0)),
          pl.BlockSpec((BI, BI), lambda k, i: (0, 0)),
          pl.BlockSpec((1, G), lambda k, i: (0, 0)),
      ],
      out_specs=[
          pl.BlockSpec((BI, F), lambda k, i: (i * k, 0)),
          pl.BlockSpec((BI, 1), lambda k, i: (i * k, 0)),
          pl.BlockSpec((1, BI), lambda k, i: (0, i * k)),
          pl.BlockSpec((BI, 1), lambda k, i: (i * k, 0)),
          pl.BlockSpec((1, BI), lambda k, i: (0, i * k)),
          pl.BlockSpec((G, F), lambda k, i: (0, 0)),
          pl.BlockSpec((G, F), lambda k, i: (0, 0)),
          pl.BlockSpec((G, 1), lambda k, i: (0, 0)),
      ],
      out_shape=[
          jax.ShapeDtypeStruct((NPAD, F), jnp.float32),
          jax.ShapeDtypeStruct((NPAD, 1), jnp.float32),
          jax.ShapeDtypeStruct((1, NPAD), jnp.float32),
          jax.ShapeDtypeStruct((NPAD, 1), jnp.float32),
          jax.ShapeDtypeStruct((1, NPAD), jnp.float32),
          jax.ShapeDtypeStruct((G, F), jnp.float32),
          jax.ShapeDtypeStruct((G, F), jnp.float32),
          jax.ShapeDtypeStruct((G, 1), jnp.float32),
      ],
      scratch_shapes=[
          pltpu.VMEM((NPAD, F), jnp.float32),
          pltpu.VMEM((NPAD, 1), jnp.float32),
          pltpu.VMEM((1, NPAD), jnp.float32),
          pltpu.VMEM((1, G), jnp.float32),
      ],
  )(s2, d2, keptc, h, bat_col, prow, bat_row, arow, pos_col,
    wl, bl, wr, pw, eye, counts0)


def _head_body(gm1, gs1, c1, gm2, gs2, c2, gm3, gs3, c3,
               l1w, l1b, l2w, l2b, l3w, l3b, out_ref):
  def readout(gm, gs, ct):
    c = ct[...]
    m = jnp.where(c > 0.5, gm[...], 0.0)
    a = gs[...] / jnp.maximum(c, 1.0)
    return jnp.concatenate([m, a], axis=1)

  z = readout(gm1, gs1, c1) + readout(gm2, gs2, c2) + readout(gm3, gs3, c3)
  z = jnp.maximum(
      lax.dot_general(z, l1w[...], (((1,), (1,)), ((), ())),
                      preferred_element_type=jnp.float32) + l1b[...], 0.0)
  z = jnp.maximum(
      lax.dot_general(z, l2w[...], (((1,), (1,)), ((), ())),
                      preferred_element_type=jnp.float32) + l2b[...], 0.0)
  z = lax.dot_general(z, l3w[...], (((1,), (1,)), ((), ())),
                      preferred_element_type=jnp.float32) + l3b[...]
  m = jnp.max(z, axis=1, keepdims=True)
  lse = m + jnp.log(jnp.sum(jnp.exp(z - m), axis=1, keepdims=True))
  out_ref[...] = z - lse


def _head_step(r1, r2, r3, l1w, l1b, l2w, l2b, l3w, l3b):
  return pl.pallas_call(
      _head_body,
      out_shape=jax.ShapeDtypeStruct((G, 10), jnp.float32),
  )(r1[0], r1[1], r1[2], r2[0], r2[1], r2[2], r3[0], r3[1], r3[2],
    l1w, l1b, l2w, l2b, l3w, l3b)


def kernel(x, edge_index, batch, W1l, b1l, W1r, W2l, b2l, W2r, W3l, b3l, W3r,
           p1w, p2w, p3w, lin1W, lin1b, lin2W, lin2b, lin3W, lin3b):
  f32 = jnp.float32
  src = edge_index[0]
  dst = edge_index[1]
  extra = NPAD - N
  pad_nodes = N + (jnp.arange(EPAD - E, dtype=jnp.int32) % extra)
  srcp = jnp.concatenate([src, pad_nodes])
  dstp = jnp.concatenate([dst, pad_nodes])
  xp = jnp.pad(x, ((0, extra), (0, 0)))
  batchp = jnp.pad(batch, (0, extra), constant_values=G - 1).astype(f32)
  keptc = (jnp.arange(NPAD) < N).astype(f32)[:, None]
  zrow = jnp.zeros((NPAD, F), f32)
  zdeg = jnp.zeros((NPAD,), f32)
  bat_col = batchp[:, None]
  bat_row = batchp[None, :]
  pos_col = jnp.arange(NPAD, dtype=f32)[:, None]

  h = xp
  readouts = []
  eye_bi = jnp.eye(BI, dtype=f32)
  zcounts = jnp.zeros((1, G), f32)
  kept_row = keptc.reshape(1, NPAD)
  pos_row = pos_col.reshape(1, NPAD)
  for wl, bl, wr, pw in ((W1l, b1l, W1r, p1w),
                         (W2l, b2l, W2r, p2w),
                         (W3l, b3l, W3r, p3w)):
    s2, d2 = _sc_aggregate(h, srcp, dstp, kept_row.reshape(NPAD), zrow, zdeg)
    h, keptc, kept_row, rank, rank_row, gmax, gaps, cnt = _lrs_step(
        s2, d2, keptc, h, bat_col, pos_row, bat_row, kept_row, pos_col,
        wl, bl[None, :], wr, pw[None, :], eye_bi, zcounts)
    pos_col = rank
    pos_row = rank_row
    readouts.append((gmax, gaps, cnt))

  return _head_step(readouts[0], readouts[1], readouts[2],
                    lin1W, lin1b[None, :], lin2W, lin2b[None, :],
                    lin3W, lin3b[None, :])

# --- scband reference (transcript-rebuilt; emitter-appended) ---
"""Pipeline reference for scband-net-1-8950711845642 (READ-ONLY COPY).

The authoritative reference and input builder live on the scoring server;
editing this copy changes nothing except your own understanding.
"""

import jax, jax.numpy as jnp
import numpy as np

NUM_GRAPHS = 64
NUM_NODES = 10000
NUM_EDGES = 320000
F_IN = 128
HID = 128
NUM_CLASSES = 10


def setup_inputs(seed: int = 0):
    key = jax.random.key(seed)
    ks = jax.random.split(key, 24)
    inp = {}
    inp['x'] = jax.random.normal(ks[0], (NUM_NODES, F_IN), dtype=jnp.float32)
    inp['edge_index'] = jax.random.randint(ks[1], (2, NUM_EDGES), 0, NUM_NODES, dtype=jnp.int32)
    inp['batch'] = jnp.sort(jax.random.randint(ks[2], (NUM_NODES,), 0, NUM_GRAPHS, dtype=jnp.int32))
    def lin(k, o, i):
        return jax.random.normal(k, (o, i), dtype=jnp.float32) / np.sqrt(i)
    inp['W1l'] = lin(ks[3], HID, F_IN); inp['b1l'] = jnp.zeros((HID,), jnp.float32); inp['W1r'] = lin(ks[4], HID, F_IN)
    inp['W2l'] = lin(ks[5], HID, HID); inp['b2l'] = jnp.zeros((HID,), jnp.float32); inp['W2r'] = lin(ks[6], HID, HID)
    inp['W3l'] = lin(ks[7], HID, HID); inp['b3l'] = jnp.zeros((HID,), jnp.float32); inp['W3r'] = lin(ks[8], HID, HID)
    inp['p1w'] = jax.random.normal(ks[9], (HID,), jnp.float32)
    inp['p2w'] = jax.random.normal(ks[10], (HID,), jnp.float32)
    inp['p3w'] = jax.random.normal(ks[11], (HID,), jnp.float32)
    inp['lin1W'] = lin(ks[12], 128, 256); inp['lin1b'] = jnp.zeros((128,), jnp.float32)
    inp['lin2W'] = lin(ks[13], 64, 128); inp['lin2b'] = jnp.zeros((64,), jnp.float32)
    inp['lin3W'] = lin(ks[14], NUM_CLASSES, 64); inp['lin3b'] = jnp.zeros((NUM_CLASSES,), jnp.float32)
    return inp


def _sage(x, ei, Wl, bl, Wr, emask):
    src, dst = ei[0], ei[1]
    msg = jnp.where(emask[:, None], x[src], 0.0)
    s = jax.ops.segment_sum(msg, dst, num_segments=x.shape[0])
    d = jax.ops.segment_sum(emask.astype(x.dtype), dst, num_segments=x.shape[0])
    mean = s / jnp.clip(d, 1.0)[:, None]
    return mean @ Wl.T + bl + x @ Wr.T


def _topk_pool(x, ei, batch, w, nmask, emask, ratio=0.5):
    score = jnp.tanh((x @ w) / jnp.linalg.norm(w))
    counts = jax.ops.segment_sum(nmask.astype(jnp.int32), batch, num_segments=NUM_GRAPHS)
    k = jnp.ceil(ratio * counts.astype(jnp.float32)).astype(jnp.int32)
    order = jnp.lexsort((-score, jnp.logical_not(nmask), batch))
    full_counts = jax.ops.segment_sum(jnp.ones_like(batch), batch, num_segments=NUM_GRAPHS)
    starts = jnp.concatenate([jnp.zeros((1,), full_counts.dtype), jnp.cumsum(full_counts)[:-1]])
    sb = batch[order]
    pos = jnp.arange(batch.shape[0]) - starts[sb]
    kept = pos < k[sb]
    x_new = jnp.where(kept[:, None], x[order] * score[order][:, None], 0.0)
    kept_old = jnp.zeros((x.shape[0],), dtype=bool).at[order].set(kept)
    inv = jnp.zeros((x.shape[0],), dtype=jnp.int32).at[order].set(jnp.arange(x.shape[0], dtype=jnp.int32))
    src, dst = ei[0], ei[1]
    ek = kept_old[src] & kept_old[dst] & emask
    ei_new = jnp.stack([inv[src], inv[dst]])
    return x_new, ei_new, sb, kept, ek


def _gmp(x, batch, nmask):
    m = jax.ops.segment_max(jnp.where(nmask[:, None], x, -jnp.inf), batch, num_segments=NUM_GRAPHS)
    return jnp.where(jnp.isfinite(m), m, 0.0)


def _gap(x, batch, nmask):
    s = jax.ops.segment_sum(jnp.where(nmask[:, None], x, 0.0), batch, num_segments=NUM_GRAPHS)
    c = jax.ops.segment_sum(nmask.astype(x.dtype), batch, num_segments=NUM_GRAPHS)
    return s / jnp.clip(c, 1.0)[:, None]


def reference(x, edge_index, batch, W1l, b1l, W1r, W2l, b2l, W2r, W3l, b3l, W3r, p1w, p2w, p3w, lin1W, lin1b, lin2W, lin2b, lin3W, lin3b):
    nmask = jnp.ones((x.shape[0],), dtype=bool)
    emask = jnp.ones((edge_index.shape[1],), dtype=bool)
    h = jax.nn.relu(_sage(x, edge_index, W1l, b1l, W1r, emask))
    h, ei, b, nmask, emask = _topk_pool(h, edge_index, batch, p1w, nmask, emask)
    x1 = jnp.concatenate([_gmp(h, b, nmask), _gap(h, b, nmask)], axis=1)
    h = jax.nn.relu(_sage(h, ei, W2l, b2l, W2r, emask))
    h, ei, b, nmask, emask = _topk_pool(h, ei, b, p2w, nmask, emask)
    x2 = jnp.concatenate([_gmp(h, b, nmask), _gap(h, b, nmask)], axis=1)
    h = jax.nn.relu(_sage(h, ei, W3l, b3l, W3r, emask))
    h, ei, b, nmask, emask = _topk_pool(h, ei, b, p3w, nmask, emask)
    x3 = jnp.concatenate([_gmp(h, b, nmask), _gap(h, b, nmask)], axis=1)
    z = x1 + x2 + x3
    z = jax.nn.relu(z @ lin1W.T + lin1b)
    z = jax.nn.relu(z @ lin2W.T + lin2b)
    z = z @ lin3W.T + lin3b
    return jax.nn.log_softmax(z, axis=-1)

if __name__ == "__main__":
    import jax
    _d = setup_inputs()
    print(jax.jit(kernel)(*tuple(_d.values())))

</pallas_src>

<mosaic_0001>
#map = affine_map<(d0, d1) -> (0, 0)>
#map1 = affine_map<(d0, d1) -> (0)>
#map2 = affine_map<(d0, d1) -> (0, 0, 0)>
module attributes {stable_mosaic.version = 14 : i64} {
  func.func @_sc_agg_body(%arg0: i32, %arg1: i32, %arg2: memref<10240x128xf32, #tpu.memory_space<hbm>>, %arg3: memref<331776xi32, #tpu.memory_space<hbm>>, %arg4: memref<331776xi32, #tpu.memory_space<hbm>>, %arg5: memref<10240xf32, #tpu.memory_space<hbm>>, %arg6: memref<10240x128xf32, #tpu.memory_space<hbm>>, %arg7: memref<10240xf32, #tpu.memory_space<hbm>>, %arg8: memref<2x10240x128xf32, #tpu.memory_space<hbm>>, %arg9: memref<2x10240xf32, #tpu.memory_space<hbm>>, %arg10: memref<3x96xi32, #tpu.memory_space<vmem>>, %arg11: memref<3x96xi32, #tpu.memory_space<vmem>>, %arg12: memref<3x96x128xf32, #tpu.memory_space<vmem>>, %arg13: memref<3x96xf32, #tpu.memory_space<vmem>>, %arg14: memref<10240xf32, #tpu.memory_space<vmem_shared>>, %arg15: memref<10240x128xf32, #tpu.memory_space<vmem_shared>>, %arg16: memref<10240xf32, #tpu.memory_space<vmem_shared>>, %arg17: memref<!tpu.dma_semaphore, #tpu.memory_space<semaphore_mem>>, %arg18: memref<!tpu.dma_semaphore, #tpu.memory_space<semaphore_mem>>, %arg19: memref<!tpu.dma_semaphore, #tpu.memory_space<semaphore_mem>>, %arg20: memref<!tpu.dma_semaphore, #tpu.memory_space<semaphore_mem>>, %arg21: memref<!tpu.dma_semaphore, #tpu.memory_space<semaphore_mem>>, %arg22: memref<!tpu.dma_semaphore, #tpu.memory_space<semaphore_mem>>, %arg23: memref<!tpu.dma_semaphore, #tpu.memory_space<semaphore_mem>>, %arg24: memref<!tpu.dma_semaphore, #tpu.memory_space<semaphore_mem>>, %arg25: memref<!tpu.dma_semaphore, #tpu.memory_space<semaphore_mem>>, %arg26: memref<!tpu.dma_semaphore, #tpu.memory_space<semaphore_mem>>, %arg27: memref<!tpu.dma_semaphore, #tpu.memory_space<semaphore_mem>>, %arg28: memref<!tpu.dma_semaphore, #tpu.memory_space<semaphore_mem>>) attributes {dimension_semantics = [#tpu.dimension_semantics<core_parallel>, #tpu.dimension_semantics<subcore_parallel>], iteration_bounds = array<i64: 2, 16>, scalar_prefetch = 0 : i64, scratch_operands = 19 : i64, tpu.core_type = #tpu.core_type<sc_vector_subcore>, window_params = [{transform_indices = #map}, {transform_indices = #map1}, {transform_indices = #map1}, {transform_indices = #map1}, {transform_indices = #map}, {transform_indices = #map1}, {transform_indices = #map2}, {transform_indices = #map}]} {
    %mul3A = arith.constant 16 : i32
    %mul3A_0 = arith.muli %arg0, %mul3A : i32
    %add3A = arith.addi %mul3A_0, %arg1 : i32
    %mul3A_1 = arith.constant 640 : i32
    %mul3A_2 = arith.muli %arg1, %mul3A_1 : i32
    "tpu.region"() ({
      %run_scoped3A = tpu.sem_alloc : memref<!tpu.dma_semaphore, #tpu.memory_space<semaphore_mem>>
      %dma_start3A_159 = arith.constant 0 : i32
      %dma_start3A_160 = tpu.memref_slice %arg15[%mul3A_2, %dma_start3A_159] : memref<10240x128xf32, #tpu.memory_space<vmem_shared>> -> memref<640x128xf32, #tpu.memory_space<vmem_shared>>
      %dma_start3A_161 = arith.constant 0 : i32
      %dma_start3A_162 = tpu.memref_slice %arg6[%mul3A_2, %dma_start3A_161] : memref<10240x128xf32, #tpu.memory_space<hbm>> -> memref<640x128xf32, #tpu.memory_space<hbm>>
      tpu.enqueue_dma source(%dma_start3A_162 : memref<640x128xf32, #tpu.memory_space<hbm>>) target(%dma_start3A_160 : memref<640x128xf32, #tpu.memory_space<vmem_shared>>) target_semaphore(%run_scoped3A : memref<!tpu.dma_semaphore, #tpu.memory_space<semaphore_mem>>)
      %dma_wait3A_163 = arith.constant 0 : i32
      %dma_wait3A_164 = tpu.memref_slice %arg15[%mul3A_2, %dma_wait3A_163] : memref<10240x128xf32, #tpu.memory_space<vmem_shared>> -> memref<640x128xf32, #tpu.memory_space<vmem_shared>>
      %dma_wait3A_165 = arith.constant 0 : i32
      %dma_wait3A_166 = tpu.memref_slice %arg6[%mul3A_2, %dma_wait3A_165] : memref<10240x128xf32, #tpu.memory_space<hbm>> -> memref<640x128xf32, #tpu.memory_space<hbm>>
      tpu.wait_dma2 semaphore(%run_scoped3A : memref<!tpu.dma_semaphore, #tpu.memory_space<semaphore_mem>>) src(%dma_wait3A_166 : memref<640x128xf32, #tpu.memory_space<hbm>>) dst(%dma_wait3A_164 : memref<640x128xf32, #tpu.memory_space<vmem_shared>>)
      tpu.yield
    }) : () -> ()
    "tpu.region"() ({
      %run_scoped3A = tpu.sem_alloc : memref<!tpu.dma_semaphore, #tpu.memory_space<semaphore_mem>>
      %dma_start3A_159 = tpu.memref_slice %arg16[%mul3A_2] : memref<10240xf32, #tpu.memory_space<vmem_shared>> -> memref<640xf32, #tpu.memory_space<vmem_shared>>
      %dma_start3A_160 = tpu.memref_slice %arg7[%mul3A_2] : memref<10240xf32, #tpu.memory_space<hbm>> -> memref<640xf32, #tpu.memory_space<hbm>>
      tpu.enqueue_dma source(%dma_start3A_160 : memref<640xf32, #tpu.memory_space<hbm>>) target(%dma_start3A_159 : memref<640xf32, #tpu.memory_space<vmem_shared>>) target_semaphore(%run_scoped3A : memref<!tpu.dma_semaphore, #tpu.memory_space<semaphore_mem>>)
      %dma_wait3A_161 = tpu.memref_slice %arg16[%mul3A_2] : memref<10240xf32, #tpu.memory_space<vmem_shared>> -> memref<640xf32, #tpu.memory_space<vmem_shared>>
      %dma_wait3A_162 = tpu.memref_slice %arg7[%mul3A_2] : memref<10240xf32, #tpu.memory_space<hbm>> -> memref<640xf32, #tpu.memory_space<hbm>>
      tpu.wait_dma2 semaphore(%run_scoped3A : memref<!tpu.dma_semaphore, #tpu.memory_space<semaphore_mem>>) src(%dma_wait3A_162 : memref<640xf32, #tpu.memory_space<hbm>>) dst(%dma_wait3A_161 : memref<640xf32, #tpu.memory_space<vmem_shared>>)
      tpu.yield
    }) : () -> ()
    "tpu.region"() ({
      %run_scoped3A = tpu.sem_alloc : memref<!tpu.dma_semaphore, #tpu.memory_space<semaphore_mem>>
      %dma_start3A_159 = tpu.memref_slice %arg14[%mul3A_2] : memref<10240xf32, #tpu.memory_space<vmem_shared>> -> memref<640xf32, #tpu.memory_space<vmem_shared>>
      %dma_start3A_160 = tpu.memref_slice %arg5[%mul3A_2] : memref<10240xf32, #tpu.memory_space<hbm>> -> memref<640xf32, #tpu.memory_space<hbm>>
      tpu.enqueue_dma source(%dma_start3A_160 : memref<640xf32, #tpu.memory_space<hbm>>) target(%dma_start3A_159 : memref<640xf32, #tpu.memory_space<vmem_shared>>) target_semaphore(%run_scoped3A : memref<!tpu.dma_semaphore, #tpu.memory_space<semaphore_mem>>)
      %dma_wait3A_161 = tpu.memref_slice %arg14[%mul3A_2] : memref<10240xf32, #tpu.memory_space<vmem_shared>> -> memref<640xf32, #tpu.memory_space<vmem_shared>>
      %dma_wait3A_162 = tpu.memref_slice %arg5[%mul3A_2] : memref<10240xf32, #tpu.memory_space<hbm>> -> memref<640xf32, #tpu.memory_space<hbm>>
      tpu.wait_dma2 semaphore(%run_scoped3A : memref<!tpu.dma_semaphore, #tpu.memory_space<semaphore_mem>>) src(%dma_wait3A_162 : memref<640xf32, #tpu.memory_space<hbm>>) dst(%dma_wait3A_161 : memref<640xf32, #tpu.memory_space<vmem_shared>>)
      tpu.yield
    }) : () -> ()
    %mul3A_3 = arith.constant 10368 : i32
    %mul3A_4 = arith.muli %add3A, %mul3A_3 : i32
    %barrier3A = arith.constant 0 : index
    tpu.barrier barrier_id(%barrier3A)
    %add3A_5 = arith.constant 0 : i32
    %add3A_6 = arith.addi %mul3A_4, %add3A_5 : i32
    %dma_start3A = arith.constant 0 : i32
    %dma_start3A_7 = arith.constant 0 : i32
    %dma_start3A_8 = tpu.memref_slice %arg10[%dma_start3A, %dma_start3A_7] : memref<3x96xi32, #tpu.memory_space<vmem>> -> memref<1x96xi32, #tpu.memory_space<vmem>>
    %dma_start3A_9 = tpu.memref_squeeze %dma_start3A_8 : memref<1x96xi32, #tpu.memory_space<vmem>> -> memref<96xi32, #tpu.memory_space<vmem>>
    %dma_start3A_10 = tpu.memref_slice %arg3[%add3A_6] : memref<331776xi32, #tpu.memory_space<hbm>> -> memref<96xi32, #tpu.memory_space<hbm>>
    %dma_start3A_11 = arith.constant 0 : i32
    %dma_start3A_12 = tpu.memref_slice %arg10[%dma_start3A, %dma_start3A_11] : memref<3x96xi32, #tpu.memory_space<vmem>> -> memref<1x96xi32, #tpu.memory_space<vmem>>
    %dma_start3A_13 = tpu.memref_squeeze %dma_start3A_12 : memref<1x96xi32, #tpu.memory_space<vmem>> -> memref<96xi32, #tpu.memory_space<vmem>>
    %dma_start3A_14 = tpu.memref_slice %arg3[%add3A_6] : memref<331776xi32, #tpu.memory_space<hbm>> -> memref<96xi32, #tpu.memory_space<hbm>>
    tpu.enqueue_dma source(%dma_start3A_14 : memref<96xi32, #tpu.memory_space<hbm>>) target(%dma_start3A_13 : memref<96xi32, #tpu.memory_space<vmem>>) target_semaphore(%arg17 : memref<!tpu.dma_semaphore, #tpu.memory_space<semaphore_mem>>)
    %dma_start3A_15 = arith.constant 0 : i32
    %dma_start3A_16 = arith.constant 0 : i32
    %dma_start3A_17 = tpu.memref_slice %arg11[%dma_start3A_15, %dma_start3A_16] : memref<3x96xi32, #tpu.memory_space<vmem>> -> memref<1x96xi32, #tpu.memory_space<vmem>>
    %dma_start3A_18 = tpu.memref_squeeze %dma_start3A_17 : memref<1x96xi32, #tpu.memory_space<vmem>> -> memref<96xi32, #tpu.memory_space<vmem>>
    %dma_start3A_19 = tpu.memref_slice %arg4[%add3A_6] : memref<331776xi32, #tpu.memory_space<hbm>> -> memref<96xi32, #tpu.memory_space<hbm>>
    %dma_start3A_20 = arith.constant 0 : i32
    %dma_start3A_21 = tpu.memref_slice %arg11[%dma_start3A_15, %dma_start3A_20] : memref<3x96xi32, #tpu.memory_space<vmem>> -> memref<1x96xi32, #tpu.memory_space<vmem>>
    %dma_start3A_22 = tpu.memref_squeeze %dma_start3A_21 : memref<1x96xi32, #tpu.memory_space<vmem>> -> memref<96xi32, #tpu.memory_space<vmem>>
    %dma_start3A_23 = tpu.memref_slice %arg4[%add3A_6] : memref<331776xi32, #tpu.memory_space<hbm>> -> memref<96xi32, #tpu.memory_space<hbm>>
    tpu.enqueue_dma source(%dma_start3A_23 : memref<96xi32, #tpu.memory_space<hbm>>) target(%dma_start3A_22 : memref<96xi32, #tpu.memory_space<vmem>>) target_semaphore(%arg17 : memref<!tpu.dma_semaphore, #tpu.memory_space<semaphore_mem>>)
    %add3A_24 = arith.constant 96 : i32
    %add3A_25 = arith.addi %mul3A_4, %add3A_24 : i32
    %dma_start3A_26 = arith.constant 1 : i32
    %dma_start3A_27 = arith.constant 0 : i32
    %dma_start3A_28 = tpu.memref_slice %arg10[%dma_start3A_26, %dma_start3A_27] : memref<3x96xi32, #tpu.memory_space<vmem>> -> memref<1x96xi32, #tpu.memory_space<vmem>>
    %dma_start3A_29 = tpu.memref_squeeze %dma_start3A_28 : memref<1x96xi32, #tpu.memory_space<vmem>> -> memref<96xi32, #tpu.memory_space<vmem>>
    %dma_start3A_30 = tpu.memref_slice %arg3[%add3A_25] : memref<331776xi32, #tpu.memory_space<hbm>> -> memref<96xi32, #tpu.memory_space<hbm>>
    %dma_start3A_31 = arith.constant 0 : i32
    %dma_start3A_32 = tpu.memref_slice %arg10[%dma_start3A_26, %dma_start3A_31] : memref<3x96xi32, #tpu.memory_space<vmem>> -> memref<1x96xi32, #tpu.memory_space<vmem>>
    %dma_start3A_33 = tpu.memref_squeeze %dma_start3A_32 : memref<1x96xi32, #tpu.memory_space<vmem>> -> memref<96xi32, #tpu.memory_space<vmem>>
    %dma_start3A_34 = tpu.memref_slice %arg3[%add3A_25] : memref<331776xi32, #tpu.memory_space<hbm>> -> memref<96xi32, #tpu.memory_space<hbm>>
    tpu.enqueue_dma source(%dma_start3A_34 : memref<96xi32, #tpu.memory_space<hbm>>) target(%dma_start3A_33 : memref<96xi32, #tpu.memory_space<vmem>>) target_semaphore(%arg18 : memref<!tpu.dma_semaphore, #tpu.memory_space<semaphore_mem>>)
    %dma_start3A_35 = arith.constant 1 : i32
    %dma_start3A_36 = arith.constant 0 : i32
    %dma_start3A_37 = tpu.memref_slice %arg11[%dma_start3A_35, %dma_start3A_36] : memref<3x96xi32, #tpu.memory_space<vmem>> -> memref<1x96xi32, #tpu.memory_space<vmem>>
    %dma_start3A_38 = tpu.memref_squeeze %dma_start3A_37 : memref<1x96xi32, #tpu.memory_space<vmem>> -> memref<96xi32, #tpu.memory_space<vmem>>
    %dma_start3A_39 = tpu.memref_slice %arg4[%add3A_25] : memref<331776xi32, #tpu.memory_space<hbm>> -> memref<96xi32, #tpu.memory_space<hbm>>
    %dma_start3A_40 = arith.constant 0 : i32
    %dma_start3A_41 = tpu.memref_slice %arg11[%dma_start3A_35, %dma_start3A_40] : memref<3x96xi32, #tpu.memory_space<vmem>> -> memref<1x96xi32, #tpu.memory_space<vmem>>
    %dma_start3A_42 = tpu.memref_squeeze %dma_start3A_41 : memref<1x96xi32, #tpu.memory_space<vmem>> -> memref<96xi32, #tpu.memory_space<vmem>>
    %dma_start3A_43 = tpu.memref_slice %arg4[%add3A_25] : memref<331776xi32, #tpu.memory_space<hbm>> -> memref<96xi32, #tpu.memory_space<hbm>>
    tpu.enqueue_dma source(%dma_start3A_43 : memref<96xi32, #tpu.memory_space<hbm>>) target(%dma_start3A_42 : memref<96xi32, #tpu.memory_space<vmem>>) target_semaphore(%arg18 : memref<!tpu.dma_semaphore, #tpu.memory_space<semaphore_mem>>)
    %dma_wait3A = arith.constant 0 : i32
    %dma_wait3A_44 = arith.constant 0 : i32
    %dma_wait3A_45 = tpu.memref_slice %arg10[%dma_wait3A, %dma_wait3A_44] : memref<3x96xi32, #tpu.memory_space<vmem>> -> memref<1x96xi32, #tpu.memory_space<vmem>>
    %dma_wait3A_46 = tpu.memref_squeeze %dma_wait3A_45 : memref<1x96xi32, #tpu.memory_space<vmem>> -> memref<96xi32, #tpu.memory_space<vmem>>
    %dma_wait3A_47 = arith.constant 0 : i32
    %dma_wait3A_48 = tpu.memref_slice %arg3[%dma_wait3A_47] : memref<331776xi32, #tpu.memory_space<hbm>> -> memref<96xi32, #tpu.memory_space<hbm>>
    %dma_wait3A_49 = arith.constant 0 : i32
    %dma_wait3A_50 = tpu.memref_slice %arg10[%dma_wait3A, %dma_wait3A_49] : memref<3x96xi32, #tpu.memory_space<vmem>> -> memref<1x96xi32, #tpu.memory_space<vmem>>
    %dma_wait3A_51 = tpu.memref_squeeze %dma_wait3A_50 : memref<1x96xi32, #tpu.memory_space<vmem>> -> memref<96xi32, #tpu.memory_space<vmem>>
    %dma_wait3A_52 = arith.constant 0 : i32
    %dma_wait3A_53 = tpu.memref_slice %arg3[%dma_wait3A_52] : memref<331776xi32, #tpu.memory_space<hbm>> -> memref<96xi32, #tpu.memory_space<hbm>>
    tpu.wait_dma2 semaphore(%arg17 : memref<!tpu.dma_semaphore, #tpu.memory_space<semaphore_mem>>) src(%dma_wait3A_53 : memref<96xi32, #tpu.memory_space<hbm>>) dst(%dma_wait3A_51 : memref<96xi32, #tpu.memory_space<vmem>>)
    %dma_wait3A_54 = arith.constant 0 : i32
    %dma_wait3A_55 = arith.constant 0 : i32
    %dma_wait3A_56 = tpu.memref_slice %arg11[%dma_wait3A_54, %dma_wait3A_55] : memref<3x96xi32, #tpu.memory_space<vmem>> -> memref<1x96xi32, #tpu.memory_space<vmem>>
    %dma_wait3A_57 = tpu.memref_squeeze %dma_wait3A_56 : memref<1x96xi32, #tpu.memory_space<vmem>> -> memref<96xi32, #tpu.memory_space<vmem>>
    %dma_wait3A_58 = arith.constant 0 : i32
    %dma_wait3A_59 = tpu.memref_slice %arg4[%dma_wait3A_58] : memref<331776xi32, #tpu.memory_space<hbm>> -> memref<96xi32, #tpu.memory_space<hbm>>
    %dma_wait3A_60 = arith.constant 0 : i32
    %dma_wait3A_61 = tpu.memref_slice %arg11[%dma_wait3A_54, %dma_wait3A_60] : memref<3x96xi32, #tpu.memory_space<vmem>> -> memref<1x96xi32, #tpu.memory_space<vmem>>
    %dma_wait3A_62 = tpu.memref_squeeze %dma_wait3A_61 : memref<1x96xi32, #tpu.memory_space<vmem>> -> memref<96xi32, #tpu.memory_space<vmem>>
    %dma_wait3A_63 = arith.constant 0 : i32
    %dma_wait3A_64 = tpu.memref_slice %arg4[%dma_wait3A_63] : memref<331776xi32, #tpu.memory_space<hbm>> -> memref<96xi32, #tpu.memory_space<hbm>>
    tpu.wait_dma2 semaphore(%arg17 : memref<!tpu.dma_semaphore, #tpu.memory_space<semaphore_mem>>) src(%dma_wait3A_64 : memref<96xi32, #tpu.memory_space<hbm>>) dst(%dma_wait3A_62 : memref<96xi32, #tpu.memory_space<vmem>>)
    %dma_start3A_65 = arith.constant 0 : i32
    %dma_start3A_66 = arith.constant 0 : i32
    %dma_start3A_67 = arith.constant 0 : i32
    %dma_start3A_68 = arith.constant 0 : i32
    %dma_start3A_69 = tpu.memref_slice %arg12[%dma_start3A_66, %dma_start3A_67, %dma_start3A_68] : memref<3x96x128xf32, #tpu.memory_space<vmem>> -> memref<1x96x128xf32, #tpu.memory_space<vmem>>
    %dma_start3A_70 = tpu.memref_squeeze %dma_start3A_69 : memref<1x96x128xf32, #tpu.memory_space<vmem>> -> memref<96x128xf32, #tpu.memory_space<vmem>>
    %dma_start3A_71 = arith.constant 0 : i32
    %dma_start3A_72 = tpu.memref_slice %arg10[%dma_start3A_65, %dma_start3A_71] : memref<3x96xi32, #tpu.memory_space<vmem>> -> memref<1x96xi32, #tpu.memory_space<vmem>>
    %dma_start3A_73 = tpu.memref_squeeze %dma_start3A_72 : memref<1x96xi32, #tpu.memory_space<vmem>> -> memref<96xi32, #tpu.memory_space<vmem>>
    %dma_start3A_74 = arith.constant 0 : i32
    %dma_start3A_75 = arith.constant 0 : i32
    %dma_start3A_76 = tpu.memref_slice %arg2[%dma_start3A_74, %dma_start3A_75] : memref<10240x128xf32, #tpu.memory_space<hbm>> -> memref<10240x128xf32, #tpu.memory_space<hbm>>
    tpu.enqueue_indirect_dma source(%dma_start3A_76 : memref<10240x128xf32, #tpu.memory_space<hbm>>) target(%dma_start3A_70 : memref<96x128xf32, #tpu.memory_space<vmem>>) offsets(%dma_start3A_73 : memref<96xi32, #tpu.memory_space<vmem>>) semaphore(%arg20 : memref<!tpu.dma_semaphore, #tpu.memory_space<semaphore_mem>>)
    %dma_start3A_77 = arith.constant 0 : i32
    %dma_start3A_78 = arith.constant 0 : i32
    %dma_start3A_79 = arith.constant 0 : i32
    %dma_start3A_80 = tpu.memref_slice %arg13[%dma_start3A_78, %dma_start3A_79] : memref<3x96xf32, #tpu.memory_space<vmem>> -> memref<1x96xf32, #tpu.memory_space<vmem>>
    %dma_start3A_81 = tpu.memref_squeeze %dma_start3A_80 : memref<1x96xf32, #tpu.memory_space<vmem>> -> memref<96xf32, #tpu.memory_space<vmem>>
    %dma_start3A_82 = arith.constant 0 : i32
    %dma_start3A_83 = tpu.memref_slice %arg10[%dma_start3A_77, %dma_start3A_82] : memref<3x96xi32, #tpu.memory_space<vmem>> -> memref<1x96xi32, #tpu.memory_space<vmem>>
    %dma_start3A_84 = tpu.memref_squeeze %dma_start3A_83 : memref<1x96xi32, #tpu.memory_space<vmem>> -> memref<96xi32, #tpu.memory_space<vmem>>
    %dma_start3A_85 = arith.constant 0 : i32
    %dma_start3A_86 = tpu.memref_slice %arg14[%dma_start3A_85] : memref<10240xf32, #tpu.memory_space<vmem_shared>> -> memref<10240xf32, #tpu.memory_space<vmem_shared>>
    tpu.enqueue_indirect_dma source(%dma_start3A_86 : memref<10240xf32, #tpu.memory_space<vmem_shared>>) target(%dma_start3A_81 : memref<96xf32, #tpu.memory_space<vmem>>) offsets(%dma_start3A_84 : memref<96xi32, #tpu.memory_space<vmem>>) semaphore(%arg23 : memref<!tpu.dma_semaphore, #tpu.memory_space<semaphore_mem>>)
    %scan3A = arith.constant 0 : i32
    %scan3A_87 = arith.constant 0 : i32
    %scan3A_88 = arith.constant 36 : i32
    %scan3A_89 = arith.addi %scan3A_87, %scan3A_88 : i32
    %scan3A_90 = arith.constant 1 : i32
    scf.for %scan3A_159 = %scan3A_87 to %scan3A_89 step %scan3A_90  : i32 {
      %mul3A_160 = arith.constant 3 : i32
      %mul3A_161 = arith.muli %mul3A_160, %scan3A_159 : i32
      %add3A_162 = arith.constant 1 : i32
      %add3A_163 = arith.addi %mul3A_161, %add3A_162 : i32
      %lt3A = arith.constant 108 : i32
      %lt3A_164 = arith.cmpi slt, %add3A_163, %lt3A : i32
      %convert_element_type3A = arith.extui %lt3A_164 : i1 to i32
      %cond3A = arith.constant 0 : i32
      %cond3A_165 = arith.cmpi ne, %convert_element_type3A, %cond3A : i32
      scf.if %cond3A_165 {
        %dma_wait3A_365 = arith.constant 1 : i32
        %dma_wait3A_366 = arith.constant 0 : i32
        %dma_wait3A_367 = tpu.memref_slice %arg10[%dma_wait3A_365, %dma_wait3A_366] : memref<3x96xi32, #tpu.memory_space<vmem>> -> memref<1x96xi32, #tpu.memory_space<vmem>>
        %dma_wait3A_368 = tpu.memref_squeeze %dma_wait3A_367 : memref<1x96xi32, #tpu.memory_space<vmem>> -> memref<96xi32, #tpu.memory_space<vmem>>
        %dma_wait3A_369 = arith.constant 0 : i32
        %dma_wait3A_370 = tpu.memref_slice %arg3[%dma_wait3A_369] : memref<331776xi32, #tpu.memory_space<hbm>> -> memref<96xi32, #tpu.memory_space<hbm>>
        %dma_wait3A_371 = arith.constant 0 : i32
        %dma_wait3A_372 = tpu.memref_slice %arg10[%dma_wait3A_365, %dma_wait3A_371] : memref<3x96xi32, #tpu.memory_space<vmem>> -> memref<1x96xi32, #tpu.memory_space<vmem>>
        %dma_wait3A_373 = tpu.memref_squeeze %dma_wait3A_372 : memref<1x96xi32, #tpu.memory_space<vmem>> -> memref<96xi32, #tpu.memory_space<vmem>>
        %dma_wait3A_374 = arith.constant 0 : i32
        %dma_wait3A_375 = tpu.memref_slice %arg3[%dma_wait3A_374] : memref<331776xi32, #tpu.memory_space<hbm>> -> memref<96xi32, #tpu.memory_space<hbm>>
        tpu.wait_dma2 semaphore(%arg18 : memref<!tpu.dma_semaphore, #tpu.memory_space<semaphore_mem>>) src(%dma_wait3A_375 : memref<96xi32, #tpu.memory_space<hbm>>) dst(%dma_wait3A_373 : memref<96xi32, #tpu.memory_space<vmem>>)
        %dma_wait3A_376 = arith.constant 1 : i32
        %dma_wait3A_377 = arith.constant 0 : i32
        %dma_wait3A_378 = tpu.memref_slice %arg11[%dma_wait3A_376, %dma_wait3A_377] : memref<3x96xi32, #tpu.memory_space<vmem>> -> memref<1x96xi32, #tpu.memory_space<vmem>>
        %dma_wait3A_379 = tpu.memref_squeeze %dma_wait3A_378 : memref<1x96xi32, #tpu.memory_space<vmem>> -> memref<96xi32, #tpu.memory_space<vmem>>
        %dma_wait3A_380 = arith.constant 0 : i32
        %dma_wait3A_381 = tpu.memref_slice %arg4[%dma_wait3A_380] : memref<331776xi32, #tpu.memory_space<hbm>> -> memref<96xi32, #tpu.memory_space<hbm>>
        %dma_wait3A_382 = arith.constant 0 : i32
        %dma_wait3A_383 = tpu.memref_slice %arg11[%dma_wait3A_376, %dma_wait3A_382] : memref<3x96xi32, #tpu.memory_space<vmem>> -> memref<1x96xi32, #tpu.memory_space<vmem>>
        %dma_wait3A_384 = tpu.memref_squeeze %dma_wait3A_383 : memref<1x96xi32, #tpu.memory_space<vmem>> -> memref<96xi32, #tpu.memory_space<vmem>>
        %dma_wait3A_385 = arith.constant 0 : i32
        %dma_wait3A_386 = tpu.memref_slice %arg4[%dma_wait3A_385] : memref<331776xi32, #tpu.memory_space<hbm>> -> memref<96xi32, #tpu.memory_space<hbm>>
        tpu.wait_dma2 semaphore(%arg18 : memref<!tpu.dma_semaphore, #tpu.memory_space<semaphore_mem>>) src(%dma_wait3A_386 : memref<96xi32, #tpu.memory_space<hbm>>) dst(%dma_wait3A_384 : memref<96xi32, #tpu.memory_space<vmem>>)
        %dma_start3A_387 = arith.constant 1 : i32
        %dma_start3A_388 = arith.constant 1 : i32
        %dma_start3A_389 = arith.constant 0 : i32
        %dma_start3A_390 = arith.constant 0 : i32
        %dma_start3A_391 = tpu.memref_slice %arg12[%dma_start3A_388, %dma_start3A_389, %dma_start3A_390] : memref<3x96x128xf32, #tpu.memory_space<vmem>> -> memref<1x96x128xf32, #tpu.memory_space<vmem>>
        %dma_start3A_392 = tpu.memref_squeeze %dma_start3A_391 : memref<1x96x128xf32, #tpu.memory_space<vmem>> -> memref<96x128xf32, #tpu.memory_space<vmem>>
        %dma_start3A_393 = arith.constant 0 : i32
        %dma_start3A_394 = tpu.memref_slice %arg10[%dma_start3A_387, %dma_start3A_393] : memref<3x96xi32, #tpu.memory_space<vmem>> -> memref<1x96xi32, #tpu.memory_space<vmem>>
        %dma_start3A_395 = tpu.memref_squeeze %dma_start3A_394 : memref<1x96xi32, #tpu.memory_space<vmem>> -> memref<96xi32, #tpu.memory_space<vmem>>
        %dma_start3A_396 = arith.constant 0 : i32
        %dma_start3A_397 = arith.constant 0 : i32
        %dma_start3A_398 = tpu.memref_slice %arg2[%dma_start3A_396, %dma_start3A_397] : memref<10240x128xf32, #tpu.memory_space<hbm>> -> memref<10240x128xf32, #tpu.memory_space<hbm>>
        tpu.enqueue_indirect_dma source(%dma_start3A_398 : memref<10240x128xf32, #tpu.memory_space<hbm>>) target(%dma_start3A_392 : memref<96x128xf32, #tpu.memory_space<vmem>>) offsets(%dma_start3A_395 : memref<96xi32, #tpu.memory_space<vmem>>) semaphore(%arg21 : memref<!tpu.dma_semaphore, #tpu.memory_space<semaphore_mem>>)
        %dma_start3A_399 = arith.constant 1 : i32
        %dma_start3A_400 = arith.constant 1 : i32
        %dma_start3A_401 = arith.constant 0 : i32
        %dma_start3A_402 = tpu.memref_slice %arg13[%dma_start3A_400, %dma_start3A_401] : memref<3x96xf32, #tpu.memory_space<vmem>> -> memref<1x96xf32, #tpu.memory_space<vmem>>
        %dma_start3A_403 = tpu.memref_squeeze %dma_start3A_402 : memref<1x96xf32, #tpu.memory_space<vmem>> -> memref<96xf32, #tpu.memory_space<vmem>>
        %dma_start3A_404 = arith.constant 0 : i32
        %dma_start3A_405 = tpu.memref_slice %arg10[%dma_start3A_399, %dma_start3A_404] : memref<3x96xi32, #tpu.memory_space<vmem>> -> memref<1x96xi32, #tpu.memory_space<vmem>>
        %dma_start3A_406 = tpu.memref_squeeze %dma_start3A_405 : memref<1x96xi32, #tpu.memory_space<vmem>> -> memref<96xi32, #tpu.memory_space<vmem>>
        %dma_start3A_407 = arith.constant 0 : i32
        %dma_start3A_408 = tpu.memref_slice %arg14[%dma_start3A_407] : memref<10240xf32, #tpu.memory_space<vmem_shared>> -> memref<10240xf32, #tpu.memory_space<vmem_shared>>
        tpu.enqueue_indirect_dma source(%dma_start3A_408 : memref<10240xf32, #tpu.memory_space<vmem_shared>>) target(%dma_start3A_403 : memref<96xf32, #tpu.memory_space<vmem>>) offsets(%dma_start3A_406 : memref<96xi32, #tpu.memory_space<vmem>>) semaphore(%arg24 : memref<!tpu.dma_semaphore, #tpu.memory_space<semaphore_mem>>)
      } else {
      }
      %dma_wait3A_166 = arith.constant 0 : i32
      %dma_wait3A_167 = arith.constant 0 : i32
      %dma_wait3A_168 = arith.constant 0 : i32
      %dma_wait3A_169 = arith.constant 0 : i32
      %dma_wait3A_170 = tpu.memref_slice %arg12[%dma_wait3A_167, %dma_wait3A_168, %dma_wait3A_169] : memref<3x96x128xf32, #tpu.memory_space<vmem>> -> memref<1x96x128xf32, #tpu.memory_space<vmem>>
      %dma_wait3A_171 = tpu.memref_squeeze %dma_wait3A_170 : memref<1x96x128xf32, #tpu.memory_space<vmem>> -> memref<96x128xf32, #tpu.memory_space<vmem>>
      %dma_wait3A_172 = arith.constant 0 : i32
      %dma_wait3A_173 = tpu.memref_slice %arg10[%dma_wait3A_166, %dma_wait3A_172] : memref<3x96xi32, #tpu.memory_space<vmem>> -> memref<1x96xi32, #tpu.memory_space<vmem>>
      %dma_wait3A_174 = tpu.memref_squeeze %dma_wait3A_173 : memref<1x96xi32, #tpu.memory_space<vmem>> -> memref<96xi32, #tpu.memory_space<vmem>>
      %dma_wait3A_175 = arith.constant 0 : i32
      %dma_wait3A_176 = arith.constant 0 : i32
      %dma_wait3A_177 = tpu.memref_slice %arg2[%dma_wait3A_175, %dma_wait3A_176] : memref<10240x128xf32, #tpu.memory_space<hbm>> -> memref<10240x128xf32, #tpu.memory_space<hbm>>
      tpu.wait_indirect_dma semaphore(%arg20 : memref<!tpu.dma_semaphore, #tpu.memory_space<semaphore_mem>>) src(%dma_wait3A_177 : memref<10240x128xf32, #tpu.memory_space<hbm>>) dst(%dma_wait3A_171 : memref<96x128xf32, #tpu.memory_space<vmem>>)
      %dma_wait3A_178 = arith.constant 0 : i32
      %dma_wait3A_179 = arith.constant 0 : i32
      %dma_wait3A_180 = arith.constant 0 : i32
      %dma_wait3A_181 = tpu.memref_slice %arg13[%dma_wait3A_179, %dma_wait3A_180] : memref<3x96xf32, #tpu.memory_space<vmem>> -> memref<1x96xf32, #tpu.memory_space<vmem>>
      %dma_wait3A_182 = tpu.memref_squeeze %dma_wait3A_181 : memref<1x96xf32, #tpu.memory_space<vmem>> -> memref<96xf32, #tpu.memory_space<vmem>>
      %dma_wait3A_183 = arith.constant 0 : i32
      %dma_wait3A_184 = tpu.memref_slice %arg10[%dma_wait3A_178, %dma_wait3A_183] : memref<3x96xi32, #tpu.memory_space<vmem>> -> memref<1x96xi32, #tpu.memory_space<vmem>>
      %dma_wait3A_185 = tpu.memref_squeeze %dma_wait3A_184 : memref<1x96xi32, #tpu.memory_space<vmem>> -> memref<96xi32, #tpu.memory_space<vmem>>
      %dma_wait3A_186 = arith.constant 0 : i32
      %dma_wait3A_187 = tpu.memref_slice %arg14[%dma_wait3A_186] : memref<10240xf32, #tpu.memory_space<vmem_shared>> -> memref<10240xf32, #tpu.memory_space<vmem_shared>>
      tpu.wait_indirect_dma semaphore(%arg23 : memref<!tpu.dma_semaphore, #tpu.memory_space<semaphore_mem>>) src(%dma_wait3A_187 : memref<10240xf32, #tpu.memory_space<vmem_shared>>) dst(%dma_wait3A_182 : memref<96xf32, #tpu.memory_space<vmem>>)
      %dma_start3A_188 = arith.constant 0 : i32
      %dma_start3A_189 = arith.constant 0 : i32
      %dma_start3A_190 = arith.constant 0 : i32
      %dma_start3A_191 = arith.constant 0 : i32
      %dma_start3A_192 = tpu.memref_slice %arg12[%dma_start3A_188, %dma_start3A_190, %dma_start3A_191] : memref<3x96x128xf32, #tpu.memory_space<vmem>> -> memref<1x96x128xf32, #tpu.memory_space<vmem>>
      %dma_start3A_193 = tpu.memref_squeeze %dma_start3A_192 : memref<1x96x128xf32, #tpu.memory_space<vmem>> -> memref<96x128xf32, #tpu.memory_space<vmem>>
      %dma_start3A_194 = arith.constant 0 : i32
      %dma_start3A_195 = tpu.memref_slice %arg11[%dma_start3A_189, %dma_start3A_194] : memref<3x96xi32, #tpu.memory_space<vmem>> -> memref<1x96xi32, #tpu.memory_space<vmem>>
      %dma_start3A_196 = tpu.memref_squeeze %dma_start3A_195 : memref<1x96xi32, #tpu.memory_space<vmem>> -> memref<96xi32, #tpu.memory_space<vmem>>
      %dma_start3A_197 = arith.constant 0 : i32
      %dma_start3A_198 = arith.constant 0 : i32
      %dma_start3A_199 = tpu.memref_slice %arg15[%dma_start3A_197, %dma_start3A_198] : memref<10240x128xf32, #tpu.memory_space<vmem_shared>> -> memref<10240x128xf32, #tpu.memory_space<vmem_shared>>
      tpu.enqueue_indirect_dma source(%dma_start3A_193 : memref<96x128xf32, #tpu.memory_space<vmem>>) target(%dma_start3A_199 : memref<10240x128xf32, #tpu.memory_space<vmem_shared>>) offsets(%dma_start3A_196 : memref<96xi32, #tpu.memory_space<vmem>>) semaphore(%arg26 : memref<!tpu.dma_semaphore, #tpu.memory_space<semaphore_mem>>) {add = true}
      %dma_start3A_200 = arith.constant 0 : i32
      %dma_start3A_201 = arith.constant 0 : i32
      %dma_start3A_202 = arith.constant 0 : i32
      %dma_start3A_203 = tpu.memref_slice %arg13[%dma_start3A_200, %dma_start3A_202] : memref<3x96xf32, #tpu.memory_space<vmem>> -> memref<1x96xf32, #tpu.memory_space<vmem>>
      %dma_start3A_204 = tpu.memref_squeeze %dma_start3A_203 : memref<1x96xf32, #tpu.memory_space<vmem>> -> memref<96xf32, #tpu.memory_space<vmem>>
      %dma_start3A_205 = arith.constant 0 : i32
      %dma_start3A_206 = tpu.memref_slice %arg11[%dma_start3A_201, %dma_start3A_205] : memref<3x96xi32, #tpu.memory_space<vmem>> -> memref<1x96xi32, #tpu.memory_space<vmem>>
      %dma_start3A_207 = tpu.memref_squeeze %dma_start3A_206 : memref<1x96xi32, #tpu.memory_space<vmem>> -> memref<96xi32, #tpu.memory_space<vmem>>
      %dma_start3A_208 = arith.constant 0 : i32
      %dma_start3A_209 = tpu.memref_slice %arg16[%dma_start3A_208] : memref<10240xf32, #tpu.memory_space<vmem_shared>> -> memref<10240xf32, #tpu.memory_space<vmem_shared>>
      tpu.enqueue_indirect_dma source(%dma_start3A_204 : memref<96xf32, #tpu.memory_space<vmem>>) target(%dma_start3A_209 : memref<10240xf32, #tpu.memory_space<vmem_shared>>) offsets(%dma_start3A_207 : memref<96xi32, #tpu.memory_space<vmem>>) semaphore(%arg26 : memref<!tpu.dma_semaphore, #tpu.memory_space<semaphore_mem>>) {add = true}
      %ge3A = arith.constant 1 : i32
      %ge3A_210 = arith.cmpi sge, %mul3A_161, %ge3A : i32
      %add3A_211 = arith.constant 2 : i32
      %add3A_212 = arith.addi %mul3A_161, %add3A_211 : i32
      %lt3A_213 = arith.constant 108 : i32
      %lt3A_214 = arith.cmpi slt, %add3A_212, %lt3A_213 : i32
      %and3A = arith.andi %ge3A_210, %lt3A_214 : i1
      %convert_element_type3A_215 = arith.extui %and3A : i1 to i32
      %cond3A_216 = arith.constant 0 : i32
      %cond3A_217 = arith.cmpi ne, %convert_element_type3A_215, %cond3A_216 : i32
      scf.if %cond3A_217 {
        %dma_wait3A_365 = arith.constant 2 : i32
        %dma_wait3A_366 = arith.constant 2 : i32
        %dma_wait3A_367 = arith.constant 0 : i32
        %dma_wait3A_368 = arith.constant 0 : i32
        %dma_wait3A_369 = tpu.memref_slice %arg12[%dma_wait3A_365, %dma_wait3A_367, %dma_wait3A_368] : memref<3x96x128xf32, #tpu.memory_space<vmem>> -> memref<1x96x128xf32, #tpu.memory_space<vmem>>
        %dma_wait3A_370 = tpu.memref_squeeze %dma_wait3A_369 : memref<1x96x128xf32, #tpu.memory_space<vmem>> -> memref<96x128xf32, #tpu.memory_space<vmem>>
        %dma_wait3A_371 = arith.constant 0 : i32
        %dma_wait3A_372 = tpu.memref_slice %arg11[%dma_wait3A_366, %dma_wait3A_371] : memref<3x96xi32, #tpu.memory_space<vmem>> -> memref<1x96xi32, #tpu.memory_space<vmem>>
        %dma_wait3A_373 = tpu.memref_squeeze %dma_wait3A_372 : memref<1x96xi32, #tpu.memory_space<vmem>> -> memref<96xi32, #tpu.memory_space<vmem>>
        %dma_wait3A_374 = arith.constant 0 : i32
        %dma_wait3A_375 = arith.constant 0 : i32
        %dma_wait3A_376 = tpu.memref_slice %arg15[%dma_wait3A_374, %dma_wait3A_375] : memref<10240x128xf32, #tpu.memory_space<vmem_shared>> -> memref<10240x128xf32, #tpu.memory_space<vmem_shared>>
        tpu.wait_indirect_dma semaphore(%arg28 : memref<!tpu.dma_semaphore, #tpu.memory_space<semaphore_mem>>) src(%dma_wait3A_370 : memref<96x128xf32, #tpu.memory_space<vmem>>) dst(%dma_wait3A_376 : memref<10240x128xf32, #tpu.memory_space<vmem_shared>>)
        %dma_wait3A_377 = arith.constant 2 : i32
        %dma_wait3A_378 = arith.constant 2 : i32
        %dma_wait3A_379 = arith.constant 0 : i32
        %dma_wait3A_380 = tpu.memref_slice %arg13[%dma_wait3A_377, %dma_wait3A_379] : memref<3x96xf32, #tpu.memory_space<vmem>> -> memref<1x96xf32, #tpu.memory_space<vmem>>
        %dma_wait3A_381 = tpu.memref_squeeze %dma_wait3A_380 : memref<1x96xf32, #tpu.memory_space<vmem>> -> memref<96xf32, #tpu.memory_space<vmem>>
        %dma_wait3A_382 = arith.constant 0 : i32
        %dma_wait3A_383 = tpu.memref_slice %arg11[%dma_wait3A_378, %dma_wait3A_382] : memref<3x96xi32, #tpu.memory_space<vmem>> -> memref<1x96xi32, #tpu.memory_space<vmem>>
        %dma_wait3A_384 = tpu.memref_squeeze %dma_wait3A_383 : memref<1x96xi32, #tpu.memory_space<vmem>> -> memref<96xi32, #tpu.memory_space<vmem>>
        %dma_wait3A_385 = arith.constant 0 : i32
        %dma_wait3A_386 = tpu.memref_slice %arg16[%dma_wait3A_385] : memref<10240xf32, #tpu.memory_space<vmem_shared>> -> memref<10240xf32, #tpu.memory_space<vmem_shared>>
        tpu.wait_indirect_dma semaphore(%arg28 : memref<!tpu.dma_semaphore, #tpu.memory_space<semaphore_mem>>) src(%dma_wait3A_381 : memref<96xf32, #tpu.memory_space<vmem>>) dst(%dma_wait3A_386 : memref<10240xf32, #tpu.memory_space<vmem_shared>>)
      } else {
      }
      %add3A_218 = arith.constant 2 : i32
      %add3A_219 = arith.addi %mul3A_161, %add3A_218 : i32
      %lt3A_220 = arith.constant 108 : i32
      %lt3A_221 = arith.cmpi slt, %add3A_219, %lt3A_220 : i32
      %convert_element_type3A_222 = arith.extui %lt3A_221 : i1 to i32
      %cond3A_223 = arith.constant 0 : i32
      %cond3A_224 = arith.cmpi ne, %convert_element_type3A_222, %cond3A_223 : i32
      scf.if %cond3A_224 {
        %add3A_365 = arith.constant 2 : i32
        %add3A_366 = arith.addi %mul3A_161, %add3A_365 : i32
        %mul3A_367 = arith.constant 96 : i32
        %mul3A_368 = arith.muli %add3A_366, %mul3A_367 : i32
        %add3A_369 = arith.addi %mul3A_4, %mul3A_368 : i32
        %dma_start3A_370 = arith.constant 2 : i32
        %dma_start3A_371 = arith.constant 0 : i32
        %dma_start3A_372 = tpu.memref_slice %arg10[%dma_start3A_370, %dma_start3A_371] : memref<3x96xi32, #tpu.memory_space<vmem>> -> memref<1x96xi32, #tpu.memory_space<vmem>>
        %dma_start3A_373 = tpu.memref_squeeze %dma_start3A_372 : memref<1x96xi32, #tpu.memory_space<vmem>> -> memref<96xi32, #tpu.memory_space<vmem>>
        %dma_start3A_374 = tpu.memref_slice %arg3[%add3A_369] : memref<331776xi32, #tpu.memory_space<hbm>> -> memref<96xi32, #tpu.memory_space<hbm>>
        %dma_start3A_375 = arith.constant 0 : i32
        %dma_start3A_376 = tpu.memref_slice %arg10[%dma_start3A_370, %dma_start3A_375] : memref<3x96xi32, #tpu.memory_space<vmem>> -> memref<1x96xi32, #tpu.memory_space<vmem>>
        %dma_start3A_377 = tpu.memref_squeeze %dma_start3A_376 : memref<1x96xi32, #tpu.memory_space<vmem>> -> memref<96xi32, #tpu.memory_space<vmem>>
        %dma_start3A_378 = tpu.memref_slice %arg3[%add3A_369] : memref<331776xi32, #tpu.memory_space<hbm>> -> memref<96xi32, #tpu.memory_space<hbm>>
        tpu.enqueue_dma source(%dma_start3A_378 : memref<96xi32, #tpu.memory_space<hbm>>) target(%dma_start3A_377 : memref<96xi32, #tpu.memory_space<vmem>>) target_semaphore(%arg19 : memref<!tpu.dma_semaphore, #tpu.memory_space<semaphore_mem>>)
        %dma_start3A_379 = arith.constant 2 : i32
        %dma_start3A_380 = arith.constant 0 : i32
        %dma_start3A_381 = tpu.memref_slice %arg11[%dma_start3A_379, %dma_start3A_380] : memref<3x96xi32, #tpu.memory_space<vmem>> -> memref<1x96xi32, #tpu.memory_space<vmem>>
        %dma_start3A_382 = tpu.memref_squeeze %dma_start3A_381 : memref<1x96xi32, #tpu.memory_space<vmem>> -> memref<96xi32, #tpu.memory_space<vmem>>
        %dma_start3A_383 = tpu.memref_slice %arg4[%add3A_369] : memref<331776xi32, #tpu.memory_space<hbm>> -> memref<96xi32, #tpu.memory_space<hbm>>
        %dma_start3A_384 = arith.constant 0 : i32
        %dma_start3A_385 = tpu.memref_slice %arg11[%dma_start3A_379, %dma_start3A_384] : memref<3x96xi32, #tpu.memory_space<vmem>> -> memref<1x96xi32, #tpu.memory_space<vmem>>
        %dma_start3A_386 = tpu.memref_squeeze %dma_start3A_385 : memref<1x96xi32, #tpu.memory_space<vmem>> -> memref<96xi32, #tpu.memory_space<vmem>>
        %dma_start3A_387 = tpu.memref_slice %arg4[%add3A_369] : memref<331776xi32, #tpu.memory_space<hbm>> -> memref<96xi32, #tpu.memory_space<hbm>>
        tpu.enqueue_dma source(%dma_start3A_387 : memref<96xi32, #tpu.memory_space<hbm>>) target(%dma_start3A_386 : memref<96xi32, #tpu.memory_space<vmem>>) target_semaphore(%arg19 : memref<!tpu.dma_semaphore, #tpu.memory_space<semaphore_mem>>)
      } else {
      }
      %add3A_225 = arith.constant 1 : i32
      %add3A_226 = arith.addi %mul3A_161, %add3A_225 : i32
      %add3A_227 = arith.constant 1 : i32
      %add3A_228 = arith.addi %add3A_226, %add3A_227 : i32
      %lt3A_229 = arith.constant 108 : i32
      %lt3A_230 = arith.cmpi slt, %add3A_228, %lt3A_229 : i32
      %convert_element_type3A_231 = arith.extui %lt3A_230 : i1 to i32
      %cond3A_232 = arith.constant 0 : i32
      %cond3A_233 = arith.cmpi ne, %convert_element_type3A_231, %cond3A_232 : i32
      scf.if %cond3A_233 {
        %dma_wait3A_365 = arith.constant 2 : i32
        %dma_wait3A_366 = arith.constant 0 : i32
        %dma_wait3A_367 = tpu.memref_slice %arg10[%dma_wait3A_365, %dma_wait3A_366] : memref<3x96xi32, #tpu.memory_space<vmem>> -> memref<1x96xi32, #tpu.memory_space<vmem>>
        %dma_wait3A_368 = tpu.memref_squeeze %dma_wait3A_367 : memref<1x96xi32, #tpu.memory_space<vmem>> -> memref<96xi32, #tpu.memory_space<vmem>>
        %dma_wait3A_369 = arith.constant 0 : i32
        %dma_wait3A_370 = tpu.memref_slice %arg3[%dma_wait3A_369] : memref<331776xi32, #tpu.memory_space<hbm>> -> memref<96xi32, #tpu.memory_space<hbm>>
        %dma_wait3A_371 = arith.constant 0 : i32
        %dma_wait3A_372 = tpu.memref_slice %arg10[%dma_wait3A_365, %dma_wait3A_371] : memref<3x96xi32, #tpu.memory_space<vmem>> -> memref<1x96xi32, #tpu.memory_space<vmem>>
        %dma_wait3A_373 = tpu.memref_squeeze %dma_wait3A_372 : memref<1x96xi32, #tpu.memory_space<vmem>> -> memref<96xi32, #tpu.memory_space<vmem>>
        %dma_wait3A_374 = arith.constant 0 : i32
        %dma_wait3A_375 = tpu.memref_slice %arg3[%dma_wait3A_374] : memref<331776xi32, #tpu.memory_space<hbm>> -> memref<96xi32, #tpu.memory_space<hbm>>
        tpu.wait_dma2 semaphore(%arg19 : memref<!tpu.dma_semaphore, #tpu.memory_space<semaphore_mem>>) src(%dma_wait3A_375 : memref<96xi32, #tpu.memory_space<hbm>>) dst(%dma_wait3A_373 : memref<96xi32, #tpu.memory_space<vmem>>)
        %dma_wait3A_376 = arith.constant 2 : i32
        %dma_wait3A_377 = arith.constant 0 : i32
        %dma_wait3A_378 = tpu.memref_slice %arg11[%dma_wait3A_376, %dma_wait3A_377] : memref<3x96xi32, #tpu.memory_space<vmem>> -> memref<1x96xi32, #tpu.memory_space<vmem>>
        %dma_wait3A_379 = tpu.memref_squeeze %dma_wait3A_378 : memref<1x96xi32, #tpu.memory_space<vmem>> -> memref<96xi32, #tpu.memory_space<vmem>>
        %dma_wait3A_380 = arith.constant 0 : i32
        %dma_wait3A_381 = tpu.memref_slice %arg4[%dma_wait3A_380] : memref<331776xi32, #tpu.memory_space<hbm>> -> memref<96xi32, #tpu.memory_space<hbm>>
        %dma_wait3A_382 = arith.constant 0 : i32
        %dma_wait3A_383 = tpu.memref_slice %arg11[%dma_wait3A_376, %dma_wait3A_382] : memref<3x96xi32, #tpu.memory_space<vmem>> -> memref<1x96xi32, #tpu.memory_space<vmem>>
        %dma_wait3A_384 = tpu.memref_squeeze %dma_wait3A_383 : memref<1x96xi32, #tpu.memory_space<vmem>> -> memref<96xi32, #tpu.memory_space<vmem>>
        %dma_wait3A_385 = arith.constant 0 : i32
        %dma_wait3A_386 = tpu.memref_slice %arg4[%dma_wait3A_385] : memref<331776xi32, #tpu.memory_space<hbm>> -> memref<96xi32, #tpu.memory_space<hbm>>
        tpu.wait_dma2 semaphore(%arg19 : memref<!tpu.dma_semaphore, #tpu.memory_space<semaphore_mem>>) src(%dma_wait3A_386 : memref<96xi32, #tpu.memory_space<hbm>>) dst(%dma_wait3A_384 : memref<96xi32, #tpu.memory_space<vmem>>)
        %dma_start3A_387 = arith.constant 2 : i32
        %dma_start3A_388 = arith.constant 2 : i32
        %dma_start3A_389 = arith.constant 0 : i32
        %dma_start3A_390 = arith.constant 0 : i32
        %dma_start3A_391 = tpu.memref_slice %arg12[%dma_start3A_388, %dma_start3A_389, %dma_start3A_390] : memref<3x96x128xf32, #tpu.memory_space<vmem>> -> memref<1x96x128xf32, #tpu.memory_space<vmem>>
        %dma_start3A_392 = tpu.memref_squeeze %dma_start3A_391 : memref<1x96x128xf32, #tpu.memory_space<vmem>> -> memref<96x128xf32, #tpu.memory_space<vmem>>
        %dma_start3A_393 = arith.constant 0 : i32
        %dma_start3A_394 = tpu.memref_slice %arg10[%dma_start3A_387, %dma_start3A_393] : memref<3x96xi32, #tpu.memory_space<vmem>> -> memref<1x96xi32, #tpu.memory_space<vmem>>
        %dma_start3A_395 = tpu.memref_squeeze %dma_start3A_394 : memref<1x96xi32, #tpu.memory_space<vmem>> -> memref<96xi32, #tpu.memory_space<vmem>>
        %dma_start3A_396 = arith.constant 0 : i32
        %dma_start3A_397 = arith.constant 0 : i32
        %dma_start3A_398 = tpu.memref_slice %arg2[%dma_start3A_396, %dma_start3A_397] : memref<10240x128xf32, #tpu.memory_space<hbm>> -> memref<10240x128xf32, #tpu.memory_space<hbm>>
        tpu.enqueue_indirect_dma source(%dma_start3A_398 : memref<10240x128xf32, #tpu.memory_space<hbm>>) target(%dma_start3A_392 : memref<96x128xf32, #tpu.memory_space<vmem>>) offsets(%dma_start3A_395 : memref<96xi32, #tpu.memory_space<vmem>>) semaphore(%arg22 : memref<!tpu.dma_semaphore, #tpu.memory_space<semaphore_mem>>)
        %dma_start3A_399 = arith.constant 2 : i32
        %dma_start3A_400 = arith.constant 2 : i32
        %dma_start3A_401 = arith.constant 0 : i32
        %dma_start3A_402 = tpu.memref_slice %arg13[%dma_start3A_400, %dma_start3A_401] : memref<3x96xf32, #tpu.memory_space<vmem>> -> memref<1x96xf32, #tpu.memory_space<vmem>>
        %dma_start3A_403 = tpu.memref_squeeze %dma_start3A_402 : memref<1x96xf32, #tpu.memory_space<vmem>> -> memref<96xf32, #tpu.memory_space<vmem>>
        %dma_start3A_404 = arith.constant 0 : i32
        %dma_start3A_405 = tpu.memref_slice %arg10[%dma_start3A_399, %dma_start3A_404] : memref<3x96xi32, #tpu.memory_space<vmem>> -> memref<1x96xi32, #tpu.memory_space<vmem>>
        %dma_start3A_406 = tpu.memref_squeeze %dma_start3A_405 : memref<1x96xi32, #tpu.memory_space<vmem>> -> memref<96xi32, #tpu.memory_space<vmem>>
        %dma_start3A_407 = arith.constant 0 : i32
        %dma_start3A_408 = tpu.memref_slice %arg14[%dma_start3A_407] : memref<10240xf32, #tpu.memory_space<vmem_shared>> -> memref<10240xf32, #tpu.memory_space<vmem_shared>>
        tpu.enqueue_indirect_dma source(%dma_start3A_408 : memref<10240xf32, #tpu.memory_space<vmem_shared>>) target(%dma_start3A_403 : memref<96xf32, #tpu.memory_space<vmem>>) offsets(%dma_start3A_406 : memref<96xi32, #tpu.memory_space<vmem>>) semaphore(%arg25 : memref<!tpu.dma_semaphore, #tpu.memory_space<semaphore_mem>>)
      } else {
      }
      %dma_wait3A_234 = arith.constant 1 : i32
      %dma_wait3A_235 = arith.constant 1 : i32
      %dma_wait3A_236 = arith.constant 0 : i32
      %dma_wait3A_237 = arith.constant 0 : i32
      %dma_wait3A_238 = tpu.memref_slice %arg12[%dma_wait3A_235, %dma_wait3A_236, %dma_wait3A_237] : memref<3x96x128xf32, #tpu.memory_space<vmem>> -> memref<1x96x128xf32, #tpu.memory_space<vmem>>
      %dma_wait3A_239 = tpu.memref_squeeze %dma_wait3A_238 : memref<1x96x128xf32, #tpu.memory_space<vmem>> -> memref<96x128xf32, #tpu.memory_space<vmem>>
      %dma_wait3A_240 = arith.constant 0 : i32
      %dma_wait3A_241 = tpu.memref_slice %arg10[%dma_wait3A_234, %dma_wait3A_240] : memref<3x96xi32, #tpu.memory_space<vmem>> -> memref<1x96xi32, #tpu.memory_space<vmem>>
      %dma_wait3A_242 = tpu.memref_squeeze %dma_wait3A_241 : memref<1x96xi32, #tpu.memory_space<vmem>> -> memref<96xi32, #tpu.memory_space<vmem>>
      %dma_wait3A_243 = arith.constant 0 : i32
      %dma_wait3A_244 = arith.constant 0 : i32
      %dma_wait3A_245 = tpu.memref_slice %arg2[%dma_wait3A_243, %dma_wait3A_244] : memref<10240x128xf32, #tpu.memory_space<hbm>> -> memref<10240x128xf32, #tpu.memory_space<hbm>>
      tpu.wait_indirect_dma semaphore(%arg21 : memref<!tpu.dma_semaphore, #tpu.memory_space<semaphore_mem>>) src(%dma_wait3A_245 : memref<10240x128xf32, #tpu.memory_space<hbm>>) dst(%dma_wait3A_239 : memref<96x128xf32, #tpu.memory_space<vmem>>)
      %dma_wait3A_246 = arith.constant 1 : i32
      %dma_wait3A_247 = arith.constant 1 : i32
      %dma_wait3A_248 = arith.constant 0 : i32
      %dma_wait3A_249 = tpu.memref_slice %arg13[%dma_wait3A_247, %dma_wait3A_248] : memref<3x96xf32, #tpu.memory_space<vmem>> -> memref<1x96xf32, #tpu.memory_space<vmem>>
      %dma_wait3A_250 = tpu.memref_squeeze %dma_wait3A_249 : memref<1x96xf32, #tpu.memory_space<vmem>> -> memref<96xf32, #tpu.memory_space<vmem>>
      %dma_wait3A_251 = arith.constant 0 : i32
      %dma_wait3A_252 = tpu.memref_slice %arg10[%dma_wait3A_246, %dma_wait3A_251] : memref<3x96xi32, #tpu.memory_space<vmem>> -> memref<1x96xi32, #tpu.memory_space<vmem>>
      %dma_wait3A_253 = tpu.memref_squeeze %dma_wait3A_252 : memref<1x96xi32, #tpu.memory_space<vmem>> -> memref<96xi32, #tpu.memory_space<vmem>>
      %dma_wait3A_254 = arith.constant 0 : i32
      %dma_wait3A_255 = tpu.memref_slice %arg14[%dma_wait3A_254] : memref<10240xf32, #tpu.memory_space<vmem_shared>> -> memref<10240xf32, #tpu.memory_space<vmem_shared>>
      tpu.wait_indirect_dma semaphore(%arg24 : memref<!tpu.dma_semaphore, #tpu.memory_space<semaphore_mem>>) src(%dma_wait3A_255 : memref<10240xf32, #tpu.memory_space<vmem_shared>>) dst(%dma_wait3A_250 : memref<96xf32, #tpu.memory_space<vmem>>)
      %dma_start3A_256 = arith.constant 1 : i32
      %dma_start3A_257 = arith.constant 1 : i32
      %dma_start3A_258 = arith.constant 0 : i32
      %dma_start3A_259 = arith.constant 0 : i32
      %dma_start3A_260 = tpu.memref_slice %arg12[%dma_start3A_256, %dma_start3A_258, %dma_start3A_259] : memref<3x96x128xf32, #tpu.memory_space<vmem>> -> memref<1x96x128xf32, #tpu.memory_space<vmem>>
      %dma_start3A_261 = tpu.memref_squeeze %dma_start3A_260 : memref<1x96x128xf32, #tpu.memory_space<vmem>> -> memref<96x128xf32, #tpu.memory_space<vmem>>
      %dma_start3A_262 = arith.constant 0 : i32
      %dma_start3A_263 = tpu.memref_slice %arg11[%dma_start3A_257, %dma_start3A_262] : memref<3x96xi32, #tpu.memory_space<vmem>> -> memref<1x96xi32, #tpu.memory_space<vmem>>
      %dma_start3A_264 = tpu.memref_squeeze %dma_start3A_263 : memref<1x96xi32, #tpu.memory_space<vmem>> -> memref<96xi32, #tpu.memory_space<vmem>>
      %dma_start3A_265 = arith.constant 0 : i32
      %dma_start3A_266 = arith.constant 0 : i32
      %dma_start3A_267 = tpu.memref_slice %arg15[%dma_start3A_265, %dma_start3A_266] : memref<10240x128xf32, #tpu.memory_space<vmem_shared>> -> memref<10240x128xf32, #tpu.memory_space<vmem_shared>>
      tpu.enqueue_indirect_dma source(%dma_start3A_261 : memref<96x128xf32, #tpu.memory_space<vmem>>) target(%dma_start3A_267 : memref<10240x128xf32, #tpu.memory_space<vmem_shared>>) offsets(%dma_start3A_264 : memref<96xi32, #tpu.memory_space<vmem>>) semaphore(%arg27 : memref<!tpu.dma_semaphore, #tpu.memory_space<semaphore_mem>>) {add = true}
      %dma_start3A_268 = arith.constant 1 : i32
      %dma_start3A_269 = arith.constant 1 : i32
      %dma_start3A_270 = arith.constant 0 : i32
      %dma_start3A_271 = tpu.memref_slice %arg13[%dma_start3A_268, %dma_start3A_270] : memref<3x96xf32, #tpu.memory_space<vmem>> -> memref<1x96xf32, #tpu.memory_space<vmem>>
      %dma_start3A_272 = tpu.memref_squeeze %dma_start3A_271 : memref<1x96xf32, #tpu.memory_space<vmem>> -> memref<96xf32, #tpu.memory_space<vmem>>
      %dma_start3A_273 = arith.constant 0 : i32
      %dma_start3A_274 = tpu.memref_slice %arg11[%dma_start3A_269, %dma_start3A_273] : memref<3x96xi32, #tpu.memory_space<vmem>> -> memref<1x96xi32, #tpu.memory_space<vmem>>
      %dma_start3A_275 = tpu.memref_squeeze %dma_start3A_274 : memref<1x96xi32, #tpu.memory_space<vmem>> -> memref<96xi32, #tpu.memory_space<vmem>>
      %dma_start3A_276 = arith.constant 0 : i32
      %dma_start3A_277 = tpu.memref_slice %arg16[%dma_start3A_276] : memref<10240xf32, #tpu.memory_space<vmem_shared>> -> memref<10240xf32, #tpu.memory_space<vmem_shared>>
      tpu.enqueue_indirect_dma source(%dma_start3A_272 : memref<96xf32, #tpu.memory_space<vmem>>) target(%dma_start3A_277 : memref<10240xf32, #tpu.memory_space<vmem_shared>>) offsets(%dma_start3A_275 : memref<96xi32, #tpu.memory_space<vmem>>) semaphore(%arg27 : memref<!tpu.dma_semaphore, #tpu.memory_space<semaphore_mem>>) {add = true}
      %ge3A_278 = arith.constant 1 : i32
      %ge3A_279 = arith.cmpi sge, %add3A_226, %ge3A_278 : i32
      %add3A_280 = arith.constant 2 : i32
      %add3A_281 = arith.addi %add3A_226, %add3A_280 : i32
      %lt3A_282 = arith.constant 108 : i32
      %lt3A_283 = arith.cmpi slt, %add3A_281, %lt3A_282 : i32
      %and3A_284 = arith.andi %ge3A_279, %lt3A_283 : i1
      %convert_element_type3A_285 = arith.extui %and3A_284 : i1 to i32
      %cond3A_286 = arith.constant 0 : i32
      %cond3A_287 = arith.cmpi ne, %convert_element_type3A_285, %cond3A_286 : i32
      scf.if %cond3A_287 {
        %dma_wait3A_365 = arith.constant 0 : i32
        %dma_wait3A_366 = arith.constant 0 : i32
        %dma_wait3A_367 = arith.constant 0 : i32
        %dma_wait3A_368 = arith.constant 0 : i32
        %dma_wait3A_369 = tpu.memref_slice %arg12[%dma_wait3A_365, %dma_wait3A_367, %dma_wait3A_368] : memref<3x96x128xf32, #tpu.memory_space<vmem>> -> memref<1x96x128xf32, #tpu.memory_space<vmem>>
        %dma_wait3A_370 = tpu.memref_squeeze %dma_wait3A_369 : memref<1x96x128xf32, #tpu.memory_space<vmem>> -> memref<96x128xf32, #tpu.memory_space<vmem>>
        %dma_wait3A_371 = arith.constant 0 : i32
        %dma_wait3A_372 = tpu.memref_slice %arg11[%dma_wait3A_366, %dma_wait3A_371] : memref<3x96xi32, #tpu.memory_space<vmem>> -> memref<1x96xi32, #tpu.memory_space<vmem>>
        %dma_wait3A_373 = tpu.memref_squeeze %dma_wait3A_372 : memref<1x96xi32, #tpu.memory_space<vmem>> -> memref<96xi32, #tpu.memory_space<vmem>>
        %dma_wait3A_374 = arith.constant 0 : i32
        %dma_wait3A_375 = arith.constant 0 : i32
        %dma_wait3A_376 = tpu.memref_slice %arg15[%dma_wait3A_374, %dma_wait3A_375] : memref<10240x128xf32, #tpu.memory_space<vmem_shared>> -> memref<10240x128xf32, #tpu.memory_space<vmem_shared>>
        tpu.wait_indirect_dma semaphore(%arg26 : memref<!tpu.dma_semaphore, #tpu.memory_space<semaphore_mem>>) src(%dma_wait3A_370 : memref<96x128xf32, #tpu.memory_space<vmem>>) dst(%dma_wait3A_376 : memref<10240x128xf32, #tpu.memory_space<vmem_shared>>)
        %dma_wait3A_377 = arith.constant 0 : i32
        %dma_wait3A_378 = arith.constant 0 : i32
        %dma_wait3A_379 = arith.constant 0 : i32
        %dma_wait3A_380 = tpu.memref_slice %arg13[%dma_wait3A_377, %dma_wait3A_379] : memref<3x96xf32, #tpu.memory_space<vmem>> -> memref<1x96xf32, #tpu.memory_space<vmem>>
        %dma_wait3A_381 = tpu.memref_squeeze %dma_wait3A_380 : memref<1x96xf32, #tpu.memory_space<vmem>> -> memref<96xf32, #tpu.memory_space<vmem>>
        %dma_wait3A_382 = arith.constant 0 : i32
        %dma_wait3A_383 = tpu.memref_slice %arg11[%dma_wait3A_378, %dma_wait3A_382] : memref<3x96xi32, #tpu.memory_space<vmem>> -> memref<1x96xi32, #tpu.memory_space<vmem>>
        %dma_wait3A_384 = tpu.memref_squeeze %dma_wait3A_383 : memref<1x96xi32, #tpu.memory_space<vmem>> -> memref<96xi32, #tpu.memory_space<vmem>>
        %dma_wait3A_385 = arith.constant 0 : i32
        %dma_wait3A_386 = tpu.memref_slice %arg16[%dma_wait3A_385] : memref<10240xf32, #tpu.memory_space<vmem_shared>> -> memref<10240xf32, #tpu.memory_space<vmem_shared>>
        tpu.wait_indirect_dma semaphore(%arg26 : memref<!tpu.dma_semaphore, #tpu.memory_space<semaphore_mem>>) src(%dma_wait3A_381 : memref<96xf32, #tpu.memory_space<vmem>>) dst(%dma_wait3A_386 : memref<10240xf32, #tpu.memory_space<vmem_shared>>)
      } else {
      }
      %add3A_288 = arith.constant 2 : i32
      %add3A_289 = arith.addi %add3A_226, %add3A_288 : i32
      %lt3A_290 = arith.constant 108 : i32
      %lt3A_291 = arith.cmpi slt, %add3A_289, %lt3A_290 : i32
      %convert_element_type3A_292 = arith.extui %lt3A_291 : i1 to i32
      %cond3A_293 = arith.constant 0 : i32
      %cond3A_294 = arith.cmpi ne, %convert_element_type3A_292, %cond3A_293 : i32
      scf.if %cond3A_294 {
        %add3A_365 = arith.constant 2 : i32
        %add3A_366 = arith.addi %add3A_226, %add3A_365 : i32
        %mul3A_367 = arith.constant 96 : i32
        %mul3A_368 = arith.muli %add3A_366, %mul3A_367 : i32
        %add3A_369 = arith.addi %mul3A_4, %mul3A_368 : i32
        %dma_start3A_370 = arith.constant 0 : i32
        %dma_start3A_371 = arith.constant 0 : i32
        %dma_start3A_372 = tpu.memref_slice %arg10[%dma_start3A_370, %dma_start3A_371] : memref<3x96xi32, #tpu.memory_space<vmem>> -> memref<1x96xi32, #tpu.memory_space<vmem>>
        %dma_start3A_373 = tpu.memref_squeeze %dma_start3A_372 : memref<1x96xi32, #tpu.memory_space<vmem>> -> memref<96xi32, #tpu.memory_space<vmem>>
        %dma_start3A_374 = tpu.memref_slice %arg3[%add3A_369] : memref<331776xi32, #tpu.memory_space<hbm>> -> memref<96xi32, #tpu.memory_space<hbm>>
        %dma_start3A_375 = arith.constant 0 : i32
        %dma_start3A_376 = tpu.memref_slice %arg10[%dma_start3A_370, %dma_start3A_375] : memref<3x96xi32, #tpu.memory_space<vmem>> -> memref<1x96xi32, #tpu.memory_space<vmem>>
        %dma_start3A_377 = tpu.memref_squeeze %dma_start3A_376 : memref<1x96xi32, #tpu.memory_space<vmem>> -> memref<96xi32, #tpu.memory_space<vmem>>
        %dma_start3A_378 = tpu.memref_slice %arg3[%add3A_369] : memref<331776xi32, #tpu.memory_space<hbm>> -> memref<96xi32, #tpu.memory_space<hbm>>
        tpu.enqueue_dma source(%dma_start3A_378 : memref<96xi32, #tpu.memory_space<hbm>>) target(%dma_start3A_377 : memref<96xi32, #tpu.memory_space<vmem>>) target_semaphore(%arg17 : memref<!tpu.dma_semaphore, #tpu.memory_space<semaphore_mem>>)
        %dma_start3A_379 = arith.constant 0 : i32
        %dma_start3A_380 = arith.constant 0 : i32
        %dma_start3A_381 = tpu.memref_slice %arg11[%dma_start3A_379, %dma_start3A_380] : memref<3x96xi32, #tpu.memory_space<vmem>> -> memref<1x96xi32, #tpu.memory_space<vmem>>
        %dma_start3A_382 = tpu.memref_squeeze %dma_start3A_381 : memref<1x96xi32, #tpu.memory_space<vmem>> -> memref<96xi32, #tpu.memory_space<vmem>>
        %dma_start3A_383 = tpu.memref_slice %arg4[%add3A_369] : memref<331776xi32, #tpu.memory_space<hbm>> -> memref<96xi32, #tpu.memory_space<hbm>>
        %dma_start3A_384 = arith.constant 0 : i32
        %dma_start3A_385 = tpu.memref_slice %arg11[%dma_start3A_379, %dma_start3A_384] : memref<3x96xi32, #tpu.memory_space<vmem>> -> memref<1x96xi32, #tpu.memory_space<vmem>>
        %dma_start3A_386 = tpu.memref_squeeze %dma_start3A_385 : memref<1x96xi32, #tpu.memory_space<vmem>> -> memref<96xi32, #tpu.memory_space<vmem>>
        %dma_start3A_387 = tpu.memref_slice %arg4[%add3A_369] : memref<331776xi32, #tpu.memory_space<hbm>> -> memref<96xi32, #tpu.memory_space<hbm>>
        tpu.enqueue_dma source(%dma_start3A_387 : memref<96xi32, #tpu.memory_space<hbm>>) target(%dma_start3A_386 : memref<96xi32, #tpu.memory_space<vmem>>) target_semaphore(%arg17 : memref<!tpu.dma_semaphore, #tpu.memory_space<semaphore_mem>>)
      } else {
      }
      %add3A_295 = arith.constant 2 : i32
      %add3A_296 = arith.addi %mul3A_161, %add3A_295 : i32
      %add3A_297 = arith.constant 1 : i32
      %add3A_298 = arith.addi %add3A_296, %add3A_297 : i32
      %lt3A_299 = arith.constant 108 : i32
      %lt3A_300 = arith.cmpi slt, %add3A_298, %lt3A_299 : i32
      %convert_element_type3A_301 = arith.extui %lt3A_300 : i1 to i32
      %cond3A_302 = arith.constant 0 : i32
      %cond3A_303 = arith.cmpi ne, %convert_element_type3A_301, %cond3A_302 : i32
      scf.if %cond3A_303 {
        %dma_wait3A_365 = arith.constant 0 : i32
        %dma_wait3A_366 = arith.constant 0 : i32
        %dma_wait3A_367 = tpu.memref_slice %arg10[%dma_wait3A_365, %dma_wait3A_366] : memref<3x96xi32, #tpu.memory_space<vmem>> -> memref<1x96xi32, #tpu.memory_space<vmem>>
        %dma_wait3A_368 = tpu.memref_squeeze %dma_wait3A_367 : memref<1x96xi32, #tpu.memory_space<vmem>> -> memref<96xi32, #tpu.memory_space<vmem>>
        %dma_wait3A_369 = arith.constant 0 : i32
        %dma_wait3A_370 = tpu.memref_slice %arg3[%dma_wait3A_369] : memref<331776xi32, #tpu.memory_space<hbm>> -> memref<96xi32, #tpu.memory_space<hbm>>
        %dma_wait3A_371 = arith.constant 0 : i32
        %dma_wait3A_372 = tpu.memref_slice %arg10[%dma_wait3A_365, %dma_wait3A_371] : memref<3x96xi32, #tpu.memory_space<vmem>> -> memref<1x96xi32, #tpu.memory_space<vmem>>
        %dma_wait3A_373 = tpu.memref_squeeze %dma_wait3A_372 : memref<1x96xi32, #tpu.memory_space<vmem>> -> memref<96xi32, #tpu.memory_space<vmem>>
        %dma_wait3A_374 = arith.constant 0 : i32
        %dma_wait3A_375 = tpu.memref_slice %arg3[%dma_wait3A_374] : memref<331776xi32, #tpu.memory_space<hbm>> -> memref<96xi32, #tpu.memory_space<hbm>>
        tpu.wait_dma2 semaphore(%arg17 : memref<!tpu.dma_semaphore, #tpu.memory_space<semaphore_mem>>) src(%dma_wait3A_375 : memref<96xi32, #tpu.memory_space<hbm>>) dst(%dma_wait3A_373 : memref<96xi32, #tpu.memory_space<vmem>>)
        %dma_wait3A_376 = arith.constant 0 : i32
        %dma_wait3A_377 = arith.constant 0 : i32
        %dma_wait3A_378 = tpu.memref_slice %arg11[%dma_wait3A_376, %dma_wait3A_377] : memref<3x96xi32, #tpu.memory_space<vmem>> -> memref<1x96xi32, #tpu.memory_space<vmem>>
        %dma_wait3A_379 = tpu.memref_squeeze %dma_wait3A_378 : memref<1x96xi32, #tpu.memory_space<vmem>> -> memref<96xi32, #tpu.memory_space<vmem>>
        %dma_wait3A_380 = arith.constant 0 : i32
        %dma_wait3A_381 = tpu.memref_slice %arg4[%dma_wait3A_380] : memref<331776xi32, #tpu.memory_space<hbm>> -> memref<96xi32, #tpu.memory_space<hbm>>
        %dma_wait3A_382 = arith.constant 0 : i32
        %dma_wait3A_383 = tpu.memref_slice %arg11[%dma_wait3A_376, %dma_wait3A_382] : memref<3x96xi32, #tpu.memory_space<vmem>> -> memref<1x96xi32, #tpu.memory_space<vmem>>
        %dma_wait3A_384 = tpu.memref_squeeze %dma_wait3A_383 : memref<1x96xi32, #tpu.memory_space<vmem>> -> memref<96xi32, #tpu.memory_space<vmem>>
        %dma_wait3A_385 = arith.constant 0 : i32
        %dma_wait3A_386 = tpu.memref_slice %arg4[%dma_wait3A_385] : memref<331776xi32, #tpu.memory_space<hbm>> -> memref<96xi32, #tpu.memory_space<hbm>>
        tpu.wait_dma2 semaphore(%arg17 : memref<!tpu.dma_semaphore, #tpu.memory_space<semaphore_mem>>) src(%dma_wait3A_386 : memref<96xi32, #tpu.memory_space<hbm>>) dst(%dma_wait3A_384 : memref<96xi32, #tpu.memory_space<vmem>>)
        %dma_start3A_387 = arith.constant 0 : i32
        %dma_start3A_388 = arith.constant 0 : i32
        %dma_start3A_389 = arith.constant 0 : i32
        %dma_start3A_390 = arith.constant 0 : i32
        %dma_start3A_391 = tpu.memref_slice %arg12[%dma_start3A_388, %dma_start3A_389, %dma_start3A_390] : memref<3x96x128xf32, #tpu.memory_space<vmem>> -> memref<1x96x128xf32, #tpu.memory_space<vmem>>
        %dma_start3A_392 = tpu.memref_squeeze %dma_start3A_391 : memref<1x96x128xf32, #tpu.memory_space<vmem>> -> memref<96x128xf32, #tpu.memory_space<vmem>>
        %dma_start3A_393 = arith.constant 0 : i32
        %dma_start3A_394 = tpu.memref_slice %arg10[%dma_start3A_387, %dma_start3A_393] : memref<3x96xi32, #tpu.memory_space<vmem>> -> memref<1x96xi32, #tpu.memory_space<vmem>>
        %dma_start3A_395 = tpu.memref_squeeze %dma_start3A_394 : memref<1x96xi32, #tpu.memory_space<vmem>> -> memref<96xi32, #tpu.memory_space<vmem>>
        %dma_start3A_396 = arith.constant 0 : i32
        %dma_start3A_397 = arith.constant 0 : i32
        %dma_start3A_398 = tpu.memref_slice %arg2[%dma_start3A_396, %dma_start3A_397] : memref<10240x128xf32, #tpu.memory_space<hbm>> -> memref<10240x128xf32, #tpu.memory_space<hbm>>
        tpu.enqueue_indirect_dma source(%dma_start3A_398 : memref<10240x128xf32, #tpu.memory_space<hbm>>) target(%dma_start3A_392 : memref<96x128xf32, #tpu.memory_space<vmem>>) offsets(%dma_start3A_395 : memref<96xi32, #tpu.memory_space<vmem>>) semaphore(%arg20 : memref<!tpu.dma_semaphore, #tpu.memory_space<semaphore_mem>>)
        %dma_start3A_399 = arith.constant 0 : i32
        %dma_start3A_400 = arith.constant 0 : i32
        %dma_start3A_401 = arith.constant 0 : i32
        %dma_start3A_402 = tpu.memref_slice %arg13[%dma_start3A_400, %dma_start3A_401] : memref<3x96xf32, #tpu.memory_space<vmem>> -> memref<1x96xf32, #tpu.memory_space<vmem>>
        %dma_start3A_403 = tpu.memref_squeeze %dma_start3A_402 : memref<1x96xf32, #tpu.memory_space<vmem>> -> memref<96xf32, #tpu.memory_space<vmem>>
        %dma_start3A_404 = arith.constant 0 : i32
        %dma_start3A_405 = tpu.memref_slice %arg10[%dma_start3A_399, %dma_start3A_404] : memref<3x96xi32, #tpu.memory_space<vmem>> -> memref<1x96xi32, #tpu.memory_space<vmem>>
        %dma_start3A_406 = tpu.memref_squeeze %dma_start3A_405 : memref<1x96xi32, #tpu.memory_space<vmem>> -> memref<96xi32, #tpu.memory_space<vmem>>
        %dma_start3A_407 = arith.constant 0 : i32
        %dma_start3A_408 = tpu.memref_slice %arg14[%dma_start3A_407] : memref<10240xf32, #tpu.memory_space<vmem_shared>> -> memref<10240xf32, #tpu.memory_space<vmem_shared>>
        tpu.enqueue_indirect_dma source(%dma_start3A_408 : memref<10240xf32, #tpu.memory_space<vmem_shared>>) target(%dma_start3A_403 : memref<96xf32, #tpu.memory_space<vmem>>) offsets(%dma_start3A_406 : memref<96xi32, #tpu.memory_space<vmem>>) semaphore(%arg23 : memref<!tpu.dma_semaphore, #tpu.memory_space<semaphore_mem>>)
      } else {
      }
      %dma_wait3A_304 = arith.constant 2 : i32
      %dma_wait3A_305 = arith.constant 2 : i32
      %dma_wait3A_306 = arith.constant 0 : i32
      %dma_wait3A_307 = arith.constant 0 : i32
      %dma_wait3A_308 = tpu.memref_slice %arg12[%dma_wait3A_305, %dma_wait3A_306, %dma_wait3A_307] : memref<3x96x128xf32, #tpu.memory_space<vmem>> -> memref<1x96x128xf32, #tpu.memory_space<vmem>>
      %dma_wait3A_309 = tpu.memref_squeeze %dma_wait3A_308 : memref<1x96x128xf32, #tpu.memory_space<vmem>> -> memref<96x128xf32, #tpu.memory_space<vmem>>
      %dma_wait3A_310 = arith.constant 0 : i32
      %dma_wait3A_311 = tpu.memref_slice %arg10[%dma_wait3A_304, %dma_wait3A_310] : memref<3x96xi32, #tpu.memory_space<vmem>> -> memref<1x96xi32, #tpu.memory_space<vmem>>
      %dma_wait3A_312 = tpu.memref_squeeze %dma_wait3A_311 : memref<1x96xi32, #tpu.memory_space<vmem>> -> memref<96xi32, #tpu.memory_space<vmem>>
      %dma_wait3A_313 = arith.constant 0 : i32
      %dma_wait3A_314 = arith.constant 0 : i32
      %dma_wait3A_315 = tpu.memref_slice %arg2[%dma_wait3A_313, %dma_wait3A_314] : memref<10240x128xf32, #tpu.memory_space<hbm>> -> memref<10240x128xf32, #tpu.memory_space<hbm>>
      tpu.wait_indirect_dma semaphore(%arg22 : memref<!tpu.dma_semaphore, #tpu.memory_space<semaphore_mem>>) src(%dma_wait3A_315 : memref<10240x128xf32, #tpu.memory_space<hbm>>) dst(%dma_wait3A_309 : memref<96x128xf32, #tpu.memory_space<vmem>>)
      %dma_wait3A_316 = arith.constant 2 : i32
      %dma_wait3A_317 = arith.constant 2 : i32
      %dma_wait3A_318 = arith.constant 0 : i32
      %dma_wait3A_319 = tpu.memref_slice %arg13[%dma_wait3A_317, %dma_wait3A_318] : memref<3x96xf32, #tpu.memory_space<vmem>> -> memref<1x96xf32, #tpu.memory_space<vmem>>
      %dma_wait3A_320 = tpu.memref_squeeze %dma_wait3A_319 : memref<1x96xf32, #tpu.memory_space<vmem>> -> memref<96xf32, #tpu.memory_space<vmem>>
      %dma_wait3A_321 = arith.constant 0 : i32
      %dma_wait3A_322 = tpu.memref_slice %arg10[%dma_wait3A_316, %dma_wait3A_321] : memref<3x96xi32, #tpu.memory_space<vmem>> -> memref<1x96xi32, #tpu.memory_space<vmem>>
      %dma_wait3A_323 = tpu.memref_squeeze %dma_wait3A_322 : memref<1x96xi32, #tpu.memory_space<vmem>> -> memref<96xi32, #tpu.memory_space<vmem>>
      %dma_wait3A_324 = arith.constant 0 : i32
      %dma_wait3A_325 = tpu.memref_slice %arg14[%dma_wait3A_324] : memref<10240xf32, #tpu.memory_space<vmem_shared>> -> memref<10240xf32, #tpu.memory_space<vmem_shared>>
      tpu.wait_indirect_dma semaphore(%arg25 : memref<!tpu.dma_semaphore, #tpu.memory_space<semaphore_mem>>) src(%dma_wait3A_325 : memref<10240xf32, #tpu.memory_space<vmem_shared>>) dst(%dma_wait3A_320 : memref<96xf32, #tpu.memory_space<vmem>>)
      %dma_start3A_326 = arith.constant 2 : i32
      %dma_start3A_327 = arith.constant 2 : i32
      %dma_start3A_328 = arith.constant 0 : i32
      %dma_start3A_329 = arith.constant 0 : i32
      %dma_start3A_330 = tpu.memref_slice %arg12[%dma_start3A_326, %dma_start3A_328, %dma_start3A_329] : memref<3x96x128xf32, #tpu.memory_space<vmem>> -> memref<1x96x128xf32, #tpu.memory_space<vmem>>
      %dma_start3A_331 = tpu.memref_squeeze %dma_start3A_330 : memref<1x96x128xf32, #tpu.memory_space<vmem>> -> memref<96x128xf32, #tpu.memory_space<vmem>>
      %dma_start3A_332 = arith.constant 0 : i32
      %dma_start3A_333 = tpu.memref_slice %arg11[%dma_start3A_327, %dma_start3A_332] : memref<3x96xi32, #tpu.memory_space<vmem>> -> memref<1x96xi32, #tpu.memory_space<vmem>>
      %dma_start3A_334 = tpu.memref_squeeze %dma_start3A_333 : memref<1x96xi32, #tpu.memory_space<vmem>> -> memref<96xi32, #tpu.memory_space<vmem>>
      %dma_start3A_335 = arith.constant 0 : i32
      %dma_start3A_336 = arith.constant 0 : i32
      %dma_start3A_337 = tpu.memref_slice %arg15[%dma_start3A_335, %dma_start3A_336] : memref<10240x128xf32, #tpu.memory_space<vmem_shared>> -> memref<10240x128xf32, #tpu.memory_space<vmem_shared>>
      tpu.enqueue_indirect_dma source(%dma_start3A_331 : memref<96x128xf32, #tpu.memory_space<vmem>>) target(%dma_start3A_337 : memref<10240x128xf32, #tpu.memory_space<vmem_shared>>) offsets(%dma_start3A_334 : memref<96xi32, #tpu.memory_space<vmem>>) semaphore(%arg28 : memref<!tpu.dma_semaphore, #tpu.memory_space<semaphore_mem>>) {add = true}
      %dma_start3A_338 = arith.constant 2 : i32
      %dma_start3A_339 = arith.constant 2 : i32
      %dma_start3A_340 = arith.constant 0 : i32
      %dma_start3A_341 = tpu.memref_slice %arg13[%dma_start3A_338, %dma_start3A_340] : memref<3x96xf32, #tpu.memory_space<vmem>> -> memref<1x96xf32, #tpu.memory_space<vmem>>
      %dma_start3A_342 = tpu.memref_squeeze %dma_start3A_341 : memref<1x96xf32, #tpu.memory_space<vmem>> -> memref<96xf32, #tpu.memory_space<vmem>>
      %dma_start3A_343 = arith.constant 0 : i32
      %dma_start3A_344 = tpu.memref_slice %arg11[%dma_start3A_339, %dma_start3A_343] : memref<3x96xi32, #tpu.memory_space<vmem>> -> memref<1x96xi32, #tpu.memory_space<vmem>>
      %dma_start3A_345 = tpu.memref_squeeze %dma_start3A_344 : memref<1x96xi32, #tpu.memory_space<vmem>> -> memref<96xi32, #tpu.memory_space<vmem>>
      %dma_start3A_346 = arith.constant 0 : i32
      %dma_start3A_347 = tpu.memref_slice %arg16[%dma_start3A_346] : memref<10240xf32, #tpu.memory_space<vmem_shared>> -> memref<10240xf32, #tpu.memory_space<vmem_shared>>
      tpu.enqueue_indirect_dma source(%dma_start3A_342 : memref<96xf32, #tpu.memory_space<vmem>>) target(%dma_start3A_347 : memref<10240xf32, #tpu.memory_space<vmem_shared>>) offsets(%dma_start3A_345 : memref<96xi32, #tpu.memory_space<vmem>>) semaphore(%arg28 : memref<!tpu.dma_semaphore, #tpu.memory_space<semaphore_mem>>) {add = true}
      %ge3A_348 = arith.constant 1 : i32
      %ge3A_349 = arith.cmpi sge, %add3A_296, %ge3A_348 : i32
      %add3A_350 = arith.constant 2 : i32
      %add3A_351 = arith.addi %add3A_296, %add3A_350 : i32
      %lt3A_352 = arith.constant 108 : i32
      %lt3A_353 = arith.cmpi slt, %add3A_351, %lt3A_352 : i32
      %and3A_354 = arith.andi %ge3A_349, %lt3A_353 : i1
      %convert_element_type3A_355 = arith.extui %and3A_354 : i1 to i32
      %cond3A_356 = arith.constant 0 : i32
      %cond3A_357 = arith.cmpi ne, %convert_element_type3A_355, %cond3A_356 : i32
      scf.if %cond3A_357 {
        %dma_wait3A_365 = arith.constant 1 : i32
        %dma_wait3A_366 = arith.constant 1 : i32
        %dma_wait3A_367 = arith.constant 0 : i32
        %dma_wait3A_368 = arith.constant 0 : i32
        %dma_wait3A_369 = tpu.memref_slice %arg12[%dma_wait3A_365, %dma_wait3A_367, %dma_wait3A_368] : memref<3x96x128xf32, #tpu.memory_space<vmem>> -> memref<1x96x128xf32, #tpu.memory_space<vmem>>
        %dma_wait3A_370 = tpu.memref_squeeze %dma_wait3A_369 : memref<1x96x128xf32, #tpu.memory_space<vmem>> -> memref<96x128xf32, #tpu.memory_space<vmem>>
        %dma_wait3A_371 = arith.constant 0 : i32
        %dma_wait3A_372 = tpu.memref_slice %arg11[%dma_wait3A_366, %dma_wait3A_371] : memref<3x96xi32, #tpu.memory_space<vmem>> -> memref<1x96xi32, #tpu.memory_space<vmem>>
        %dma_wait3A_373 = tpu.memref_squeeze %dma_wait3A_372 : memref<1x96xi32, #tpu.memory_space<vmem>> -> memref<96xi32, #tpu.memory_space<vmem>>
        %dma_wait3A_374 = arith.constant 0 : i32
        %dma_wait3A_375 = arith.constant 0 : i32
        %dma_wait3A_376 = tpu.memref_slice %arg15[%dma_wait3A_374, %dma_wait3A_375] : memref<10240x128xf32, #tpu.memory_space<vmem_shared>> -> memref<10240x128xf32, #tpu.memory_space<vmem_shared>>
        tpu.wait_indirect_dma semaphore(%arg27 : memref<!tpu.dma_semaphore, #tpu.memory_space<semaphore_mem>>) src(%dma_wait3A_370 : memref<96x128xf32, #tpu.memory_space<vmem>>) dst(%dma_wait3A_376 : memref<10240x128xf32, #tpu.memory_space<vmem_shared>>)
        %dma_wait3A_377 = arith.constant 1 : i32
        %dma_wait3A_378 = arith.constant 1 : i32
        %dma_wait3A_379 = arith.constant 0 : i32
        %dma_wait3A_380 = tpu.memref_slice %arg13[%dma_wait3A_377, %dma_wait3A_379] : memref<3x96xf32, #tpu.memory_space<vmem>> -> memref<1x96xf32, #tpu.memory_space<vmem>>
        %dma_wait3A_381 = tpu.memref_squeeze %dma_wait3A_380 : memref<1x96xf32, #tpu.memory_space<vmem>> -> memref<96xf32, #tpu.memory_space<vmem>>
        %dma_wait3A_382 = arith.constant 0 : i32
        %dma_wait3A_383 = tpu.memref_slice %arg11[%dma_wait3A_378, %dma_wait3A_382] : memref<3x96xi32, #tpu.memory_space<vmem>> -> memref<1x96xi32, #tpu.memory_space<vmem>>
        %dma_wait3A_384 = tpu.memref_squeeze %dma_wait3A_383 : memref<1x96xi32, #tpu.memory_space<vmem>> -> memref<96xi32, #tpu.memory_space<vmem>>
        %dma_wait3A_385 = arith.constant 0 : i32
        %dma_wait3A_386 = tpu.memref_slice %arg16[%dma_wait3A_385] : memref<10240xf32, #tpu.memory_space<vmem_shared>> -> memref<10240xf32, #tpu.memory_space<vmem_shared>>
        tpu.wait_indirect_dma semaphore(%arg27 : memref<!tpu.dma_semaphore, #tpu.memory_space<semaphore_mem>>) src(%dma_wait3A_381 : memref<96xf32, #tpu.memory_space<vmem>>) dst(%dma_wait3A_386 : memref<10240xf32, #tpu.memory_space<vmem_shared>>)
      } else {
      }
      %add3A_358 = arith.constant 2 : i32
      %add3A_359 = arith.addi %add3A_296, %add3A_358 : i32
      %lt3A_360 = arith.constant 108 : i32
      %lt3A_361 = arith.cmpi slt, %add3A_359, %lt3A_360 : i32
      %convert_element_type3A_362 = arith.extui %lt3A_361 : i1 to i32
      %cond3A_363 = arith.constant 0 : i32
      %cond3A_364 = arith.cmpi ne, %convert_element_type3A_362, %cond3A_363 : i32
      scf.if %cond3A_364 {
        %add3A_365 = arith.constant 2 : i32
        %add3A_366 = arith.addi %add3A_296, %add3A_365 : i32
        %mul3A_367 = arith.constant 96 : i32
        %mul3A_368 = arith.muli %add3A_366, %mul3A_367 : i32
        %add3A_369 = arith.addi %mul3A_4, %mul3A_368 : i32
        %dma_start3A_370 = arith.constant 1 : i32
        %dma_start3A_371 = arith.constant 0 : i32
        %dma_start3A_372 = tpu.memref_slice %arg10[%dma_start3A_370, %dma_start3A_371] : memref<3x96xi32, #tpu.memory_space<vmem>> -> memref<1x96xi32, #tpu.memory_space<vmem>>
        %dma_start3A_373 = tpu.memref_squeeze %dma_start3A_372 : memref<1x96xi32, #tpu.memory_space<vmem>> -> memref<96xi32, #tpu.memory_space<vmem>>
        %dma_start3A_374 = tpu.memref_slice %arg3[%add3A_369] : memref<331776xi32, #tpu.memory_space<hbm>> -> memref<96xi32, #tpu.memory_space<hbm>>
        %dma_start3A_375 = arith.constant 0 : i32
        %dma_start3A_376 = tpu.memref_slice %arg10[%dma_start3A_370, %dma_start3A_375] : memref<3x96xi32, #tpu.memory_space<vmem>> -> memref<1x96xi32, #tpu.memory_space<vmem>>
        %dma_start3A_377 = tpu.memref_squeeze %dma_start3A_376 : memref<1x96xi32, #tpu.memory_space<vmem>> -> memref<96xi32, #tpu.memory_space<vmem>>
        %dma_start3A_378 = tpu.memref_slice %arg3[%add3A_369] : memref<331776xi32, #tpu.memory_space<hbm>> -> memref<96xi32, #tpu.memory_space<hbm>>
        tpu.enqueue_dma source(%dma_start3A_378 : memref<96xi32, #tpu.memory_space<hbm>>) target(%dma_start3A_377 : memref<96xi32, #tpu.memory_space<vmem>>) target_semaphore(%arg18 : memref<!tpu.dma_semaphore, #tpu.memory_space<semaphore_mem>>)
        %dma_start3A_379 = arith.constant 1 : i32
        %dma_start3A_380 = arith.constant 0 : i32
        %dma_start3A_381 = tpu.memref_slice %arg11[%dma_start3A_379, %dma_start3A_380] : memref<3x96xi32, #tpu.memory_space<vmem>> -> memref<1x96xi32, #tpu.memory_space<vmem>>
        %dma_start3A_382 = tpu.memref_squeeze %dma_start3A_381 : memref<1x96xi32, #tpu.memory_space<vmem>> -> memref<96xi32, #tpu.memory_space<vmem>>
        %dma_start3A_383 = tpu.memref_slice %arg4[%add3A_369] : memref<331776xi32, #tpu.memory_space<hbm>> -> memref<96xi32, #tpu.memory_space<hbm>>
        %dma_start3A_384 = arith.constant 0 : i32
        %dma_start3A_385 = tpu.memref_slice %arg11[%dma_start3A_379, %dma_start3A_384] : memref<3x96xi32, #tpu.memory_space<vmem>> -> memref<1x96xi32, #tpu.memory_space<vmem>>
        %dma_start3A_386 = tpu.memref_squeeze %dma_start3A_385 : memref<1x96xi32, #tpu.memory_space<vmem>> -> memref<96xi32, #tpu.memory_space<vmem>>
        %dma_start3A_387 = tpu.memref_slice %arg4[%add3A_369] : memref<331776xi32, #tpu.memory_space<hbm>> -> memref<96xi32, #tpu.memory_space<hbm>>
        tpu.enqueue_dma source(%dma_start3A_387 : memref<96xi32, #tpu.memory_space<hbm>>) target(%dma_start3A_386 : memref<96xi32, #tpu.memory_space<vmem>>) target_semaphore(%arg18 : memref<!tpu.dma_semaphore, #tpu.memory_space<semaphore_mem>>)
      } else {
      }
    }
    %scan3A_91 = arith.constant 36 : i32
    %dma_wait3A_92 = arith.constant 0 : i32
    %dma_wait3A_93 = arith.constant 0 : i32
    %dma_wait3A_94 = arith.constant 0 : i32
    %dma_wait3A_95 = arith.constant 0 : i32
    %dma_wait3A_96 = tpu.memref_slice %arg12[%dma_wait3A_92, %dma_wait3A_94, %dma_wait3A_95] : memref<3x96x128xf32, #tpu.memory_space<vmem>> -> memref<1x96x128xf32, #tpu.memory_space<vmem>>
    %dma_wait3A_97 = tpu.memref_squeeze %dma_wait3A_96 : memref<1x96x128xf32, #tpu.memory_space<vmem>> -> memref<96x128xf32, #tpu.memory_space<vmem>>
    %dma_wait3A_98 = arith.constant 0 : i32
    %dma_wait3A_99 = tpu.memref_slice %arg11[%dma_wait3A_93, %dma_wait3A_98] : memref<3x96xi32, #tpu.memory_space<vmem>> -> memref<1x96xi32, #tpu.memory_space<vmem>>
    %dma_wait3A_100 = tpu.memref_squeeze %dma_wait3A_99 : memref<1x96xi32, #tpu.memory_space<vmem>> -> memref<96xi32, #tpu.memory_space<vmem>>
    %dma_wait3A_101 = arith.constant 0 : i32
    %dma_wait3A_102 = arith.constant 0 : i32
    %dma_wait3A_103 = tpu.memref_slice %arg15[%dma_wait3A_101, %dma_wait3A_102] : memref<10240x128xf32, #tpu.memory_space<vmem_shared>> -> memref<10240x128xf32, #tpu.memory_space<vmem_shared>>
    tpu.wait_indirect_dma semaphore(%arg26 : memref<!tpu.dma_semaphore, #tpu.memory_space<semaphore_mem>>) src(%dma_wait3A_97 : memref<96x128xf32, #tpu.memory_space<vmem>>) dst(%dma_wait3A_103 : memref<10240x128xf32, #tpu.memory_space<vmem_shared>>)
    %dma_wait3A_104 = arith.constant 0 : i32
    %dma_wait3A_105 = arith.constant 0 : i32
    %dma_wait3A_106 = arith.constant 0 : i32
    %dma_wait3A_107 = tpu.memref_slice %arg13[%dma_wait3A_104, %dma_wait3A_106] : memref<3x96xf32, #tpu.memory_space<vmem>> -> memref<1x96xf32, #tpu.memory_space<vmem>>
    %dma_wait3A_108 = tpu.memref_squeeze %dma_wait3A_107 : memref<1x96xf32, #tpu.memory_space<vmem>> -> memref<96xf32, #tpu.memory_space<vmem>>
    %dma_wait3A_109 = arith.constant 0 : i32
    %dma_wait3A_110 = tpu.memref_slice %arg11[%dma_wait3A_105, %dma_wait3A_109] : memref<3x96xi32, #tpu.memory_space<vmem>> -> memref<1x96xi32, #tpu.memory_space<vmem>>
    %dma_wait3A_111 = tpu.memref_squeeze %dma_wait3A_110 : memref<1x96xi32, #tpu.memory_space<vmem>> -> memref<96xi32, #tpu.memory_space<vmem>>
    %dma_wait3A_112 = arith.constant 0 : i32
    %dma_wait3A_113 = tpu.memref_slice %arg16[%dma_wait3A_112] : memref<10240xf32, #tpu.memory_space<vmem_shared>> -> memref<10240xf32, #tpu.memory_space<vmem_shared>>
    tpu.wait_indirect_dma semaphore(%arg26 : memref<!tpu.dma_semaphore, #tpu.memory_space<semaphore_mem>>) src(%dma_wait3A_108 : memref<96xf32, #tpu.memory_space<vmem>>) dst(%dma_wait3A_113 : memref<10240xf32, #tpu.memory_space<vmem_shared>>)
    %dma_wait3A_114 = arith.constant 1 : i32
    %dma_wait3A_115 = arith.constant 1 : i32
    %dma_wait3A_116 = arith.constant 0 : i32
    %dma_wait3A_117 = arith.constant 0 : i32
    %dma_wait3A_118 = tpu.memref_slice %arg12[%dma_wait3A_114, %dma_wait3A_116, %dma_wait3A_117] : memref<3x96x128xf32, #tpu.memory_space<vmem>> -> memref<1x96x128xf32, #tpu.memory_space<vmem>>
    %dma_wait3A_119 = tpu.memref_squeeze %dma_wait3A_118 : memref<1x96x128xf32, #tpu.memory_space<vmem>> -> memref<96x128xf32, #tpu.memory_space<vmem>>
    %dma_wait3A_120 = arith.constant 0 : i32
    %dma_wait3A_121 = tpu.memref_slice %arg11[%dma_wait3A_115, %dma_wait3A_120] : memref<3x96xi32, #tpu.memory_space<vmem>> -> memref<1x96xi32, #tpu.memory_space<vmem>>
    %dma_wait3A_122 = tpu.memref_squeeze %dma_wait3A_121 : memref<1x96xi32, #tpu.memory_space<vmem>> -> memref<96xi32, #tpu.memory_space<vmem>>
    %dma_wait3A_123 = arith.constant 0 : i32
    %dma_wait3A_124 = arith.constant 0 : i32
    %dma_wait3A_125 = tpu.memref_slice %arg15[%dma_wait3A_123, %dma_wait3A_124] : memref<10240x128xf32, #tpu.memory_space<vmem_shared>> -> memref<10240x128xf32, #tpu.memory_space<vmem_shared>>
    tpu.wait_indirect_dma semaphore(%arg27 : memref<!tpu.dma_semaphore, #tpu.memory_space<semaphore_mem>>) src(%dma_wait3A_119 : memref<96x128xf32, #tpu.memory_space<vmem>>) dst(%dma_wait3A_125 : memref<10240x128xf32, #tpu.memory_space<vmem_shared>>)
    %dma_wait3A_126 = arith.constant 1 : i32
    %dma_wait3A_127 = arith.constant 1 : i32
    %dma_wait3A_128 = arith.constant 0 : i32
    %dma_wait3A_129 = tpu.memref_slice %arg13[%dma_wait3A_126, %dma_wait3A_128] : memref<3x96xf32, #tpu.memory_space<vmem>> -> memref<1x96xf32, #tpu.memory_space<vmem>>
    %dma_wait3A_130 = tpu.memref_squeeze %dma_wait3A_129 : memref<1x96xf32, #tpu.memory_space<vmem>> -> memref<96xf32, #tpu.memory_space<vmem>>
    %dma_wait3A_131 = arith.constant 0 : i32
    %dma_wait3A_132 = tpu.memref_slice %arg11[%dma_wait3A_127, %dma_wait3A_131] : memref<3x96xi32, #tpu.memory_space<vmem>> -> memref<1x96xi32, #tpu.memory_space<vmem>>
    %dma_wait3A_133 = tpu.memref_squeeze %dma_wait3A_132 : memref<1x96xi32, #tpu.memory_space<vmem>> -> memref<96xi32, #tpu.memory_space<vmem>>
    %dma_wait3A_134 = arith.constant 0 : i32
    %dma_wait3A_135 = tpu.memref_slice %arg16[%dma_wait3A_134] : memref<10240xf32, #tpu.memory_space<vmem_shared>> -> memref<10240xf32, #tpu.memory_space<vmem_shared>>
    tpu.wait_indirect_dma semaphore(%arg27 : memref<!tpu.dma_semaphore, #tpu.memory_space<semaphore_mem>>) src(%dma_wait3A_130 : memref<96xf32, #tpu.memory_space<vmem>>) dst(%dma_wait3A_135 : memref<10240xf32, #tpu.memory_space<vmem_shared>>)
    %dma_wait3A_136 = arith.constant 2 : i32
    %dma_wait3A_137 = arith.constant 2 : i32
    %dma_wait3A_138 = arith.constant 0 : i32
    %dma_wait3A_139 = arith.constant 0 : i32
    %dma_wait3A_140 = tpu.memref_slice %arg12[%dma_wait3A_136, %dma_wait3A_138, %dma_wait3A_139] : memref<3x96x128xf32, #tpu.memory_space<vmem>> -> memref<1x96x128xf32, #tpu.memory_space<vmem>>
    %dma_wait3A_141 = tpu.memref_squeeze %dma_wait3A_140 : memref<1x96x128xf32, #tpu.memory_space<vmem>> -> memref<96x128xf32, #tpu.memory_space<vmem>>
    %dma_wait3A_142 = arith.constant 0 : i32
    %dma_wait3A_143 = tpu.memref_slice %arg11[%dma_wait3A_137, %dma_wait3A_142] : memref<3x96xi32, #tpu.memory_space<vmem>> -> memref<1x96xi32, #tpu.memory_space<vmem>>
    %dma_wait3A_144 = tpu.memref_squeeze %dma_wait3A_143 : memref<1x96xi32, #tpu.memory_space<vmem>> -> memref<96xi32, #tpu.memory_space<vmem>>
    %dma_wait3A_145 = arith.constant 0 : i32
    %dma_wait3A_146 = arith.constant 0 : i32
    %dma_wait3A_147 = tpu.memref_slice %arg15[%dma_wait3A_145, %dma_wait3A_146] : memref<10240x128xf32, #tpu.memory_space<vmem_shared>> -> memref<10240x128xf32, #tpu.memory_space<vmem_shared>>
    tpu.wait_indirect_dma semaphore(%arg28 : memref<!tpu.dma_semaphore, #tpu.memory_space<semaphore_mem>>) src(%dma_wait3A_141 : memref<96x128xf32, #tpu.memory_space<vmem>>) dst(%dma_wait3A_147 : memref<10240x128xf32, #tpu.memory_space<vmem_shared>>)
    %dma_wait3A_148 = arith.constant 2 : i32
    %dma_wait3A_149 = arith.constant 2 : i32
    %dma_wait3A_150 = arith.constant 0 : i32
    %dma_wait3A_151 = tpu.memref_slice %arg13[%dma_wait3A_148, %dma_wait3A_150] : memref<3x96xf32, #tpu.memory_space<vmem>> -> memref<1x96xf32, #tpu.memory_space<vmem>>
    %dma_wait3A_152 = tpu.memref_squeeze %dma_wait3A_151 : memref<1x96xf32, #tpu.memory_space<vmem>> -> memref<96xf32, #tpu.memory_space<vmem>>
    %dma_wait3A_153 = arith.constant 0 : i32
    %dma_wait3A_154 = tpu.memref_slice %arg11[%dma_wait3A_149, %dma_wait3A_153] : memref<3x96xi32, #tpu.memory_space<vmem>> -> memref<1x96xi32, #tpu.memory_space<vmem>>
    %dma_wait3A_155 = tpu.memref_squeeze %dma_wait3A_154 : memref<1x96xi32, #tpu.memory_space<vmem>> -> memref<96xi32, #tpu.memory_space<vmem>>
    %dma_wait3A_156 = arith.constant 0 : i32
    %dma_wait3A_157 = tpu.memref_slice %arg16[%dma_wait3A_156] : memref<10240xf32, #tpu.memory_space<vmem_shared>> -> memref<10240xf32, #tpu.memory_space<vmem_shared>>
    tpu.wait_indirect_dma semaphore(%arg28 : memref<!tpu.dma_semaphore, #tpu.memory_space<semaphore_mem>>) src(%dma_wait3A_152 : memref<96xf32, #tpu.memory_space<vmem>>) dst(%dma_wait3A_157 : memref<10240xf32, #tpu.memory_space<vmem_shared>>)
    %barrier3A_158 = arith.constant 0 : index
    tpu.barrier barrier_id(%barrier3A_158)
    "tpu.region"() ({
      %run_scoped3A = tpu.sem_alloc : memref<!tpu.dma_semaphore, #tpu.memory_space<semaphore_mem>>
      %dma_start3A_159 = arith.constant 0 : i32
      %dma_start3A_160 = tpu.memref_slice %arg8[%arg0, %mul3A_2, %dma_start3A_159] : memref<2x10240x128xf32, #tpu.memory_space<hbm>> -> memref<1x640x128xf32, #tpu.memory_space<hbm>>
      %dma_start3A_161 = tpu.memref_squeeze %dma_start3A_160 : memref<1x640x128xf32, #tpu.memory_space<hbm>> -> memref<640x128xf32, #tpu.memory_space<hbm>>
      %dma_start3A_162 = arith.constant 0 : i32
      %dma_start3A_163 = tpu.memref_slice %arg15[%mul3A_2, %dma_start3A_162] : memref<10240x128xf32, #tpu.memory_space<vmem_shared>> -> memref<640x128xf32, #tpu.memory_space<vmem_shared>>
      tpu.enqueue_dma source(%dma_start3A_163 : memref<640x128xf32, #tpu.memory_space<vmem_shared>>) target(%dma_start3A_161 : memref<640x128xf32, #tpu.memory_space<hbm>>) target_semaphore(%run_scoped3A : memref<!tpu.dma_semaphore, #tpu.memory_space<semaphore_mem>>)
      %dma_wait3A_164 = arith.constant 0 : i32
      %dma_wait3A_165 = tpu.memref_slice %arg8[%arg0, %mul3A_2, %dma_wait3A_164] : memref<2x10240x128xf32, #tpu.memory_space<hbm>> -> memref<1x640x128xf32, #tpu.memory_space<hbm>>
      %dma_wait3A_166 = tpu.memref_squeeze %dma_wait3A_165 : memref<1x640x128xf32, #tpu.memory_space<hbm>> -> memref<640x128xf32, #tpu.memory_space<hbm>>
      %dma_wait3A_167 = arith.constant 0 : i32
      %dma_wait3A_168 = tpu.memref_slice %arg15[%mul3A_2, %dma_wait3A_167] : memref<10240x128xf32, #tpu.memory_space<vmem_shared>> -> memref<640x128xf32, #tpu.memory_space<vmem_shared>>
      tpu.wait_dma2 semaphore(%run_scoped3A : memref<!tpu.dma_semaphore, #tpu.memory_space<semaphore_mem>>) src(%dma_wait3A_168 : memref<640x128xf32, #tpu.memory_space<vmem_shared>>) dst(%dma_wait3A_166 : memref<640x128xf32, #tpu.memory_space<hbm>>)
      tpu.yield
    }) : () -> ()
    "tpu.region"() ({
      %run_scoped3A = tpu.sem_alloc : memref<!tpu.dma_semaphore, #tpu.memory_space<semaphore_mem>>
      %dma_start3A_159 = tpu.memref_slice %arg9[%arg0, %mul3A_2] : memref<2x10240xf32, #tpu.memory_space<hbm>> -> memref<1x640xf32, #tpu.memory_space<hbm>>
      %dma_start3A_160 = tpu.memref_squeeze %dma_start3A_159 : memref<1x640xf32, #tpu.memory_space<hbm>> -> memref<640xf32, #tpu.memory_space<hbm>>
      %dma_start3A_161 = tpu.memref_slice %arg16[%mul3A_2] : memref<10240xf32, #tpu.memory_space<vmem_shared>> -> memref<640xf32, #tpu.memory_space<vmem_shared>>
      tpu.enqueue_dma source(%dma_start3A_161 : memref<640xf32, #tpu.memory_space<vmem_shared>>) target(%dma_start3A_160 : memref<640xf32, #tpu.memory_space<hbm>>) target_semaphore(%run_scoped3A : memref<!tpu.dma_semaphore, #tpu.memory_space<semaphore_mem>>)
      %dma_wait3A_162 = tpu.memref_slice %arg9[%arg0, %mul3A_2] : memref<2x10240xf32, #tpu.memory_space<hbm>> -> memref<1x640xf32, #tpu.memory_space<hbm>>
      %dma_wait3A_163 = tpu.memref_squeeze %dma_wait3A_162 : memref<1x640xf32, #tpu.memory_space<hbm>> -> memref<640xf32, #tpu.memory_space<hbm>>
      %dma_wait3A_164 = tpu.memref_slice %arg16[%mul3A_2] : memref<10240xf32, #tpu.memory_space<vmem_shared>> -> memref<640xf32, #tpu.memory_space<vmem_shared>>
      tpu.wait_dma2 semaphore(%run_scoped3A : memref<!tpu.dma_semaphore, #tpu.memory_space<semaphore_mem>>) src(%dma_wait3A_164 : memref<640xf32, #tpu.memory_space<vmem_shared>>) dst(%dma_wait3A_163 : memref<640xf32, #tpu.memory_space<hbm>>)
      tpu.yield
    }) : () -> ()
    return
  }
}

#map = affine_map<(d0, d1) -> (0, 0)>
#map1 = affine_map<(d0, d1) -> (0)>
#map2 = affine_map<(d0, d1) -> (0, 0, 0)>
module attributes {stable_mosaic.version = 14 : i64} {
  func.func @_sc_agg_body(%arg0: i32, %arg1: i32, %arg2: memref<10240x128xf32, #tpu.memory_space<hbm>>, %arg3: memref<331776xi32, #tpu.memory_space<hbm>>, %arg4: memref<331776xi32, #tpu.memory_space<hbm>>, %arg5: memref<10240xf32, #tpu.memory_space<hbm>>, %arg6: memref<10240x128xf32, #tpu.memory_space<hbm>>, %arg7: memref<10240xf32, #tpu.memory_space<hbm>>, %arg8: memref<2x10240x128xf32, #tpu.memory_space<hbm>>, %arg9: memref<2x10240xf32, #tpu.memory_space<hbm>>, %arg10: memref<3x96xi32, #tpu.memory_space<vmem>>, %arg11: memref<3x96xi32, #tpu.memory_space<vmem>>, %arg12: memref<3x96x128xf32, #tpu.memory_space<vmem>>, %arg13: memref<3x96xf32, #tpu.memory_space<vmem>>, %arg14: memref<10240xf32, #tpu.memory_space<vmem_shared>>, %arg15: memref<10240x128xf32, #tpu.memory_space<vmem_shared>>, %arg16: memref<10240xf32, #tpu.memory_space<vmem_shared>>, %arg17: memref<!tpu.dma_semaphore, #tpu.memory_space<semaphore_mem>>, %arg18: memref<!tpu.dma_semaphore, #tpu.memory_space<semaphore_mem>>, %arg19: memref<!tpu.dma_semaphore, #tpu.memory_space<semaphore_mem>>, %arg20: memref<!tpu.dma_semaphore, #tpu.memory_space<semaphore_mem>>, %arg21: memref<!tpu.dma_semaphore, #tpu.memory_space<semaphore_mem>>, %arg22: memref<!tpu.dma_semaphore, #tpu.memory_space<semaphore_mem>>, %arg23: memref<!tpu.dma_semaphore, #tpu.memory_space<semaphore_mem>>, %arg24: memref<!tpu.dma_semaphore, #tpu.memory_space<semaphore_mem>>, %arg25: memref<!tpu.dma_semaphore, #tpu.memory_space<semaphore_mem>>, %arg26: memref<!tpu.dma_semaphore, #tpu.memory_space<semaphore_mem>>, %arg27: memref<!tpu.dma_semaphore, #tpu.memory_space<semaphore_mem>>, %arg28: memref<!tpu.dma_semaphore, #tpu.memory_space<semaphore_mem>>) attributes {dimension_semantics = [#tpu.dimension_semantics<core_parallel>, #tpu.dimension_semantics<subcore_parallel>], iteration_bounds = array<i64: 2, 16>, scalar_prefetch = 0 : i64, scratch_operands = 19 : i64, tpu.core_type = #tpu.core_type<sc_vector_subcore>, window_params = [{transform_indices = #map}, {transform_indices = #map1}, {transform_indices = #map1}, {transform_indices = #map1}, {transform_indices = #map}, {transform_indices = #map1}, {transform_indices = #map2}, {transform_indices = #map}]} {
    %mul3A = arith.constant 16 : i32
    %mul3A_0 = arith.muli %arg0, %mul3A : i32
    %add3A = arith.addi %mul3A_0, %arg1 : i32
    %mul3A_1 = arith.constant 640 : i32
    %mul3A_2 = arith.muli %arg1, %mul3A_1 : i32
    "tpu.region"() ({
      %run_scoped3A = tpu.sem_alloc : memref<!tpu.dma_semaphore, #tpu.memory_space<semaphore_mem>>
      %dma_start3A_159 = arith.constant 0 : i32
      %dma_start3A_160 = tpu.memref_slice %arg15[%mul3A_2, %dma_start3A_159] : memref<10240x128xf32, #tpu.memory_space<vmem_shared>> -> memref<640x128xf32, #tpu.memory_space<vmem_shared>>
      %dma_start3A_161 = arith.constant 0 : i32
      %dma_start3A_162 = tpu.memref_slice %arg6[%mul3A_2, %dma_start3A_161] : memref<10240x128xf32, #tpu.memory_space<hbm>> -> memref<640x128xf32, #tpu.memory_space<hbm>>
      tpu.enqueue_dma source(%dma_start3A_162 : memref<640x128xf32, #tpu.memory_space<hbm>>) target(%dma_start3A_160 : memref<640x128xf32, #tpu.memory_space<vmem_shared>>) target_semaphore(%run_scoped3A : memref<!tpu.dma_semaphore, #tpu.memory_space<semaphore_mem>>)
      %dma_wait3A_163 = arith.constant 0 : i32
      %dma_wait3A_164 = tpu.memref_slice %arg15[%mul3A_2, %dma_wait3A_163] : memref<10240x128xf32, #tpu.memory_space<vmem_shared>> -> memref<640x128xf32, #tpu.memory_space<vmem_shared>>
      %dma_wait3A_165 = arith.constant 0 : i32
      %dma_wait3A_166 = tpu.memref_slice %arg6[%mul3A_2, %dma_wait3A_165] : memref<10240x128xf32, #tpu.memory_space<hbm>> -> memref<640x128xf32, #tpu.memory_space<hbm>>
      tpu.wait_dma2 semaphore(%run_scoped3A : memref<!tpu.dma_semaphore, #tpu.memory_space<semaphore_mem>>) src(%dma_wait3A_166 : memref<640x128xf32, #tpu.memory_space<hbm>>) dst(%dma_wait3A_164 : memref<640x128xf32, #tpu.memory_space<vmem_shared>>)
      tpu.yield
    }) : () -> ()
    "tpu.region"() ({
      %run_scoped3A = tpu.sem_alloc : memref<!tpu.dma_semaphore, #tpu.memory_space<semaphore_mem>>
      %dma_start3A_159 = tpu.memref_slice %arg16[%mul3A_2] : memref<10240xf32, #tpu.memory_space<vmem_shared>> -> memref<640xf32, #tpu.memory_space<vmem_shared>>
      %dma_start3A_160 = tpu.memref_slice %arg7[%mul3A_2] : memref<10240xf32, #tpu.memory_space<hbm>> -> memref<640xf32, #tpu.memory_space<hbm>>
      tpu.enqueue_dma source(%dma_start3A_160 : memref<640xf32, #tpu.memory_space<hbm>>) target(%dma_start3A_159 : memref<640xf32, #tpu.memory_space<vmem_shared>>) target_semaphore(%run_scoped3A : memref<!tpu.dma_semaphore, #tpu.memory_space<semaphore_mem>>)
      %dma_wait3A_161 = tpu.memref_slice %arg16[%mul3A_2] : memref<10240xf32, #tpu.memory_space<vmem_shared>> -> memref<640xf32, #tpu.memory_space<vmem_shared>>
      %dma_wait3A_162 = tpu.memref_slice %arg7[%mul3A_2] : memref<10240xf32, #tpu.memory_space<hbm>> -> memref<640xf32, #tpu.memory_space<hbm>>
      tpu.wait_dma2 semaphore(%run_scoped3A : memref<!tpu.dma_semaphore, #tpu.memory_space<semaphore_mem>>) src(%dma_wait3A_162 : memref<640xf32, #tpu.memory_space<hbm>>) dst(%dma_wait3A_161 : memref<640xf32, #tpu.memory_space<vmem_shared>>)
      tpu.yield
    }) : () -> ()
    "tpu.region"() ({
      %run_scoped3A = tpu.sem_alloc : memref<!tpu.dma_semaphore, #tpu.memory_space<semaphore_mem>>
      %dma_start3A_159 = tpu.memref_slice %arg14[%mul3A_2] : memref<10240xf32, #tpu.memory_space<vmem_shared>> -> memref<640xf32, #tpu.memory_space<vmem_shared>>
      %dma_start3A_160 = tpu.memref_slice %arg5[%mul3A_2] : memref<10240xf32, #tpu.memory_space<hbm>> -> memref<640xf32, #tpu.memory_space<hbm>>
      tpu.enqueue_dma source(%dma_start3A_160 : memref<640xf32, #tpu.memory_space<hbm>>) target(%dma_start3A_159 : memref<640xf32, #tpu.memory_space<vmem_shared>>) target_semaphore(%run_scoped3A : memref<!tpu.dma_semaphore, #tpu.memory_space<semaphore_mem>>)
      %dma_wait3A_161 = tpu.memref_slice %arg14[%mul3A_2] : memref<10240xf32, #tpu.memory_space<vmem_shared>> -> memref<640xf32, #tpu.memory_space<vmem_shared>>
      %dma_wait3A_162 = tpu.memref_slice %arg5[%mul3A_2] : memref<10240xf32, #tpu.memory_space<hbm>> -> memref<640xf32, #tpu.memory_space<hbm>>
      tpu.wait_dma2 semaphore(%run_scoped3A : memref<!tpu.dma_semaphore, #tpu.memory_space<semaphore_mem>>) src(%dma_wait3A_162 : memref<640xf32, #tpu.memory_space<hbm>>) dst(%dma_wait3A_161 : memref<640xf32, #tpu.memory_space<vmem_shared>>)
      tpu.yield
    }) : () -> ()
    %mul3A_3 = arith.constant 10368 : i32
    %mul3A_4 = arith.muli %add3A, %mul3A_3 : i32
    %barrier3A = arith.constant 0 : index
    tpu.barrier barrier_id(%barrier3A)
    %add3A_5 = arith.constant 0 : i32
    %add3A_6 = arith.addi %mul3A_4, %add3A_5 : i32
    %dma_start3A = arith.constant 0 : i32
    %dma_start3A_7 = arith.constant 0 : i32
    %dma_start3A_8 = tpu.memref_slice %arg10[%dma_start3A, %dma_start3A_7] : memref<3x96xi32, #tpu.memory_space<vmem>> -> memref<1x96xi32, #tpu.memory_space<vmem>>
    %dma_start3A_9 = tpu.memref_squeeze %dma_start3A_8 : memref<1x96xi32, #tpu.memory_space<vmem>> -> memref<96xi32, #tpu.memory_space<vmem>>
    %dma_start3A_10 = tpu.memref_slice %arg3[%add3A_6] : memref<331776xi32, #tpu.memory_space<hbm>> -> memref<96xi32, #tpu.memory_space<hbm>>
    %dma_start3A_11 = arith.constant 0 : i32
    %dma_start3A_12 = tpu.memref_slice %arg10[%dma_start3A, %dma_start3A_11] : memref<3x96xi32, #tpu.memory_space<vmem>> -> memref<1x96xi32, #tpu.memory_space<vmem>>
    %dma_start3A_13 = tpu.memref_squeeze %dma_start3A_12 : memref<1x96xi32, #tpu.memory_space<vmem>> -> memref<96xi32, #tpu.memory_space<vmem>>
    %dma_start3A_14 = tpu.memref_slice %arg3[%add3A_6] : memref<331776xi32, #tpu.memory_space<hbm>> -> memref<96xi32, #tpu.memory_space<hbm>>
    tpu.enqueue_dma source(%dma_start3A_14 : memref<96xi32, #tpu.memory_space<hbm>>) target(%dma_start3A_13 : memref<96xi32, #tpu.memory_space<vmem>>) target_semaphore(%arg17 : memref<!tpu.dma_semaphore, #tpu.memory_space<semaphore_mem>>)
    %dma_start3A_15 = arith.constant 0 : i32
    %dma_start3A_16 = arith.constant 0 : i32
    %dma_start3A_17 = tpu.memref_slice %arg11[%dma_start3A_15, %dma_start3A_16] : memref<3x96xi32, #tpu.memory_space<vmem>> -> memref<1x96xi32, #tpu.memory_space<vmem>>
    %dma_start3A_18 = tpu.memref_squeeze %dma_start3A_17 : memref<1x96xi32, #tpu.memory_space<vmem>> -> memref<96xi32, #tpu.memory_space<vmem>>
    %dma_start3A_19 = tpu.memref_slice %arg4[%add3A_6] : memref<331776xi32, #tpu.memory_space<hbm>> -> memref<96xi32, #tpu.memory_space<hbm>>
    %dma_start3A_20 = arith.constant 0 : i32
    %dma_start3A_21 = tpu.memref_slice %arg11[%dma_start3A_15, %dma_start3A_20] : memref<3x96xi32, #tpu.memory_space<vmem>> -> memref<1x96xi32, #tpu.memory_space<vmem>>
    %dma_start3A_22 = tpu.memref_squeeze %dma_start3A_21 : memref<1x96xi32, #tpu.memory_space<vmem>> -> memref<96xi32, #tpu.memory_space<vmem>>
    %dma_start3A_23 = tpu.memref_slice %arg4[%add3A_6] : memref<331776xi32, #tpu.memory_space<hbm>> -> memref<96xi32, #tpu.memory_space<hbm>>
    tpu.enqueue_dma source(%dma_start3A_23 : memref<96xi32, #tpu.memory_space<hbm>>) target(%dma_start3A_22 : memref<96xi32, #tpu.memory_space<vmem>>) target_semaphore(%arg17 : memref<!tpu.dma_semaphore, #tpu.memory_space<semaphore_mem>>)
    %add3A_24 = arith.constant 96 : i32
    %add3A_25 = arith.addi %mul3A_4, %add3A_24 : i32
    %dma_start3A_26 = arith.constant 1 : i32
    %dma_start3A_27 = arith.constant 0 : i32
    %dma_start3A_28 = tpu.memref_slice %arg10[%dma_start3A_26, %dma_start3A_27] : memref<3x96xi32, #tpu.memory_space<vmem>> -> memref<1x96xi32, #tpu.memory_space<vmem>>
    %dma_start3A_29 = tpu.memref_squeeze %dma_start3A_28 : memref<1x96xi32, #tpu.memory_space<vmem>> -> memref<96xi32, #tpu.memory_space<vmem>>
    %dma_start3A_30 = tpu.memref_slice %arg3[%add3A_25] : memref<331776xi32, #tpu.memory_space<hbm>> -> memref<96xi32, #tpu.memory_space<hbm>>
    %dma_start3A_31 = arith.constant 0 : i32
    %dma_start3A_32 = tpu.memref_slice %arg10[%dma_start3A_26, %dma_start3A_31] : memref<3x96xi32, #tpu.memory_space<vmem>> -> memref<1x96xi32, #tpu.memory_space<vmem>>
    %dma_start3A_33 = tpu.memref_squeeze %dma_start3A_32 : memref<1x96xi32, #tpu.memory_space<vmem>> -> memref<96xi32, #tpu.memory_space<vmem>>
    %dma_start3A_34 = tpu.memref_slice %arg3[%add3A_25] : memref<331776xi32, #tpu.memory_space<hbm>> -> memref<96xi32, #tpu.memory_space<hbm>>
    tpu.enqueue_dma source(%dma_start3A_34 : memref<96xi32, #tpu.memory_space<hbm>>) target(%dma_start3A_33 : memref<96xi32, #tpu.memory_space<vmem>>) target_semaphore(%arg18 : memref<!tpu.dma_semaphore, #tpu.memory_space<semaphore_mem>>)
    %dma_start3A_35 = arith.constant 1 : i32
    %dma_start3A_36 = arith.constant 0 : i32
    %dma_start3A_37 = tpu.memref_slice %arg11[%dma_start3A_35, %dma_start3A_36] : memref<3x96xi32, #tpu.memory_space<vmem>> -> memref<1x96xi32, #tpu.memory_space<vmem>>
    %dma_start3A_38 = tpu.memref_squeeze %dma_start3A_37 : memref<1x96xi32, #tpu.memory_space<vmem>> -> memref<96xi32, #tpu.memory_space<vmem>>
    %dma_start3A_39 = tpu.memref_slice %arg4[%add3A_25] : memref<331776xi32, #tpu.memory_space<hbm>> -> memref<96xi32, #tpu.memory_space<hbm>>
    %dma_start3A_40 = arith.constant 0 : i32
    %dma_start3A_41 = tpu.memref_slice %arg11[%dma_start3A_35, %dma_start3A_40] : memref<3x96xi32, #tpu.memory_space<vmem>> -> memref<1x96xi32, #tpu.memory_space<vmem>>
    %dma_start3A_42 = tpu.memref_squeeze %dma_start3A_41 : memref<1x96xi32, #tpu.memory_space<vmem>> -> memref<96xi32, #tpu.memory_space<vmem>>
    %dma_start3A_43 = tpu.memref_slice %arg4[%add3A_25] : memref<331776xi32, #tpu.memory_space<hbm>> -> memref<96xi32, #tpu.memory_space<hbm>>
    tpu.enqueue_dma source(%dma_start3A_43 : memref<96xi32, #tpu.memory_space<hbm>>) target(%dma_start3A_42 : memref<96xi32, #tpu.memory_space<vmem>>) target_semaphore(%arg18 : memref<!tpu.dma_semaphore, #tpu.memory_space<semaphore_mem>>)
    %dma_wait3A = arith.constant 0 : i32
    %dma_wait3A_44 = arith.constant 0 : i32
    %dma_wait3A_45 = tpu.memref_slice %arg10[%dma_wait3A, %dma_wait3A_44] : memref<3x96xi32, #tpu.memory_space<vmem>> -> memref<1x96xi32, #tpu.memory_space<vmem>>
    %dma_wait3A_46 = tpu.memref_squeeze %dma_wait3A_45 : memref<1x96xi32, #tpu.memory_space<vmem>> -> memref<96xi32, #tpu.memory_space<vmem>>
    %dma_wait3A_47 = arith.constant 0 : i32
    %dma_wait3A_48 = tpu.memref_slice %arg3[%dma_wait3A_47] : memref<331776xi32, #tpu.memory_space<hbm>> -> memref<96xi32, #tpu.memory_space<hbm>>
    %dma_wait3A_49 = arith.constant 0 : i32
    %dma_wait3A_50 = tpu.memref_slice %arg10[%dma_wait3A, %dma_wait3A_49] : memref<3x96xi32, #tpu.memory_space<vmem>> -> memref<1x96xi32, #tpu.memory_space<vmem>>
    %dma_wait3A_51 = tpu.memref_squeeze %dma_wait3A_50 : memref<1x96xi32, #tpu.memory_space<vmem>> -> memref<96xi32, #tpu.memory_space<vmem>>
    %dma_wait3A_52 = arith.constant 0 : i32
    %dma_wait3A_53 = tpu.memref_slice %arg3[%dma_wait3A_52] : memref<331776xi32, #tpu.memory_space<hbm>> -> memref<96xi32, #tpu.memory_space<hbm>>
    tpu.wait_dma2 semaphore(%arg17 : memref<!tpu.dma_semaphore, #tpu.memory_space<semaphore_mem>>) src(%dma_wait3A_53 : memref<96xi32, #tpu.memory_space<hbm>>) dst(%dma_wait3A_51 : memref<96xi32, #tpu.memory_space<vmem>>)
    %dma_wait3A_54 = arith.constant 0 : i32
    %dma_wait3A_55 = arith.constant 0 : i32
    %dma_wait3A_56 = tpu.memref_slice %arg11[%dma_wait3A_54, %dma_wait3A_55] : memref<3x96xi32, #tpu.memory_space<vmem>> -> memref<1x96xi32, #tpu.memory_space<vmem>>
    %dma_wait3A_57 = tpu.memref_squeeze %dma_wait3A_56 : memref<1x96xi32, #tpu.memory_space<vmem>> -> memref<96xi32, #tpu.memory_space<vmem>>
    %dma_wait3A_58 = arith.constant 0 : i32
    %dma_wait3A_59 = tpu.memref_slice %arg4[%dma_wait3A_58] : memref<331776xi32, #tpu.memory_space<hbm>> -> memref<96xi32, #tpu.memory_space<hbm>>
    %dma_wait3A_60 = arith.constant 0 : i32
    %dma_wait3A_61 = tpu.memref_slice %arg11[%dma_wait3A_54, %dma_wait3A_60] : memref<3x96xi32, #tpu.memory_space<vmem>> -> memref<1x96xi32, #tpu.memory_space<vmem>>
    %dma_wait3A_62 = tpu.memref_squeeze %dma_wait3A_61 : memref<1x96xi32, #tpu.memory_space<vmem>> -> memref<96xi32, #tpu.memory_space<vmem>>
    %dma_wait3A_63 = arith.constant 0 : i32
    %dma_wait3A_64 = tpu.memref_slice %arg4[%dma_wait3A_63] : memref<331776xi32, #tpu.memory_space<hbm>> -> memref<96xi32, #tpu.memory_space<hbm>>
    tpu.wait_dma2 semaphore(%arg17 : memref<!tpu.dma_semaphore, #tpu.memory_space<semaphore_mem>>) src(%dma_wait3A_64 : memref<96xi32, #tpu.memory_space<hbm>>) dst(%dma_wait3A_62 : memref<96xi32, #tpu.memory_space<vmem>>)
    %dma_start3A_65 = arith.constant 0 : i32
    %dma_start3A_66 = arith.constant 0 : i32
    %dma_start3A_67 = arith.constant 0 : i32
    %dma_start3A_68 = arith.constant 0 : i32
    %dma_start3A_69 = tpu.memref_slice %arg12[%dma_start3A_66, %dma_start3A_67, %dma_start3A_68] : memref<3x96x128xf32, #tpu.memory_space<vmem>> -> memref<1x96x128xf32, #tpu.memory_space<vmem>>
    %dma_start3A_70 = tpu.memref_squeeze %dma_start3A_69 : memref<1x96x128xf32, #tpu.memory_space<vmem>> -> memref<96x128xf32, #tpu.memory_space<vmem>>
    %dma_start3A_71 = arith.constant 0 : i32
    %dma_start3A_72 = tpu.memref_slice %arg10[%dma_start3A_65, %dma_start3A_71] : memref<3x96xi32, #tpu.memory_space<vmem>> -> memref<1x96xi32, #tpu.memory_space<vmem>>
    %dma_start3A_73 = tpu.memref_squeeze %dma_start3A_72 : memref<1x96xi32, #tpu.memory_space<vmem>> -> memref<96xi32, #tpu.memory_space<vmem>>
    %dma_start3A_74 = arith.constant 0 : i32
    %dma_start3A_75 = arith.constant 0 : i32
    %dma_start3A_76 = tpu.memref_slice %arg2[%dma_start3A_74, %dma_start3A_75] : memref<10240x128xf32, #tpu.memory_space<hbm>> -> memref<10240x128xf32, #tpu.memory_space<hbm>>
    tpu.enqueue_indirect_dma source(%dma_start3A_76 : memref<10240x128xf32, #tpu.memory_space<hbm>>) target(%dma_start3A_70 : memref<96x128xf32, #tpu.memory_space<vmem>>) offsets(%dma_start3A_73 : memref<96xi32, #tpu.memory_space<vmem>>) semaphore(%arg20 : memref<!tpu.dma_semaphore, #tpu.memory_space<semaphore_mem>>)
    %dma_start3A_77 = arith.constant 0 : i32
    %dma_start3A_78 = arith.constant 0 : i32
    %dma_start3A_79 = arith.constant 0 : i32
    %dma_start3A_80 = tpu.memref_slice %arg13[%dma_start3A_78, %dma_start3A_79] : memref<3x96xf32, #tpu.memory_space<vmem>> -> memref<1x96xf32, #tpu.memory_space<vmem>>
    %dma_start3A_81 = tpu.memref_squeeze %dma_start3A_80 : memref<1x96xf32, #tpu.memory_space<vmem>> -> memref<96xf32, #tpu.memory_space<vmem>>
    %dma_start3A_82 = arith.constant 0 : i32
    %dma_start3A_83 = tpu.memref_slice %arg10[%dma_start3A_77, %dma_start3A_82] : memref<3x96xi32, #tpu.memory_space<vmem>> -> memref<1x96xi32, #tpu.memory_space<vmem>>
    %dma_start3A_84 = tpu.memref_squeeze %dma_start3A_83 : memref<1x96xi32, #tpu.memory_space<vmem>> -> memref<96xi32, #tpu.memory_space<vmem>>
    %dma_start3A_85 = arith.constant 0 : i32
    %dma_start3A_86 = tpu.memref_slice %arg14[%dma_start3A_85] : memref<10240xf32, #tpu.memory_space<vmem_shared>> -> memref<10240xf32, #tpu.memory_space<vmem_shared>>
    tpu.enqueue_indirect_dma source(%dma_start3A_86 : memref<10240xf32, #tpu.memory_space<vmem_shared>>) target(%dma_start3A_81 : memref<96xf32, #tpu.memory_space<vmem>>) offsets(%dma_start3A_84 : memref<96xi32, #tpu.memory_space<vmem>>) semaphore(%arg23 : memref<!tpu.dma_semaphore, #tpu.memory_space<semaphore_mem>>)
    %scan3A = arith.constant 0 : i32
    %scan3A_87 = arith.constant 0 : i32
    %scan3A_88 = arith.constant 36 : i32
    %scan3A_89 = arith.addi %scan3A_87, %scan3A_88 : i32
    %scan3A_90 = arith.constant 1 : i32
    scf.for %scan3A_159 = %scan3A_87 to %scan3A_89 step %scan3A_90  : i32 {
      %mul3A_160 = arith.constant 3 : i32
      %mul3A_161 = arith.muli %mul3A_160, %scan3A_159 : i32
      %add3A_162 = arith.constant 1 : i32
      %add3A_163 = arith.addi %mul3A_161, %add3A_162 : i32
      %lt3A = arith.constant 108 : i32
      %lt3A_164 = arith.cmpi slt, %add3A_163, %lt3A : i32
      %convert_element_type3A = arith.extui %lt3A_164 : i1 to i32
      %cond3A = arith.constant 0 : i32
      %cond3A_165 = arith.cmpi ne, %convert_element_type3A, %cond3A : i32
      scf.if %cond3A_165 {
        %dma_wait3A_365 = arith.constant 1 : i32
        %dma_wait3A_366 = arith.constant 0 : i32
        %dma_wait3A_367 = tpu.memref_slice %arg10[%dma_wait3A_365, %dma_wait3A_366] : memref<3x96xi32, #tpu.memory_space<vmem>> -> memref<1x96xi32, #tpu.memory_space<vmem>>
        %dma_wait3A_368 = tpu.memref_squeeze %dma_wait3A_367 : memref<1x96xi32, #tpu.memory_space<vmem>> -> memref<96xi32, #tpu.memory_space<vmem>>
        %dma_wait3A_369 = arith.constant 0 : i32
        %dma_wait3A_370 = tpu.memref_slice %arg3[%dma_wait3A_369] : memref<331776xi32, #tpu.memory_space<hbm>> -> memref<96xi32, #tpu.memory_space<hbm>>
        %dma_wait3A_371 = arith.constant 0 : i32
        %dma_wait3A_372 = tpu.memref_slice %arg10[%dma_wait3A_365, %dma_wait3A_371] : memref<3x96xi32, #tpu.memory_space<vmem>> -> memref<1x96xi32, #tpu.memory_space<vmem>>
        %dma_wait3A_373 = tpu.memref_squeeze %dma_wait3A_372 : memref<1x96xi32, #tpu.memory_space<vmem>> -> memref<96xi32, #tpu.memory_space<vmem>>
        %dma_wait3A_374 = arith.constant 0 : i32
        %dma_wait3A_375 = tpu.memref_slice %arg3[%dma_wait3A_374] : memref<331776xi32, #tpu.memory_space<hbm>> -> memref<96xi32, #tpu.memory_space<hbm>>
        tpu.wait_dma2 semaphore(%arg18 : memref<!tpu.dma_semaphore, #tpu.memory_space<semaphore_mem>>) src(%dma_wait3A_375 : memref<96xi32, #tpu.memory_space<hbm>>) dst(%dma_wait3A_373 : memref<96xi32, #tpu.memory_space<vmem>>)
        %dma_wait3A_376 = arith.constant 1 : i32
        %dma_wait3A_377 = arith.constant 0 : i32
        %dma_wait3A_378 = tpu.memref_slice %arg11[%dma_wait3A_376, %dma_wait3A_377] : memref<3x96xi32, #tpu.memory_space<vmem>> -> memref<1x96xi32, #tpu.memory_space<vmem>>
        %dma_wait3A_379 = tpu.memref_squeeze %dma_wait3A_378 : memref<1x96xi32, #tpu.memory_space<vmem>> -> memref<96xi32, #tpu.memory_space<vmem>>
        %dma_wait3A_380 = arith.constant 0 : i32
        %dma_wait3A_381 = tpu.memref_slice %arg4[%dma_wait3A_380] : memref<331776xi32, #tpu.memory_space<hbm>> -> memref<96xi32, #tpu.memory_space<hbm>>
        %dma_wait3A_382 = arith.constant 0 : i32
        %dma_wait3A_383 = tpu.memref_slice %arg11[%dma_wait3A_376, %dma_wait3A_382] : memref<3x96xi32, #tpu.memory_space<vmem>> -> memref<1x96xi32, #tpu.memory_space<vmem>>
        %dma_wait3A_384 = tpu.memref_squeeze %dma_wait3A_383 : memref<1x96xi32, #tpu.memory_space<vmem>> -> memref<96xi32, #tpu.memory_space<vmem>>
        %dma_wait3A_385 = arith.constant 0 : i32
        %dma_wait3A_386 = tpu.memref_slice %arg4[%dma_wait3A_385] : memref<331776xi32, #tpu.memory_space<hbm>> -> memref<96xi32, #tpu.memory_space<hbm>>
        tpu.wait_dma2 semaphore(%arg18 : memref<!tpu.dma_semaphore, #tpu.memory_space<semaphore_mem>>) src(%dma_wait3A_386 : memref<96xi32, #tpu.memory_space<hbm>>) dst(%dma_wait3A_384 : memref<96xi32, #tpu.memory_space<vmem>>)
        %dma_start3A_387 = arith.constant 1 : i32
        %dma_start3A_388 = arith.constant 1 : i32
        %dma_start3A_389 = arith.constant 0 : i32
        %dma_start3A_390 = arith.constant 0 : i32
        %dma_start3A_391 = tpu.memref_slice %arg12[%dma_start3A_388, %dma_start3A_389, %dma_start3A_390] : memref<3x96x128xf32, #tpu.memory_space<vmem>> -> memref<1x96x128xf32, #tpu.memory_space<vmem>>
        %dma_start3A_392 = tpu.memref_squeeze %dma_start3A_391 : memref<1x96x128xf32, #tpu.memory_space<vmem>> -> memref<96x128xf32, #tpu.memory_space<vmem>>
        %dma_start3A_393 = arith.constant 0 : i32
        %dma_start3A_394 = tpu.memref_slice %arg10[%dma_start3A_387, %dma_start3A_393] : memref<3x96xi32, #tpu.memory_space<vmem>> -> memref<1x96xi32, #tpu.memory_space<vmem>>
        %dma_start3A_395 = tpu.memref_squeeze %dma_start3A_394 : memref<1x96xi32, #tpu.memory_space<vmem>> -> memref<96xi32, #tpu.memory_space<vmem>>
        %dma_start3A_396 = arith.constant 0 : i32
        %dma_start3A_397 = arith.constant 0 : i32
        %dma_start3A_398 = tpu.memref_slice %arg2[%dma_start3A_396, %dma_start3A_397] : memref<10240x128xf32, #tpu.memory_space<hbm>> -> memref<10240x128xf32, #tpu.memory_space<hbm>>
        tpu.enqueue_indirect_dma source(%dma_start3A_398 : memref<10240x128xf32, #tpu.memory_space<hbm>>) target(%dma_start3A_392 : memref<96x128xf32, #tpu.memory_space<vmem>>) offsets(%dma_start3A_395 : memref<96xi32, #tpu.memory_space<vmem>>) semaphore(%arg21 : memref<!tpu.dma_semaphore, #tpu.memory_space<semaphore_mem>>)
        %dma_start3A_399 = arith.constant 1 : i32
        %dma_start3A_400 = arith.constant 1 : i32
        %dma_start3A_401 = arith.constant 0 : i32
        %dma_start3A_402 = tpu.memref_slice %arg13[%dma_start3A_400, %dma_start3A_401] : memref<3x96xf32, #tpu.memory_space<vmem>> -> memref<1x96xf32, #tpu.memory_space<vmem>>
        %dma_start3A_403 = tpu.memref_squeeze %dma_start3A_402 : memref<1x96xf32, #tpu.memory_space<vmem>> -> memref<96xf32, #tpu.memory_space<vmem>>
        %dma_start3A_404 = arith.constant 0 : i32
        %dma_start3A_405 = tpu.memref_slice %arg10[%dma_start3A_399, %dma_start3A_404] : memref<3x96xi32, #tpu.memory_space<vmem>> -> memref<1x96xi32, #tpu.memory_space<vmem>>
        %dma_start3A_406 = tpu.memref_squeeze %dma_start3A_405 : memref<1x96xi32, #tpu.memory_space<vmem>> -> memref<96xi32, #tpu.memory_space<vmem>>
        %dma_start3A_407 = arith.constant 0 : i32
        %dma_start3A_408 = tpu.memref_slice %arg14[%dma_start3A_407] : memref<10240xf32, #tpu.memory_space<vmem_shared>> -> memref<10240xf32, #tpu.memory_space<vmem_shared>>
        tpu.enqueue_indirect_dma source(%dma_start3A_408 : memref<10240xf32, #tpu.memory_space<vmem_shared>>) target(%dma_start3A_403 : memref<96xf32, #tpu.memory_space<vmem>>) offsets(%dma_start3A_406 : memref<96xi32, #tpu.memory_space<vmem>>) semaphore(%arg24 : memref<!tpu.dma_semaphore, #tpu.memory_space<semaphore_mem>>)
      } else {
      }
      %dma_wait3A_166 = arith.constant 0 : i32
      %dma_wait3A_167 = arith.constant 0 : i32
      %dma_wait3A_168 = arith.constant 0 : i32
      %dma_wait3A_169 = arith.constant 0 : i32
      %dma_wait3A_170 = tpu.memref_slice %arg12[%dma_wait3A_167, %dma_wait3A_168, %dma_wait3A_169] : memref<3x96x128xf32, #tpu.memory_space<vmem>> -> memref<1x96x128xf32, #tpu.memory_space<vmem>>
      %dma_wait3A_171 = tpu.memref_squeeze %dma_wait3A_170 : memref<1x96x128xf32, #tpu.memory_space<vmem>> -> memref<96x128xf32, #tpu.memory_space<vmem>>
      %dma_wait3A_172 = arith.constant 0 : i32
      %dma_wait3A_173 = tpu.memref_slice %arg10[%dma_wait3A_166, %dma_wait3A_172] : memref<3x96xi32, #tpu.memory_space<vmem>> -> memref<1x96xi32, #tpu.memory_space<vmem>>
      %dma_wait3A_174 = tpu.memref_squeeze %dma_wait3A_173 : memref<1x96xi32, #tpu.memory_space<vmem>> -> memref<96xi32, #tpu.memory_space<vmem>>
      %dma_wait3A_175 = arith.constant 0 : i32
      %dma_wait3A_176 = arith.constant 0 : i32
      %dma_wait3A_177 = tpu.memref_slice %arg2[%dma_wait3A_175, %dma_wait3A_176] : memref<10240x128xf32, #tpu.memory_space<hbm>> -> memref<10240x128xf32, #tpu.memory_space<hbm>>
      tpu.wait_indirect_dma semaphore(%arg20 : memref<!tpu.dma_semaphore, #tpu.memory_space<semaphore_mem>>) src(%dma_wait3A_177 : memref<10240x128xf32, #tpu.memory_space<hbm>>) dst(%dma_wait3A_171 : memref<96x128xf32, #tpu.memory_space<vmem>>)
      %dma_wait3A_178 = arith.constant 0 : i32
      %dma_wait3A_179 = arith.constant 0 : i32
      %dma_wait3A_180 = arith.constant 0 : i32
      %dma_wait3A_181 = tpu.memref_slice %arg13[%dma_wait3A_179, %dma_wait3A_180] : memref<3x96xf32, #tpu.memory_space<vmem>> -> memref<1x96xf32, #tpu.memory_space<vmem>>
      %dma_wait3A_182 = tpu.memref_squeeze %dma_wait3A_181 : memref<1x96xf32, #tpu.memory_space<vmem>> -> memref<96xf32, #tpu.memory_space<vmem>>
      %dma_wait3A_183 = arith.constant 0 : i32
      %dma_wait3A_184 = tpu.memref_slice %arg10[%dma_wait3A_178, %dma_wait3A_183] : memref<3x96xi32, #tpu.memory_space<vmem>> -> memref<1x96xi32, #tpu.memory_space<vmem>>
      %dma_wait3A_185 = tpu.memref_squeeze %dma_wait3A_184 : memref<1x96xi32, #tpu.memory_space<vmem>> -> memref<96xi32, #tpu.memory_space<vmem>>
      %dma_wait3A_186 = arith.constant 0 : i32
      %dma_wait3A_187 = tpu.memref_slice %arg14[%dma_wait3A_186] : memref<10240xf32, #tpu.memory_space<vmem_shared>> -> memref<10240xf32, #tpu.memory_space<vmem_shared>>
      tpu.wait_indirect_dma semaphore(%arg23 : memref<!tpu.dma_semaphore, #tpu.memory_space<semaphore_mem>>) src(%dma_wait3A_187 : memref<10240xf32, #tpu.memory_space<vmem_shared>>) dst(%dma_wait3A_182 : memref<96xf32, #tpu.memory_space<vmem>>)
      %dma_start3A_188 = arith.constant 0 : i32
      %dma_start3A_189 = arith.constant 0 : i32
      %dma_start3A_190 = arith.constant 0 : i32
      %dma_start3A_191 = arith.constant 0 : i32
      %dma_start3A_192 = tpu.memref_slice %arg12[%dma_start3A_188, %dma_start3A_190, %dma_start3A_191] : memref<3x96x128xf32, #tpu.memory_space<vmem>> -> memref<1x96x128xf32, #tpu.memory_space<vmem>>
      %dma_start3A_193 = tpu.memref_squeeze %dma_start3A_192 : memref<1x96x128xf32, #tpu.memory_space<vmem>> -> memref<96x128xf32, #tpu.memory_space<vmem>>
      %dma_start3A_194 = arith.constant 0 : i32
      %dma_start3A_195 = tpu.memref_slice %arg11[%dma_start3A_189, %dma_start3A_194] : memref<3x96xi32, #tpu.memory_space<vmem>> -> memref<1x96xi32, #tpu.memory_space<vmem>>
      %dma_start3A_196 = tpu.memref_squeeze %dma_start3A_195 : memref<1x96xi32, #tpu.memory_space<vmem>> -> memref<96xi32, #tpu.memory_space<vmem>>
      %dma_start3A_197 = arith.constant 0 : i32
      %dma_start3A_198 = arith.constant 0 : i32
      %dma_start3A_199 = tpu.memref_slice %arg15[%dma_start3A_197, %dma_start3A_198] : memref<10240x128xf32, #tpu.memory_space<vmem_shared>> -> memref<10240x128xf32, #tpu.memory_space<vmem_shared>>
      tpu.enqueue_indirect_dma source(%dma_start3A_193 : memref<96x128xf32, #tpu.memory_space<vmem>>) target(%dma_start3A_199 : memref<10240x128xf32, #tpu.memory_space<vmem_shared>>) offsets(%dma_start3A_196 : memref<96xi32, #tpu.memory_space<vmem>>) semaphore(%arg26 : memref<!tpu.dma_semaphore, #tpu.memory_space<semaphore_mem>>) {add = true}
      %dma_start3A_200 = arith.constant 0 : i32
      %dma_start3A_201 = arith.constant 0 : i32
      %dma_start3A_202 = arith.constant 0 : i32
      %dma_start3A_203 = tpu.memref_slice %arg13[%dma_start3A_200, %dma_start3A_202] : memref<3x96xf32, #tpu.memory_space<vmem>> -> memref<1x96xf32, #tpu.memory_space<vmem>>
      %dma_start3A_204 = tpu.memref_squeeze %dma_start3A_203 : memref<1x96xf32, #tpu.memory_space<vmem>> -> memref<96xf32, #tpu.memory_space<vmem>>
      %dma_start3A_205 = arith.constant 0 : i32
      %dma_start3A_206 = tpu.memref_slice %arg11[%dma_start3A_201, %dma_start3A_205] : memref<3x96xi32, #tpu.memory_space<vmem>> -> memref<1x96xi32, #tpu.memory_space<vmem>>
      %dma_start3A_207 = tpu.memref_squeeze %dma_start3A_206 : memref<1x96xi32, #tpu.memory_space<vmem>> -> memref<96xi32, #tpu.memory_space<vmem>>
      %dma_start3A_208 = arith.constant 0 : i32
      %dma_start3A_209 = tpu.memref_slice %arg16[%dma_start3A_208] : memref<10240xf32, #tpu.memory_space<vmem_shared>> -> memref<10240xf32, #tpu.memory_space<vmem_shared>>
      tpu.enqueue_indirect_dma source(%dma_start3A_204 : memref<96xf32, #tpu.memory_space<vmem>>) target(%dma_start3A_209 : memref<10240xf32, #tpu.memory_space<vmem_shared>>) offsets(%dma_start3A_207 : memref<96xi32, #tpu.memory_space<vmem>>) semaphore(%arg26 : memref<!tpu.dma_semaphore, #tpu.memory_space<semaphore_mem>>) {add = true}
      %ge3A = arith.constant 1 : i32
      %ge3A_210 = arith.cmpi sge, %mul3A_161, %ge3A : i32
      %add3A_211 = arith.constant 2 : i32
      %add3A_212 = arith.addi %mul3A_161, %add3A_211 : i32
      %lt3A_213 = arith.constant 108 : i32
      %lt3A_214 = arith.cmpi slt, %add3A_212, %lt3A_213 : i32
      %and3A = arith.andi %ge3A_210, %lt3A_214 : i1
      %convert_element_type3A_215 = arith.extui %and3A : i1 to i32
      %cond3A_216 = arith.constant 0 : i32
      %cond3A_217 = arith.cmpi ne, %convert_element_type3A_215, %cond3A_216 : i32
      scf.if %cond3A_217 {
        %dma_wait3A_365 = arith.constant 2 : i32
        %dma_wait3A_366 = arith.constant 2 : i32
        %dma_wait3A_367 = arith.constant 0 : i32
        %dma_wait3A_368 = arith.constant 0 : i32
        %dma_wait3A_369 = tpu.memref_slice %arg12[%dma_wait3A_365, %dma_wait3A_367, %dma_wait3A_368] : memref<3x96x128xf32, #tpu.memory_space<vmem>> -> memref<1x96x128xf32, #tpu.memory_space<vmem>>
        %dma_wait3A_370 = tpu.memref_squeeze %dma_wait3A_369 : memref<1x96x128xf32, #tpu.memory_space<vmem>> -> memref<96x128xf32, #tpu.memory_space<vmem>>
        %dma_wait3A_371 = arith.constant 0 : i32
        %dma_wait3A_372 = tpu.memref_slice %arg11[%dma_wait3A_366, %dma_wait3A_371] : memref<3x96xi32, #tpu.memory_space<vmem>> -> memref<1x96xi32, #tpu.memory_space<vmem>>
        %dma_wait3A_373 = tpu.memref_squeeze %dma_wait3A_372 : memref<1x96xi32, #tpu.memory_space<vmem>> -> memref<96xi32, #tpu.memory_space<vmem>>
        %dma_wait3A_374 = arith.constant 0 : i32
        %dma_wait3A_375 = arith.constant 0 : i32
        %dma_wait3A_376 = tpu.memref_slice %arg15[%dma_wait3A_374, %dma_wait3A_375] : memref<10240x128xf32, #tpu.memory_space<vmem_shared>> -> memref<10240x128xf32, #tpu.memory_space<vmem_shared>>
        tpu.wait_indirect_dma semaphore(%arg28 : memref<!tpu.dma_semaphore, #tpu.memory_space<semaphore_mem>>) src(%dma_wait3A_370 : memref<96x128xf32, #tpu.memory_space<vmem>>) dst(%dma_wait3A_376 : memref<10240x128xf32, #tpu.memory_space<vmem_shared>>)
        %dma_wait3A_377 = arith.constant 2 : i32
        %dma_wait3A_378 = arith.constant 2 : i32
        %dma_wait3A_379 = arith.constant 0 : i32
        %dma_wait3A_380 = tpu.memref_slice %arg13[%dma_wait3A_377, %dma_wait3A_379] : memref<3x96xf32, #tpu.memory_space<vmem>> -> memref<1x96xf32, #tpu.memory_space<vmem>>
        %dma_wait3A_381 = tpu.memref_squeeze %dma_wait3A_380 : memref<1x96xf32, #tpu.memory_space<vmem>> -> memref<96xf32, #tpu.memory_space<vmem>>
        %dma_wait3A_382 = arith.constant 0 : i32
        %dma_wait3A_383 = tpu.memref_slice %arg11[%dma_wait3A_378, %dma_wait3A_382] : memref<3x96xi32, #tpu.memory_space<vmem>> -> memref<1x96xi32, #tpu.memory_space<vmem>>
        %dma_wait3A_384 = tpu.memref_squeeze %dma_wait3A_383 : memref<1x96xi32, #tpu.memory_space<vmem>> -> memref<96xi32, #tpu.memory_space<vmem>>
        %dma_wait3A_385 = arith.constant 0 : i32
        %dma_wait3A_386 = tpu.memref_slice %arg16[%dma_wait3A_385] : memref<10240xf32, #tpu.memory_space<vmem_shared>> -> memref<10240xf32, #tpu.memory_space<vmem_shared>>
        tpu.wait_indirect_dma semaphore(%arg28 : memref<!tpu.dma_semaphore, #tpu.memory_space<semaphore_mem>>) src(%dma_wait3A_381 : memref<96xf32, #tpu.memory_space<vmem>>) dst(%dma_wait3A_386 : memref<10240xf32, #tpu.memory_space<vmem_shared>>)
      } else {
      }
      %add3A_218 = arith.constant 2 : i32
      %add3A_219 = arith.addi %mul3A_161, %add3A_218 : i32
      %lt3A_220 = arith.constant 108 : i32
      %lt3A_221 = arith.cmpi slt, %add3A_219, %lt3A_220 : i32
      %convert_element_type3A_222 = arith.extui %lt3A_221 : i1 to i32
      %cond3A_223 = arith.constant 0 : i32
      %cond3A_224 = arith.cmpi ne, %convert_element_type3A_222, %cond3A_223 : i32
      scf.if %cond3A_224 {
        %add3A_365 = arith.constant 2 : i32
        %add3A_366 = arith.addi %mul3A_161, %add3A_365 : i32
        %mul3A_367 = arith.constant 96 : i32
        %mul3A_368 = arith.muli %add3A_366, %mul3A_367 : i32
        %add3A_369 = arith.addi %mul3A_4, %mul3A_368 : i32
        %dma_start3A_370 = arith.constant 2 : i32
        %dma_start3A_371 = arith.constant 0 : i32
        %dma_start3A_372 = tpu.memref_slice %arg10[%dma_start3A_370, %dma_start3A_371] : memref<3x96xi32, #tpu.memory_space<vmem>> -> memref<1x96xi32, #tpu.memory_space<vmem>>
        %dma_start3A_373 = tpu.memref_squeeze %dma_start3A_372 : memref<1x96xi32, #tpu.memory_space<vmem>> -> memref<96xi32, #tpu.memory_space<vmem>>
        %dma_start3A_374 = tpu.memref_slice %arg3[%add3A_369] : memref<331776xi32, #tpu.memory_space<hbm>> -> memref<96xi32, #tpu.memory_space<hbm>>
        %dma_start3A_375 = arith.constant 0 : i32
        %dma_start3A_376 = tpu.memref_slice %arg10[%dma_start3A_370, %dma_start3A_375] : memref<3x96xi32, #tpu.memory_space<vmem>> -> memref<1x96xi32, #tpu.memory_space<vmem>>
        %dma_start3A_377 = tpu.memref_squeeze %dma_start3A_376 : memref<1x96xi32, #tpu.memory_space<vmem>> -> memref<96xi32, #tpu.memory_space<vmem>>
        %dma_start3A_378 = tpu.memref_slice %arg3[%add3A_369] : memref<331776xi32, #tpu.memory_space<hbm>> -> memref<96xi32, #tpu.memory_space<hbm>>
        tpu.enqueue_dma source(%dma_start3A_378 : memref<96xi32, #tpu.memory_space<hbm>>) target(%dma_start3A_377 : memref<96xi32, #tpu.memory_space<vmem>>) target_semaphore(%arg19 : memref<!tpu.dma_semaphore, #tpu.memory_space<semaphore_mem>>)
        %dma_start3A_379 = arith.constant 2 : i32
        %dma_start3A_380 = arith.constant 0 : i32
        %dma_start3A_381 = tpu.memref_slice %arg11[%dma_start3A_379, %dma_start3A_380] : memref<3x96xi32, #tpu.memory_space<vmem>> -> memref<1x96xi32, #tpu.memory_space<vmem>>
        %dma_start3A_382 = tpu.memref_squeeze %dma_start3A_381 : memref<1x96xi32, #tpu.memory_space<vmem>> -> memref<96xi32, #tpu.memory_space<vmem>>
        %dma_start3A_383 = tpu.memref_slice %arg4[%add3A_369] : memref<331776xi32, #tpu.memory_space<hbm>> -> memref<96xi32, #tpu.memory_space<hbm>>
        %dma_start3A_384 = arith.constant 0 : i32
        %dma_start3A_385 = tpu.memref_slice %arg11[%dma_start3A_379, %dma_start3A_384] : memref<3x96xi32, #tpu.memory_space<vmem>> -> memref<1x96xi32, #tpu.memory_space<vmem>>
        %dma_start3A_386 = tpu.memref_squeeze %dma_start3A_385 : memref<1x96xi32, #tpu.memory_space<vmem>> -> memref<96xi32, #tpu.memory_space<vmem>>
        %dma_start3A_387 = tpu.memref_slice %arg4[%add3A_369] : memref<331776xi32, #tpu.memory_space<hbm>> -> memref<96xi32, #tpu.memory_space<hbm>>
        tpu.enqueue_dma source(%dma_start3A_387 : memref<96xi32, #tpu.memory_space<hbm>>) target(%dma_start3A_386 : memref<96xi32, #tpu.memory_space<vmem>>) target_semaphore(%arg19 : memref<!tpu.dma_semaphore, #tpu.memory_space<semaphore_mem>>)
      } else {
      }
      %add3A_225 = arith.constant 1 : i32
      %add3A_226 = arith.addi %mul3A_161, %add3A_225 : i32
      %add3A_227 = arith.constant 1 : i32
      %add3A_228 = arith.addi %add3A_226, %add3A_227 : i32
      %lt3A_229 = arith.constant 108 : i32
      %lt3A_230 = arith.cmpi slt, %add3A_228, %lt3A_229 : i32
      %convert_element_type3A_231 = arith.extui %lt3A_230 : i1 to i32
      %cond3A_232 = arith.constant 0 : i32
      %cond3A_233 = arith.cmpi ne, %convert_element_type3A_231, %cond3A_232 : i32
      scf.if %cond3A_233 {
        %dma_wait3A_365 = arith.constant 2 : i32
        %dma_wait3A_366 = arith.constant 0 : i32
        %dma_wait3A_367 = tpu.memref_slice %arg10[%dma_wait3A_365, %dma_wait3A_366] : memref<3x96xi32, #tpu.memory_space<vmem>> -> memref<1x96xi32, #tpu.memory_space<vmem>>
        %dma_wait3A_368 = tpu.memref_squeeze %dma_wait3A_367 : memref<1x96xi32, #tpu.memory_space<vmem>> -> memref<96xi32, #tpu.memory_space<vmem>>
        %dma_wait3A_369 = arith.constant 0 : i32
        %dma_wait3A_370 = tpu.memref_slice %arg3[%dma_wait3A_369] : memref<331776xi32, #tpu.memory_space<hbm>> -> memref<96xi32, #tpu.memory_space<hbm>>
        %dma_wait3A_371 = arith.constant 0 : i32
        %dma_wait3A_372 = tpu.memref_slice %arg10[%dma_wait3A_365, %dma_wait3A_371] : memref<3x96xi32, #tpu.memory_space<vmem>> -> memref<1x96xi32, #tpu.memory_space<vmem>>
        %dma_wait3A_373 = tpu.memref_squeeze %dma_wait3A_372 : memref<1x96xi32, #tpu.memory_space<vmem>> -> memref<96xi32, #tpu.memory_space<vmem>>
        %dma_wait3A_374 = arith.constant 0 : i32
        %dma_wait3A_375 = tpu.memref_slice %arg3[%dma_wait3A_374] : memref<331776xi32, #tpu.memory_space<hbm>> -> memref<96xi32, #tpu.memory_space<hbm>>
        tpu.wait_dma2 semaphore(%arg19 : memref<!tpu.dma_semaphore, #tpu.memory_space<semaphore_mem>>) src(%dma_wait3A_375 : memref<96xi32, #tpu.memory_space<hbm>>) dst(%dma_wait3A_373 : memref<96xi32, #tpu.memory_space<vmem>>)
        %dma_wait3A_376 = arith.constant 2 : i32
        %dma_wait3A_377 = arith.constant 0 : i32
        %dma_wait3A_378 = tpu.memref_slice %arg11[%dma_wait3A_376, %dma_wait3A_377] : memref<3x96xi32, #tpu.memory_space<vmem>> -> memref<1x96xi32, #tpu.memory_space<vmem>>
        %dma_wait3A_379 = tpu.memref_squeeze %dma_wait3A_378 : memref<1x96xi32, #tpu.memory_space<vmem>> -> memref<96xi32, #tpu.memory_space<vmem>>
        %dma_wait3A_380 = arith.constant 0 : i32
        %dma_wait3A_381 = tpu.memref_slice %arg4[%dma_wait3A_380] : memref<331776xi32, #tpu.memory_space<hbm>> -> memref<96xi32, #tpu.memory_space<hbm>>
        %dma_wait3A_382 = arith.constant 0 : i32
        %dma_wait3A_383 = tpu.memref_slice %arg11[%dma_wait3A_376, %dma_wait3A_382] : memref<3x96xi32, #tpu.memory_space<vmem>> -> memref<1x96xi32, #tpu.memory_space<vmem>>
        %dma_wait3A_384 = tpu.memref_squeeze %dma_wait3A_383 : memref<1x96xi32, #tpu.memory_space<vmem>> -> memref<96xi32, #tpu.memory_space<vmem>>
        %dma_wait3A_385 = arith.constant 0 : i32
        %dma_wait3A_386 = tpu.memref_slice %arg4[%dma_wait3A_385] : memref<331776xi32, #tpu.memory_space<hbm>> -> memref<96xi32, #tpu.memory_space<hbm>>
        tpu.wait_dma2 semaphore(%arg19 : memref<!tpu.dma_semaphore, #tpu.memory_space<semaphore_mem>>) src(%dma_wait3A_386 : memref<96xi32, #tpu.memory_space<hbm>>) dst(%dma_wait3A_384 : memref<96xi32, #tpu.memory_space<vmem>>)
        %dma_start3A_387 = arith.constant 2 : i32
        %dma_start3A_388 = arith.constant 2 : i32
        %dma_start3A_389 = arith.constant 0 : i32
        %dma_start3A_390 = arith.constant 0 : i32
        %dma_start3A_391 = tpu.memref_slice %arg12[%dma_start3A_388, %dma_start3A_389, %dma_start3A_390] : memref<3x96x128xf32, #tpu.memory_space<vmem>> -> memref<1x96x128xf32, #tpu.memory_space<vmem>>
        %dma_start3A_392 = tpu.memref_squeeze %dma_start3A_391 : memref<1x96x128xf32, #tpu.memory_space<vmem>> -> memref<96x128xf32, #tpu.memory_space<vmem>>
        %dma_start3A_393 = arith.constant 0 : i32
        %dma_start3A_394 = tpu.memref_slice %arg10[%dma_start3A_387, %dma_start3A_393] : memref<3x96xi32, #tpu.memory_space<vmem>> -> memref<1x96xi32, #tpu.memory_space<vmem>>
        %dma_start3A_395 = tpu.memref_squeeze %dma_start3A_394 : memref<1x96xi32, #tpu.memory_space<vmem>> -> memref<96xi32, #tpu.memory_space<vmem>>
        %dma_start3A_396 = arith.constant 0 : i32
        %dma_start3A_397 = arith.constant 0 : i32
        %dma_start3A_398 = tpu.memref_slice %arg2[%dma_start3A_396, %dma_start3A_397] : memref<10240x128xf32, #tpu.memory_space<hbm>> -> memref<10240x128xf32, #tpu.memory_space<hbm>>
        tpu.enqueue_indirect_dma source(%dma_start3A_398 : memref<10240x128xf32, #tpu.memory_space<hbm>>) target(%dma_start3A_392 : memref<96x128xf32, #tpu.memory_space<vmem>>) offsets(%dma_start3A_395 : memref<96xi32, #tpu.memory_space<vmem>>) semaphore(%arg22 : memref<!tpu.dma_semaphore, #tpu.memory_space<semaphore_mem>>)
        %dma_start3A_399 = arith.constant 2 : i32
        %dma_start3A_400 = arith.constant 2 : i32
        %dma_start3A_401 = arith.constant 0 : i32
        %dma_start3A_402 = tpu.memref_slice %arg13[%dma_start3A_400, %dma_start3A_401] : memref<3x96xf32, #tpu.memory_space<vmem>> -> memref<1x96xf32, #tpu.memory_space<vmem>>
        %dma_start3A_403 = tpu.memref_squeeze %dma_start3A_402 : memref<1x96xf32, #tpu.memory_space<vmem>> -> memref<96xf32, #tpu.memory_space<vmem>>
        %dma_start3A_404 = arith.constant 0 : i32
        %dma_start3A_405 = tpu.memref_slice %arg10[%dma_start3A_399, %dma_start3A_404] : memref<3x96xi32, #tpu.memory_space<vmem>> -> memref<1x96xi32, #tpu.memory_space<vmem>>
        %dma_start3A_406 = tpu.memref_squeeze %dma_start3A_405 : memref<1x96xi32, #tpu.memory_space<vmem>> -> memref<96xi32, #tpu.memory_space<vmem>>
        %dma_start3A_407 = arith.constant 0 : i32
        %dma_start3A_408 = tpu.memref_slice %arg14[%dma_start3A_407] : memref<10240xf32, #tpu.memory_space<vmem_shared>> -> memref<10240xf32, #tpu.memory_space<vmem_shared>>
        tpu.enqueue_indirect_dma source(%dma_start3A_408 : memref<10240xf32, #tpu.memory_space<vmem_shared>>) target(%dma_start3A_403 : memref<96xf32, #tpu.memory_space<vmem>>) offsets(%dma_start3A_406 : memref<96xi32, #tpu.memory_space<vmem>>) semaphore(%arg25 : memref<!tpu.dma_semaphore, #tpu.memory_space<semaphore_mem>>)
      } else {
      }
      %dma_wait3A_234 = arith.constant 1 : i32
      %dma_wait3A_235 = arith.constant 1 : i32
      %dma_wait3A_236 = arith.constant 0 : i32
      %dma_wait3A_237 = arith.constant 0 : i32
      %dma_wait3A_238 = tpu.memref_slice %arg12[%dma_wait3A_235, %dma_wait3A_236, %dma_wait3A_237] : memref<3x96x128xf32, #tpu.memory_space<vmem>> -> memref<1x96x128xf32, #tpu.memory_space<vmem>>
      %dma_wait3A_239 = tpu.memref_squeeze %dma_wait3A_238 : memref<1x96x128xf32, #tpu.memory_space<vmem>> -> memref<96x128xf32, #tpu.memory_space<vmem>>
      %dma_wait3A_240 = arith.constant 0 : i32
      %dma_wait3A_241 = tpu.memref_slice %arg10[%dma_wait3A_234, %dma_wait3A_240] : memref<3x96xi32, #tpu.memory_space<vmem>> -> memref<1x96xi32, #tpu.memory_space<vmem>>
      %dma_wait3A_242 = tpu.memref_squeeze %dma_wait3A_241 : memref<1x96xi32, #tpu.memory_space<vmem>> -> memref<96xi32, #tpu.memory_space<vmem>>
      %dma_wait3A_243 = arith.constant 0 : i32
      %dma_wait3A_244 = arith.constant 0 : i32
      %dma_wait3A_245 = tpu.memref_slice %arg2[%dma_wait3A_243, %dma_wait3A_244] : memref<10240x128xf32, #tpu.memory_space<hbm>> -> memref<10240x128xf32, #tpu.memory_space<hbm>>
      tpu.wait_indirect_dma semaphore(%arg21 : memref<!tpu.dma_semaphore, #tpu.memory_space<semaphore_mem>>) src(%dma_wait3A_245 : memref<10240x128xf32, #tpu.memory_space<hbm>>) dst(%dma_wait3A_239 : memref<96x128xf32, #tpu.memory_space<vmem>>)
      %dma_wait3A_246 = arith.constant 1 : i32
      %dma_wait3A_247 = arith.constant 1 : i32
      %dma_wait3A_248 = arith.constant 0 : i32
      %dma_wait3A_249 = tpu.memref_slice %arg13[%dma_wait3A_247, %dma_wait3A_248] : memref<3x96xf32, #tpu.memory_space<vmem>> -> memref<1x96xf32, #tpu.memory_space<vmem>>
      %dma_wait3A_250 = tpu.memref_squeeze %dma_wait3A_249 : memref<1x96xf32, #tpu.memory_space<vmem>> -> memref<96xf32, #tpu.memory_space<vmem>>
      %dma_wait3A_251 = arith.constant 0 : i32
      %dma_wait3A_252 = tpu.memref_slice %arg10[%dma_wait3A_246, %dma_wait3A_251] : memref<3x96xi32, #tpu.memory_space<vmem>> -> memref<1x96xi32, #tpu.memory_space<vmem>>
      %dma_wait3A_253 = tpu.memref_squeeze %dma_wait3A_252 : memref<1x96xi32, #tpu.memory_space<vmem>> -> memref<96xi32, #tpu.memory_space<vmem>>
      %dma_wait3A_254 = arith.constant 0 : i32
      %dma_wait3A_255 = tpu.memref_slice %arg14[%dma_wait3A_254] : memref<10240xf32, #tpu.memory_space<vmem_shared>> -> memref<10240xf32, #tpu.memory_space<vmem_shared>>
      tpu.wait_indirect_dma semaphore(%arg24 : memref<!tpu.dma_semaphore, #tpu.memory_space<semaphore_mem>>) src(%dma_wait3A_255 : memref<10240xf32, #tpu.memory_space<vmem_shared>>) dst(%dma_wait3A_250 : memref<96xf32, #tpu.memory_space<vmem>>)
      %dma_start3A_256 = arith.constant 1 : i32
      %dma_start3A_257 = arith.constant 1 : i32
      %dma_start3A_258 = arith.constant 0 : i32
      %dma_start3A_259 = arith.constant 0 : i32
      %dma_start3A_260 = tpu.memref_slice %arg12[%dma_start3A_256, %dma_start3A_258, %dma_start3A_259] : memref<3x96x128xf32, #tpu.memory_space<vmem>> -> memref<1x96x128xf32, #tpu.memory_space<vmem>>
      %dma_start3A_261 = tpu.memref_squeeze %dma_start3A_260 : memref<1x96x128xf32, #tpu.memory_space<vmem>> -> memref<96x128xf32, #tpu.memory_space<vmem>>
      %dma_start3A_262 = arith.constant 0 : i32
      %dma_start3A_263 = tpu.memref_slice %arg11[%dma_start3A_257, %dma_start3A_262] : memref<3x96xi32, #tpu.memory_space<vmem>> -> memref<1x96xi32, #tpu.memory_space<vmem>>
      %dma_start3A_264 = tpu.memref_squeeze %dma_start3A_263 : memref<1x96xi32, #tpu.memory_space<vmem>> -> memref<96xi32, #tpu.memory_space<vmem>>
      %dma_start3A_265 = arith.constant 0 : i32
      %dma_start3A_266 = arith.constant 0 : i32
      %dma_start3A_267 = tpu.memref_slice %arg15[%dma_start3A_265, %dma_start3A_266] : memref<10240x128xf32, #tpu.memory_space<vmem_shared>> -> memref<10240x128xf32, #tpu.memory_space<vmem_shared>>
      tpu.enqueue_indirect_dma source(%dma_start3A_261 : memref<96x128xf32, #tpu.memory_space<vmem>>) target(%dma_start3A_267 : memref<10240x128xf32, #tpu.memory_space<vmem_shared>>) offsets(%dma_start3A_264 : memref<96xi32, #tpu.memory_space<vmem>>) semaphore(%arg27 : memref<!tpu.dma_semaphore, #tpu.memory_space<semaphore_mem>>) {add = true}
      %dma_start3A_268 = arith.constant 1 : i32
      %dma_start3A_269 = arith.constant 1 : i32
      %dma_start3A_270 = arith.constant 0 : i32
      %dma_start3A_271 = tpu.memref_slice %arg13[%dma_start3A_268, %dma_start3A_270] : memref<3x96xf32, #tpu.memory_space<vmem>> -> memref<1x96xf32, #tpu.memory_space<vmem>>
      %dma_start3A_272 = tpu.memref_squeeze %dma_start3A_271 : memref<1x96xf32, #tpu.memory_space<vmem>> -> memref<96xf32, #tpu.memory_space<vmem>>
      %dma_start3A_273 = arith.constant 0 : i32
      %dma_start3A_274 = tpu.memref_slice %arg11[%dma_start3A_269, %dma_start3A_273] : memref<3x96xi32, #tpu.memory_space<vmem>> -> memref<1x96xi32, #tpu.memory_space<vmem>>
      %dma_start3A_275 = tpu.memref_squeeze %dma_start3A_274 : memref<1x96xi32, #tpu.memory_space<vmem>> -> memref<96xi32, #tpu.memory_space<vmem>>
      %dma_start3A_276 = arith.constant 0 : i32
      %dma_start3A_277 = tpu.memref_slice %arg16[%dma_start3A_276] : memref<10240xf32, #tpu.memory_space<vmem_shared>> -> memref<10240xf32, #tpu.memory_space<vmem_shared>>
      tpu.enqueue_indirect_dma source(%dma_start3A_272 : memref<96xf32, #tpu.memory_space<vmem>>) target(%dma_start3A_277 : memref<10240xf32, #tpu.memory_space<vmem_shared>>) offsets(%dma_start3A_275 : memref<96xi32, #tpu.memory_space<vmem>>) semaphore(%arg27 : memref<!tpu.dma_semaphore, #tpu.memory_space<semaphore_mem>>) {add = true}
      %ge3A_278 = arith.constant 1 : i32
      %ge3A_279 = arith.cmpi sge, %add3A_226, %ge3A_278 : i32
      %add3A_280 = arith.constant 2 : i32
      %add3A_281 = arith.addi %add3A_226, %add3A_280 : i32
      %lt3A_282 = arith.constant 108 : i32
      %lt3A_283 = arith.cmpi slt, %add3A_281, %lt3A_282 : i32
      %and3A_284 = arith.andi %ge3A_279, %lt3A_283 : i1
      %convert_element_type3A_285 = arith.extui %and3A_284 : i1 to i32
      %cond3A_286 = arith.constant 0 : i32
      %cond3A_287 = arith.cmpi ne, %convert_element_type3A_285, %cond3A_286 : i32
      scf.if %cond3A_287 {
        %dma_wait3A_365 = arith.constant 0 : i32
        %dma_wait3A_366 = arith.constant 0 : i32
        %dma_wait3A_367 = arith.constant 0 : i32
        %dma_wait3A_368 = arith.constant 0 : i32
        %dma_wait3A_369 = tpu.memref_slice %arg12[%dma_wait3A_365, %dma_wait3A_367, %dma_wait3A_368] : memref<3x96x128xf32, #tpu.memory_space<vmem>> -> memref<1x96x128xf32, #tpu.memory_space<vmem>>
        %dma_wait3A_370 = tpu.memref_squeeze %dma_wait3A_369 : memref<1x96x128xf32, #tpu.memory_space<vmem>> -> memref<96x128xf32, #tpu.memory_space<vmem>>
        %dma_wait3A_371 = arith.constant 0 : i32
        %dma_wait3A_372 = tpu.memref_slice %arg11[%dma_wait3A_366, %dma_wait3A_371] : memref<3x96xi32, #tpu.memory_space<vmem>> -> memref<1x96xi32, #tpu.memory_space<vmem>>
        %dma_wait3A_373 = tpu.memref_squeeze %dma_wait3A_372 : memref<1x96xi32, #tpu.memory_space<vmem>> -> memref<96xi32, #tpu.memory_space<vmem>>
        %dma_wait3A_374 = arith.constant 0 : i32
        %dma_wait3A_375 = arith.constant 0 : i32
        %dma_wait3A_376 = tpu.memref_slice %arg15[%dma_wait3A_374, %dma_wait3A_375] : memref<10240x128xf32, #tpu.memory_space<vmem_shared>> -> memref<10240x128xf32, #tpu.memory_space<vmem_shared>>
        tpu.wait_indirect_dma semaphore(%arg26 : memref<!tpu.dma_semaphore, #tpu.memory_space<semaphore_mem>>) src(%dma_wait3A_370 : memref<96x128xf32, #tpu.memory_space<vmem>>) dst(%dma_wait3A_376 : memref<10240x128xf32, #tpu.memory_space<vmem_shared>>)
        %dma_wait3A_377 = arith.constant 0 : i32
        %dma_wait3A_378 = arith.constant 0 : i32
        %dma_wait3A_379 = arith.constant 0 : i32
        %dma_wait3A_380 = tpu.memref_slice %arg13[%dma_wait3A_377, %dma_wait3A_379] : memref<3x96xf32, #tpu.memory_space<vmem>> -> memref<1x96xf32, #tpu.memory_space<vmem>>
        %dma_wait3A_381 = tpu.memref_squeeze %dma_wait3A_380 : memref<1x96xf32, #tpu.memory_space<vmem>> -> memref<96xf32, #tpu.memory_space<vmem>>
        %dma_wait3A_382 = arith.constant 0 : i32
        %dma_wait3A_383 = tpu.memref_slice %arg11[%dma_wait3A_378, %dma_wait3A_382] : memref<3x96xi32, #tpu.memory_space<vmem>> -> memref<1x96xi32, #tpu.memory_space<vmem>>
        %dma_wait3A_384 = tpu.memref_squeeze %dma_wait3A_383 : memref<1x96xi32, #tpu.memory_space<vmem>> -> memref<96xi32, #tpu.memory_space<vmem>>
        %dma_wait3A_385 = arith.constant 0 : i32
        %dma_wait3A_386 = tpu.memref_slice %arg16[%dma_wait3A_385] : memref<10240xf32, #tpu.memory_space<vmem_shared>> -> memref<10240xf32, #tpu.memory_space<vmem_shared>>
        tpu.wait_indirect_dma semaphore(%arg26 : memref<!tpu.dma_semaphore, #tpu.memory_space<semaphore_mem>>) src(%dma_wait3A_381 : memref<96xf32, #tpu.memory_space<vmem>>) dst(%dma_wait3A_386 : memref<10240xf32, #tpu.memory_space<vmem_shared>>)
      } else {
      }
      %add3A_288 = arith.constant 2 : i32
      %add3A_289 = arith.addi %add3A_226, %add3A_288 : i32
      %lt3A_290 = arith.constant 108 : i32
      %lt3A_291 = arith.cmpi slt, %add3A_289, %lt3A_290 : i32
      %convert_element_type3A_292 = arith.extui %lt3A_291 : i1 to i32
      %cond3A_293 = arith.constant 0 : i32
      %cond3A_294 = arith.cmpi ne, %convert_element_type3A_292, %cond3A_293 : i32
      scf.if %cond3A_294 {
        %add3A_365 = arith.constant 2 : i32
        %add3A_366 = arith.addi %add3A_226, %add3A_365 : i32
        %mul3A_367 = arith.constant 96 : i32
        %mul3A_368 = arith.muli %add3A_366, %mul3A_367 : i32
        %add3A_369 = arith.addi %mul3A_4, %mul3A_368 : i32
        %dma_start3A_370 = arith.constant 0 : i32
        %dma_start3A_371 = arith.constant 0 : i32
        %dma_start3A_372 = tpu.memref_slice %arg10[%dma_start3A_370, %dma_start3A_371] : memref<3x96xi32, #tpu.memory_space<vmem>> -> memref<1x96xi32, #tpu.memory_space<vmem>>
        %dma_start3A_373 = tpu.memref_squeeze %dma_start3A_372 : memref<1x96xi32, #tpu.memory_space<vmem>> -> memref<96xi32, #tpu.memory_space<vmem>>
        %dma_start3A_374 = tpu.memref_slice %arg3[%add3A_369] : memref<331776xi32, #tpu.memory_space<hbm>> -> memref<96xi32, #tpu.memory_space<hbm>>
        %dma_start3A_375 = arith.constant 0 : i32
        %dma_start3A_376 = tpu.memref_slice %arg10[%dma_start3A_370, %dma_start3A_375] : memref<3x96xi32, #tpu.memory_space<vmem>> -> memref<1x96xi32, #tpu.memory_space<vmem>>
        %dma_start3A_377 = tpu.memref_squeeze %dma_start3A_376 : memref<1x96xi32, #tpu.memory_space<vmem>> -> memref<96xi32, #tpu.memory_space<vmem>>
        %dma_start3A_378 = tpu.memref_slice %arg3[%add3A_369] : memref<331776xi32, #tpu.memory_space<hbm>> -> memref<96xi32, #tpu.memory_space<hbm>>
        tpu.enqueue_dma source(%dma_start3A_378 : memref<96xi32, #tpu.memory_space<hbm>>) target(%dma_start3A_377 : memref<96xi32, #tpu.memory_space<vmem>>) target_semaphore(%arg17 : memref<!tpu.dma_semaphore, #tpu.memory_space<semaphore_mem>>)
        %dma_start3A_379 = arith.constant 0 : i32
        %dma_start3A_380 = arith.constant 0 : i32
        %dma_start3A_381 = tpu.memref_slice %arg11[%dma_start3A_379, %dma_start3A_380] : memref<3x96xi32, #tpu.memory_space<vmem>> -> memref<1x96xi32, #tpu.memory_space<vmem>>
        %dma_start3A_382 = tpu.memref_squeeze %dma_start3A_381 : memref<1x96xi32, #tpu.memory_space<vmem>> -> memref<96xi32, #tpu.memory_space<vmem>>
        %dma_start3A_383 = tpu.memref_slice %arg4[%add3A_369] : memref<331776xi32, #tpu.memory_space<hbm>> -> memref<96xi32, #tpu.memory_space<hbm>>
        %dma_start3A_384 = arith.constant 0 : i32
        %dma_start3A_385 = tpu.memref_slice %arg11[%dma_start3A_379, %dma_start3A_384] : memref<3x96xi32, #tpu.memory_space<vmem>> -> memref<1x96xi32, #tpu.memory_space<vmem>>
        %dma_start3A_386 = tpu.memref_squeeze %dma_start3A_385 : memref<1x96xi32, #tpu.memory_space<vmem>> -> memref<96xi32, #tpu.memory_space<vmem>>
        %dma_start3A_387 = tpu.memref_slice %arg4[%add3A_369] : memref<331776xi32, #tpu.memory_space<hbm>> -> memref<96xi32, #tpu.memory_space<hbm>>
        tpu.enqueue_dma source(%dma_start3A_387 : memref<96xi32, #tpu.memory_space<hbm>>) target(%dma_start3A_386 : memref<96xi32, #tpu.memory_space<vmem>>) target_semaphore(%arg17 : memref<!tpu.dma_semaphore, #tpu.memory_space<semaphore_mem>>)
      } else {
      }
      %add3A_295 = arith.constant 2 : i32
      %add3A_296 = arith.addi %mul3A_161, %add3A_295 : i32
      %add3A_297 = arith.constant 1 : i32
      %add3A_298 = arith.addi %add3A_296, %add3A_297 : i32
      %lt3A_299 = arith.constant 108 : i32
      %lt3A_300 = arith.cmpi slt, %add3A_298, %lt3A_299 : i32
      %convert_element_type3A_301 = arith.extui %lt3A_300 : i1 to i32
      %cond3A_302 = arith.constant 0 : i32
      %cond3A_303 = arith.cmpi ne, %convert_element_type3A_301, %cond3A_302 : i32
      scf.if %cond3A_303 {
        %dma_wait3A_365 = arith.constant 0 : i32
        %dma_wait3A_366 = arith.constant 0 : i32
        %dma_wait3A_367 = tpu.memref_slice %arg10[%dma_wait3A_365, %dma_wait3A_366] : memref<3x96xi32, #tpu.memory_space<vmem>> -> memref<1x96xi32, #tpu.memory_space<vmem>>
        %dma_wait3A_368 = tpu.memref_squeeze %dma_wait3A_367 : memref<1x96xi32, #tpu.memory_space<vmem>> -> memref<96xi32, #tpu.memory_space<vmem>>
        %dma_wait3A_369 = arith.constant 0 : i32
        %dma_wait3A_370 = tpu.memref_slice %arg3[%dma_wait3A_369] : memref<331776xi32, #tpu.memory_space<hbm>> -> memref<96xi32, #tpu.memory_space<hbm>>
        %dma_wait3A_371 = arith.constant 0 : i32
        %dma_wait3A_372 = tpu.memref_slice %arg10[%dma_wait3A_365, %dma_wait3A_371] : memref<3x96xi32, #tpu.memory_space<vmem>> -> memref<1x96xi32, #tpu.memory_space<vmem>>
        %dma_wait3A_373 = tpu.memref_squeeze %dma_wait3A_372 : memref<1x96xi32, #tpu.memory_space<vmem>> -> memref<96xi32, #tpu.memory_space<vmem>>
        %dma_wait3A_374 = arith.constant 0 : i32
        %dma_wait3A_375 = tpu.memref_slice %arg3[%dma_wait3A_374] : memref<331776xi32, #tpu.memory_space<hbm>> -> memref<96xi32, #tpu.memory_space<hbm>>
        tpu.wait_dma2 semaphore(%arg17 : memref<!tpu.dma_semaphore, #tpu.memory_space<semaphore_mem>>) src(%dma_wait3A_375 : memref<96xi32, #tpu.memory_space<hbm>>) dst(%dma_wait3A_373 : memref<96xi32, #tpu.memory_space<vmem>>)
        %dma_wait3A_376 = arith.constant 0 : i32
        %dma_wait3A_377 = arith.constant 0 : i32
        %dma_wait3A_378 = tpu.memref_slice %arg11[%dma_wait3A_376, %dma_wait3A_377] : memref<3x96xi32, #tpu.memory_space<vmem>> -> memref<1x96xi32, #tpu.memory_space<vmem>>
        %dma_wait3A_379 = tpu.memref_squeeze %dma_wait3A_378 : memref<1x96xi32, #tpu.memory_space<vmem>> -> memref<96xi32, #tpu.memory_space<vmem>>
        %dma_wait3A_380 = arith.constant 0 : i32
        %dma_wait3A_381 = tpu.memref_slice %arg4[%dma_wait3A_380] : memref<331776xi32, #tpu.memory_space<hbm>> -> memref<96xi32, #tpu.memory_space<hbm>>
        %dma_wait3A_382 = arith.constant 0 : i32
        %dma_wait3A_383 = tpu.memref_slice %arg11[%dma_wait3A_376, %dma_wait3A_382] : memref<3x96xi32, #tpu.memory_space<vmem>> -> memref<1x96xi32, #tpu.memory_space<vmem>>
        %dma_wait3A_384 = tpu.memref_squeeze %dma_wait3A_383 : memref<1x96xi32, #tpu.memory_space<vmem>> -> memref<96xi32, #tpu.memory_space<vmem>>
        %dma_wait3A_385 = arith.constant 0 : i32
        %dma_wait3A_386 = tpu.memref_slice %arg4[%dma_wait3A_385] : memref<331776xi32, #tpu.memory_space<hbm>> -> memref<96xi32, #tpu.memory_space<hbm>>
        tpu.wait_dma2 semaphore(%arg17 : memref<!tpu.dma_semaphore, #tpu.memory_space<semaphore_mem>>) src(%dma_wait3A_386 : memref<96xi32, #tpu.memory_space<hbm>>) dst(%dma_wait3A_384 : memref<96xi32, #tpu.memory_space<vmem>>)
        %dma_start3A_387 = arith.constant 0 : i32
        %dma_start3A_388 = arith.constant 0 : i32
        %dma_start3A_389 = arith.constant 0 : i32
        %dma_start3A_390 = arith.constant 0 : i32
        %dma_start3A_391 = tpu.memref_slice %arg12[%dma_start3A_388, %dma_start3A_389, %dma_start3A_390] : memref<3x96x128xf32, #tpu.memory_space<vmem>> -> memref<1x96x128xf32, #tpu.memory_space<vmem>>
        %dma_start3A_392 = tpu.memref_squeeze %dma_start3A_391 : memref<1x96x128xf32, #tpu.memory_space<vmem>> -> memref<96x128xf32, #tpu.memory_space<vmem>>
        %dma_start3A_393 = arith.constant 0 : i32
        %dma_start3A_394 = tpu.memref_slice %arg10[%dma_start3A_387, %dma_start3A_393] : memref<3x96xi32, #tpu.memory_space<vmem>> -> memref<1x96xi32, #tpu.memory_space<vmem>>
        %dma_start3A_395 = tpu.memref_squeeze %dma_start3A_394 : memref<1x96xi32, #tpu.memory_space<vmem>> -> memref<96xi32, #tpu.memory_space<vmem>>
        %dma_start3A_396 = arith.constant 0 : i32
        %dma_start3A_397 = arith.constant 0 : i32
        %dma_start3A_398 = tpu.memref_slice %arg2[%dma_start3A_396, %dma_start3A_397] : memref<10240x128xf32, #tpu.memory_space<hbm>> -> memref<10240x128xf32, #tpu.memory_space<hbm>>
        tpu.enqueue_indirect_dma source(%dma_start3A_398 : memref<10240x128xf32, #tpu.memory_space<hbm>>) target(%dma_start3A_392 : memref<96x128xf32, #tpu.memory_space<vmem>>) offsets(%dma_start3A_395 : memref<96xi32, #tpu.memory_space<vmem>>) semaphore(%arg20 : memref<!tpu.dma_semaphore, #tpu.memory_space<semaphore_mem>>)
        %dma_start3A_399 = arith.constant 0 : i32
        %dma_start3A_400 = arith.constant 0 : i32
        %dma_start3A_401 = arith.constant 0 : i32
        %dma_start3A_402 = tpu.memref_slice %arg13[%dma_start3A_400, %dma_start3A_401] : memref<3x96xf32, #tpu.memory_space<vmem>> -> memref<1x96xf32, #tpu.memory_space<vmem>>
        %dma_start3A_403 = tpu.memref_squeeze %dma_start3A_402 : memref<1x96xf32, #tpu.memory_space<vmem>> -> memref<96xf32, #tpu.memory_space<vmem>>
        %dma_start3A_404 = arith.constant 0 : i32
        %dma_start3A_405 = tpu.memref_slice %arg10[%dma_start3A_399, %dma_start3A_404] : memref<3x96xi32, #tpu.memory_space<vmem>> -> memref<1x96xi32, #tpu.memory_space<vmem>>
        %dma_start3A_406 = tpu.memref_squeeze %dma_start3A_405 : memref<1x96xi32, #tpu.memory_space<vmem>> -> memref<96xi32, #tpu.memory_space<vmem>>
        %dma_start3A_407 = arith.constant 0 : i32
        %dma_start3A_408 = tpu.memref_slice %arg14[%dma_start3A_407] : memref<10240xf32, #tpu.memory_space<vmem_shared>> -> memref<10240xf32, #tpu.memory_space<vmem_shared>>
        tpu.enqueue_indirect_dma source(%dma_start3A_408 : memref<10240xf32, #tpu.memory_space<vmem_shared>>) target(%dma_start3A_403 : memref<96xf32, #tpu.memory_space<vmem>>) offsets(%dma_start3A_406 : memref<96xi32, #tpu.memory_space<vmem>>) semaphore(%arg23 : memref<!tpu.dma_semaphore, #tpu.memory_space<semaphore_mem>>)
      } else {
      }
      %dma_wait3A_304 = arith.constant 2 : i32
      %dma_wait3A_305 = arith.constant 2 : i32
      %dma_wait3A_306 = arith.constant 0 : i32
      %dma_wait3A_307 = arith.constant 0 : i32
      %dma_wait3A_308 = tpu.memref_slice %arg12[%dma_wait3A_305, %dma_wait3A_306, %dma_wait3A_307] : memref<3x96x128xf32, #tpu.memory_space<vmem>> -> memref<1x96x128xf32, #tpu.memory_space<vmem>>
      %dma_wait3A_309 = tpu.memref_squeeze %dma_wait3A_308 : memref<1x96x128xf32, #tpu.memory_space<vmem>> -> memref<96x128xf32, #tpu.memory_space<vmem>>
      %dma_wait3A_310 = arith.constant 0 : i32
      %dma_wait3A_311 = tpu.memref_slice %arg10[%dma_wait3A_304, %dma_wait3A_310] : memref<3x96xi32, #tpu.memory_space<vmem>> -> memref<1x96xi32, #tpu.memory_space<vmem>>
      %dma_wait3A_312 = tpu.memref_squeeze %dma_wait3A_311 : memref<1x96xi32, #tpu.memory_space<vmem>> -> memref<96xi32, #tpu.memory_space<vmem>>
      %dma_wait3A_313 = arith.constant 0 : i32
      %dma_wait3A_314 = arith.constant 0 : i32
      %dma_wait3A_315 = tpu.memref_slice %arg2[%dma_wait3A_313, %dma_wait3A_314] : memref<10240x128xf32, #tpu.memory_space<hbm>> -> memref<10240x128xf32, #tpu.memory_space<hbm>>
      tpu.wait_indirect_dma semaphore(%arg22 : memref<!tpu.dma_semaphore, #tpu.memory_space<semaphore_mem>>) src(%dma_wait3A_315 : memref<10240x128xf32, #tpu.memory_space<hbm>>) dst(%dma_wait3A_309 : memref<96x128xf32, #tpu.memory_space<vmem>>)
      %dma_wait3A_316 = arith.constant 2 : i32
      %dma_wait3A_317 = arith.constant 2 : i32
      %dma_wait3A_318 = arith.constant 0 : i32
      %dma_wait3A_319 = tpu.memref_slice %arg13[%dma_wait3A_317, %dma_wait3A_318] : memref<3x96xf32, #tpu.memory_space<vmem>> -> memref<1x96xf32, #tpu.memory_space<vmem>>
      %dma_wait3A_320 = tpu.memref_squeeze %dma_wait3A_319 : memref<1x96xf32, #tpu.memory_space<vmem>> -> memref<96xf32, #tpu.memory_space<vmem>>
      %dma_wait3A_321 = arith.constant 0 : i32
      %dma_wait3A_322 = tpu.memref_slice %arg10[%dma_wait3A_316, %dma_wait3A_321] : memref<3x96xi32, #tpu.memory_space<vmem>> -> memref<1x96xi32, #tpu.memory_space<vmem>>
      %dma_wait3A_323 = tpu.memref_squeeze %dma_wait3A_322 : memref<1x96xi32, #tpu.memory_space<vmem>> -> memref<96xi32, #tpu.memory_space<vmem>>
      %dma_wait3A_324 = arith.constant 0 : i32
      %dma_wait3A_325 = tpu.memref_slice %arg14[%dma_wait3A_324] : memref<10240xf32, #tpu.memory_space<vmem_shared>> -> memref<10240xf32, #tpu.memory_space<vmem_shared>>
      tpu.wait_indirect_dma semaphore(%arg25 : memref<!tpu.dma_semaphore, #tpu.memory_space<semaphore_mem>>) src(%dma_wait3A_325 : memref<10240xf32, #tpu.memory_space<vmem_shared>>) dst(%dma_wait3A_320 : memref<96xf32, #tpu.memory_space<vmem>>)
      %dma_start3A_326 = arith.constant 2 : i32
      %dma_start3A_327 = arith.constant 2 : i32
      %dma_start3A_328 = arith.constant 0 : i32
      %dma_start3A_329 = arith.constant 0 : i32
      %dma_start3A_330 = tpu.memref_slice %arg12[%dma_start3A_326, %dma_start3A_328, %dma_start3A_329] : memref<3x96x128xf32, #tpu.memory_space<vmem>> -> memref<1x96x128xf32, #tpu.memory_space<vmem>>
      %dma_start3A_331 = tpu.memref_squeeze %dma_start3A_330 : memref<1x96x128xf32, #tpu.memory_space<vmem>> -> memref<96x128xf32, #tpu.memory_space<vmem>>
      %dma_start3A_332 = arith.constant 0 : i32
      %dma_start3A_333 = tpu.memref_slice %arg11[%dma_start3A_327, %dma_start3A_332] : memref<3x96xi32, #tpu.memory_space<vmem>> -> memref<1x96xi32, #tpu.memory_space<vmem>>
      %dma_start3A_334 = tpu.memref_squeeze %dma_start3A_333 : memref<1x96xi32, #tpu.memory_space<vmem>> -> memref<96xi32, #tpu.memory_space<vmem>>
      %dma_start3A_335 = arith.constant 0 : i32
      %dma_start3A_336 = arith.constant 0 : i32
      %dma_start3A_337 = tpu.memref_slice %arg15[%dma_start3A_335, %dma_start3A_336] : memref<10240x128xf32, #tpu.memory_space<vmem_shared>> -> memref<10240x128xf32, #tpu.memory_space<vmem_shared>>
      tpu.enqueue_indirect_dma source(%dma_start3A_331 : memref<96x128xf32, #tpu.memory_space<vmem>>) target(%dma_start3A_337 : memref<10240x128xf32, #tpu.memory_space<vmem_shared>>) offsets(%dma_start3A_334 : memref<96xi32, #tpu.memory_space<vmem>>) semaphore(%arg28 : memref<!tpu.dma_semaphore, #tpu.memory_space<semaphore_mem>>) {add = true}
      %dma_start3A_338 = arith.constant 2 : i32
      %dma_start3A_339 = arith.constant 2 : i32
      %dma_start3A_340 = arith.constant 0 : i32
      %dma_start3A_341 = tpu.memref_slice %arg13[%dma_start3A_338, %dma_start3A_340] : memref<3x96xf32, #tpu.memory_space<vmem>> -> memref<1x96xf32, #tpu.memory_space<vmem>>
      %dma_start3A_342 = tpu.memref_squeeze %dma_start3A_341 : memref<1x96xf32, #tpu.memory_space<vmem>> -> memref<96xf32, #tpu.memory_space<vmem>>
      %dma_start3A_343 = arith.constant 0 : i32
      %dma_start3A_344 = tpu.memref_slice %arg11[%dma_start3A_339, %dma_start3A_343] : memref<3x96xi32, #tpu.memory_space<vmem>> -> memref<1x96xi32, #tpu.memory_space<vmem>>
      %dma_start3A_345 = tpu.memref_squeeze %dma_start3A_344 : memref<1x96xi32, #tpu.memory_space<vmem>> -> memref<96xi32, #tpu.memory_space<vmem>>
      %dma_start3A_346 = arith.constant 0 : i32
      %dma_start3A_347 = tpu.memref_slice %arg16[%dma_start3A_346] : memref<10240xf32, #tpu.memory_space<vmem_shared>> -> memref<10240xf32, #tpu.memory_space<vmem_shared>>
      tpu.enqueue_indirect_dma source(%dma_start3A_342 : memref<96xf32, #tpu.memory_space<vmem>>) target(%dma_start3A_347 : memref<10240xf32, #tpu.memory_space<vmem_shared>>) offsets(%dma_start3A_345 : memref<96xi32, #tpu.memory_space<vmem>>) semaphore(%arg28 : memref<!tpu.dma_semaphore, #tpu.memory_space<semaphore_mem>>) {add = true}
      %ge3A_348 = arith.constant 1 : i32
      %ge3A_349 = arith.cmpi sge, %add3A_296, %ge3A_348 : i32
      %add3A_350 = arith.constant 2 : i32
      %add3A_351 = arith.addi %add3A_296, %add3A_350 : i32
      %lt3A_352 = arith.constant 108 : i32
      %lt3A_353 = arith.cmpi slt, %add3A_351, %lt3A_352 : i32
      %and3A_354 = arith.andi %ge3A_349, %lt3A_353 : i1
      %convert_element_type3A_355 = arith.extui %and3A_354 : i1 to i32
      %cond3A_356 = arith.constant 0 : i32
      %cond3A_357 = arith.cmpi ne, %convert_element_type3A_355, %cond3A_356 : i32
      scf.if %cond3A_357 {
        %dma_wait3A_365 = arith.constant 1 : i32
        %dma_wait3A_366 = arith.constant 1 : i32
        %dma_wait3A_367 = arith.constant 0 : i32
        %dma_wait3A_368 = arith.constant 0 : i32
        %dma_wait3A_369 = tpu.memref_slice %arg12[%dma_wait3A_365, %dma_wait3A_367, %dma_wait3A_368] : memref<3x96x128xf32, #tpu.memory_space<vmem>> -> memref<1x96x128xf32, #tpu.memory_space<vmem>>
        %dma_wait3A_370 = tpu.memref_squeeze %dma_wait3A_369 : memref<1x96x128xf32, #tpu.memory_space<vmem>> -> memref<96x128xf32, #tpu.memory_space<vmem>>
        %dma_wait3A_371 = arith.constant 0 : i32
        %dma_wait3A_372 = tpu.memref_slice %arg11[%dma_wait3A_366, %dma_wait3A_371] : memref<3x96xi32, #tpu.memory_space<vmem>> -> memref<1x96xi32, #tpu.memory_space<vmem>>
        %dma_wait3A_373 = tpu.memref_squeeze %dma_wait3A_372 : memref<1x96xi32, #tpu.memory_space<vmem>> -> memref<96xi32, #tpu.memory_space<vmem>>
        %dma_wait3A_374 = arith.constant 0 : i32
        %dma_wait3A_375 = arith.constant 0 : i32
        %dma_wait3A_376 = tpu.memref_slice %arg15[%dma_wait3A_374, %dma_wait3A_375] : memref<10240x128xf32, #tpu.memory_space<vmem_shared>> -> memref<10240x128xf32, #tpu.memory_space<vmem_shared>>
        tpu.wait_indirect_dma semaphore(%arg27 : memref<!tpu.dma_semaphore, #tpu.memory_space<semaphore_mem>>) src(%dma_wait3A_370 : memref<96x128xf32, #tpu.memory_space<vmem>>) dst(%dma_wait3A_376 : memref<10240x128xf32, #tpu.memory_space<vmem_shared>>)
        %dma_wait3A_377 = arith.constant 1 : i32
        %dma_wait3A_378 = arith.constant 1 : i32
        %dma_wait3A_379 = arith.constant 0 : i32
        %dma_wait3A_380 = tpu.memref_slice %arg13[%dma_wait3A_377, %dma_wait3A_379] : memref<3x96xf32, #tpu.memory_space<vmem>> -> memref<1x96xf32, #tpu.memory_space<vmem>>
        %dma_wait3A_381 = tpu.memref_squeeze %dma_wait3A_380 : memref<1x96xf32, #tpu.memory_space<vmem>> -> memref<96xf32, #tpu.memory_space<vmem>>
        %dma_wait3A_382 = arith.constant 0 : i32
        %dma_wait3A_383 = tpu.memref_slice %arg11[%dma_wait3A_378, %dma_wait3A_382] : memref<3x96xi32, #tpu.memory_space<vmem>> -> memref<1x96xi32, #tpu.memory_space<vmem>>
        %dma_wait3A_384 = tpu.memref_squeeze %dma_wait3A_383 : memref<1x96xi32, #tpu.memory_space<vmem>> -> memref<96xi32, #tpu.memory_space<vmem>>
        %dma_wait3A_385 = arith.constant 0 : i32
        %dma_wait3A_386 = tpu.memref_slice %arg16[%dma_wait3A_385] : memref<10240xf32, #tpu.memory_space<vmem_shared>> -> memref<10240xf32, #tpu.memory_space<vmem_shared>>
        tpu.wait_indirect_dma semaphore(%arg27 : memref<!tpu.dma_semaphore, #tpu.memory_space<semaphore_mem>>) src(%dma_wait3A_381 : memref<96xf32, #tpu.memory_space<vmem>>) dst(%dma_wait3A_386 : memref<10240xf32, #tpu.memory_space<vmem_shared>>)
      } else {
      }
      %add3A_358 = arith.constant 2 : i32
      %add3A_359 = arith.addi %add3A_296, %add3A_358 : i32
      %lt3A_360 = arith.constant 108 : i32
      %lt3A_361 = arith.cmpi slt, %add3A_359, %lt3A_360 : i32
      %convert_element_type3A_362 = arith.extui %lt3A_361 : i1 to i32
      %cond3A_363 = arith.constant 0 : i32
      %cond3A_364 = arith.cmpi ne, %convert_element_type3A_362, %cond3A_363 : i32
      scf.if %cond3A_364 {
        %add3A_365 = arith.constant 2 : i32
        %add3A_366 = arith.addi %add3A_296, %add3A_365 : i32
        %mul3A_367 = arith.constant 96 : i32
        %mul3A_368 = arith.muli %add3A_366, %mul3A_367 : i32
        %add3A_369 = arith.addi %mul3A_4, %mul3A_368 : i32
        %dma_start3A_370 = arith.constant 1 : i32
        %dma_start3A_371 = arith.constant 0 : i32
        %dma_start3A_372 = tpu.memref_slice %arg10[%dma_start3A_370, %dma_start3A_371] : memref<3x96xi32, #tpu.memory_space<vmem>> -> memref<1x96xi32, #tpu.memory_space<vmem>>
        %dma_start3A_373 = tpu.memref_squeeze %dma_start3A_372 : memref<1x96xi32, #tpu.memory_space<vmem>> -> memref<96xi32, #tpu.memory_space<vmem>>
        %dma_start3A_374 = tpu.memref_slice %arg3[%add3A_369] : memref<331776xi32, #tpu.memory_space<hbm>> -> memref<96xi32, #tpu.memory_space<hbm>>
        %dma_start3A_375 = arith.constant 0 : i32
        %dma_start3A_376 = tpu.memref_slice %arg10[%dma_start3A_370, %dma_start3A_375] : memref<3x96xi32, #tpu.memory_space<vmem>> -> memref<1x96xi32, #tpu.memory_space<vmem>>
        %dma_start3A_377 = tpu.memref_squeeze %dma_start3A_376 : memref<1x96xi32, #tpu.memory_space<vmem>> -> memref<96xi32, #tpu.memory_space<vmem>>
        %dma_start3A_378 = tpu.memref_slice %arg3[%add3A_369] : memref<331776xi32, #tpu.memory_space<hbm>> -> memref<96xi32, #tpu.memory_space<hbm>>
        tpu.enqueue_dma source(%dma_start3A_378 : memref<96xi32, #tpu.memory_space<hbm>>) target(%dma_start3A_377 : memref<96xi32, #tpu.memory_space<vmem>>) target_semaphore(%arg18 : memref<!tpu.dma_semaphore, #tpu.memory_space<semaphore_mem>>)
        %dma_start3A_379 = arith.constant 1 : i32
        %dma_start3A_380 = arith.constant 0 : i32
        %dma_start3A_381 = tpu.memref_slice %arg11[%dma_start3A_379, %dma_start3A_380] : memref<3x96xi32, #tpu.memory_space<vmem>> -> memref<1x96xi32, #tpu.memory_space<vmem>>
        %dma_start3A_382 = tpu.memref_squeeze %dma_start3A_381 : memref<1x96xi32, #tpu.memory_space<vmem>> -> memref<96xi32, #tpu.memory_space<vmem>>
        %dma_start3A_383 = tpu.memref_slice %arg4[%add3A_369] : memref<331776xi32, #tpu.memory_space<hbm>> -> memref<96xi32, #tpu.memory_space<hbm>>
        %dma_start3A_384 = arith.constant 0 : i32
        %dma_start3A_385 = tpu.memref_slice %arg11[%dma_start3A_379, %dma_start3A_384] : memref<3x96xi32, #tpu.memory_space<vmem>> -> memref<1x96xi32, #tpu.memory_space<vmem>>
        %dma_start3A_386 = tpu.memref_squeeze %dma_start3A_385 : memref<1x96xi32, #tpu.memory_space<vmem>> -> memref<96xi32, #tpu.memory_space<vmem>>
        %dma_start3A_387 = tpu.memref_slice %arg4[%add3A_369] : memref<331776xi32, #tpu.memory_space<hbm>> -> memref<96xi32, #tpu.memory_space<hbm>>
        tpu.enqueue_dma source(%dma_start3A_387 : memref<96xi32, #tpu.memory_space<hbm>>) target(%dma_start3A_386 : memref<96xi32, #tpu.memory_space<vmem>>) target_semaphore(%arg18 : memref<!tpu.dma_semaphore, #tpu.memory_space<semaphore_mem>>)
      } else {
      }
    }
    %scan3A_91 = arith.constant 36 : i32
    %dma_wait3A_92 = arith.constant 0 : i32
    %dma_wait3A_93 = arith.constant 0 : i32
    %dma_wait3A_94 = arith.constant 0 : i32
    %dma_wait3A_95 = arith.constant 0 : i32
    %dma_wait3A_96 = tpu.memref_slice %arg12[%dma_wait3A_92, %dma_wait3A_94, %dma_wait3A_95] : memref<3x96x128xf32, #tpu.memory_space<vmem>> -> memref<1x96x128xf32, #tpu.memory_space<vmem>>
    %dma_wait3A_97 = tpu.memref_squeeze %dma_wait3A_96 : memref<1x96x128xf32, #tpu.memory_space<vmem>> -> memref<96x128xf32, #tpu.memory_space<vmem>>
    %dma_wait3A_98 = arith.constant 0 : i32
    %dma_wait3A_99 = tpu.memref_slice %arg11[%dma_wait3A_93, %dma_wait3A_98] : memref<3x96xi32, #tpu.memory_space<vmem>> -> memref<1x96xi32, #tpu.memory_space<vmem>>
    %dma_wait3A_100 = tpu.memref_squeeze %dma_wait3A_99 : memref<1x96xi32, #tpu.memory_space<vmem>> -> memref<96xi32, #tpu.memory_space<vmem>>
    %dma_wait3A_101 = arith.constant 0 : i32
    %dma_wait3A_102 = arith.constant 0 : i32
    %dma_wait3A_103 = tpu.memref_slice %arg15[%dma_wait3A_101, %dma_wait3A_102] : memref<10240x128xf32, #tpu.memory_space<vmem_shared>> -> memref<10240x128xf32, #tpu.memory_space<vmem_shared>>
    tpu.wait_indirect_dma semaphore(%arg26 : memref<!tpu.dma_semaphore, #tpu.memory_space<semaphore_mem>>) src(%dma_wait3A_97 : memref<96x128xf32, #tpu.memory_space<vmem>>) dst(%dma_wait3A_103 : memref<10240x128xf32, #tpu.memory_space<vmem_shared>>)
    %dma_wait3A_104 = arith.constant 0 : i32
    %dma_wait3A_105 = arith.constant 0 : i32
    %dma_wait3A_106 = arith.constant 0 : i32
    %dma_wait3A_107 = tpu.memref_slice %arg13[%dma_wait3A_104, %dma_wait3A_106] : memref<3x96xf32, #tpu.memory_space<vmem>> -> memref<1x96xf32, #tpu.memory_space<vmem>>
    %dma_wait3A_108 = tpu.memref_squeeze %dma_wait3A_107 : memref<1x96xf32, #tpu.memory_space<vmem>> -> memref<96xf32, #tpu.memory_space<vmem>>
    %dma_wait3A_109 = arith.constant 0 : i32
    %dma_wait3A_110 = tpu.memref_slice %arg11[%dma_wait3A_105, %dma_wait3A_109] : memref<3x96xi32, #tpu.memory_space<vmem>> -> memref<1x96xi32, #tpu.memory_space<vmem>>
    %dma_wait3A_111 = tpu.memref_squeeze %dma_wait3A_110 : memref<1x96xi32, #tpu.memory_space<vmem>> -> memref<96xi32, #tpu.memory_space<vmem>>
    %dma_wait3A_112 = arith.constant 0 : i32
    %dma_wait3A_113 = tpu.memref_slice %arg16[%dma_wait3A_112] : memref<10240xf32, #tpu.memory_space<vmem_shared>> -> memref<10240xf32, #tpu.memory_space<vmem_shared>>
    tpu.wait_indirect_dma semaphore(%arg26 : memref<!tpu.dma_semaphore, #tpu.memory_space<semaphore_mem>>) src(%dma_wait3A_108 : memref<96xf32, #tpu.memory_space<vmem>>) dst(%dma_wait3A_113 : memref<10240xf32, #tpu.memory_space<vmem_shared>>)
    %dma_wait3A_114 = arith.constant 1 : i32
    %dma_wait3A_115 = arith.constant 1 : i32
    %dma_wait3A_116 = arith.constant 0 : i32
    %dma_wait3A_117 = arith.constant 0 : i32
    %dma_wait3A_118 = tpu.memref_slice %arg12[%dma_wait3A_114, %dma_wait3A_116, %dma_wait3A_117] : memref<3x96x128xf32, #tpu.memory_space<vmem>> -> memref<1x96x128xf32, #tpu.memory_space<vmem>>
    %dma_wait3A_119 = tpu.memref_squeeze %dma_wait3A_118 : memref<1x96x128xf32, #tpu.memory_space<vmem>> -> memref<96x128xf32, #tpu.memory_space<vmem>>
    %dma_wait3A_120 = arith.constant 0 : i32
    %dma_wait3A_121 = tpu.memref_slice %arg11[%dma_wait3A_115, %dma_wait3A_120] : memref<3x96xi32, #tpu.memory_space<vmem>> -> memref<1x96xi32, #tpu.memory_space<vmem>>
    %dma_wait3A_122 = tpu.memref_squeeze %dma_wait3A_121 : memref<1x96xi32, #tpu.memory_space<vmem>> -> memref<96xi32, #tpu.memory_space<vmem>>
    %dma_wait3A_123 = arith.constant 0 : i32
    %dma_wait3A_124 = arith.constant 0 : i32
    %dma_wait3A_125 = tpu.memref_slice %arg15[%dma_wait3A_123, %dma_wait3A_124] : memref<10240x128xf32, #tpu.memory_space<vmem_shared>> -> memref<10240x128xf32, #tpu.memory_space<vmem_shared>>
    tpu.wait_indirect_dma semaphore(%arg27 : memref<!tpu.dma_semaphore, #tpu.memory_space<semaphore_mem>>) src(%dma_wait3A_119 : memref<96x128xf32, #tpu.memory_space<vmem>>) dst(%dma_wait3A_125 : memref<10240x128xf32, #tpu.memory_space<vmem_shared>>)
    %dma_wait3A_126 = arith.constant 1 : i32
    %dma_wait3A_127 = arith.constant 1 : i32
    %dma_wait3A_128 = arith.constant 0 : i32
    %dma_wait3A_129 = tpu.memref_slice %arg13[%dma_wait3A_126, %dma_wait3A_128] : memref<3x96xf32, #tpu.memory_space<vmem>> -> memref<1x96xf32, #tpu.memory_space<vmem>>
    %dma_wait3A_130 = tpu.memref_squeeze %dma_wait3A_129 : memref<1x96xf32, #tpu.memory_space<vmem>> -> memref<96xf32, #tpu.memory_space<vmem>>
    %dma_wait3A_131 = arith.constant 0 : i32
    %dma_wait3A_132 = tpu.memref_slice %arg11[%dma_wait3A_127, %dma_wait3A_131] : memref<3x96xi32, #tpu.memory_space<vmem>> -> memref<1x96xi32, #tpu.memory_space<vmem>>
    %dma_wait3A_133 = tpu.memref_squeeze %dma_wait3A_132 : memref<1x96xi32, #tpu.memory_space<vmem>> -> memref<96xi32, #tpu.memory_space<vmem>>
    %dma_wait3A_134 = arith.constant 0 : i32
    %dma_wait3A_135 = tpu.memref_slice %arg16[%dma_wait3A_134] : memref<10240xf32, #tpu.memory_space<vmem_shared>> -> memref<10240xf32, #tpu.memory_space<vmem_shared>>
    tpu.wait_indirect_dma semaphore(%arg27 : memref<!tpu.dma_semaphore, #tpu.memory_space<semaphore_mem>>) src(%dma_wait3A_130 : memref<96xf32, #tpu.memory_space<vmem>>) dst(%dma_wait3A_135 : memref<10240xf32, #tpu.memory_space<vmem_shared>>)
    %dma_wait3A_136 = arith.constant 2 : i32
    %dma_wait3A_137 = arith.constant 2 : i32
    %dma_wait3A_138 = arith.constant 0 : i32
    %dma_wait3A_139 = arith.constant 0 : i32
    %dma_wait3A_140 = tpu.memref_slice %arg12[%dma_wait3A_136, %dma_wait3A_138, %dma_wait3A_139] : memref<3x96x128xf32, #tpu.memory_space<vmem>> -> memref<1x96x128xf32, #tpu.memory_space<vmem>>
    %dma_wait3A_141 = tpu.memref_squeeze %dma_wait3A_140 : memref<1x96x128xf32, #tpu.memory_space<vmem>> -> memref<96x128xf32, #tpu.memory_space<vmem>>
    %dma_wait3A_142 = arith.constant 0 : i32
    %dma_wait3A_143 = tpu.memref_slice %arg11[%dma_wait3A_137, %dma_wait3A_142] : memref<3x96xi32, #tpu.memory_space<vmem>> -> memref<1x96xi32, #tpu.memory_space<vmem>>
    %dma_wait3A_144 = tpu.memref_squeeze %dma_wait3A_143 : memref<1x96xi32, #tpu.memory_space<vmem>> -> memref<96xi32, #tpu.memory_space<vmem>>
    %dma_wait3A_145 = arith.constant 0 : i32
    %dma_wait3A_146 = arith.constant 0 : i32
    %dma_wait3A_147 = tpu.memref_slice %arg15[%dma_wait3A_145, %dma_wait3A_146] : memref<10240x128xf32, #tpu.memory_space<vmem_shared>> -> memref<10240x128xf32, #tpu.memory_space<vmem_shared>>
    tpu.wait_indirect_dma semaphore(%arg28 : memref<!tpu.dma_semaphore, #tpu.memory_space<semaphore_mem>>) src(%dma_wait3A_141 : memref<96x128xf32, #tpu.memory_space<vmem>>) dst(%dma_wait3A_147 : memref<10240x128xf32, #tpu.memory_space<vmem_shared>>)
    %dma_wait3A_148 = arith.constant 2 : i32
    %dma_wait3A_149 = arith.constant 2 : i32
    %dma_wait3A_150 = arith.constant 0 : i32
    %dma_wait3A_151 = tpu.memref_slice %arg13[%dma_wait3A_148, %dma_wait3A_150] : memref<3x96xf32, #tpu.memory_space<vmem>> -> memref<1x96xf32, #tpu.memory_space<vmem>>
    %dma_wait3A_152 = tpu.memref_squeeze %dma_wait3A_151 : memref<1x96xf32, #tpu.memory_space<vmem>> -> memref<96xf32, #tpu.memory_space<vmem>>
    %dma_wait3A_153 = arith.constant 0 : i32
    %dma_wait3A_154 = tpu.memref_slice %arg11[%dma_wait3A_149, %dma_wait3A_153] : memref<3x96xi32, #tpu.memory_space<vmem>> -> memref<1x96xi32, #tpu.memory_space<vmem>>
    %dma_wait3A_155 = tpu.memref_squeeze %dma_wait3A_154 : memref<1x96xi32, #tpu.memory_space<vmem>> -> memref<96xi32, #tpu.memory_space<vmem>>
    %dma_wait3A_156 = arith.constant 0 : i32
    %dma_wait3A_157 = tpu.memref_slice %arg16[%dma_wait3A_156] : memref<10240xf32, #tpu.memory_space<vmem_shared>> -> memref<10240xf32, #tpu.memory_space<vmem_shared>>
    tpu.wait_indirect_dma semaphore(%arg28 : memref<!tpu.dma_semaphore, #tpu.memory_space<semaphore_mem>>) src(%dma_wait3A_152 : memref<96xf32, #tpu.memory_space<vmem>>) dst(%dma_wait3A_157 : memref<10240xf32, #tpu.memory_space<vmem_shared>>)
    %barrier3A_158 = arith.constant 0 : index
    tpu.barrier barrier_id(%barrier3A_158)
    "tpu.region"() ({
      %run_scoped3A = tpu.sem_alloc : memref<!tpu.dma_semaphore, #tpu.memory_space<semaphore_mem>>
      %dma_start3A_159 = arith.constant 0 : i32
      %dma_start3A_160 = tpu.memref_slice %arg8[%arg0, %mul3A_2, %dma_start3A_159] : memref<2x10240x128xf32, #tpu.memory_space<hbm>> -> memref<1x640x128xf32, #tpu.memory_space<hbm>>
      %dma_start3A_161 = tpu.memref_squeeze %dma_start3A_160 : memref<1x640x128xf32, #tpu.memory_space<hbm>> -> memref<640x128xf32, #tpu.memory_space<hbm>>
      %dma_start3A_162 = arith.constant 0 : i32
      %dma_start3A_163 = tpu.memref_slice %arg15[%mul3A_2, %dma_start3A_162] : memref<10240x128xf32, #tpu.memory_space<vmem_shared>> -> memref<640x128xf32, #tpu.memory_space<vmem_shared>>
      tpu.enqueue_dma source(%dma_start3A_163 : memref<640x128xf32, #tpu.memory_space<vmem_shared>>) target(%dma_start3A_161 : memref<640x128xf32, #tpu.memory_space<hbm>>) target_semaphore(%run_scoped3A : memref<!tpu.dma_semaphore, #tpu.memory_space<semaphore_mem>>)
      %dma_wait3A_164 = arith.constant 0 : i32
      %dma_wait3A_165 = tpu.memref_slice %arg8[%arg0, %mul3A_2, %dma_wait3A_164] : memref<2x10240x128xf32, #tpu.memory_space<hbm>> -> memref<1x640x128xf32, #tpu.memory_space<hbm>>
      %dma_wait3A_166 = tpu.memref_squeeze %dma_wait3A_165 : memref<1x640x128xf32, #tpu.memory_space<hbm>> -> memref<640x128xf32, #tpu.memory_space<hbm>>
      %dma_wait3A_167 = arith.constant 0 : i32
      %dma_wait3A_168 = tpu.memref_slice %arg15[%mul3A_2, %dma_wait3A_167] : memref<10240x128xf32, #tpu.memory_space<vmem_shared>> -> memref<640x128xf32, #tpu.memory_space<vmem_shared>>
      tpu.wait_dma2 semaphore(%run_scoped3A : memref<!tpu.dma_semaphore, #tpu.memory_space<semaphore_mem>>) src(%dma_wait3A_168 : memref<640x128xf32, #tpu.memory_space<vmem_shared>>) dst(%dma_wait3A_166 : memref<640x128xf32, #tpu.memory_space<hbm>>)
      tpu.yield
    }) : () -> ()
    "tpu.region"() ({
      %run_scoped3A = tpu.sem_alloc : memref<!tpu.dma_semaphore, #tpu.memory_space<semaphore_mem>>
      %dma_start3A_159 = tpu.memref_slice %arg9[%arg0, %mul3A_2] : memref<2x10240xf32, #tpu.memory_space<hbm>> -> memref<1x640xf32, #tpu.memory_space<hbm>>
      %dma_start3A_160 = tpu.memref_squeeze %dma_start3A_159 : memref<1x640xf32, #tpu.memory_space<hbm>> -> memref<640xf32, #tpu.memory_space<hbm>>
      %dma_start3A_161 = tpu.memref_slice %arg16[%mul3A_2] : memref<10240xf32, #tpu.memory_space<vmem_shared>> -> memref<640xf32, #tpu.memory_space<vmem_shared>>
      tpu.enqueue_dma source(%dma_start3A_161 : memref<640xf32, #tpu.memory_space<vmem_shared>>) target(%dma_start3A_160 : memref<640xf32, #tpu.memory_space<hbm>>) target_semaphore(%run_scoped3A : memref<!tpu.dma_semaphore, #tpu.memory_space<semaphore_mem>>)
      %dma_wait3A_162 = tpu.memref_slice %arg9[%arg0, %mul3A_2] : memref<2x10240xf32, #tpu.memory_space<hbm>> -> memref<1x640xf32, #tpu.memory_space<hbm>>
      %dma_wait3A_163 = tpu.memref_squeeze %dma_wait3A_162 : memref<1x640xf32, #tpu.memory_space<hbm>> -> memref<640xf32, #tpu.memory_space<hbm>>
      %dma_wait3A_164 = tpu.memref_slice %arg16[%mul3A_2] : memref<10240xf32, #tpu.memory_space<vmem_shared>> -> memref<640xf32, #tpu.memory_space<vmem_shared>>
      tpu.wait_dma2 semaphore(%run_scoped3A : memref<!tpu.dma_semaphore, #tpu.memory_space<semaphore_mem>>) src(%dma_wait3A_164 : memref<640xf32, #tpu.memory_space<vmem_shared>>) dst(%dma_wait3A_163 : memref<640xf32, #tpu.memory_space<hbm>>)
      tpu.yield
    }) : () -> ()
    return
  }
}

#map = affine_map<(d0, d1) -> (0, 0)>
#map1 = affine_map<(d0, d1) -> (0)>
#map2 = affine_map<(d0, d1) -> (0, 0, 0)>
module attributes {stable_mosaic.version = 14 : i64} {
  func.func @_sc_agg_body(%arg0: i32, %arg1: i32, %arg2: memref<10240x128xf32, #tpu.memory_space<hbm>>, %arg3: memref<331776xi32, #tpu.memory_space<hbm>>, %arg4: memref<331776xi32, #tpu.memory_space<hbm>>, %arg5: memref<10240xf32, #tpu.memory_space<hbm>>, %arg6: memref<10240x128xf32, #tpu.memory_space<hbm>>, %arg7: memref<10240xf32, #tpu.memory_space<hbm>>, %arg8: memref<2x10240x128xf32, #tpu.memory_space<hbm>>, %arg9: memref<2x10240xf32, #tpu.memory_space<hbm>>, %arg10: memref<3x96xi32, #tpu.memory_space<vmem>>, %arg11: memref<3x96xi32, #tpu.memory_space<vmem>>, %arg12: memref<3x96x128xf32, #tpu.memory_space<vmem>>, %arg13: memref<3x96xf32, #tpu.memory_space<vmem>>, %arg14: memref<10240xf32, #tpu.memory_space<vmem_shared>>, %arg15: memref<10240x128xf32, #tpu.memory_space<vmem_shared>>, %arg16: memref<10240xf32, #tpu.memory_space<vmem_shared>>, %arg17: memref<!tpu.dma_semaphore, #tpu.memory_space<semaphore_mem>>, %arg18: memref<!tpu.dma_semaphore, #tpu.memory_space<semaphore_mem>>, %arg19: memref<!tpu.dma_semaphore, #tpu.memory_space<semaphore_mem>>, %arg20: memref<!tpu.dma_semaphore, #tpu.memory_space<semaphore_mem>>, %arg21: memref<!tpu.dma_semaphore, #tpu.memory_space<semaphore_mem>>, %arg22: memref<!tpu.dma_semaphore, #tpu.memory_space<semaphore_mem>>, %arg23: memref<!tpu.dma_semaphore, #tpu.memory_space<semaphore_mem>>, %arg24: memref<!tpu.dma_semaphore, #tpu.memory_space<semaphore_mem>>, %arg25: memref<!tpu.dma_semaphore, #tpu.memory_space<semaphore_mem>>, %arg26: memref<!tpu.dma_semaphore, #tpu.memory_space<semaphore_mem>>, %arg27: memref<!tpu.dma_semaphore, #tpu.memory_space<semaphore_mem>>, %arg28: memref<!tpu.dma_semaphore, #tpu.memory_space<semaphore_mem>>) attributes {dimension_semantics = [#tpu.dimension_semantics<core_parallel>, #tpu.dimension_semantics<subcore_parallel>], iteration_bounds = array<i64: 2, 16>, scalar_prefetch = 0 : i64, scratch_operands = 19 : i64, tpu.core_type = #tpu.core_type<sc_vector_subcore>, window_params = [{transform_indices = #map}, {transform_indices = #map1}, {transform_indices = #map1}, {transform_indices = #map1}, {transform_indices = #map}, {transform_indices = #map1}, {transform_indices = #map2}, {transform_indices = #map}]} {
    %mul3A = arith.constant 16 : i32
    %mul3A_0 = arith.muli %arg0, %mul3A : i32
    %add3A = arith.addi %mul3A_0, %arg1 : i32
    %mul3A_1 = arith.constant 640 : i32
    %mul3A_2 = arith.muli %arg1, %mul3A_1 : i32
    "tpu.region"() ({
      %run_scoped3A = tpu.sem_alloc : memref<!tpu.dma_semaphore, #tpu.memory_space<semaphore_mem>>
      %dma_start3A_159 = arith.constant 0 : i32
      %dma_start3A_160 = tpu.memref_slice %arg15[%mul3A_2, %dma_start3A_159] : memref<10240x128xf32, #tpu.memory_space<vmem_shared>> -> memref<640x128xf32, #tpu.memory_space<vmem_shared>>
      %dma_start3A_161 = arith.constant 0 : i32
      %dma_start3A_162 = tpu.memref_slice %arg6[%mul3A_2, %dma_start3A_161] : memref<10240x128xf32, #tpu.memory_space<hbm>> -> memref<640x128xf32, #tpu.memory_space<hbm>>
      tpu.enqueue_dma source(%dma_start3A_162 : memref<640x128xf32, #tpu.memory_space<hbm>>) target(%dma_start3A_160 : memref<640x128xf32, #tpu.memory_space<vmem_shared>>) target_semaphore(%run_scoped3A : memref<!tpu.dma_semaphore, #tpu.memory_space<semaphore_mem>>)
      %dma_wait3A_163 = arith.constant 0 : i32
      %dma_wait3A_164 = tpu.memref_slice %arg15[%mul3A_2, %dma_wait3A_163] : memref<10240x128xf32, #tpu.memory_space<vmem_shared>> -> memref<640x128xf32, #tpu.memory_space<vmem_shared>>
      %dma_wait3A_165 = arith.constant 0 : i32
      %dma_wait3A_166 = tpu.memref_slice %arg6[%mul3A_2, %dma_wait3A_165] : memref<10240x128xf32, #tpu.memory_space<hbm>> -> memref<640x128xf32, #tpu.memory_space<hbm>>
      tpu.wait_dma2 semaphore(%run_scoped3A : memref<!tpu.dma_semaphore, #tpu.memory_space<semaphore_mem>>) src(%dma_wait3A_166 : memref<640x128xf32, #tpu.memory_space<hbm>>) dst(%dma_wait3A_164 : memref<640x128xf32, #tpu.memory_space<vmem_shared>>)
      tpu.yield
    }) : () -> ()
    "tpu.region"() ({
      %run_scoped3A = tpu.sem_alloc : memref<!tpu.dma_semaphore, #tpu.memory_space<semaphore_mem>>
      %dma_start3A_159 = tpu.memref_slice %arg16[%mul3A_2] : memref<10240xf32, #tpu.memory_space<vmem_shared>> -> memref<640xf32, #tpu.memory_space<vmem_shared>>
      %dma_start3A_160 = tpu.memref_slice %arg7[%mul3A_2] : memref<10240xf32, #tpu.memory_space<hbm>> -> memref<640xf32, #tpu.memory_space<hbm>>
      tpu.enqueue_dma source(%dma_start3A_160 : memref<640xf32, #tpu.memory_space<hbm>>) target(%dma_start3A_159 : memref<640xf32, #tpu.memory_space<vmem_shared>>) target_semaphore(%run_scoped3A : memref<!tpu.dma_semaphore, #tpu.memory_space<semaphore_mem>>)
      %dma_wait3A_161 = tpu.memref_slice %arg16[%mul3A_2] : memref<10240xf32, #tpu.memory_space<vmem_shared>> -> memref<640xf32, #tpu.memory_space<vmem_shared>>
      %dma_wait3A_162 = tpu.memref_slice %arg7[%mul3A_2] : memref<10240xf32, #tpu.memory_space<hbm>> -> memref<640xf32, #tpu.memory_space<hbm>>
      tpu.wait_dma2 semaphore(%run_scoped3A : memref<!tpu.dma_semaphore, #tpu.memory_space<semaphore_mem>>) src(%dma_wait3A_162 : memref<640xf32, #tpu.memory_space<hbm>>) dst(%dma_wait3A_161 : memref<640xf32, #tpu.memory_space<vmem_shared>>)
      tpu.yield
    }) : () -> ()
    "tpu.region"() ({
      %run_scoped3A = tpu.sem_alloc : memref<!tpu.dma_semaphore, #tpu.memory_space<semaphore_mem>>
      %dma_start3A_159 = tpu.memref_slice %arg14[%mul3A_2] : memref<10240xf32, #tpu.memory_space<vmem_shared>> -> memref<640xf32, #tpu.memory_space<vmem_shared>>
      %dma_start3A_160 = tpu.memref_slice %arg5[%mul3A_2] : memref<10240xf32, #tpu.memory_space<hbm>> -> memref<640xf32, #tpu.memory_space<hbm>>
      tpu.enqueue_dma source(%dma_start3A_160 : memref<640xf32, #tpu.memory_space<hbm>>) target(%dma_start3A_159 : memref<640xf32, #tpu.memory_space<vmem_shared>>) target_semaphore(%run_scoped3A : memref<!tpu.dma_semaphore, #tpu.memory_space<semaphore_mem>>)
      %dma_wait3A_161 = tpu.memref_slice %arg14[%mul3A_2] : memref<10240xf32, #tpu.memory_space<vmem_shared>> -> memref<640xf32, #tpu.memory_space<vmem_shared>>
      %dma_wait3A_162 = tpu.memref_slice %arg5[%mul3A_2] : memref<10240xf32, #tpu.memory_space<hbm>> -> memref<640xf32, #tpu.memory_space<hbm>>
      tpu.wait_dma2 semaphore(%run_scoped3A : memref<!tpu.dma_semaphore, #tpu.memory_space<semaphore_mem>>) src(%dma_wait3A_162 : memref<640xf32, #tpu.memory_space<hbm>>) dst(%dma_wait3A_161 : memref<640xf32, #tpu.memory_space<vmem_shared>>)
      tpu.yield
    }) : () -> ()
    %mul3A_3 = arith.constant 10368 : i32
    %mul3A_4 = arith.muli %add3A, %mul3A_3 : i32
    %barrier3A = arith.constant 0 : index
    tpu.barrier barrier_id(%barrier3A)
    %add3A_5 = arith.constant 0 : i32
    %add3A_6 = arith.addi %mul3A_4, %add3A_5 : i32
    %dma_start3A = arith.constant 0 : i32
    %dma_start3A_7 = arith.constant 0 : i32
    %dma_start3A_8 = tpu.memref_slice %arg10[%dma_start3A, %dma_start3A_7] : memref<3x96xi32, #tpu.memory_space<vmem>> -> memref<1x96xi32, #tpu.memory_space<vmem>>
    %dma_start3A_9 = tpu.memref_squeeze %dma_start3A_8 : memref<1x96xi32, #tpu.memory_space<vmem>> -> memref<96xi32, #tpu.memory_space<vmem>>
    %dma_start3A_10 = tpu.memref_slice %arg3[%add3A_6] : memref<331776xi32, #tpu.memory_space<hbm>> -> memref<96xi32, #tpu.memory_space<hbm>>
    %dma_start3A_11 = arith.constant 0 : i32
    %dma_start3A_12 = tpu.memref_slice %arg10[%dma_start3A, %dma_start3A_11] : memref<3x96xi32, #tpu.memory_space<vmem>> -> memref<1x96xi32, #tpu.memory_space<vmem>>
    %dma_start3A_13 = tpu.memref_squeeze %dma_start3A_12 : memref<1x96xi32, #tpu.memory_space<vmem>> -> memref<96xi32, #tpu.memory_space<vmem>>
    %dma_start3A_14 = tpu.memref_slice %arg3[%add3A_6] : memref<331776xi32, #tpu.memory_space<hbm>> -> memref<96xi32, #tpu.memory_space<hbm>>
    tpu.enqueue_dma source(%dma_start3A_14 : memref<96xi32, #tpu.memory_space<hbm>>) target(%dma_start3A_13 : memref<96xi32, #tpu.memory_space<vmem>>) target_semaphore(%arg17 : memref<!tpu.dma_semaphore, #tpu.memory_space<semaphore_mem>>)
    %dma_start3A_15 = arith.constant 0 : i32
    %dma_start3A_16 = arith.constant 0 : i32
    %dma_start3A_17 = tpu.memref_slice %arg11[%dma_start3A_15, %dma_start3A_16] : memref<3x96xi32, #tpu.memory_space<vmem>> -> memref<1x96xi32, #tpu.memory_space<vmem>>
    %dma_start3A_18 = tpu.memref_squeeze %dma_start3A_17 : memref<1x96xi32, #tpu.memory_space<vmem>> -> memref<96xi32, #tpu.memory_space<vmem>>
    %dma_start3A_19 = tpu.memref_slice %arg4[%add3A_6] : memref<331776xi32, #tpu.memory_space<hbm>> -> memref<96xi32, #tpu.memory_space<hbm>>
    %dma_start3A_20 = arith.constant 0 : i32
    %dma_start3A_21 = tpu.memref_slice %arg11[%dma_start3A_15, %dma_start3A_20] : memref<3x96xi32, #tpu.memory_space<vmem>> -> memref<1x96xi32, #tpu.memory_space<vmem>>
    %dma_start3A_22 = tpu.memref_squeeze %dma_start3A_21 : memref<1x96xi32, #tpu.memory_space<vmem>> -> memref<96xi32, #tpu.memory_space<vmem>>
    %dma_start3A_23 = tpu.memref_slice %arg4[%add3A_6] : memref<331776xi32, #tpu.memory_space<hbm>> -> memref<96xi32, #tpu.memory_space<hbm>>
    tpu.enqueue_dma source(%dma_start3A_23 : memref<96xi32, #tpu.memory_space<hbm>>) target(%dma_start3A_22 : memref<96xi32, #tpu.memory_space<vmem>>) target_semaphore(%arg17 : memref<!tpu.dma_semaphore, #tpu.memory_space<semaphore_mem>>)
    %add3A_24 = arith.constant 96 : i32
    %add3A_25 = arith.addi %mul3A_4, %add3A_24 : i32
    %dma_start3A_26 = arith.constant 1 : i32
    %dma_start3A_27 = arith.constant 0 : i32
    %dma_start3A_28 = tpu.memref_slice %arg10[%dma_start3A_26, %dma_start3A_27] : memref<3x96xi32, #tpu.memory_space<vmem>> -> memref<1x96xi32, #tpu.memory_space<vmem>>
    %dma_start3A_29 = tpu.memref_squeeze %dma_start3A_28 : memref<1x96xi32, #tpu.memory_space<vmem>> -> memref<96xi32, #tpu.memory_space<vmem>>
    %dma_start3A_30 = tpu.memref_slice %arg3[%add3A_25] : memref<331776xi32, #tpu.memory_space<hbm>> -> memref<96xi32, #tpu.memory_space<hbm>>
    %dma_start3A_31 = arith.constant 0 : i32
    %dma_start3A_32 = tpu.memref_slice %arg10[%dma_start3A_26, %dma_start3A_31] : memref<3x96xi32, #tpu.memory_space<vmem>> -> memref<1x96xi32, #tpu.memory_space<vmem>>
    %dma_start3A_33 = tpu.memref_squeeze %dma_start3A_32 : memref<1x96xi32, #tpu.memory_space<vmem>> -> memref<96xi32, #tpu.memory_space<vmem>>
    %dma_start3A_34 = tpu.memref_slice %arg3[%add3A_25] : memref<331776xi32, #tpu.memory_space<hbm>> -> memref<96xi32, #tpu.memory_space<hbm>>
    tpu.enqueue_dma source(%dma_start3A_34 : memref<96xi32, #tpu.memory_space<hbm>>) target(%dma_start3A_33 : memref<96xi32, #tpu.memory_space<vmem>>) target_semaphore(%arg18 : memref<!tpu.dma_semaphore, #tpu.memory_space<semaphore_mem>>)
    %dma_start3A_35 = arith.constant 1 : i32
    %dma_start3A_36 = arith.constant 0 : i32
    %dma_start3A_37 = tpu.memref_slice %arg11[%dma_start3A_35, %dma_start3A_36] : memref<3x96xi32, #tpu.memory_space<vmem>> -> memref<1x96xi32, #tpu.memory_space<vmem>>
    %dma_start3A_38 = tpu.memref_squeeze %dma_start3A_37 : memref<1x96xi32, #tpu.memory_space<vmem>> -> memref<96xi32, #tpu.memory_space<vmem>>
    %dma_start3A_39 = tpu.memref_slice %arg4[%add3A_25] : memref<331776xi32, #tpu.memory_space<hbm>> -> memref<96xi32, #tpu.memory_space<hbm>>
    %dma_start3A_40 = arith.constant 0 : i32
    %dma_start3A_41 = tpu.memref_slice %arg11[%dma_start3A_35, %dma_start3A_40] : memref<3x96xi32, #tpu.memory_space<vmem>> -> memref<1x96xi32, #tpu.memory_space<vmem>>
    %dma_start3A_42 = tpu.memref_squeeze %dma_start3A_41 : memref<1x96xi32, #tpu.memory_space<vmem>> -> memref<96xi32, #tpu.memory_space<vmem>>
    %dma_start3A_43 = tpu.memref_slice %arg4[%add3A_25] : memref<331776xi32, #tpu.memory_space<hbm>> -> memref<96xi32, #tpu.memory_space<hbm>>
    tpu.enqueue_dma source(%dma_start3A_43 : memref<96xi32, #tpu.memory_space<hbm>>) target(%dma_start3A_42 : memref<96xi32, #tpu.memory_space<vmem>>) target_semaphore(%arg18 : memref<!tpu.dma_semaphore, #tpu.memory_space<semaphore_mem>>)
    %dma_wait3A = arith.constant 0 : i32
    %dma_wait3A_44 = arith.constant 0 : i32
    %dma_wait3A_45 = tpu.memref_slice %arg10[%dma_wait3A, %dma_wait3A_44] : memref<3x96xi32, #tpu.memory_space<vmem>> -> memref<1x96xi32, #tpu.memory_space<vmem>>
    %dma_wait3A_46 = tpu.memref_squeeze %dma_wait3A_45 : memref<1x96xi32, #tpu.memory_space<vmem>> -> memref<96xi32, #tpu.memory_space<vmem>>
    %dma_wait3A_47 = arith.constant 0 : i32
    %dma_wait3A_48 = tpu.memref_slice %arg3[%dma_wait3A_47] : memref<331776xi32, #tpu.memory_space<hbm>> -> memref<96xi32, #tpu.memory_space<hbm>>
    %dma_wait3A_49 = arith.constant 0 : i32
    %dma_wait3A_50 = tpu.memref_slice %arg10[%dma_wait3A, %dma_wait3A_49] : memref<3x96xi32, #tpu.memory_space<vmem>> -> memref<1x96xi32, #tpu.memory_space<vmem>>
    %dma_wait3A_51 = tpu.memref_squeeze %dma_wait3A_50 : memref<1x96xi32, #tpu.memory_space<vmem>> -> memref<96xi32, #tpu.memory_space<vmem>>
    %dma_wait3A_52 = arith.constant 0 : i32
    %dma_wait3A_53 = tpu.memref_slice %arg3[%dma_wait3A_52] : memref<331776xi32, #tpu.memory_space<hbm>> -> memref<96xi32, #tpu.memory_space<hbm>>
    tpu.wait_dma2 semaphore(%arg17 : memref<!tpu.dma_semaphore, #tpu.memory_space<semaphore_mem>>) src(%dma_wait3A_53 : memref<96xi32, #tpu.memory_space<hbm>>) dst(%dma_wait3A_51 : memref<96xi32, #tpu.memory_space<vmem>>)
    %dma_wait3A_54 = arith.constant 0 : i32
    %dma_wait3A_55 = arith.constant 0 : i32
    %dma_wait3A_56 = tpu.memref_slice %arg11[%dma_wait3A_54, %dma_wait3A_55] : memref<3x96xi32, #tpu.memory_space<vmem>> -> memref<1x96xi32, #tpu.memory_space<vmem>>
    %dma_wait3A_57 = tpu.memref_squeeze %dma_wait3A_56 : memref<1x96xi32, #tpu.memory_space<vmem>> -> memref<96xi32, #tpu.memory_space<vmem>>
    %dma_wait3A_58 = arith.constant 0 : i32
    %dma_wait3A_59 = tpu.memref_slice %arg4[%dma_wait3A_58] : memref<331776xi32, #tpu.memory_space<hbm>> -> memref<96xi32, #tpu.memory_space<hbm>>
    %dma_wait3A_60 = arith.constant 0 : i32
    %dma_wait3A_61 = tpu.memref_slice %arg11[%dma_wait3A_54, %dma_wait3A_60] : memref<3x96xi32, #tpu.memory_space<vmem>> -> memref<1x96xi32, #tpu.memory_space<vmem>>
    %dma_wait3A_62 = tpu.memref_squeeze %dma_wait3A_61 : memref<1x96xi32, #tpu.memory_space<vmem>> -> memref<96xi32, #tpu.memory_space<vmem>>
    %dma_wait3A_63 = arith.constant 0 : i32
    %dma_wait3A_64 = tpu.memref_slice %arg4[%dma_wait3A_63] : memref<331776xi32, #tpu.memory_space<hbm>> -> memref<96xi32, #tpu.memory_space<hbm>>
    tpu.wait_dma2 semaphore(%arg17 : memref<!tpu.dma_semaphore, #tpu.memory_space<semaphore_mem>>) src(%dma_wait3A_64 : memref<96xi32, #tpu.memory_space<hbm>>) dst(%dma_wait3A_62 : memref<96xi32, #tpu.memory_space<vmem>>)
    %dma_start3A_65 = arith.constant 0 : i32
    %dma_start3A_66 = arith.constant 0 : i32
    %dma_start3A_67 = arith.constant 0 : i32
    %dma_start3A_68 = arith.constant 0 : i32
    %dma_start3A_69 = tpu.memref_slice %arg12[%dma_start3A_66, %dma_start3A_67, %dma_start3A_68] : memref<3x96x128xf32, #tpu.memory_space<vmem>> -> memref<1x96x128xf32, #tpu.memory_space<vmem>>
    %dma_start3A_70 = tpu.memref_squeeze %dma_start3A_69 : memref<1x96x128xf32, #tpu.memory_space<vmem>> -> memref<96x128xf32, #tpu.memory_space<vmem>>
    %dma_start3A_71 = arith.constant 0 : i32
    %dma_start3A_72 = tpu.memref_slice %arg10[%dma_start3A_65, %dma_start3A_71] : memref<3x96xi32, #tpu.memory_space<vmem>> -> memref<1x96xi32, #tpu.memory_space<vmem>>
    %dma_start3A_73 = tpu.memref_squeeze %dma_start3A_72 : memref<1x96xi32, #tpu.memory_space<vmem>> -> memref<96xi32, #tpu.memory_space<vmem>>
    %dma_start3A_74 = arith.constant 0 : i32
    %dma_start3A_75 = arith.constant 0 : i32
    %dma_start3A_76 = tpu.memref_slice %arg2[%dma_start3A_74, %dma_start3A_75] : memref<10240x128xf32, #tpu.memory_space<hbm>> -> memref<10240x128xf32, #tpu.memory_space<hbm>>
    tpu.enqueue_indirect_dma source(%dma_start3A_76 : memref<10240x128xf32, #tpu.memory_space<hbm>>) target(%dma_start3A_70 : memref<96x128xf32, #tpu.memory_space<vmem>>) offsets(%dma_start3A_73 : memref<96xi32, #tpu.memory_space<vmem>>) semaphore(%arg20 : memref<!tpu.dma_semaphore, #tpu.memory_space<semaphore_mem>>)
    %dma_start3A_77 = arith.constant 0 : i32
    %dma_start3A_78 = arith.constant 0 : i32
    %dma_start3A_79 = arith.constant 0 : i32
    %dma_start3A_80 = tpu.memref_slice %arg13[%dma_start3A_78, %dma_start3A_79] : memref<3x96xf32, #tpu.memory_space<vmem>> -> memref<1x96xf32, #tpu.memory_space<vmem>>
    %dma_start3A_81 = tpu.memref_squeeze %dma_start3A_80 : memref<1x96xf32, #tpu.memory_space<vmem>> -> memref<96xf32, #tpu.memory_space<vmem>>
    %dma_start3A_82 = arith.constant 0 : i32
    %dma_start3A_83 = tpu.memref_slice %arg10[%dma_start3A_77, %dma_start3A_82] : memref<3x96xi32, #tpu.memory_space<vmem>> -> memref<1x96xi32, #tpu.memory_space<vmem>>
    %dma_start3A_84 = tpu.memref_squeeze %dma_start3A_83 : memref<1x96xi32, #tpu.memory_space<vmem>> -> memref<96xi32, #tpu.memory_space<vmem>>
    %dma_start3A_85 = arith.constant 0 : i32
    %dma_start3A_86 = tpu.memref_slice %arg14[%dma_start3A_85] : memref<10240xf32, #tpu.memory_space<vmem_shared>> -> memref<10240xf32, #tpu.memory_space<vmem_shared>>
    tpu.enqueue_indirect_dma source(%dma_start3A_86 : memref<10240xf32, #tpu.memory_space<vmem_shared>>) target(%dma_start3A_81 : memref<96xf32, #tpu.memory_space<vmem>>) offsets(%dma_start3A_84 : memref<96xi32, #tpu.memory_space<vmem>>) semaphore(%arg23 : memref<!tpu.dma_semaphore, #tpu.memory_space<semaphore_mem>>)
    %scan3A = arith.constant 0 : i32
    %scan3A_87 = arith.constant 0 : i32
    %scan3A_88 = arith.constant 36 : i32
    %scan3A_89 = arith.addi %scan3A_87, %scan3A_88 : i32
    %scan3A_90 = arith.constant 1 : i32
    scf.for %scan3A_159 = %scan3A_87 to %scan3A_89 step %scan3A_90  : i32 {
      %mul3A_160 = arith.constant 3 : i32
      %mul3A_161 = arith.muli %mul3A_160, %scan3A_159 : i32
      %add3A_162 = arith.constant 1 : i32
      %add3A_163 = arith.addi %mul3A_161, %add3A_162 : i32
      %lt3A = arith.constant 108 : i32
      %lt3A_164 = arith.cmpi slt, %add3A_163, %lt3A : i32
      %convert_element_type3A = arith.extui %lt3A_164 : i1 to i32
      %cond3A = arith.constant 0 : i32
      %cond3A_165 = arith.cmpi ne, %convert_element_type3A, %cond3A : i32
      scf.if %cond3A_165 {
        %dma_wait3A_365 = arith.constant 1 : i32
        %dma_wait3A_366 = arith.constant 0 : i32
        %dma_wait3A_367 = tpu.memref_slice %arg10[%dma_wait3A_365, %dma_wait3A_366] : memref<3x96xi32, #tpu.memory_space<vmem>> -> memref<1x96xi32, #tpu.memory_space<vmem>>
        %dma_wait3A_368 = tpu.memref_squeeze %dma_wait3A_367 : memref<1x96xi32, #tpu.memory_space<vmem>> -> memref<96xi32, #tpu.memory_space<vmem>>
        %dma_wait3A_369 = arith.constant 0 : i32
        %dma_wait3A_370 = tpu.memref_slice %arg3[%dma_wait3A_369] : memref<331776xi32, #tpu.memory_space<hbm>> -> memref<96xi32, #tpu.memory_space<hbm>>
        %dma_wait3A_371 = arith.constant 0 : i32
        %dma_wait3A_372 = tpu.memref_slice %arg10[%dma_wait3A_365, %dma_wait3A_371] : memref<3x96xi32, #tpu.memory_space<vmem>> -> memref<1x96xi32, #tpu.memory_space<vmem>>
        %dma_wait3A_373 = tpu.memref_squeeze %dma_wait3A_372 : memref<1x96xi32, #tpu.memory_space<vmem>> -> memref<96xi32, #tpu.memory_space<vmem>>
        %dma_wait3A_374 = arith.constant 0 : i32
        %dma_wait3A_375 = tpu.memref_slice %arg3[%dma_wait3A_374] : memref<331776xi32, #tpu.memory_space<hbm>> -> memref<96xi32, #tpu.memory_space<hbm>>
        tpu.wait_dma2 semaphore(%arg18 : memref<!tpu.dma_semaphore, #tpu.memory_space<semaphore_mem>>) src(%dma_wait3A_375 : memref<96xi32, #tpu.memory_space<hbm>>) dst(%dma_wait3A_373 : memref<96xi32, #tpu.memory_space<vmem>>)
        %dma_wait3A_376 = arith.constant 1 : i32
        %dma_wait3A_377 = arith.constant 0 : i32
        %dma_wait3A_378 = tpu.memref_slice %arg11[%dma_wait3A_376, %dma_wait3A_377] : memref<3x96xi32, #tpu.memory_space<vmem>> -> memref<1x96xi32, #tpu.memory_space<vmem>>
        %dma_wait3A_379 = tpu.memref_squeeze %dma_wait3A_378 : memref<1x96xi32, #tpu.memory_space<vmem>> -> memref<96xi32, #tpu.memory_space<vmem>>
        %dma_wait3A_380 = arith.constant 0 : i32
        %dma_wait3A_381 = tpu.memref_slice %arg4[%dma_wait3A_380] : memref<331776xi32, #tpu.memory_space<hbm>> -> memref<96xi32, #tpu.memory_space<hbm>>
        %dma_wait3A_382 = arith.constant 0 : i32
        %dma_wait3A_383 = tpu.memref_slice %arg11[%dma_wait3A_376, %dma_wait3A_382] : memref<3x96xi32, #tpu.memory_space<vmem>> -> memref<1x96xi32, #tpu.memory_space<vmem>>
        %dma_wait3A_384 = tpu.memref_squeeze %dma_wait3A_383 : memref<1x96xi32, #tpu.memory_space<vmem>> -> memref<96xi32, #tpu.memory_space<vmem>>
        %dma_wait3A_385 = arith.constant 0 : i32
        %dma_wait3A_386 = tpu.memref_slice %arg4[%dma_wait3A_385] : memref<331776xi32, #tpu.memory_space<hbm>> -> memref<96xi32, #tpu.memory_space<hbm>>
        tpu.wait_dma2 semaphore(%arg18 : memref<!tpu.dma_semaphore, #tpu.memory_space<semaphore_mem>>) src(%dma_wait3A_386 : memref<96xi32, #tpu.memory_space<hbm>>) dst(%dma_wait3A_384 : memref<96xi32, #tpu.memory_space<vmem>>)
        %dma_start3A_387 = arith.constant 1 : i32
        %dma_start3A_388 = arith.constant 1 : i32
        %dma_start3A_389 = arith.constant 0 : i32
        %dma_start3A_390 = arith.constant 0 : i32
        %dma_start3A_391 = tpu.memref_slice %arg12[%dma_start3A_388, %dma_start3A_389, %dma_start3A_390] : memref<3x96x128xf32, #tpu.memory_space<vmem>> -> memref<1x96x128xf32, #tpu.memory_space<vmem>>
        %dma_start3A_392 = tpu.memref_squeeze %dma_start3A_391 : memref<1x96x128xf32, #tpu.memory_space<vmem>> -> memref<96x128xf32, #tpu.memory_space<vmem>>
        %dma_start3A_393 = arith.constant 0 : i32
        %dma_start3A_394 = tpu.memref_slice %arg10[%dma_start3A_387, %dma_start3A_393] : memref<3x96xi32, #tpu.memory_space<vmem>> -> memref<1x96xi32, #tpu.memory_space<vmem>>
        %dma_start3A_395 = tpu.memref_squeeze %dma_start3A_394 : memref<1x96xi32, #tpu.memory_space<vmem>> -> memref<96xi32, #tpu.memory_space<vmem>>
        %dma_start3A_396 = arith.constant 0 : i32
        %dma_start3A_397 = arith.constant 0 : i32
        %dma_start3A_398 = tpu.memref_slice %arg2[%dma_start3A_396, %dma_start3A_397] : memref<10240x128xf32, #tpu.memory_space<hbm>> -> memref<10240x128xf32, #tpu.memory_space<hbm>>
        tpu.enqueue_indirect_dma source(%dma_start3A_398 : memref<10240x128xf32, #tpu.memory_space<hbm>>) target(%dma_start3A_392 : memref<96x128xf32, #tpu.memory_space<vmem>>) offsets(%dma_start3A_395 : memref<96xi32, #tpu.memory_space<vmem>>) semaphore(%arg21 : memref<!tpu.dma_semaphore, #tpu.memory_space<semaphore_mem>>)
        %dma_start3A_399 = arith.constant 1 : i32
        %dma_start3A_400 = arith.constant 1 : i32
        %dma_start3A_401 = arith.constant 0 : i32
        %dma_start3A_402 = tpu.memref_slice %arg13[%dma_start3A_400, %dma_start3A_401] : memref<3x96xf32, #tpu.memory_space<vmem>> -> memref<1x96xf32, #tpu.memory_space<vmem>>
        %dma_start3A_403 = tpu.memref_squeeze %dma_start3A_402 : memref<1x96xf32, #tpu.memory_space<vmem>> -> memref<96xf32, #tpu.memory_space<vmem>>
        %dma_start3A_404 = arith.constant 0 : i32
        %dma_start3A_405 = tpu.memref_slice %arg10[%dma_start3A_399, %dma_start3A_404] : memref<3x96xi32, #tpu.memory_space<vmem>> -> memref<1x96xi32, #tpu.memory_space<vmem>>
        %dma_start3A_406 = tpu.memref_squeeze %dma_start3A_405 : memref<1x96xi32, #tpu.memory_space<vmem>> -> memref<96xi32, #tpu.memory_space<vmem>>
        %dma_start3A_407 = arith.constant 0 : i32
        %dma_start3A_408 = tpu.memref_slice %arg14[%dma_start3A_407] : memref<10240xf32, #tpu.memory_space<vmem_shared>> -> memref<10240xf32, #tpu.memory_space<vmem_shared>>
        tpu.enqueue_indirect_dma source(%dma_start3A_408 : memref<10240xf32, #tpu.memory_space<vmem_shared>>) target(%dma_start3A_403 : memref<96xf32, #tpu.memory_space<vmem>>) offsets(%dma_start3A_406 : memref<96xi32, #tpu.memory_space<vmem>>) semaphore(%arg24 : memref<!tpu.dma_semaphore, #tpu.memory_space<semaphore_mem>>)
      } else {
      }
      %dma_wait3A_166 = arith.constant 0 : i32
      %dma_wait3A_167 = arith.constant 0 : i32
      %dma_wait3A_168 = arith.constant 0 : i32
      %dma_wait3A_169 = arith.constant 0 : i32
      %dma_wait3A_170 = tpu.memref_slice %arg12[%dma_wait3A_167, %dma_wait3A_168, %dma_wait3A_169] : memref<3x96x128xf32, #tpu.memory_space<vmem>> -> memref<1x96x128xf32, #tpu.memory_space<vmem>>
      %dma_wait3A_171 = tpu.memref_squeeze %dma_wait3A_170 : memref<1x96x128xf32, #tpu.memory_space<vmem>> -> memref<96x128xf32, #tpu.memory_space<vmem>>
      %dma_wait3A_172 = arith.constant 0 : i32
      %dma_wait3A_173 = tpu.memref_slice %arg10[%dma_wait3A_166, %dma_wait3A_172] : memref<3x96xi32, #tpu.memory_space<vmem>> -> memref<1x96xi32, #tpu.memory_space<vmem>>
      %dma_wait3A_174 = tpu.memref_squeeze %dma_wait3A_173 : memref<1x96xi32, #tpu.memory_space<vmem>> -> memref<96xi32, #tpu.memory_space<vmem>>
      %dma_wait3A_175 = arith.constant 0 : i32
      %dma_wait3A_176 = arith.constant 0 : i32
      %dma_wait3A_177 = tpu.memref_slice %arg2[%dma_wait3A_175, %dma_wait3A_176] : memref<10240x128xf32, #tpu.memory_space<hbm>> -> memref<10240x128xf32, #tpu.memory_space<hbm>>
      tpu.wait_indirect_dma semaphore(%arg20 : memref<!tpu.dma_semaphore, #tpu.memory_space<semaphore_mem>>) src(%dma_wait3A_177 : memref<10240x128xf32, #tpu.memory_space<hbm>>) dst(%dma_wait3A_171 : memref<96x128xf32, #tpu.memory_space<vmem>>)
      %dma_wait3A_178 = arith.constant 0 : i32
      %dma_wait3A_179 = arith.constant 0 : i32
      %dma_wait3A_180 = arith.constant 0 : i32
      %dma_wait3A_181 = tpu.memref_slice %arg13[%dma_wait3A_179, %dma_wait3A_180] : memref<3x96xf32, #tpu.memory_space<vmem>> -> memref<1x96xf32, #tpu.memory_space<vmem>>
      %dma_wait3A_182 = tpu.memref_squeeze %dma_wait3A_181 : memref<1x96xf32, #tpu.memory_space<vmem>> -> memref<96xf32, #tpu.memory_space<vmem>>
      %dma_wait3A_183 = arith.constant 0 : i32
      %dma_wait3A_184 = tpu.memref_slice %arg10[%dma_wait3A_178, %dma_wait3A_183] : memref<3x96xi32, #tpu.memory_space<vmem>> -> memref<1x96xi32, #tpu.memory_space<vmem>>
      %dma_wait3A_185 = tpu.memref_squeeze %dma_wait3A_184 : memref<1x96xi32, #tpu.memory_space<vmem>> -> memref<96xi32, #tpu.memory_space<vmem>>
      %dma_wait3A_186 = arith.constant 0 : i32
      %dma_wait3A_187 = tpu.memref_slice %arg14[%dma_wait3A_186] : memref<10240xf32, #tpu.memory_space<vmem_shared>> -> memref<10240xf32, #tpu.memory_space<vmem_shared>>
      tpu.wait_indirect_dma semaphore(%arg23 : memref<!tpu.dma_semaphore, #tpu.memory_space<semaphore_mem>>) src(%dma_wait3A_187 : memref<10240xf32, #tpu.memory_space<vmem_shared>>) dst(%dma_wait3A_182 : memref<96xf32, #tpu.memory_space<vmem>>)
      %dma_start3A_188 = arith.constant 0 : i32
      %dma_start3A_189 = arith.constant 0 : i32
      %dma_start3A_190 = arith.constant 0 : i32
      %dma_start3A_191 = arith.constant 0 : i32
      %dma_start3A_192 = tpu.memref_slice %arg12[%dma_start3A_188, %dma_start3A_190, %dma_start3A_191] : memref<3x96x128xf32, #tpu.memory_space<vmem>> -> memref<1x96x128xf32, #tpu.memory_space<vmem>>
      %dma_start3A_193 = tpu.memref_squeeze %dma_start3A_192 : memref<1x96x128xf32, #tpu.memory_space<vmem>> -> memref<96x128xf32, #tpu.memory_space<vmem>>
      %dma_start3A_194 = arith.constant 0 : i32
      %dma_start3A_195 = tpu.memref_slice %arg11[%dma_start3A_189, %dma_start3A_194] : memref<3x96xi32, #tpu.memory_space<vmem>> -> memref<1x96xi32, #tpu.memory_space<vmem>>
      %dma_start3A_196 = tpu.memref_squeeze %dma_start3A_195 : memref<1x96xi32, #tpu.memory_space<vmem>> -> memref<96xi32, #tpu.memory_space<vmem>>
      %dma_start3A_197 = arith.constant 0 : i32
      %dma_start3A_198 = arith.constant 0 : i32
      %dma_start3A_199 = tpu.memref_slice %arg15[%dma_start3A_197, %dma_start3A_198] : memref<10240x128xf32, #tpu.memory_space<vmem_shared>> -> memref<10240x128xf32, #tpu.memory_space<vmem_shared>>
      tpu.enqueue_indirect_dma source(%dma_start3A_193 : memref<96x128xf32, #tpu.memory_space<vmem>>) target(%dma_start3A_199 : memref<10240x128xf32, #tpu.memory_space<vmem_shared>>) offsets(%dma_start3A_196 : memref<96xi32, #tpu.memory_space<vmem>>) semaphore(%arg26 : memref<!tpu.dma_semaphore, #tpu.memory_space<semaphore_mem>>) {add = true}
      %dma_start3A_200 = arith.constant 0 : i32
      %dma_start3A_201 = arith.constant 0 : i32
      %dma_start3A_202 = arith.constant 0 : i32
      %dma_start3A_203 = tpu.memref_slice %arg13[%dma_start3A_200, %dma_start3A_202] : memref<3x96xf32, #tpu.memory_space<vmem>> -> memref<1x96xf32, #tpu.memory_space<vmem>>
      %dma_start3A_204 = tpu.memref_squeeze %dma_start3A_203 : memref<1x96xf32, #tpu.memory_space<vmem>> -> memref<96xf32, #tpu.memory_space<vmem>>
      %dma_start3A_205 = arith.constant 0 : i32
      %dma_start3A_206 = tpu.memref_slice %arg11[%dma_start3A_201, %dma_start3A_205] : memref<3x96xi32, #tpu.memory_space<vmem>> -> memref<1x96xi32, #tpu.memory_space<vmem>>
      %dma_start3A_207 = tpu.memref_squeeze %dma_start3A_206 : memref<1x96xi32, #tpu.memory_space<vmem>> -> memref<96xi32, #tpu.memory_space<vmem>>
      %dma_start3A_208 = arith.constant 0 : i32
      %dma_start3A_209 = tpu.memref_slice %arg16[%dma_start3A_208] : memref<10240xf32, #tpu.memory_space<vmem_shared>> -> memref<10240xf32, #tpu.memory_space<vmem_shared>>
      tpu.enqueue_indirect_dma source(%dma_start3A_204 : memref<96xf32, #tpu.memory_space<vmem>>) target(%dma_start3A_209 : memref<10240xf32, #tpu.memory_space<vmem_shared>>) offsets(%dma_start3A_207 : memref<96xi32, #tpu.memory_space<vmem>>) semaphore(%arg26 : memref<!tpu.dma_semaphore, #tpu.memory_space<semaphore_mem>>) {add = true}
      %ge3A = arith.constant 1 : i32
      %ge3A_210 = arith.cmpi sge, %mul3A_161, %ge3A : i32
      %add3A_211 = arith.constant 2 : i32
      %add3A_212 = arith.addi %mul3A_161, %add3A_211 : i32
      %lt3A_213 = arith.constant 108 : i32
      %lt3A_214 = arith.cmpi slt, %add3A_212, %lt3A_213 : i32
      %and3A = arith.andi %ge3A_210, %lt3A_214 : i1
      %convert_element_type3A_215 = arith.extui %and3A : i1 to i32
      %cond3A_216 = arith.constant 0 : i32
      %cond3A_217 = arith.cmpi ne, %convert_element_type3A_215, %cond3A_216 : i32
      scf.if %cond3A_217 {
        %dma_wait3A_365 = arith.constant 2 : i32
        %dma_wait3A_366 = arith.constant 2 : i32
        %dma_wait3A_367 = arith.constant 0 : i32
        %dma_wait3A_368 = arith.constant 0 : i32
        %dma_wait3A_369 = tpu.memref_slice %arg12[%dma_wait3A_365, %dma_wait3A_367, %dma_wait3A_368] : memref<3x96x128xf32, #tpu.memory_space<vmem>> -> memref<1x96x128xf32, #tpu.memory_space<vmem>>
        %dma_wait3A_370 = tpu.memref_squeeze %dma_wait3A_369 : memref<1x96x128xf32, #tpu.memory_space<vmem>> -> memref<96x128xf32, #tpu.memory_space<vmem>>
        %dma_wait3A_371 = arith.constant 0 : i32
        %dma_wait3A_372 = tpu.memref_slice %arg11[%dma_wait3A_366, %dma_wait3A_371] : memref<3x96xi32, #tpu.memory_space<vmem>> -> memref<1x96xi32, #tpu.memory_space<vmem>>
        %dma_wait3A_373 = tpu.memref_squeeze %dma_wait3A_372 : memref<1x96xi32, #tpu.memory_space<vmem>> -> memref<96xi32, #tpu.memory_space<vmem>>
        %dma_wait3A_374 = arith.constant 0 : i32
        %dma_wait3A_375 = arith.constant 0 : i32
        %dma_wait3A_376 = tpu.memref_slice %arg15[%dma_wait3A_374, %dma_wait3A_375] : memref<10240x128xf32, #tpu.memory_space<vmem_shared>> -> memref<10240x128xf32, #tpu.memory_space<vmem_shared>>
        tpu.wait_indirect_dma semaphore(%arg28 : memref<!tpu.dma_semaphore, #tpu.memory_space<semaphore_mem>>) src(%dma_wait3A_370 : memref<96x128xf32, #tpu.memory_space<vmem>>) dst(%dma_wait3A_376 : memref<10240x128xf32, #tpu.memory_space<vmem_shared>>)
        %dma_wait3A_377 = arith.constant 2 : i32
        %dma_wait3A_378 = arith.constant 2 : i32
        %dma_wait3A_379 = arith.constant 0 : i32
        %dma_wait3A_380 = tpu.memref_slice %arg13[%dma_wait3A_377, %dma_wait3A_379] : memref<3x96xf32, #tpu.memory_space<vmem>> -> memref<1x96xf32, #tpu.memory_space<vmem>>
        %dma_wait3A_381 = tpu.memref_squeeze %dma_wait3A_380 : memref<1x96xf32, #tpu.memory_space<vmem>> -> memref<96xf32, #tpu.memory_space<vmem>>
        %dma_wait3A_382 = arith.constant 0 : i32
        %dma_wait3A_383 = tpu.memref_slice %arg11[%dma_wait3A_378, %dma_wait3A_382] : memref<3x96xi32, #tpu.memory_space<vmem>> -> memref<1x96xi32, #tpu.memory_space<vmem>>
        %dma_wait3A_384 = tpu.memref_squeeze %dma_wait3A_383 : memref<1x96xi32, #tpu.memory_space<vmem>> -> memref<96xi32, #tpu.memory_space<vmem>>
        %dma_wait3A_385 = arith.constant 0 : i32
        %dma_wait3A_386 = tpu.memref_slice %arg16[%dma_wait3A_385] : memref<10240xf32, #tpu.memory_space<vmem_shared>> -> memref<10240xf32, #tpu.memory_space<vmem_shared>>
        tpu.wait_indirect_dma semaphore(%arg28 : memref<!tpu.dma_semaphore, #tpu.memory_space<semaphore_mem>>) src(%dma_wait3A_381 : memref<96xf32, #tpu.memory_space<vmem>>) dst(%dma_wait3A_386 : memref<10240xf32, #tpu.memory_space<vmem_shared>>)
      } else {
      }
      %add3A_218 = arith.constant 2 : i32
      %add3A_219 = arith.addi %mul3A_161, %add3A_218 : i32
      %lt3A_220 = arith.constant 108 : i32
      %lt3A_221 = arith.cmpi slt, %add3A_219, %lt3A_220 : i32
      %convert_element_type3A_222 = arith.extui %lt3A_221 : i1 to i32
      %cond3A_223 = arith.constant 0 : i32
      %cond3A_224 = arith.cmpi ne, %convert_element_type3A_222, %cond3A_223 : i32
      scf.if %cond3A_224 {
        %add3A_365 = arith.constant 2 : i32
        %add3A_366 = arith.addi %mul3A_161, %add3A_365 : i32
        %mul3A_367 = arith.constant 96 : i32
        %mul3A_368 = arith.muli %add3A_366, %mul3A_367 : i32
        %add3A_369 = arith.addi %mul3A_4, %mul3A_368 : i32
        %dma_start3A_370 = arith.constant 2 : i32
        %dma_start3A_371 = arith.constant 0 : i32
        %dma_start3A_372 = tpu.memref_slice %arg10[%dma_start3A_370, %dma_start3A_371] : memref<3x96xi32, #tpu.memory_space<vmem>> -> memref<1x96xi32, #tpu.memory_space<vmem>>
        %dma_start3A_373 = tpu.memref_squeeze %dma_start3A_372 : memref<1x96xi32, #tpu.memory_space<vmem>> -> memref<96xi32, #tpu.memory_space<vmem>>
        %dma_start3A_374 = tpu.memref_slice %arg3[%add3A_369] : memref<331776xi32, #tpu.memory_space<hbm>> -> memref<96xi32, #tpu.memory_space<hbm>>
        %dma_start3A_375 = arith.constant 0 : i32
        %dma_start3A_376 = tpu.memref_slice %arg10[%dma_start3A_370, %dma_start3A_375] : memref<3x96xi32, #tpu.memory_space<vmem>> -> memref<1x96xi32, #tpu.memory_space<vmem>>
        %dma_start3A_377 = tpu.memref_squeeze %dma_start3A_376 : memref<1x96xi32, #tpu.memory_space<vmem>> -> memref<96xi32, #tpu.memory_space<vmem>>
        %dma_start3A_378 = tpu.memref_slice %arg3[%add3A_369] : memref<331776xi32, #tpu.memory_space<hbm>> -> memref<96xi32, #tpu.memory_space<hbm>>
        tpu.enqueue_dma source(%dma_start3A_378 : memref<96xi32, #tpu.memory_space<hbm>>) target(%dma_start3A_377 : memref<96xi32, #tpu.memory_space<vmem>>) target_semaphore(%arg19 : memref<!tpu.dma_semaphore, #tpu.memory_space<semaphore_mem>>)
        %dma_start3A_379 = arith.constant 2 : i32
        %dma_start3A_380 = arith.constant 0 : i32
        %dma_start3A_381 = tpu.memref_slice %arg11[%dma_start3A_379, %dma_start3A_380] : memref<3x96xi32, #tpu.memory_space<vmem>> -> memref<1x96xi32, #tpu.memory_space<vmem>>
        %dma_start3A_382 = tpu.memref_squeeze %dma_start3A_381 : memref<1x96xi32, #tpu.memory_space<vmem>> -> memref<96xi32, #tpu.memory_space<vmem>>
        %dma_start3A_383 = tpu.memref_slice %arg4[%add3A_369] : memref<331776xi32, #tpu.memory_space<hbm>> -> memref<96xi32, #tpu.memory_space<hbm>>
        %dma_start3A_384 = arith.constant 0 : i32
        %dma_start3A_385 = tpu.memref_slice %arg11[%dma_start3A_379, %dma_start3A_384] : memref<3x96xi32, #tpu.memory_space<vmem>> -> memref<1x96xi32, #tpu.memory_space<vmem>>
        %dma_start3A_386 = tpu.memref_squeeze %dma_start3A_385 : memref<1x96xi32, #tpu.memory_space<vmem>> -> memref<96xi32, #tpu.memory_space<vmem>>
        %dma_start3A_387 = tpu.memref_slice %arg4[%add3A_369] : memref<331776xi32, #tpu.memory_space<hbm>> -> memref<96xi32, #tpu.memory_space<hbm>>
        tpu.enqueue_dma source(%dma_start3A_387 : memref<96xi32, #tpu.memory_space<hbm>>) target(%dma_start3A_386 : memref<96xi32, #tpu.memory_space<vmem>>) target_semaphore(%arg19 : memref<!tpu.dma_semaphore, #tpu.memory_space<semaphore_mem>>)
      } else {
      }
      %add3A_225 = arith.constant 1 : i32
      %add3A_226 = arith.addi %mul3A_161, %add3A_225 : i32
      %add3A_227 = arith.constant 1 : i32
      %add3A_228 = arith.addi %add3A_226, %add3A_227 : i32
      %lt3A_229 = arith.constant 108 : i32
      %lt3A_230 = arith.cmpi slt, %add3A_228, %lt3A_229 : i32
      %convert_element_type3A_231 = arith.extui %lt3A_230 : i1 to i32
      %cond3A_232 = arith.constant 0 : i32
      %cond3A_233 = arith.cmpi ne, %convert_element_type3A_231, %cond3A_232 : i32
      scf.if %cond3A_233 {
        %dma_wait3A_365 = arith.constant 2 : i32
        %dma_wait3A_366 = arith.constant 0 : i32
        %dma_wait3A_367 = tpu.memref_slice %arg10[%dma_wait3A_365, %dma_wait3A_366] : memref<3x96xi32, #tpu.memory_space<vmem>> -> memref<1x96xi32, #tpu.memory_space<vmem>>
        %dma_wait3A_368 = tpu.memref_squeeze %dma_wait3A_367 : memref<1x96xi32, #tpu.memory_space<vmem>> -> memref<96xi32, #tpu.memory_space<vmem>>
        %dma_wait3A_369 = arith.constant 0 : i32
        %dma_wait3A_370 = tpu.memref_slice %arg3[%dma_wait3A_369] : memref<331776xi32, #tpu.memory_space<hbm>> -> memref<96xi32, #tpu.memory_space<hbm>>
        %dma_wait3A_371 = arith.constant 0 : i32
        %dma_wait3A_372 = tpu.memref_slice %arg10[%dma_wait3A_365, %dma_wait3A_371] : memref<3x96xi32, #tpu.memory_space<vmem>> -> memref<1x96xi32, #tpu.memory_space<vmem>>
        %dma_wait3A_373 = tpu.memref_squeeze %dma_wait3A_372 : memref<1x96xi32, #tpu.memory_space<vmem>> -> memref<96xi32, #tpu.memory_space<vmem>>
        %dma_wait3A_374 = arith.constant 0 : i32
        %dma_wait3A_375 = tpu.memref_slice %arg3[%dma_wait3A_374] : memref<331776xi32, #tpu.memory_space<hbm>> -> memref<96xi32, #tpu.memory_space<hbm>>
        tpu.wait_dma2 semaphore(%arg19 : memref<!tpu.dma_semaphore, #tpu.memory_space<semaphore_mem>>) src(%dma_wait3A_375 : memref<96xi32, #tpu.memory_space<hbm>>) dst(%dma_wait3A_373 : memref<96xi32, #tpu.memory_space<vmem>>)
        %dma_wait3A_376 = arith.constant 2 : i32
        %dma_wait3A_377 = arith.constant 0 : i32
        %dma_wait3A_378 = tpu.memref_slice %arg11[%dma_wait3A_376, %dma_wait3A_377] : memref<3x96xi32, #tpu.memory_space<vmem>> -> memref<1x96xi32, #tpu.memory_space<vmem>>
        %dma_wait3A_379 = tpu.memref_squeeze %dma_wait3A_378 : memref<1x96xi32, #tpu.memory_space<vmem>> -> memref<96xi32, #tpu.memory_space<vmem>>
        %dma_wait3A_380 = arith.constant 0 : i32
        %dma_wait3A_381 = tpu.memref_slice %arg4[%dma_wait3A_380] : memref<331776xi32, #tpu.memory_space<hbm>> -> memref<96xi32, #tpu.memory_space<hbm>>
        %dma_wait3A_382 = arith.constant 0 : i32
        %dma_wait3A_383 = tpu.memref_slice %arg11[%dma_wait3A_376, %dma_wait3A_382] : memref<3x96xi32, #tpu.memory_space<vmem>> -> memref<1x96xi32, #tpu.memory_space<vmem>>
        %dma_wait3A_384 = tpu.memref_squeeze %dma_wait3A_383 : memref<1x96xi32, #tpu.memory_space<vmem>> -> memref<96xi32, #tpu.memory_space<vmem>>
        %dma_wait3A_385 = arith.constant 0 : i32
        %dma_wait3A_386 = tpu.memref_slice %arg4[%dma_wait3A_385] : memref<331776xi32, #tpu.memory_space<hbm>> -> memref<96xi32, #tpu.memory_space<hbm>>
        tpu.wait_dma2 semaphore(%arg19 : memref<!tpu.dma_semaphore, #tpu.memory_space<semaphore_mem>>) src(%dma_wait3A_386 : memref<96xi32, #tpu.memory_space<hbm>>) dst(%dma_wait3A_384 : memref<96xi32, #tpu.memory_space<vmem>>)
        %dma_start3A_387 = arith.constant 2 : i32
        %dma_start3A_388 = arith.constant 2 : i32
        %dma_start3A_389 = arith.constant 0 : i32
        %dma_start3A_390 = arith.constant 0 : i32
        %dma_start3A_391 = tpu.memref_slice %arg12[%dma_start3A_388, %dma_start3A_389, %dma_start3A_390] : memref<3x96x128xf32, #tpu.memory_space<vmem>> -> memref<1x96x128xf32, #tpu.memory_space<vmem>>
        %dma_start3A_392 = tpu.memref_squeeze %dma_start3A_391 : memref<1x96x128xf32, #tpu.memory_space<vmem>> -> memref<96x128xf32, #tpu.memory_space<vmem>>
        %dma_start3A_393 = arith.constant 0 : i32
        %dma_start3A_394 = tpu.memref_slice %arg10[%dma_start3A_387, %dma_start3A_393] : memref<3x96xi32, #tpu.memory_space<vmem>> -> memref<1x96xi32, #tpu.memory_space<vmem>>
        %dma_start3A_395 = tpu.memref_squeeze %dma_start3A_394 : memref<1x96xi32, #tpu.memory_space<vmem>> -> memref<96xi32, #tpu.memory_space<vmem>>
        %dma_start3A_396 = arith.constant 0 : i32
        %dma_start3A_397 = arith.constant 0 : i32
        %dma_start3A_398 = tpu.memref_slice %arg2[%dma_start3A_396, %dma_start3A_397] : memref<10240x128xf32, #tpu.memory_space<hbm>> -> memref<10240x128xf32, #tpu.memory_space<hbm>>
        tpu.enqueue_indirect_dma source(%dma_start3A_398 : memref<10240x128xf32, #tpu.memory_space<hbm>>) target(%dma_start3A_392 : memref<96x128xf32, #tpu.memory_space<vmem>>) offsets(%dma_start3A_395 : memref<96xi32, #tpu.memory_space<vmem>>) semaphore(%arg22 : memref<!tpu.dma_semaphore, #tpu.memory_space<semaphore_mem>>)
        %dma_start3A_399 = arith.constant 2 : i32
        %dma_start3A_400 = arith.constant 2 : i32
        %dma_start3A_401 = arith.constant 0 : i32
        %dma_start3A_402 = tpu.memref_slice %arg13[%dma_start3A_400, %dma_start3A_401] : memref<3x96xf32, #tpu.memory_space<vmem>> -> memref<1x96xf32, #tpu.memory_space<vmem>>
        %dma_start3A_403 = tpu.memref_squeeze %dma_start3A_402 : memref<1x96xf32, #tpu.memory_space<vmem>> -> memref<96xf32, #tpu.memory_space<vmem>>
        %dma_start3A_404 = arith.constant 0 : i32
        %dma_start3A_405 = tpu.memref_slice %arg10[%dma_start3A_399, %dma_start3A_404] : memref<3x96xi32, #tpu.memory_space<vmem>> -> memref<1x96xi32, #tpu.memory_space<vmem>>
        %dma_start3A_406 = tpu.memref_squeeze %dma_start3A_405 : memref<1x96xi32, #tpu.memory_space<vmem>> -> memref<96xi32, #tpu.memory_space<vmem>>
        %dma_start3A_407 = arith.constant 0 : i32
        %dma_start3A_408 = tpu.memref_slice %arg14[%dma_start3A_407] : memref<10240xf32, #tpu.memory_space<vmem_shared>> -> memref<10240xf32, #tpu.memory_space<vmem_shared>>
        tpu.enqueue_indirect_dma source(%dma_start3A_408 : memref<10240xf32, #tpu.memory_space<vmem_shared>>) target(%dma_start3A_403 : memref<96xf32, #tpu.memory_space<vmem>>) offsets(%dma_start3A_406 : memref<96xi32, #tpu.memory_space<vmem>>) semaphore(%arg25 : memref<!tpu.dma_semaphore, #tpu.memory_space<semaphore_mem>>)
      } else {
      }
      %dma_wait3A_234 = arith.constant 1 : i32
      %dma_wait3A_235 = arith.constant 1 : i32
      %dma_wait3A_236 = arith.constant 0 : i32
      %dma_wait3A_237 = arith.constant 0 : i32
      %dma_wait3A_238 = tpu.memref_slice %arg12[%dma_wait3A_235, %dma_wait3A_236, %dma_wait3A_237] : memref<3x96x128xf32, #tpu.memory_space<vmem>> -> memref<1x96x128xf32, #tpu.memory_space<vmem>>
      %dma_wait3A_239 = tpu.memref_squeeze %dma_wait3A_238 : memref<1x96x128xf32, #tpu.memory_space<vmem>> -> memref<96x128xf32, #tpu.memory_space<vmem>>
      %dma_wait3A_240 = arith.constant 0 : i32
      %dma_wait3A_241 = tpu.memref_slice %arg10[%dma_wait3A_234, %dma_wait3A_240] : memref<3x96xi32, #tpu.memory_space<vmem>> -> memref<1x96xi32, #tpu.memory_space<vmem>>
      %dma_wait3A_242 = tpu.memref_squeeze %dma_wait3A_241 : memref<1x96xi32, #tpu.memory_space<vmem>> -> memref<96xi32, #tpu.memory_space<vmem>>
      %dma_wait3A_243 = arith.constant 0 : i32
      %dma_wait3A_244 = arith.constant 0 : i32
      %dma_wait3A_245 = tpu.memref_slice %arg2[%dma_wait3A_243, %dma_wait3A_244] : memref<10240x128xf32, #tpu.memory_space<hbm>> -> memref<10240x128xf32, #tpu.memory_space<hbm>>
      tpu.wait_indirect_dma semaphore(%arg21 : memref<!tpu.dma_semaphore, #tpu.memory_space<semaphore_mem>>) src(%dma_wait3A_245 : memref<10240x128xf32, #tpu.memory_space<hbm>>) dst(%dma_wait3A_239 : memref<96x128xf32, #tpu.memory_space<vmem>>)
      %dma_wait3A_246 = arith.constant 1 : i32
      %dma_wait3A_247 = arith.constant 1 : i32
      %dma_wait3A_248 = arith.constant 0 : i32
      %dma_wait3A_249 = tpu.memref_slice %arg13[%dma_wait3A_247, %dma_wait3A_248] : memref<3x96xf32, #tpu.memory_space<vmem>> -> memref<1x96xf32, #tpu.memory_space<vmem>>
      %dma_wait3A_250 = tpu.memref_squeeze %dma_wait3A_249 : memref<1x96xf32, #tpu.memory_space<vmem>> -> memref<96xf32, #tpu.memory_space<vmem>>
      %dma_wait3A_251 = arith.constant 0 : i32
      %dma_wait3A_252 = tpu.memref_slice %arg10[%dma_wait3A_246, %dma_wait3A_251] : memref<3x96xi32, #tpu.memory_space<vmem>> -> memref<1x96xi32, #tpu.memory_space<vmem>>
      %dma_wait3A_253 = tpu.memref_squeeze %dma_wait3A_252 : memref<1x96xi32, #tpu.memory_space<vmem>> -> memref<96xi32, #tpu.memory_space<vmem>>
      %dma_wait3A_254 = arith.constant 0 : i32
      %dma_wait3A_255 = tpu.memref_slice %arg14[%dma_wait3A_254] : memref<10240xf32, #tpu.memory_space<vmem_shared>> -> memref<10240xf32, #tpu.memory_space<vmem_shared>>
      tpu.wait_indirect_dma semaphore(%arg24 : memref<!tpu.dma_semaphore, #tpu.memory_space<semaphore_mem>>) src(%dma_wait3A_255 : memref<10240xf32, #tpu.memory_space<vmem_shared>>) dst(%dma_wait3A_250 : memref<96xf32, #tpu.memory_space<vmem>>)
      %dma_start3A_256 = arith.constant 1 : i32
      %dma_start3A_257 = arith.constant 1 : i32
      %dma_start3A_258 = arith.constant 0 : i32
      %dma_start3A_259 = arith.constant 0 : i32
      %dma_start3A_260 = tpu.memref_slice %arg12[%dma_start3A_256, %dma_start3A_258, %dma_start3A_259] : memref<3x96x128xf32, #tpu.memory_space<vmem>> -> memref<1x96x128xf32, #tpu.memory_space<vmem>>
      %dma_start3A_261 = tpu.memref_squeeze %dma_start3A_260 : memref<1x96x128xf32, #tpu.memory_space<vmem>> -> memref<96x128xf32, #tpu.memory_space<vmem>>
      %dma_start3A_262 = arith.constant 0 : i32
      %dma_start3A_263 = tpu.memref_slice %arg11[%dma_start3A_257, %dma_start3A_262] : memref<3x96xi32, #tpu.memory_space<vmem>> -> memref<1x96xi32, #tpu.memory_space<vmem>>
      %dma_start3A_264 = tpu.memref_squeeze %dma_start3A_263 : memref<1x96xi32, #tpu.memory_space<vmem>> -> memref<96xi32, #tpu.memory_space<vmem>>
      %dma_start3A_265 = arith.constant 0 : i32
      %dma_start3A_266 = arith.constant 0 : i32
      %dma_start3A_267 = tpu.memref_slice %arg15[%dma_start3A_265, %dma_start3A_266] : memref<10240x128xf32, #tpu.memory_space<vmem_shared>> -> memref<10240x128xf32, #tpu.memory_space<vmem_shared>>
      tpu.enqueue_indirect_dma source(%dma_start3A_261 : memref<96x128xf32, #tpu.memory_space<vmem>>) target(%dma_start3A_267 : memref<10240x128xf32, #tpu.memory_space<vmem_shared>>) offsets(%dma_start3A_264 : memref<96xi32, #tpu.memory_space<vmem>>) semaphore(%arg27 : memref<!tpu.dma_semaphore, #tpu.memory_space<semaphore_mem>>) {add = true}
      %dma_start3A_268 = arith.constant 1 : i32
      %dma_start3A_269 = arith.constant 1 : i32
      %dma_start3A_270 = arith.constant 0 : i32
      %dma_start3A_271 = tpu.memref_slice %arg13[%dma_start3A_268, %dma_start3A_270] : memref<3x96xf32, #tpu.memory_space<vmem>> -> memref<1x96xf32, #tpu.memory_space<vmem>>
      %dma_start3A_272 = tpu.memref_squeeze %dma_start3A_271 : memref<1x96xf32, #tpu.memory_space<vmem>> -> memref<96xf32, #tpu.memory_space<vmem>>
      %dma_start3A_273 = arith.constant 0 : i32
      %dma_start3A_274 = tpu.memref_slice %arg11[%dma_start3A_269, %dma_start3A_273] : memref<3x96xi32, #tpu.memory_space<vmem>> -> memref<1x96xi32, #tpu.memory_space<vmem>>
      %dma_start3A_275 = tpu.memref_squeeze %dma_start3A_274 : memref<1x96xi32, #tpu.memory_space<vmem>> -> memref<96xi32, #tpu.memory_space<vmem>>
      %dma_start3A_276 = arith.constant 0 : i32
      %dma_start3A_277 = tpu.memref_slice %arg16[%dma_start3A_276] : memref<10240xf32, #tpu.memory_space<vmem_shared>> -> memref<10240xf32, #tpu.memory_space<vmem_shared>>
      tpu.enqueue_indirect_dma source(%dma_start3A_272 : memref<96xf32, #tpu.memory_space<vmem>>) target(%dma_start3A_277 : memref<10240xf32, #tpu.memory_space<vmem_shared>>) offsets(%dma_start3A_275 : memref<96xi32, #tpu.memory_space<vmem>>) semaphore(%arg27 : memref<!tpu.dma_semaphore, #tpu.memory_space<semaphore_mem>>) {add = true}
      %ge3A_278 = arith.constant 1 : i32
      %ge3A_279 = arith.cmpi sge, %add3A_226, %ge3A_278 : i32
      %add3A_280 = arith.constant 2 : i32
      %add3A_281 = arith.addi %add3A_226, %add3A_280 : i32
      %lt3A_282 = arith.constant 108 : i32
      %lt3A_283 = arith.cmpi slt, %add3A_281, %lt3A_282 : i32
      %and3A_284 = arith.andi %ge3A_279, %lt3A_283 : i1
      %convert_element_type3A_285 = arith.extui %and3A_284 : i1 to i32
      %cond3A_286 = arith.constant 0 : i32
      %cond3A_287 = arith.cmpi ne, %convert_element_type3A_285, %cond3A_286 : i32
      scf.if %cond3A_287 {
        %dma_wait3A_365 = arith.constant 0 : i32
        %dma_wait3A_366 = arith.constant 0 : i32
        %dma_wait3A_367 = arith.constant 0 : i32
        %dma_wait3A_368 = arith.constant 0 : i32
        %dma_wait3A_369 = tpu.memref_slice %arg12[%dma_wait3A_365, %dma_wait3A_367, %dma_wait3A_368] : memref<3x96x128xf32, #tpu.memory_space<vmem>> -> memref<1x96x128xf32, #tpu.memory_space<vmem>>
        %dma_wait3A_370 = tpu.memref_squeeze %dma_wait3A_369 : memref<1x96x128xf32, #tpu.memory_space<vmem>> -> memref<96x128xf32, #tpu.memory_space<vmem>>
        %dma_wait3A_371 = arith.constant 0 : i32
        %dma_wait3A_372 = tpu.memref_slice %arg11[%dma_wait3A_366, %dma_wait3A_371] : memref<3x96xi32, #tpu.memory_space<vmem>> -> memref<1x96xi32, #tpu.memory_space<vmem>>
        %dma_wait3A_373 = tpu.memref_squeeze %dma_wait3A_372 : memref<1x96xi32, #tpu.memory_space<vmem>> -> memref<96xi32, #tpu.memory_space<vmem>>
        %dma_wait3A_374 = arith.constant 0 : i32
        %dma_wait3A_375 = arith.constant 0 : i32
        %dma_wait3A_376 = tpu.memref_slice %arg15[%dma_wait3A_374, %dma_wait3A_375] : memref<10240x128xf32, #tpu.memory_space<vmem_shared>> -> memref<10240x128xf32, #tpu.memory_space<vmem_shared>>
        tpu.wait_indirect_dma semaphore(%arg26 : memref<!tpu.dma_semaphore, #tpu.memory_space<semaphore_mem>>) src(%dma_wait3A_370 : memref<96x128xf32, #tpu.memory_space<vmem>>) dst(%dma_wait3A_376 : memref<10240x128xf32, #tpu.memory_space<vmem_shared>>)
        %dma_wait3A_377 = arith.constant 0 : i32
        %dma_wait3A_378 = arith.constant 0 : i32
        %dma_wait3A_379 = arith.constant 0 : i32
        %dma_wait3A_380 = tpu.memref_slice %arg13[%dma_wait3A_377, %dma_wait3A_379] : memref<3x96xf32, #tpu.memory_space<vmem>> -> memref<1x96xf32, #tpu.memory_space<vmem>>
        %dma_wait3A_381 = tpu.memref_squeeze %dma_wait3A_380 : memref<1x96xf32, #tpu.memory_space<vmem>> -> memref<96xf32, #tpu.memory_space<vmem>>
        %dma_wait3A_382 = arith.constant 0 : i32
        %dma_wait3A_383 = tpu.memref_slice %arg11[%dma_wait3A_378, %dma_wait3A_382] : memref<3x96xi32, #tpu.memory_space<vmem>> -> memref<1x96xi32, #tpu.memory_space<vmem>>
        %dma_wait3A_384 = tpu.memref_squeeze %dma_wait3A_383 : memref<1x96xi32, #tpu.memory_space<vmem>> -> memref<96xi32, #tpu.memory_space<vmem>>
        %dma_wait3A_385 = arith.constant 0 : i32
        %dma_wait3A_386 = tpu.memref_slice %arg16[%dma_wait3A_385] : memref<10240xf32, #tpu.memory_space<vmem_shared>> -> memref<10240xf32, #tpu.memory_space<vmem_shared>>
        tpu.wait_indirect_dma semaphore(%arg26 : memref<!tpu.dma_semaphore, #tpu.memory_space<semaphore_mem>>) src(%dma_wait3A_381 : memref<96xf32, #tpu.memory_space<vmem>>) dst(%dma_wait3A_386 : memref<10240xf32, #tpu.memory_space<vmem_shared>>)
      } else {
      }
      %add3A_288 = arith.constant 2 : i32
      %add3A_289 = arith.addi %add3A_226, %add3A_288 : i32
      %lt3A_290 = arith.constant 108 : i32
      %lt3A_291 = arith.cmpi slt, %add3A_289, %lt3A_290 : i32
      %convert_element_type3A_292 = arith.extui %lt3A_291 : i1 to i32
      %cond3A_293 = arith.constant 0 : i32
      %cond3A_294 = arith.cmpi ne, %convert_element_type3A_292, %cond3A_293 : i32
      scf.if %cond3A_294 {
        %add3A_365 = arith.constant 2 : i32
        %add3A_366 = arith.addi %add3A_226, %add3A_365 : i32
        %mul3A_367 = arith.constant 96 : i32
        %mul3A_368 = arith.muli %add3A_366, %mul3A_367 : i32
        %add3A_369 = arith.addi %mul3A_4, %mul3A_368 : i32
        %dma_start3A_370 = arith.constant 0 : i32
        %dma_start3A_371 = arith.constant 0 : i32
        %dma_start3A_372 = tpu.memref_slice %arg10[%dma_start3A_370, %dma_start3A_371] : memref<3x96xi32, #tpu.memory_space<vmem>> -> memref<1x96xi32, #tpu.memory_space<vmem>>
        %dma_start3A_373 = tpu.memref_squeeze %dma_start3A_372 : memref<1x96xi32, #tpu.memory_space<vmem>> -> memref<96xi32, #tpu.memory_space<vmem>>
        %dma_start3A_374 = tpu.memref_slice %arg3[%add3A_369] : memref<331776xi32, #tpu.memory_space<hbm>> -> memref<96xi32, #tpu.memory_space<hbm>>
        %dma_start3A_375 = arith.constant 0 : i32
        %dma_start3A_376 = tpu.memref_slice %arg10[%dma_start3A_370, %dma_start3A_375] : memref<3x96xi32, #tpu.memory_space<vmem>> -> memref<1x96xi32, #tpu.memory_space<vmem>>
        %dma_start3A_377 = tpu.memref_squeeze %dma_start3A_376 : memref<1x96xi32, #tpu.memory_space<vmem>> -> memref<96xi32, #tpu.memory_space<vmem>>
        %dma_start3A_378 = tpu.memref_slice %arg3[%add3A_369] : memref<331776xi32, #tpu.memory_space<hbm>> -> memref<96xi32, #tpu.memory_space<hbm>>
        tpu.enqueue_dma source(%dma_start3A_378 : memref<96xi32, #tpu.memory_space<hbm>>) target(%dma_start3A_377 : memref<96xi32, #tpu.memory_space<vmem>>) target_semaphore(%arg17 : memref<!tpu.dma_semaphore, #tpu.memory_space<semaphore_mem>>)
        %dma_start3A_379 = arith.constant 0 : i32
        %dma_start3A_380 = arith.constant 0 : i32
        %dma_start3A_381 = tpu.memref_slice %arg11[%dma_start3A_379, %dma_start3A_380] : memref<3x96xi32, #tpu.memory_space<vmem>> -> memref<1x96xi32, #tpu.memory_space<vmem>>
        %dma_start3A_382 = tpu.memref_squeeze %dma_start3A_381 : memref<1x96xi32, #tpu.memory_space<vmem>> -> memref<96xi32, #tpu.memory_space<vmem>>
        %dma_start3A_383 = tpu.memref_slice %arg4[%add3A_369] : memref<331776xi32, #tpu.memory_space<hbm>> -> memref<96xi32, #tpu.memory_space<hbm>>
        %dma_start3A_384 = arith.constant 0 : i32
        %dma_start3A_385 = tpu.memref_slice %arg11[%dma_start3A_379, %dma_start3A_384] : memref<3x96xi32, #tpu.memory_space<vmem>> -> memref<1x96xi32, #tpu.memory_space<vmem>>
        %dma_start3A_386 = tpu.memref_squeeze %dma_start3A_385 : memref<1x96xi32, #tpu.memory_space<vmem>> -> memref<96xi32, #tpu.memory_space<vmem>>
        %dma_start3A_387 = tpu.memref_slice %arg4[%add3A_369] : memref<331776xi32, #tpu.memory_space<hbm>> -> memref<96xi32, #tpu.memory_space<hbm>>
        tpu.enqueue_dma source(%dma_start3A_387 : memref<96xi32, #tpu.memory_space<hbm>>) target(%dma_start3A_386 : memref<96xi32, #tpu.memory_space<vmem>>) target_semaphore(%arg17 : memref<!tpu.dma_semaphore, #tpu.memory_space<semaphore_mem>>)
      } else {
      }
      %add3A_295 = arith.constant 2 : i32
      %add3A_296 = arith.addi %mul3A_161, %add3A_295 : i32
      %add3A_297 = arith.constant 1 : i32
      %add3A_298 = arith.addi %add3A_296, %add3A_297 : i32
      %lt3A_299 = arith.constant 108 : i32
      %lt3A_300 = arith.cmpi slt, %add3A_298, %lt3A_299 : i32
      %convert_element_type3A_301 = arith.extui %lt3A_300 : i1 to i32
      %cond3A_302 = arith.constant 0 : i32
      %cond3A_303 = arith.cmpi ne, %convert_element_type3A_301, %cond3A_302 : i32
      scf.if %cond3A_303 {
        %dma_wait3A_365 = arith.constant 0 : i32
        %dma_wait3A_366 = arith.constant 0 : i32
        %dma_wait3A_367 = tpu.memref_slice %arg10[%dma_wait3A_365, %dma_wait3A_366] : memref<3x96xi32, #tpu.memory_space<vmem>> -> memref<1x96xi32, #tpu.memory_space<vmem>>
        %dma_wait3A_368 = tpu.memref_squeeze %dma_wait3A_367 : memref<1x96xi32, #tpu.memory_space<vmem>> -> memref<96xi32, #tpu.memory_space<vmem>>
        %dma_wait3A_369 = arith.constant 0 : i32
        %dma_wait3A_370 = tpu.memref_slice %arg3[%dma_wait3A_369] : memref<331776xi32, #tpu.memory_space<hbm>> -> memref<96xi32, #tpu.memory_space<hbm>>
        %dma_wait3A_371 = arith.constant 0 : i32
        %dma_wait3A_372 = tpu.memref_slice %arg10[%dma_wait3A_365, %dma_wait3A_371] : memref<3x96xi32, #tpu.memory_space<vmem>> -> memref<1x96xi32, #tpu.memory_space<vmem>>
        %dma_wait3A_373 = tpu.memref_squeeze %dma_wait3A_372 : memref<1x96xi32, #tpu.memory_space<vmem>> -> memref<96xi32, #tpu.memory_space<vmem>>
        %dma_wait3A_374 = arith.constant 0 : i32
        %dma_wait3A_375 = tpu.memref_slice %arg3[%dma_wait3A_374] : memref<331776xi32, #tpu.memory_space<hbm>> -> memref<96xi32, #tpu.memory_space<hbm>>
        tpu.wait_dma2 semaphore(%arg17 : memref<!tpu.dma_semaphore, #tpu.memory_space<semaphore_mem>>) src(%dma_wait3A_375 : memref<96xi32, #tpu.memory_space<hbm>>) dst(%dma_wait3A_373 : memref<96xi32, #tpu.memory_space<vmem>>)
        %dma_wait3A_376 = arith.constant 0 : i32
        %dma_wait3A_377 = arith.constant 0 : i32
        %dma_wait3A_378 = tpu.memref_slice %arg11[%dma_wait3A_376, %dma_wait3A_377] : memref<3x96xi32, #tpu.memory_space<vmem>> -> memref<1x96xi32, #tpu.memory_space<vmem>>
        %dma_wait3A_379 = tpu.memref_squeeze %dma_wait3A_378 : memref<1x96xi32, #tpu.memory_space<vmem>> -> memref<96xi32, #tpu.memory_space<vmem>>
        %dma_wait3A_380 = arith.constant 0 : i32
        %dma_wait3A_381 = tpu.memref_slice %arg4[%dma_wait3A_380] : memref<331776xi32, #tpu.memory_space<hbm>> -> memref<96xi32, #tpu.memory_space<hbm>>
        %dma_wait3A_382 = arith.constant 0 : i32
        %dma_wait3A_383 = tpu.memref_slice %arg11[%dma_wait3A_376, %dma_wait3A_382] : memref<3x96xi32, #tpu.memory_space<vmem>> -> memref<1x96xi32, #tpu.memory_space<vmem>>
        %dma_wait3A_384 = tpu.memref_squeeze %dma_wait3A_383 : memref<1x96xi32, #tpu.memory_space<vmem>> -> memref<96xi32, #tpu.memory_space<vmem>>
        %dma_wait3A_385 = arith.constant 0 : i32
        %dma_wait3A_386 = tpu.memref_slice %arg4[%dma_wait3A_385] : memref<331776xi32, #tpu.memory_space<hbm>> -> memref<96xi32, #tpu.memory_space<hbm>>
        tpu.wait_dma2 semaphore(%arg17 : memref<!tpu.dma_semaphore, #tpu.memory_space<semaphore_mem>>) src(%dma_wait3A_386 : memref<96xi32, #tpu.memory_space<hbm>>) dst(%dma_wait3A_384 : memref<96xi32, #tpu.memory_space<vmem>>)
        %dma_start3A_387 = arith.constant 0 : i32
        %dma_start3A_388 = arith.constant 0 : i32
        %dma_start3A_389 = arith.constant 0 : i32
        %dma_start3A_390 = arith.constant 0 : i32
        %dma_start3A_391 = tpu.memref_slice %arg12[%dma_start3A_388, %dma_start3A_389, %dma_start3A_390] : memref<3x96x128xf32, #tpu.memory_space<vmem>> -> memref<1x96x128xf32, #tpu.memory_space<vmem>>
        %dma_start3A_392 = tpu.memref_squeeze %dma_start3A_391 : memref<1x96x128xf32, #tpu.memory_space<vmem>> -> memref<96x128xf32, #tpu.memory_space<vmem>>
        %dma_start3A_393 = arith.constant 0 : i32
        %dma_start3A_394 = tpu.memref_slice %arg10[%dma_start3A_387, %dma_start3A_393] : memref<3x96xi32, #tpu.memory_space<vmem>> -> memref<1x96xi32, #tpu.memory_space<vmem>>
        %dma_start3A_395 = tpu.memref_squeeze %dma_start3A_394 : memref<1x96xi32, #tpu.memory_space<vmem>> -> memref<96xi32, #tpu.memory_space<vmem>>
        %dma_start3A_396 = arith.constant 0 : i32
        %dma_start3A_397 = arith.constant 0 : i32
        %dma_start3A_398 = tpu.memref_slice %arg2[%dma_start3A_396, %dma_start3A_397] : memref<10240x128xf32, #tpu.memory_space<hbm>> -> memref<10240x128xf32, #tpu.memory_space<hbm>>
        tpu.enqueue_indirect_dma source(%dma_start3A_398 : memref<10240x128xf32, #tpu.memory_space<hbm>>) target(%dma_start3A_392 : memref<96x128xf32, #tpu.memory_space<vmem>>) offsets(%dma_start3A_395 : memref<96xi32, #tpu.memory_space<vmem>>) semaphore(%arg20 : memref<!tpu.dma_semaphore, #tpu.memory_space<semaphore_mem>>)
        %dma_start3A_399 = arith.constant 0 : i32
        %dma_start3A_400 = arith.constant 0 : i32
        %dma_start3A_401 = arith.constant 0 : i32
        %dma_start3A_402 = tpu.memref_slice %arg13[%dma_start3A_400, %dma_start3A_401] : memref<3x96xf32, #tpu.memory_space<vmem>> -> memref<1x96xf32, #tpu.memory_space<vmem>>
        %dma_start3A_403 = tpu.memref_squeeze %dma_start3A_402 : memref<1x96xf32, #tpu.memory_space<vmem>> -> memref<96xf32, #tpu.memory_space<vmem>>
        %dma_start3A_404 = arith.constant 0 : i32
        %dma_start3A_405 = tpu.memref_slice %arg10[%dma_start3A_399, %dma_start3A_404] : memref<3x96xi32, #tpu.memory_space<vmem>> -> memref<1x96xi32, #tpu.memory_space<vmem>>
        %dma_start3A_406 = tpu.memref_squeeze %dma_start3A_405 : memref<1x96xi32, #tpu.memory_space<vmem>> -> memref<96xi32, #tpu.memory_space<vmem>>
        %dma_start3A_407 = arith.constant 0 : i32
        %dma_start3A_408 = tpu.memref_slice %arg14[%dma_start3A_407] : memref<10240xf32, #tpu.memory_space<vmem_shared>> -> memref<10240xf32, #tpu.memory_space<vmem_shared>>
        tpu.enqueue_indirect_dma source(%dma_start3A_408 : memref<10240xf32, #tpu.memory_space<vmem_shared>>) target(%dma_start3A_403 : memref<96xf32, #tpu.memory_space<vmem>>) offsets(%dma_start3A_406 : memref<96xi32, #tpu.memory_space<vmem>>) semaphore(%arg23 : memref<!tpu.dma_semaphore, #tpu.memory_space<semaphore_mem>>)
      } else {
      }
      %dma_wait3A_304 = arith.constant 2 : i32
      %dma_wait3A_305 = arith.constant 2 : i32
      %dma_wait3A_306 = arith.constant 0 : i32
      %dma_wait3A_307 = arith.constant 0 : i32
      %dma_wait3A_308 = tpu.memref_slice %arg12[%dma_wait3A_305, %dma_wait3A_306, %dma_wait3A_307] : memref<3x96x128xf32, #tpu.memory_space<vmem>> -> memref<1x96x128xf32, #tpu.memory_space<vmem>>
      %dma_wait3A_309 = tpu.memref_squeeze %dma_wait3A_308 : memref<1x96x128xf32, #tpu.memory_space<vmem>> -> memref<96x128xf32, #tpu.memory_space<vmem>>
      %dma_wait3A_310 = arith.constant 0 : i32
      %dma_wait3A_311 = tpu.memref_slice %arg10[%dma_wait3A_304, %dma_wait3A_310] : memref<3x96xi32, #tpu.memory_space<vmem>> -> memref<1x96xi32, #tpu.memory_space<vmem>>
      %dma_wait3A_312 = tpu.memref_squeeze %dma_wait3A_311 : memref<1x96xi32, #tpu.memory_space<vmem>> -> memref<96xi32, #tpu.memory_space<vmem>>
      %dma_wait3A_313 = arith.constant 0 : i32
      %dma_wait3A_314 = arith.constant 0 : i32
      %dma_wait3A_315 = tpu.memref_slice %arg2[%dma_wait3A_313, %dma_wait3A_314] : memref<10240x128xf32, #tpu.memory_space<hbm>> -> memref<10240x128xf32, #tpu.memory_space<hbm>>
      tpu.wait_indirect_dma semaphore(%arg22 : memref<!tpu.dma_semaphore, #tpu.memory_space<semaphore_mem>>) src(%dma_wait3A_315 : memref<10240x128xf32, #tpu.memory_space<hbm>>) dst(%dma_wait3A_309 : memref<96x128xf32, #tpu.memory_space<vmem>>)
      %dma_wait3A_316 = arith.constant 2 : i32
      %dma_wait3A_317 = arith.constant 2 : i32
      %dma_wait3A_318 = arith.constant 0 : i32
      %dma_wait3A_319 = tpu.memref_slice %arg13[%dma_wait3A_317, %dma_wait3A_318] : memref<3x96xf32, #tpu.memory_space<vmem>> -> memref<1x96xf32, #tpu.memory_space<vmem>>
      %dma_wait3A_320 = tpu.memref_squeeze %dma_wait3A_319 : memref<1x96xf32, #tpu.memory_space<vmem>> -> memref<96xf32, #tpu.memory_space<vmem>>
      %dma_wait3A_321 = arith.constant 0 : i32
      %dma_wait3A_322 = tpu.memref_slice %arg10[%dma_wait3A_316, %dma_wait3A_321] : memref<3x96xi32, #tpu.memory_space<vmem>> -> memref<1x96xi32, #tpu.memory_space<vmem>>
      %dma_wait3A_323 = tpu.memref_squeeze %dma_wait3A_322 : memref<1x96xi32, #tpu.memory_space<vmem>> -> memref<96xi32, #tpu.memory_space<vmem>>
      %dma_wait3A_324 = arith.constant 0 : i32
      %dma_wait3A_325 = tpu.memref_slice %arg14[%dma_wait3A_324] : memref<10240xf32, #tpu.memory_space<vmem_shared>> -> memref<10240xf32, #tpu.memory_space<vmem_shared>>
      tpu.wait_indirect_dma semaphore(%arg25 : memref<!tpu.dma_semaphore, #tpu.memory_space<semaphore_mem>>) src(%dma_wait3A_325 : memref<10240xf32, #tpu.memory_space<vmem_shared>>) dst(%dma_wait3A_320 : memref<96xf32, #tpu.memory_space<vmem>>)
      %dma_start3A_326 = arith.constant 2 : i32
      %dma_start3A_327 = arith.constant 2 : i32
      %dma_start3A_328 = arith.constant 0 : i32
      %dma_start3A_329 = arith.constant 0 : i32
      %dma_start3A_330 = tpu.memref_slice %arg12[%dma_start3A_326, %dma_start3A_328, %dma_start3A_329] : memref<3x96x128xf32, #tpu.memory_space<vmem>> -> memref<1x96x128xf32, #tpu.memory_space<vmem>>
      %dma_start3A_331 = tpu.memref_squeeze %dma_start3A_330 : memref<1x96x128xf32, #tpu.memory_space<vmem>> -> memref<96x128xf32, #tpu.memory_space<vmem>>
      %dma_start3A_332 = arith.constant 0 : i32
      %dma_start3A_333 = tpu.memref_slice %arg11[%dma_start3A_327, %dma_start3A_332] : memref<3x96xi32, #tpu.memory_space<vmem>> -> memref<1x96xi32, #tpu.memory_space<vmem>>
      %dma_start3A_334 = tpu.memref_squeeze %dma_start3A_333 : memref<1x96xi32, #tpu.memory_space<vmem>> -> memref<96xi32, #tpu.memory_space<vmem>>
      %dma_start3A_335 = arith.constant 0 : i32
      %dma_start3A_336 = arith.constant 0 : i32
      %dma_start3A_337 = tpu.memref_slice %arg15[%dma_start3A_335, %dma_start3A_336] : memref<10240x128xf32, #tpu.memory_space<vmem_shared>> -> memref<10240x128xf32, #tpu.memory_space<vmem_shared>>
      tpu.enqueue_indirect_dma source(%dma_start3A_331 : memref<96x128xf32, #tpu.memory_space<vmem>>) target(%dma_start3A_337 : memref<10240x128xf32, #tpu.memory_space<vmem_shared>>) offsets(%dma_start3A_334 : memref<96xi32, #tpu.memory_space<vmem>>) semaphore(%arg28 : memref<!tpu.dma_semaphore, #tpu.memory_space<semaphore_mem>>) {add = true}
      %dma_start3A_338 = arith.constant 2 : i32
      %dma_start3A_339 = arith.constant 2 : i32
      %dma_start3A_340 = arith.constant 0 : i32
      %dma_start3A_341 = tpu.memref_slice %arg13[%dma_start3A_338, %dma_start3A_340] : memref<3x96xf32, #tpu.memory_space<vmem>> -> memref<1x96xf32, #tpu.memory_space<vmem>>
      %dma_start3A_342 = tpu.memref_squeeze %dma_start3A_341 : memref<1x96xf32, #tpu.memory_space<vmem>> -> memref<96xf32, #tpu.memory_space<vmem>>
      %dma_start3A_343 = arith.constant 0 : i32
      %dma_start3A_344 = tpu.memref_slice %arg11[%dma_start3A_339, %dma_start3A_343] : memref<3x96xi32, #tpu.memory_space<vmem>> -> memref<1x96xi32, #tpu.memory_space<vmem>>
      %dma_start3A_345 = tpu.memref_squeeze %dma_start3A_344 : memref<1x96xi32, #tpu.memory_space<vmem>> -> memref<96xi32, #tpu.memory_space<vmem>>
      %dma_start3A_346 = arith.constant 0 : i32
      %dma_start3A_347 = tpu.memref_slice %arg16[%dma_start3A_346] : memref<10240xf32, #tpu.memory_space<vmem_shared>> -> memref<10240xf32, #tpu.memory_space<vmem_shared>>
      tpu.enqueue_indirect_dma source(%dma_start3A_342 : memref<96xf32, #tpu.memory_space<vmem>>) target(%dma_start3A_347 : memref<10240xf32, #tpu.memory_space<vmem_shared>>) offsets(%dma_start3A_345 : memref<96xi32, #tpu.memory_space<vmem>>) semaphore(%arg28 : memref<!tpu.dma_semaphore, #tpu.memory_space<semaphore_mem>>) {add = true}
      %ge3A_348 = arith.constant 1 : i32
      %ge3A_349 = arith.cmpi sge, %add3A_296, %ge3A_348 : i32
      %add3A_350 = arith.constant 2 : i32
      %add3A_351 = arith.addi %add3A_296, %add3A_350 : i32
      %lt3A_352 = arith.constant 108 : i32
      %lt3A_353 = arith.cmpi slt, %add3A_351, %lt3A_352 : i32
      %and3A_354 = arith.andi %ge3A_349, %lt3A_353 : i1
      %convert_element_type3A_355 = arith.extui %and3A_354 : i1 to i32
      %cond3A_356 = arith.constant 0 : i32
      %cond3A_357 = arith.cmpi ne, %convert_element_type3A_355, %cond3A_356 : i32
      scf.if %cond3A_357 {
        %dma_wait3A_365 = arith.constant 1 : i32
        %dma_wait3A_366 = arith.constant 1 : i32
        %dma_wait3A_367 = arith.constant 0 : i32
        %dma_wait3A_368 = arith.constant 0 : i32
        %dma_wait3A_369 = tpu.memref_slice %arg12[%dma_wait3A_365, %dma_wait3A_367, %dma_wait3A_368] : memref<3x96x128xf32, #tpu.memory_space<vmem>> -> memref<1x96x128xf32, #tpu.memory_space<vmem>>
        %dma_wait3A_370 = tpu.memref_squeeze %dma_wait3A_369 : memref<1x96x128xf32, #tpu.memory_space<vmem>> -> memref<96x128xf32, #tpu.memory_space<vmem>>
        %dma_wait3A_371 = arith.constant 0 : i32
        %dma_wait3A_372 = tpu.memref_slice %arg11[%dma_wait3A_366, %dma_wait3A_371] : memref<3x96xi32, #tpu.memory_space<vmem>> -> memref<1x96xi32, #tpu.memory_space<vmem>>
        %dma_wait3A_373 = tpu.memref_squeeze %dma_wait3A_372 : memref<1x96xi32, #tpu.memory_space<vmem>> -> memref<96xi32, #tpu.memory_space<vmem>>
        %dma_wait3A_374 = arith.constant 0 : i32
        %dma_wait3A_375 = arith.constant 0 : i32
        %dma_wait3A_376 = tpu.memref_slice %arg15[%dma_wait3A_374, %dma_wait3A_375] : memref<10240x128xf32, #tpu.memory_space<vmem_shared>> -> memref<10240x128xf32, #tpu.memory_space<vmem_shared>>
        tpu.wait_indirect_dma semaphore(%arg27 : memref<!tpu.dma_semaphore, #tpu.memory_space<semaphore_mem>>) src(%dma_wait3A_370 : memref<96x128xf32, #tpu.memory_space<vmem>>) dst(%dma_wait3A_376 : memref<10240x128xf32, #tpu.memory_space<vmem_shared>>)
        %dma_wait3A_377 = arith.constant 1 : i32
        %dma_wait3A_378 = arith.constant 1 : i32
        %dma_wait3A_379 = arith.constant 0 : i32
        %dma_wait3A_380 = tpu.memref_slice %arg13[%dma_wait3A_377, %dma_wait3A_379] : memref<3x96xf32, #tpu.memory_space<vmem>> -> memref<1x96xf32, #tpu.memory_space<vmem>>
        %dma_wait3A_381 = tpu.memref_squeeze %dma_wait3A_380 : memref<1x96xf32, #tpu.memory_space<vmem>> -> memref<96xf32, #tpu.memory_space<vmem>>
        %dma_wait3A_382 = arith.constant 0 : i32
        %dma_wait3A_383 = tpu.memref_slice %arg11[%dma_wait3A_378, %dma_wait3A_382] : memref<3x96xi32, #tpu.memory_space<vmem>> -> memref<1x96xi32, #tpu.memory_space<vmem>>
        %dma_wait3A_384 = tpu.memref_squeeze %dma_wait3A_383 : memref<1x96xi32, #tpu.memory_space<vmem>> -> memref<96xi32, #tpu.memory_space<vmem>>
        %dma_wait3A_385 = arith.constant 0 : i32
        %dma_wait3A_386 = tpu.memref_slice %arg16[%dma_wait3A_385] : memref<10240xf32, #tpu.memory_space<vmem_shared>> -> memref<10240xf32, #tpu.memory_space<vmem_shared>>
        tpu.wait_indirect_dma semaphore(%arg27 : memref<!tpu.dma_semaphore, #tpu.memory_space<semaphore_mem>>) src(%dma_wait3A_381 : memref<96xf32, #tpu.memory_space<vmem>>) dst(%dma_wait3A_386 : memref<10240xf32, #tpu.memory_space<vmem_shared>>)
      } else {
      }
      %add3A_358 = arith.constant 2 : i32
      %add3A_359 = arith.addi %add3A_296, %add3A_358 : i32
      %lt3A_360 = arith.constant 108 : i32
      %lt3A_361 = arith.cmpi slt, %add3A_359, %lt3A_360 : i32
      %convert_element_type3A_362 = arith.extui %lt3A_361 : i1 to i32
      %cond3A_363 = arith.constant 0 : i32
      %cond3A_364 = arith.cmpi ne, %convert_element_type3A_362, %cond3A_363 : i32
      scf.if %cond3A_364 {
        %add3A_365 = arith.constant 2 : i32
        %add3A_366 = arith.addi %add3A_296, %add3A_365 : i32
        %mul3A_367 = arith.constant 96 : i32
        %mul3A_368 = arith.muli %add3A_366, %mul3A_367 : i32
        %add3A_369 = arith.addi %mul3A_4, %mul3A_368 : i32
        %dma_start3A_370 = arith.constant 1 : i32
        %dma_start3A_371 = arith.constant 0 : i32
        %dma_start3A_372 = tpu.memref_slice %arg10[%dma_start3A_370, %dma_start3A_371] : memref<3x96xi32, #tpu.memory_space<vmem>> -> memref<1x96xi32, #tpu.memory_space<vmem>>
        %dma_start3A_373 = tpu.memref_squeeze %dma_start3A_372 : memref<1x96xi32, #tpu.memory_space<vmem>> -> memref<96xi32, #tpu.memory_space<vmem>>
        %dma_start3A_374 = tpu.memref_slice %arg3[%add3A_369] : memref<331776xi32, #tpu.memory_space<hbm>> -> memref<96xi32, #tpu.memory_space<hbm>>
        %dma_start3A_375 = arith.constant 0 : i32
        %dma_start3A_376 = tpu.memref_slice %arg10[%dma_start3A_370, %dma_start3A_375] : memref<3x96xi32, #tpu.memory_space<vmem>> -> memref<1x96xi32, #tpu.memory_space<vmem>>
        %dma_start3A_377 = tpu.memref_squeeze %dma_start3A_376 : memref<1x96xi32, #tpu.memory_space<vmem>> -> memref<96xi32, #tpu.memory_space<vmem>>
        %dma_start3A_378 = tpu.memref_slice %arg3[%add3A_369] : memref<331776xi32, #tpu.memory_space<hbm>> -> memref<96xi32, #tpu.memory_space<hbm>>
        tpu.enqueue_dma source(%dma_start3A_378 : memref<96xi32, #tpu.memory_space<hbm>>) target(%dma_start3A_377 : memref<96xi32, #tpu.memory_space<vmem>>) target_semaphore(%arg18 : memref<!tpu.dma_semaphore, #tpu.memory_space<semaphore_mem>>)
        %dma_start3A_379 = arith.constant 1 : i32
        %dma_start3A_380 = arith.constant 0 : i32
        %dma_start3A_381 = tpu.memref_slice %arg11[%dma_start3A_379, %dma_start3A_380] : memref<3x96xi32, #tpu.memory_space<vmem>> -> memref<1x96xi32, #tpu.memory_space<vmem>>
        %dma_start3A_382 = tpu.memref_squeeze %dma_start3A_381 : memref<1x96xi32, #tpu.memory_space<vmem>> -> memref<96xi32, #tpu.memory_space<vmem>>
        %dma_start3A_383 = tpu.memref_slice %arg4[%add3A_369] : memref<331776xi32, #tpu.memory_space<hbm>> -> memref<96xi32, #tpu.memory_space<hbm>>
        %dma_start3A_384 = arith.constant 0 : i32
        %dma_start3A_385 = tpu.memref_slice %arg11[%dma_start3A_379, %dma_start3A_384] : memref<3x96xi32, #tpu.memory_space<vmem>> -> memref<1x96xi32, #tpu.memory_space<vmem>>
        %dma_start3A_386 = tpu.memref_squeeze %dma_start3A_385 : memref<1x96xi32, #tpu.memory_space<vmem>> -> memref<96xi32, #tpu.memory_space<vmem>>
        %dma_start3A_387 = tpu.memref_slice %arg4[%add3A_369] : memref<331776xi32, #tpu.memory_space<hbm>> -> memref<96xi32, #tpu.memory_space<hbm>>
        tpu.enqueue_dma source(%dma_start3A_387 : memref<96xi32, #tpu.memory_space<hbm>>) target(%dma_start3A_386 : memref<96xi32, #tpu.memory_space<vmem>>) target_semaphore(%arg18 : memref<!tpu.dma_semaphore, #tpu.memory_space<semaphore_mem>>)
      } else {
      }
    }
    %scan3A_91 = arith.constant 36 : i32
    %dma_wait3A_92 = arith.constant 0 : i32
    %dma_wait3A_93 = arith.constant 0 : i32
    %dma_wait3A_94 = arith.constant 0 : i32
    %dma_wait3A_95 = arith.constant 0 : i32
    %dma_wait3A_96 = tpu.memref_slice %arg12[%dma_wait3A_92, %dma_wait3A_94, %dma_wait3A_95] : memref<3x96x128xf32, #tpu.memory_space<vmem>> -> memref<1x96x128xf32, #tpu.memory_space<vmem>>
    %dma_wait3A_97 = tpu.memref_squeeze %dma_wait3A_96 : memref<1x96x128xf32, #tpu.memory_space<vmem>> -> memref<96x128xf32, #tpu.memory_space<vmem>>
    %dma_wait3A_98 = arith.constant 0 : i32
    %dma_wait3A_99 = tpu.memref_slice %arg11[%dma_wait3A_93, %dma_wait3A_98] : memref<3x96xi32, #tpu.memory_space<vmem>> -> memref<1x96xi32, #tpu.memory_space<vmem>>
    %dma_wait3A_100 = tpu.memref_squeeze %dma_wait3A_99 : memref<1x96xi32, #tpu.memory_space<vmem>> -> memref<96xi32, #tpu.memory_space<vmem>>
    %dma_wait3A_101 = arith.constant 0 : i32
    %dma_wait3A_102 = arith.constant 0 : i32
    %dma_wait3A_103 = tpu.memref_slice %arg15[%dma_wait3A_101, %dma_wait3A_102] : memref<10240x128xf32, #tpu.memory_space<vmem_shared>> -> memref<10240x128xf32, #tpu.memory_space<vmem_shared>>
    tpu.wait_indirect_dma semaphore(%arg26 : memref<!tpu.dma_semaphore, #tpu.memory_space<semaphore_mem>>) src(%dma_wait3A_97 : memref<96x128xf32, #tpu.memory_space<vmem>>) dst(%dma_wait3A_103 : memref<10240x128xf32, #tpu.memory_space<vmem_shared>>)
    %dma_wait3A_104 = arith.constant 0 : i32
    %dma_wait3A_105 = arith.constant 0 : i32
    %dma_wait3A_106 = arith.constant 0 : i32
    %dma_wait3A_107 = tpu.memref_slice %arg13[%dma_wait3A_104, %dma_wait3A_106] : memref<3x96xf32, #tpu.memory_space<vmem>> -> memref<1x96xf32, #tpu.memory_space<vmem>>
    %dma_wait3A_108 = tpu.memref_squeeze %dma_wait3A_107 : memref<1x96xf32, #tpu.memory_space<vmem>> -> memref<96xf32, #tpu.memory_space<vmem>>
    %dma_wait3A_109 = arith.constant 0 : i32
    %dma_wait3A_110 = tpu.memref_slice %arg11[%dma_wait3A_105, %dma_wait3A_109] : memref<3x96xi32, #tpu.memory_space<vmem>> -> memref<1x96xi32, #tpu.memory_space<vmem>>
    %dma_wait3A_111 = tpu.memref_squeeze %dma_wait3A_110 : memref<1x96xi32, #tpu.memory_space<vmem>> -> memref<96xi32, #tpu.memory_space<vmem>>
    %dma_wait3A_112 = arith.constant 0 : i32
    %dma_wait3A_113 = tpu.memref_slice %arg16[%dma_wait3A_112] : memref<10240xf32, #tpu.memory_space<vmem_shared>> -> memref<10240xf32, #tpu.memory_space<vmem_shared>>
    tpu.wait_indirect_dma semaphore(%arg26 : memref<!tpu.dma_semaphore, #tpu.memory_space<semaphore_mem>>) src(%dma_wait3A_108 : memref<96xf32, #tpu.memory_space<vmem>>) dst(%dma_wait3A_113 : memref<10240xf32, #tpu.memory_space<vmem_shared>>)
    %dma_wait3A_114 = arith.constant 1 : i32
    %dma_wait3A_115 = arith.constant 1 : i32
    %dma_wait3A_116 = arith.constant 0 : i32
    %dma_wait3A_117 = arith.constant 0 : i32
    %dma_wait3A_118 = tpu.memref_slice %arg12[%dma_wait3A_114, %dma_wait3A_116, %dma_wait3A_117] : memref<3x96x128xf32, #tpu.memory_space<vmem>> -> memref<1x96x128xf32, #tpu.memory_space<vmem>>
    %dma_wait3A_119 = tpu.memref_squeeze %dma_wait3A_118 : memref<1x96x128xf32, #tpu.memory_space<vmem>> -> memref<96x128xf32, #tpu.memory_space<vmem>>
    %dma_wait3A_120 = arith.constant 0 : i32
    %dma_wait3A_121 = tpu.memref_slice %arg11[%dma_wait3A_115, %dma_wait3A_120] : memref<3x96xi32, #tpu.memory_space<vmem>> -> memref<1x96xi32, #tpu.memory_space<vmem>>
    %dma_wait3A_122 = tpu.memref_squeeze %dma_wait3A_121 : memref<1x96xi32, #tpu.memory_space<vmem>> -> memref<96xi32, #tpu.memory_space<vmem>>
    %dma_wait3A_123 = arith.constant 0 : i32
    %dma_wait3A_124 = arith.constant 0 : i32
    %dma_wait3A_125 = tpu.memref_slice %arg15[%dma_wait3A_123, %dma_wait3A_124] : memref<10240x128xf32, #tpu.memory_space<vmem_shared>> -> memref<10240x128xf32, #tpu.memory_space<vmem_shared>>
    tpu.wait_indirect_dma semaphore(%arg27 : memref<!tpu.dma_semaphore, #tpu.memory_space<semaphore_mem>>) src(%dma_wait3A_119 : memref<96x128xf32, #tpu.memory_space<vmem>>) dst(%dma_wait3A_125 : memref<10240x128xf32, #tpu.memory_space<vmem_shared>>)
    %dma_wait3A_126 = arith.constant 1 : i32
    %dma_wait3A_127 = arith.constant 1 : i32
    %dma_wait3A_128 = arith.constant 0 : i32
    %dma_wait3A_129 = tpu.memref_slice %arg13[%dma_wait3A_126, %dma_wait3A_128] : memref<3x96xf32, #tpu.memory_space<vmem>> -> memref<1x96xf32, #tpu.memory_space<vmem>>
    %dma_wait3A_130 = tpu.memref_squeeze %dma_wait3A_129 : memref<1x96xf32, #tpu.memory_space<vmem>> -> memref<96xf32, #tpu.memory_space<vmem>>
    %dma_wait3A_131 = arith.constant 0 : i32
    %dma_wait3A_132 = tpu.memref_slice %arg11[%dma_wait3A_127, %dma_wait3A_131] : memref<3x96xi32, #tpu.memory_space<vmem>> -> memref<1x96xi32, #tpu.memory_space<vmem>>
    %dma_wait3A_133 = tpu.memref_squeeze %dma_wait3A_132 : memref<1x96xi32, #tpu.memory_space<vmem>> -> memref<96xi32, #tpu.memory_space<vmem>>
    %dma_wait3A_134 = arith.constant 0 : i32
    %dma_wait3A_135 = tpu.memref_slice %arg16[%dma_wait3A_134] : memref<10240xf32, #tpu.memory_space<vmem_shared>> -> memref<10240xf32, #tpu.memory_space<vmem_shared>>
    tpu.wait_indirect_dma semaphore(%arg27 : memref<!tpu.dma_semaphore, #tpu.memory_space<semaphore_mem>>) src(%dma_wait3A_130 : memref<96xf32, #tpu.memory_space<vmem>>) dst(%dma_wait3A_135 : memref<10240xf32, #tpu.memory_space<vmem_shared>>)
    %dma_wait3A_136 = arith.constant 2 : i32
    %dma_wait3A_137 = arith.constant 2 : i32
    %dma_wait3A_138 = arith.constant 0 : i32
    %dma_wait3A_139 = arith.constant 0 : i32
    %dma_wait3A_140 = tpu.memref_slice %arg12[%dma_wait3A_136, %dma_wait3A_138, %dma_wait3A_139] : memref<3x96x128xf32, #tpu.memory_space<vmem>> -> memref<1x96x128xf32, #tpu.memory_space<vmem>>
    %dma_wait3A_141 = tpu.memref_squeeze %dma_wait3A_140 : memref<1x96x128xf32, #tpu.memory_space<vmem>> -> memref<96x128xf32, #tpu.memory_space<vmem>>
    %dma_wait3A_142 = arith.constant 0 : i32
    %dma_wait3A_143 = tpu.memref_slice %arg11[%dma_wait3A_137, %dma_wait3A_142] : memref<3x96xi32, #tpu.memory_space<vmem>> -> memref<1x96xi32, #tpu.memory_space<vmem>>
    %dma_wait3A_144 = tpu.memref_squeeze %dma_wait3A_143 : memref<1x96xi32, #tpu.memory_space<vmem>> -> memref<96xi32, #tpu.memory_space<vmem>>
    %dma_wait3A_145 = arith.constant 0 : i32
    %dma_wait3A_146 = arith.constant 0 : i32
    %dma_wait3A_147 = tpu.memref_slice %arg15[%dma_wait3A_145, %dma_wait3A_146] : memref<10240x128xf32, #tpu.memory_space<vmem_shared>> -> memref<10240x128xf32, #tpu.memory_space<vmem_shared>>
    tpu.wait_indirect_dma semaphore(%arg28 : memref<!tpu.dma_semaphore, #tpu.memory_space<semaphore_mem>>) src(%dma_wait3A_141 : memref<96x128xf32, #tpu.memory_space<vmem>>) dst(%dma_wait3A_147 : memref<10240x128xf32, #tpu.memory_space<vmem_shared>>)
    %dma_wait3A_148 = arith.constant 2 : i32
    %dma_wait3A_149 = arith.constant 2 : i32
    %dma_wait3A_150 = arith.constant 0 : i32
    %dma_wait3A_151 = tpu.memref_slice %arg13[%dma_wait3A_148, %dma_wait3A_150] : memref<3x96xf32, #tpu.memory_space<vmem>> -> memref<1x96xf32, #tpu.memory_space<vmem>>
    %dma_wait3A_152 = tpu.memref_squeeze %dma_wait3A_151 : memref<1x96xf32, #tpu.memory_space<vmem>> -> memref<96xf32, #tpu.memory_space<vmem>>
    %dma_wait3A_153 = arith.constant 0 : i32
    %dma_wait3A_154 = tpu.memref_slice %arg11[%dma_wait3A_149, %dma_wait3A_153] : memref<3x96xi32, #tpu.memory_space<vmem>> -> memref<1x96xi32, #tpu.memory_space<vmem>>
    %dma_wait3A_155 = tpu.memref_squeeze %dma_wait3A_154 : memref<1x96xi32, #tpu.memory_space<vmem>> -> memref<96xi32, #tpu.memory_space<vmem>>
    %dma_wait3A_156 = arith.constant 0 : i32
    %dma_wait3A_157 = tpu.memref_slice %arg16[%dma_wait3A_156] : memref<10240xf32, #tpu.memory_space<vmem_shared>> -> memref<10240xf32, #tpu.memory_space<vmem_shared>>
    tpu.wait_indirect_dma semaphore(%arg28 : memref<!tpu.dma_semaphore, #tpu.memory_space<semaphore_mem>>) src(%dma_wait3A_152 : memref<96xf32, #tpu.memory_space<vmem>>) dst(%dma_wait3A_157 : memref<10240xf32, #tpu.memory_space<vmem_shared>>)
    %barrier3A_158 = arith.constant 0 : index
    tpu.barrier barrier_id(%barrier3A_158)
    "tpu.region"() ({
      %run_scoped3A = tpu.sem_alloc : memref<!tpu.dma_semaphore, #tpu.memory_space<semaphore_mem>>
      %dma_start3A_159 = arith.constant 0 : i32
      %dma_start3A_160 = tpu.memref_slice %arg8[%arg0, %mul3A_2, %dma_start3A_159] : memref<2x10240x128xf32, #tpu.memory_space<hbm>> -> memref<1x640x128xf32, #tpu.memory_space<hbm>>
      %dma_start3A_161 = tpu.memref_squeeze %dma_start3A_160 : memref<1x640x128xf32, #tpu.memory_space<hbm>> -> memref<640x128xf32, #tpu.memory_space<hbm>>
      %dma_start3A_162 = arith.constant 0 : i32
      %dma_start3A_163 = tpu.memref_slice %arg15[%mul3A_2, %dma_start3A_162] : memref<10240x128xf32, #tpu.memory_space<vmem_shared>> -> memref<640x128xf32, #tpu.memory_space<vmem_shared>>
      tpu.enqueue_dma source(%dma_start3A_163 : memref<640x128xf32, #tpu.memory_space<vmem_shared>>) target(%dma_start3A_161 : memref<640x128xf32, #tpu.memory_space<hbm>>) target_semaphore(%run_scoped3A : memref<!tpu.dma_semaphore, #tpu.memory_space<semaphore_mem>>)
      %dma_wait3A_164 = arith.constant 0 : i32
      %dma_wait3A_165 = tpu.memref_slice %arg8[%arg0, %mul3A_2, %dma_wait3A_164] : memref<2x10240x128xf32, #tpu.memory_space<hbm>> -> memref<1x640x128xf32, #tpu.memory_space<hbm>>
      %dma_wait3A_166 = tpu.memref_squeeze %dma_wait3A_165 : memref<1x640x128xf32, #tpu.memory_space<hbm>> -> memref<640x128xf32, #tpu.memory_space<hbm>>
      %dma_wait3A_167 = arith.constant 0 : i32
      %dma_wait3A_168 = tpu.memref_slice %arg15[%mul3A_2, %dma_wait3A_167] : memref<10240x128xf32, #tpu.memory_space<vmem_shared>> -> memref<640x128xf32, #tpu.memory_space<vmem_shared>>
      tpu.wait_dma2 semaphore(%run_scoped3A : memref<!tpu.dma_semaphore, #tpu.memory_space<semaphore_mem>>) src(%dma_wait3A_168 : memref<640x128xf32, #tpu.memory_space<vmem_shared>>) dst(%dma_wait3A_166 : memref<640x128xf32, #tpu.memory_space<hbm>>)
      tpu.yield
    }) : () -> ()
    "tpu.region"() ({
      %run_scoped3A = tpu.sem_alloc : memref<!tpu.dma_semaphore, #tpu.memory_space<semaphore_mem>>
      %dma_start3A_159 = tpu.memref_slice %arg9[%arg0, %mul3A_2] : memref<2x10240xf32, #tpu.memory_space<hbm>> -> memref<1x640xf32, #tpu.memory_space<hbm>>
      %dma_start3A_160 = tpu.memref_squeeze %dma_start3A_159 : memref<1x640xf32, #tpu.memory_space<hbm>> -> memref<640xf32, #tpu.memory_space<hbm>>
      %dma_start3A_161 = tpu.memref_slice %arg16[%mul3A_2] : memref<10240xf32, #tpu.memory_space<vmem_shared>> -> memref<640xf32, #tpu.memory_space<vmem_shared>>
      tpu.enqueue_dma source(%dma_start3A_161 : memref<640xf32, #tpu.memory_space<vmem_shared>>) target(%dma_start3A_160 : memref<640xf32, #tpu.memory_space<hbm>>) target_semaphore(%run_scoped3A : memref<!tpu.dma_semaphore, #tpu.memory_space<semaphore_mem>>)
      %dma_wait3A_162 = tpu.memref_slice %arg9[%arg0, %mul3A_2] : memref<2x10240xf32, #tpu.memory_space<hbm>> -> memref<1x640xf32, #tpu.memory_space<hbm>>
      %dma_wait3A_163 = tpu.memref_squeeze %dma_wait3A_162 : memref<1x640xf32, #tpu.memory_space<hbm>> -> memref<640xf32, #tpu.memory_space<hbm>>
      %dma_wait3A_164 = tpu.memref_slice %arg16[%mul3A_2] : memref<10240xf32, #tpu.memory_space<vmem_shared>> -> memref<640xf32, #tpu.memory_space<vmem_shared>>
      tpu.wait_dma2 semaphore(%run_scoped3A : memref<!tpu.dma_semaphore, #tpu.memory_space<semaphore_mem>>) src(%dma_wait3A_164 : memref<640xf32, #tpu.memory_space<vmem_shared>>) dst(%dma_wait3A_163 : memref<640xf32, #tpu.memory_space<hbm>>)
      tpu.yield
    }) : () -> ()
    return
  }
}

module attributes {stable_mosaic.version = 14 : i64} {
  func.func @_lrs_body(%arg0: i32, %arg1: i32, %arg2: memref<2x256x128xf32, #tpu.memory_space<vmem>>, %arg3: memref<2x256xf32, #tpu.memory_space<vmem>>, %arg4: memref<256x1xf32, #tpu.memory_space<vmem>>, %arg5: memref<256x128xf32, #tpu.memory_space<vmem>>, %arg6: memref<256x1xf32, #tpu.memory_space<vmem>>, %arg7: memref<1x10240xf32, #tpu.memory_space<vmem>>, %arg8: memref<1x10240xf32, #tpu.memory_space<vmem>>, %arg9: memref<1x10240xf32, #tpu.memory_space<vmem>>, %arg10: memref<256x1xf32, #tpu.memory_space<vmem>>, %arg11: memref<128x128xf32, #tpu.memory_space<vmem>>, %arg12: memref<1x128xf32, #tpu.memory_space<vmem>>, %arg13: memref<128x128xf32, #tpu.memory_space<vmem>>, %arg14: memref<1x128xf32, #tpu.memory_space<vmem>>, %arg15: memref<256x256xf32, #tpu.memory_space<vmem>>, %arg16: memref<1x64xf32, #tpu.memory_space<vmem>>, %arg17: memref<256x128xf32, #tpu.memory_space<vmem>>, %arg18: memref<256x1xf32, #tpu.memory_space<vmem>>, %arg19: memref<1x256xf32, #tpu.memory_space<vmem>>, %arg20: memref<256x1xf32, #tpu.memory_space<vmem>>, %arg21: memref<1x256xf32, #tpu.memory_space<vmem>>, %arg22: memref<64x128xf32, #tpu.memory_space<vmem>>, %arg23: memref<64x128xf32, #tpu.memory_space<vmem>>, %arg24: memref<64x1xf32, #tpu.memory_space<vmem>>, %arg25: memref<10240x128xf32, #tpu.memory_space<vmem>>, %arg26: memref<10240x1xf32, #tpu.memory_space<vmem>>, %arg27: memref<1x10240xf32, #tpu.memory_space<vmem>>, %arg28: memref<1x64xf32, #tpu.memory_space<vmem>>) attributes {dimension_semantics = [#tpu.dimension_semantics<arbitrary>, #tpu.dimension_semantics<arbitrary>], iteration_bounds = array<i64: 2, 40>, scalar_prefetch = 0 : i64, scratch_operands = 4 : i64, tpu.core_type = #tpu.core_type<tc>, window_params = [{transform_indices = @transform_0, window_bounds = array<i64: 2, 256, 128>}, {transform_indices = @transform_1, window_bounds = array<i64: 2, 256>}, {transform_indices = @transform_2, window_bounds = array<i64: 256, 1>}, {transform_indices = @transform_3, window_bounds = array<i64: 256, 128>}, {transform_indices = @transform_4, window_bounds = array<i64: 256, 1>}, {pipeline_mode = #tpu.pipeline_mode<synchronous>, transform_indices = @transform_5, window_bounds = array<i64: 1, 10240>}, {pipeline_mode = #tpu.pipeline_mode<synchronous>, transform_indices = @transform_6, window_bounds = array<i64: 1, 10240>}, {pipeline_mode = #tpu.pipeline_mode<synchronous>, transform_indices = @transform_7, window_bounds = array<i64: 1, 10240>}, {transform_indices = @transform_8, window_bounds = array<i64: 256, 1>}, {pipeline_mode = #tpu.pipeline_mode<synchronous>, transform_indices = @transform_9, window_bounds = array<i64: 128, 128>}, {pipeline_mode = #tpu.pipeline_mode<synchronous>, transform_indices = @transform_10, window_bounds = array<i64: 1, 128>}, {pipeline_mode = #tpu.pipeline_mode<synchronous>, transform_indices = @transform_11, window_bounds = array<i64: 128, 128>}, {pipeline_mode = #tpu.pipeline_mode<synchronous>, transform_indices = @transform_12, window_bounds = array<i64: 1, 128>}, {pipeline_mode = #tpu.pipeline_mode<synchronous>, transform_indices = @transform_13, window_bounds = array<i64: 256, 256>}, {pipeline_mode = #tpu.pipeline_mode<synchronous>, transform_indices = @transform_14, window_bounds = array<i64: 1, 64>}, {transform_indices = @transform_15, window_bounds = array<i64: 256, 128>}, {transform_indices = @transform_16, window_bounds = array<i64: 256, 1>}, {transform_indices = @transform_17, window_bounds = array<i64: 1, 256>}, {transform_indices = @transform_18, window_bounds = array<i64: 256, 1>}, {transform_indices = @transform_19, window_bounds = array<i64: 1, 256>}, {pipeline_mode = #tpu.pipeline_mode<synchronous>, transform_indices = @transform_20, window_bounds = array<i64: 64, 128>}, {pipeline_mode = #tpu.pipeline_mode<synchronous>, transform_indices = @transform_21, window_bounds = array<i64: 64, 128>}, {pipeline_mode = #tpu.pipeline_mode<synchronous>, transform_indices = @transform_22, window_bounds = array<i64: 64, 1>}]} {
    %mul3A = arith.constant 256 : i32
    %mul3A_0 = arith.muli %arg1, %mul3A : i32
    %multiple_of3A = tpu.assume_multiple %mul3A_0, 128 : i32
    %eq3A = arith.constant 0 : i32
    %eq3A_1 = arith.cmpi eq, %arg0, %eq3A : i32
    %convert_element_type3A = arith.extui %eq3A_1 : i1 to i32
    %cond3A = arith.constant 0 : i32
    %cond3A_2 = arith.cmpi ne, %convert_element_type3A, %cond3A : i32
    scf.if %cond3A_2 {
      %get3A = arith.constant 0 : index
      %get3A_8 = arith.constant 0 : index
      %get3A_9 = arith.constant 0 : index
      %get3A_10 = vector.load %arg2[%get3A, %get3A_8, %get3A_9] : memref<2x256x128xf32, #tpu.memory_space<vmem>>, vector<1x256x128xf32>
      %get3A_11 = vector.shape_cast %get3A_10 : vector<1x256x128xf32> to vector<256x128xf32>
      %get3A_12 = arith.constant 1 : index
      %get3A_13 = arith.constant 0 : index
      %get3A_14 = arith.constant 0 : index
      %get3A_15 = vector.load %arg2[%get3A_12, %get3A_13, %get3A_14] : memref<2x256x128xf32, #tpu.memory_space<vmem>>, vector<1x256x128xf32>
      %get3A_16 = vector.shape_cast %get3A_15 : vector<1x256x128xf32> to vector<256x128xf32>
      %add3A = arith.addf %get3A_11, %get3A_16 : vector<256x128xf32>
      %get3A_17 = arith.constant 0 : index
      %get3A_18 = arith.constant 0 : index
      %get3A_19 = vector.load %arg3[%get3A_17, %get3A_18] : memref<2x256xf32, #tpu.memory_space<vmem>>, vector<1x256xf32>
      %get3A_20 = arith.constant 1 : index
      %get3A_21 = arith.constant 0 : index
      %get3A_22 = vector.load %arg3[%get3A_20, %get3A_21] : memref<2x256xf32, #tpu.memory_space<vmem>>, vector<1x256xf32>
      %add3A_23 = arith.addf %get3A_19, %get3A_22 : vector<1x256xf32>
      %get3A_24 = arith.constant 0 : index
      %get3A_25 = arith.constant 0 : index
      %get3A_26 = vector.load %arg15[%get3A_24, %get3A_25] : memref<256x256xf32, #tpu.memory_space<vmem>>, vector<256x256xf32>
      %dot_general3A = arith.constant dense<0.000000e+00> : vector<256x1xf32>
      %dot_general3A_27 = tpu.matmul %get3A_26, %add3A_23, %dot_general3A {dimension_numbers = #tpu.dot_dimension_numbers<[1], [1], [0], [0], [0, 0, 1, 0], [], []>, transpose_lhs_hint = false} : vector<256x256xf32>, vector<1x256xf32>, vector<256x1xf32> -> vector<256x1xf32>
      %get3A_28 = arith.constant 0 : index
      %get3A_29 = arith.constant 0 : index
      %get3A_30 = vector.load %arg4[%get3A_28, %get3A_29] : memref<256x1xf32, #tpu.memory_space<vmem>>, vector<256x1xf32>
      %mul3A_31 = vector.broadcast %get3A_30 : vector<256x1xf32> to vector<256x128xf32>
      %mul3A_32 = arith.mulf %add3A, %mul3A_31 : vector<256x128xf32>
      %max3A = arith.constant 1.000000e+00 : f32
      %max3A_33 = vector.broadcast %max3A : f32 to vector<256x1xf32>
      %max3A_34 = arith.maximumf %dot_general3A_27, %max3A_33 : vector<256x1xf32>
      %div3A = vector.broadcast %max3A_34 : vector<256x1xf32> to vector<256x128xf32>
      %div3A_35 = arith.divf %mul3A_32, %div3A : vector<256x128xf32>
      %get3A_36 = arith.constant 0 : index
      %get3A_37 = arith.constant 0 : index
      %get3A_38 = vector.load %arg11[%get3A_36, %get3A_37] : memref<128x128xf32, #tpu.memory_space<vmem>>, vector<128x128xf32>
      %dot_general3A_39 = arith.constant dense<0.000000e+00> : vector<256x128xf32>
      %dot_general3A_40 = tpu.matmul %div3A_35, %get3A_38, %dot_general3A_39 {dimension_numbers = #tpu.dot_dimension_numbers<[1], [1], [0], [0], [0, 0, 1, 0], [], []>, transpose_lhs_hint = false} : vector<256x128xf32>, vector<128x128xf32>, vector<256x128xf32> -> vector<256x128xf32>
      %get3A_41 = arith.constant 0 : index
      %get3A_42 = arith.constant 0 : index
      %get3A_43 = vector.load %arg12[%get3A_41, %get3A_42] : memref<1x128xf32, #tpu.memory_space<vmem>>, vector<1x128xf32>
      %add3A_44 = vector.broadcast %get3A_43 : vector<1x128xf32> to vector<256x128xf32>
      %add3A_45 = arith.addf %dot_general3A_40, %add3A_44 : vector<256x128xf32>
      %get3A_46 = arith.constant 0 : index
      %get3A_47 = arith.constant 0 : index
      %get3A_48 = vector.load %arg5[%get3A_46, %get3A_47] : memref<256x128xf32, #tpu.memory_space<vmem>>, vector<256x128xf32>
      %get3A_49 = arith.constant 0 : index
      %get3A_50 = arith.constant 0 : index
      %get3A_51 = vector.load %arg13[%get3A_49, %get3A_50] : memref<128x128xf32, #tpu.memory_space<vmem>>, vector<128x128xf32>
      %dot_general3A_52 = arith.constant dense<0.000000e+00> : vector<256x128xf32>
      %dot_general3A_53 = tpu.matmul %get3A_48, %get3A_51, %dot_general3A_52 {dimension_numbers = #tpu.dot_dimension_numbers<[1], [1], [0], [0], [0, 0, 1, 0], [], []>, transpose_lhs_hint = false} : vector<256x128xf32>, vector<128x128xf32>, vector<256x128xf32> -> vector<256x128xf32>
      %add3A_54 = arith.addf %add3A_45, %dot_general3A_53 : vector<256x128xf32>
      %max3A_55 = arith.constant 0.000000e+00 : f32
      %max3A_56 = vector.broadcast %max3A_55 : f32 to vector<256x128xf32>
      %max3A_57 = arith.maximumf %add3A_54, %max3A_56 : vector<256x128xf32>
      %swap3A = arith.index_cast %multiple_of3A : i32 to index
      %swap3A_58 = arith.constant 0 : index
      %swap3A_59 = vector.load %arg25[%swap3A, %swap3A_58] : memref<10240x128xf32, #tpu.memory_space<vmem>>, vector<256x128xf32>
      tpu.vector_store %arg25[%swap3A, %swap3A_58], %max3A_57 {strides = array<i32>} : memref<10240x128xf32, #tpu.memory_space<vmem>>, vector<256x128xf32>,
      %get3A_60 = arith.constant 0 : index
      %get3A_61 = arith.constant 0 : index
      %get3A_62 = vector.load %arg14[%get3A_60, %get3A_61] : memref<1x128xf32, #tpu.memory_space<vmem>>, vector<1x128xf32>
      %mul3A_63 = arith.mulf %get3A_62, %get3A_62 : vector<1x128xf32>
      %reduce_sum3A = vector.shape_cast %mul3A_63 : vector<1x128xf32> to vector<1x1x128xf32>
      %reduce_sum3A_64 = arith.constant dense<0.000000e+00> : vector<1xf32>
      %reduce_sum3A_65 = vector.multi_reduction <add>, %reduce_sum3A, %reduce_sum3A_64 [1, 2] : vector<1x1x128xf32> to vector<1xf32>
      %reduce_sum3A_66 = vector.shape_cast %reduce_sum3A_65 : vector<1xf32> to vector<1x1x1xf32>
      %reduce_sum3A_67 = vector.extract %reduce_sum3A_66[0, 0, 0] : f32 from vector<1x1x1xf32>
      %sqrt3A = math.sqrt %reduce_sum3A_67 : f32
      %mul3A_68 = vector.broadcast %get3A_62 : vector<1x128xf32> to vector<256x128xf32>
      %mul3A_69 = arith.mulf %max3A_57, %mul3A_68 : vector<256x128xf32>
      %reduce_sum3A_70 = arith.constant dense<0.000000e+00> : vector<256xf32>
      %reduce_sum3A_71 = vector.multi_reduction <add>, %mul3A_69, %reduce_sum3A_70 [1] : vector<256x128xf32> to vector<256xf32>
      %broadcast_in_dim3A = vector.shape_cast %reduce_sum3A_71 : vector<256xf32> to vector<256x1xf32>
      %div3A_72 = vector.broadcast %sqrt3A : f32 to vector<256x1xf32>
      %div3A_73 = arith.divf %broadcast_in_dim3A, %div3A_72 : vector<256x1xf32>
      %tanh3A = math.tanh %div3A_73 : vector<256x1xf32>
      %swap3A_74 = arith.index_cast %multiple_of3A : i32 to index
      %swap3A_75 = arith.constant 0 : index
      %swap3A_76 = vector.load %arg26[%swap3A_74, %swap3A_75] : memref<10240x1xf32, #tpu.memory_space<vmem>>, vector<256x1xf32>
      tpu.vector_store %arg26[%swap3A_74, %swap3A_75], %tanh3A {strides = array<i32>} : memref<10240x1xf32, #tpu.memory_space<vmem>>, vector<256x1xf32>,
      %get3A_77 = arith.constant 0 : index
      %get3A_78 = arith.constant 0 : index
      %get3A_79 = vector.load %arg15[%get3A_77, %get3A_78] : memref<256x256xf32, #tpu.memory_space<vmem>>, vector<256x256xf32>
      %dot_general3A_80 = arith.constant dense<0.000000e+00> : vector<1x256xf32>
      %dot_general3A_81 = tpu.matmul %tanh3A, %get3A_79, %dot_general3A_80 {dimension_numbers = #tpu.dot_dimension_numbers<[0], [0], [1], [1], [0, 1, 1, 1], [], []>, transpose_lhs_hint = false} : vector<256x1xf32>, vector<256x256xf32>, vector<1x256xf32> -> vector<1x256xf32>
      %swap3A_82 = arith.constant 0 : index
      %swap3A_83 = arith.index_cast %multiple_of3A : i32 to index
      %swap3A_84 = vector.load %arg27[%swap3A_82, %swap3A_83] : memref<1x10240xf32, #tpu.memory_space<vmem>>, vector<1x256xf32>
      tpu.vector_store %arg27[%swap3A_82, %swap3A_83], %dot_general3A_81 {strides = array<i32>} : memref<1x10240xf32, #tpu.memory_space<vmem>>, vector<1x256xf32>,
      %iota3A = tpu.iota {dimensions = array<i32: 1>} : vector<1x64xi32>
      %convert_element_type3A_85 = arith.sitofp %iota3A : vector<1x64xi32> to vector<1x64xf32>
      %get3A_86 = arith.constant 0 : index
      %get3A_87 = arith.constant 0 : index
      %get3A_88 = vector.load %arg6[%get3A_86, %get3A_87] : memref<256x1xf32, #tpu.memory_space<vmem>>, vector<256x1xf32>
      %eq3A_89 = vector.broadcast %get3A_88 : vector<256x1xf32> to vector<256x64xf32>
      %eq3A_90 = vector.broadcast %convert_element_type3A_85 : vector<1x64xf32> to vector<256x64xf32>
      %eq3A_91 = arith.cmpf oeq, %eq3A_89, %eq3A_90 : vector<256x64xf32>
      %gt3A = arith.constant 5.000000e-01 : f32
      %gt3A_92 = vector.broadcast %gt3A : f32 to vector<256x1xf32>
      %gt3A_93 = arith.cmpf ogt, %get3A_30, %gt3A_92 : vector<256x1xf32>
      %and3A = vector.broadcast %gt3A_93 : vector<256x1xi1> to vector<256x64xi1>
      %and3A_94 = arith.andi %eq3A_91, %and3A : vector<256x64xi1>
      %jit3A = arith.constant 1.000000e+00 : f32
      %jit3A_95 = arith.constant 0.000000e+00 : f32
      %broadcast_in_dim3A_96 = vector.broadcast %jit3A : f32 to vector<256x64xf32>
      %broadcast_in_dim3A_97 = vector.broadcast %jit3A_95 : f32 to vector<256x64xf32>
      %select_n3A = arith.select %and3A_94, %broadcast_in_dim3A_96, %broadcast_in_dim3A_97 : vector<256x64xi1>, vector<256x64xf32>
      %reduce_sum3A_98 = arith.constant dense<0.000000e+00> : vector<64xf32>
      %reduce_sum3A_99 = vector.multi_reduction <add>, %select_n3A, %reduce_sum3A_98 [0] : vector<256x64xf32> to vector<64xf32>
      %broadcast_in_dim3A_100 = vector.shape_cast %reduce_sum3A_99 : vector<64xf32> to vector<1x64xf32>
      %eq3A_101 = arith.constant 0 : i32
      %eq3A_102 = arith.cmpi eq, %arg1, %eq3A_101 : i32
      %convert_element_type3A_103 = arith.extui %eq3A_102 : i1 to i32
      %cond3A_104 = arith.constant 0 : i32
      %cond3A_105 = arith.cmpi ne, %convert_element_type3A_103, %cond3A_104 : i32
      scf.if %cond3A_105 {
        %get3A_113 = arith.constant 0 : index
        %get3A_114 = arith.constant 0 : index
        %get3A_115 = vector.load %arg16[%get3A_113, %get3A_114] : memref<1x64xf32, #tpu.memory_space<vmem>>, vector<1x64xf32>
        %swap3A_116 = arith.constant 0 : index
        %swap3A_117 = arith.constant 0 : index
        %swap3A_118 = vector.load %arg28[%swap3A_116, %swap3A_117] : memref<1x64xf32, #tpu.memory_space<vmem>>, vector<1x64xf32>
        tpu.vector_store %arg28[%swap3A_116, %swap3A_117], %get3A_115 {strides = array<i32>} : memref<1x64xf32, #tpu.memory_space<vmem>>, vector<1x64xf32>,
      } else {
      }
      %get3A_106 = arith.constant 0 : index
      %get3A_107 = arith.constant 0 : index
      %get3A_108 = vector.load %arg28[%get3A_106, %get3A_107] : memref<1x64xf32, #tpu.memory_space<vmem>>, vector<1x64xf32>
      %add3A_109 = arith.addf %get3A_108, %broadcast_in_dim3A_100 : vector<1x64xf32>
      %swap3A_110 = arith.constant 0 : index
      %swap3A_111 = arith.constant 0 : index
      %swap3A_112 = vector.load %arg28[%swap3A_110, %swap3A_111] : memref<1x64xf32, #tpu.memory_space<vmem>>, vector<1x64xf32>
      tpu.vector_store %arg28[%swap3A_110, %swap3A_111], %add3A_109 {strides = array<i32>} : memref<1x64xf32, #tpu.memory_space<vmem>>, vector<1x64xf32>,
    } else {
    }
    %eq3A_3 = arith.constant 1 : i32
    %eq3A_4 = arith.cmpi eq, %arg0, %eq3A_3 : i32
    %convert_element_type3A_5 = arith.extui %eq3A_4 : i1 to i32
    %cond3A_6 = arith.constant 0 : i32
    %cond3A_7 = arith.cmpi ne, %convert_element_type3A_5, %cond3A_6 : i32
    scf.if %cond3A_7 {
      %mul3A_8 = arith.constant 256 : i32
      %mul3A_9 = arith.muli %arg1, %mul3A_8 : i32
      %sub3A = arith.constant 256 : i32
      %sub3A_10 = arith.subi %mul3A_9, %sub3A : i32
      %jit3A = arith.constant 0 : i32
      %jit3A_11 = arith.constant 9472 : i32
      %max3A = arith.maxsi %jit3A, %sub3A_10 : i32
      %min3A = arith.minsi %jit3A_11, %max3A : i32
      %multiple_of3A_12 = tpu.assume_multiple %min3A, 128 : i32
      %get3A = arith.constant 0 : index
      %get3A_13 = arith.index_cast %multiple_of3A_12 : i32 to index
      %get3A_14 = vector.load %arg27[%get3A, %get3A_13] : memref<1x10240xf32, #tpu.memory_space<vmem>>, vector<1x768xf32>
      %get3A_15 = arith.constant 0 : index
      %get3A_16 = arith.index_cast %multiple_of3A_12 : i32 to index
      %get3A_17 = vector.load %arg7[%get3A_15, %get3A_16] : memref<1x10240xf32, #tpu.memory_space<vmem>>, vector<1x768xf32>
      %get3A_18 = arith.constant 0 : index
      %get3A_19 = arith.index_cast %multiple_of3A_12 : i32 to index
      %get3A_20 = vector.load %arg8[%get3A_18, %get3A_19] : memref<1x10240xf32, #tpu.memory_space<vmem>>, vector<1x768xf32>
      %get3A_21 = arith.constant 0 : index
      %get3A_22 = arith.index_cast %multiple_of3A_12 : i32 to index
      %get3A_23 = vector.load %arg9[%get3A_21, %get3A_22] : memref<1x10240xf32, #tpu.memory_space<vmem>>, vector<1x768xf32>
      %get3A_24 = arith.index_cast %multiple_of3A : i32 to index
      %get3A_25 = arith.constant 0 : index
      %get3A_26 = vector.load %arg26[%get3A_24, %get3A_25] : memref<10240x1xf32, #tpu.memory_space<vmem>>, vector<256x1xf32>
      %get3A_27 = arith.constant 0 : index
      %get3A_28 = arith.constant 0 : index
      %get3A_29 = vector.load %arg10[%get3A_27, %get3A_28] : memref<256x1xf32, #tpu.memory_space<vmem>>, vector<256x1xf32>
      %get3A_30 = arith.constant 0 : index
      %get3A_31 = arith.constant 0 : index
      %get3A_32 = vector.load %arg6[%get3A_30, %get3A_31] : memref<256x1xf32, #tpu.memory_space<vmem>>, vector<256x1xf32>
      %gt3A = vector.broadcast %get3A_14 : vector<1x768xf32> to vector<256x768xf32>
      %gt3A_33 = vector.broadcast %get3A_26 : vector<256x1xf32> to vector<256x768xf32>
      %gt3A_34 = arith.cmpf ogt, %gt3A, %gt3A_33 : vector<256x768xf32>
      %eq3A_35 = vector.broadcast %get3A_14 : vector<1x768xf32> to vector<256x768xf32>
      %eq3A_36 = vector.broadcast %get3A_26 : vector<256x1xf32> to vector<256x768xf32>
      %eq3A_37 = arith.cmpf oeq, %eq3A_35, %eq3A_36 : vector<256x768xf32>
      %lt3A = vector.broadcast %get3A_17 : vector<1x768xf32> to vector<256x768xf32>
      %lt3A_38 = vector.broadcast %get3A_29 : vector<256x1xf32> to vector<256x768xf32>
      %lt3A_39 = arith.cmpf olt, %lt3A, %lt3A_38 : vector<256x768xf32>
      %and3A = arith.andi %eq3A_37, %lt3A_39 : vector<256x768xi1>
      %or3A = arith.ori %gt3A_34, %and3A : vector<256x768xi1>
      %eq3A_40 = vector.broadcast %get3A_20 : vector<1x768xf32> to vector<256x768xf32>
      %eq3A_41 = vector.broadcast %get3A_32 : vector<256x1xf32> to vector<256x768xf32>
      %eq3A_42 = arith.cmpf oeq, %eq3A_40, %eq3A_41 : vector<256x768xf32>
      %gt3A_43 = arith.constant 5.000000e-01 : f32
      %gt3A_44 = vector.broadcast %gt3A_43 : f32 to vector<1x768xf32>
      %gt3A_45 = arith.cmpf ogt, %get3A_23, %gt3A_44 : vector<1x768xf32>
      %and3A_46 = vector.broadcast %gt3A_45 : vector<1x768xi1> to vector<256x768xi1>
      %and3A_47 = arith.andi %eq3A_42, %and3A_46 : vector<256x768xi1>
      %and3A_48 = arith.andi %or3A, %and3A_47 : vector<256x768xi1>
      %jit3A_49 = arith.constant 1.000000e+00 : f32
      %jit3A_50 = arith.constant 0.000000e+00 : f32
      %broadcast_in_dim3A = vector.broadcast %jit3A_49 : f32 to vector<256x768xf32>
      %broadcast_in_dim3A_51 = vector.broadcast %jit3A_50 : f32 to vector<256x768xf32>
      %select_n3A = arith.select %and3A_48, %broadcast_in_dim3A, %broadcast_in_dim3A_51 : vector<256x768xi1>, vector<256x768xf32>
      %reduce_sum3A = arith.constant dense<0.000000e+00> : vector<256xf32>
      %reduce_sum3A_52 = vector.multi_reduction <add>, %select_n3A, %reduce_sum3A [1] : vector<256x768xf32> to vector<256xf32>
      %broadcast_in_dim3A_53 = vector.shape_cast %reduce_sum3A_52 : vector<256xf32> to vector<256x1xf32>
      %swap3A = arith.constant 0 : index
      %swap3A_54 = arith.constant 0 : index
      %swap3A_55 = vector.load %arg20[%swap3A, %swap3A_54] : memref<256x1xf32, #tpu.memory_space<vmem>>, vector<256x1xf32>
      tpu.vector_store %arg20[%swap3A, %swap3A_54], %broadcast_in_dim3A_53 {strides = array<i32>} : memref<256x1xf32, #tpu.memory_space<vmem>>, vector<256x1xf32>,
      %get3A_56 = arith.constant 0 : index
      %get3A_57 = arith.constant 0 : index
      %get3A_58 = vector.load %arg15[%get3A_56, %get3A_57] : memref<256x256xf32, #tpu.memory_space<vmem>>, vector<256x256xf32>
      %dot_general3A = arith.constant dense<0.000000e+00> : vector<1x256xf32>
      %dot_general3A_59 = tpu.matmul %broadcast_in_dim3A_53, %get3A_58, %dot_general3A {dimension_numbers = #tpu.dot_dimension_numbers<[0], [0], [1], [1], [0, 1, 1, 1], [], []>, transpose_lhs_hint = false} : vector<256x1xf32>, vector<256x256xf32>, vector<1x256xf32> -> vector<1x256xf32>
      %swap3A_60 = arith.constant 0 : index
      %swap3A_61 = arith.constant 0 : index
      %swap3A_62 = vector.load %arg21[%swap3A_60, %swap3A_61] : memref<1x256xf32, #tpu.memory_space<vmem>>, vector<1x256xf32>
      tpu.vector_store %arg21[%swap3A_60, %swap3A_61], %dot_general3A_59 {strides = array<i32>} : memref<1x256xf32, #tpu.memory_space<vmem>>, vector<1x256xf32>,
      %get3A_63 = arith.constant 0 : index
      %get3A_64 = arith.constant 0 : index
      %get3A_65 = vector.load %arg28[%get3A_63, %get3A_64] : memref<1x64xf32, #tpu.memory_space<vmem>>, vector<1x64xf32>
      %mul3A_66 = arith.constant 5.000000e-01 : f32
      %mul3A_67 = vector.broadcast %mul3A_66 : f32 to vector<1x64xf32>
      %mul3A_68 = arith.mulf %mul3A_67, %get3A_65 : vector<1x64xf32>
      %ceil3A = math.ceil %mul3A_68 : vector<1x64xf32>
      %iota3A = tpu.iota {dimensions = array<i32: 1>} : vector<1x64xi32>
      %convert_element_type3A_69 = arith.sitofp %iota3A : vector<1x64xi32> to vector<1x64xf32>
      %eq3A_70 = vector.broadcast %get3A_32 : vector<256x1xf32> to vector<256x64xf32>
      %eq3A_71 = vector.broadcast %convert_element_type3A_69 : vector<1x64xf32> to vector<256x64xf32>
      %eq3A_72 = arith.cmpf oeq, %eq3A_70, %eq3A_71 : vector<256x64xf32>
      %jit3A_73 = arith.constant 0.000000e+00 : f32
      %broadcast_in_dim3A_74 = vector.shape_cast %ceil3A : vector<1x64xf32> to vector<1x64xf32>
      %broadcast_in_dim3A_75 = vector.broadcast %broadcast_in_dim3A_74 : vector<1x64xf32> to vector<256x64xf32>
      %broadcast_in_dim3A_76 = vector.broadcast %jit3A_73 : f32 to vector<256x64xf32>
      %select_n3A_77 = arith.select %eq3A_72, %broadcast_in_dim3A_75, %broadcast_in_dim3A_76 : vector<256x64xi1>, vector<256x64xf32>
      %reduce_sum3A_78 = arith.constant dense<0.000000e+00> : vector<256xf32>
      %reduce_sum3A_79 = vector.multi_reduction <add>, %select_n3A_77, %reduce_sum3A_78 [1] : vector<256x64xf32> to vector<256xf32>
      %broadcast_in_dim3A_80 = vector.shape_cast %reduce_sum3A_79 : vector<256xf32> to vector<256x1xf32>
      %get3A_81 = arith.constant 0 : index
      %get3A_82 = arith.constant 0 : index
      %get3A_83 = vector.load %arg4[%get3A_81, %get3A_82] : memref<256x1xf32, #tpu.memory_space<vmem>>, vector<256x1xf32>
      %gt3A_84 = arith.constant 5.000000e-01 : f32
      %gt3A_85 = vector.broadcast %gt3A_84 : f32 to vector<256x1xf32>
      %gt3A_86 = arith.cmpf ogt, %get3A_83, %gt3A_85 : vector<256x1xf32>
      %lt3A_87 = arith.cmpf olt, %broadcast_in_dim3A_53, %broadcast_in_dim3A_80 : vector<256x1xf32>
      %and3A_88 = arith.andi %gt3A_86, %lt3A_87 : vector<256x1xi1>
      %jit3A_89 = arith.constant 1.000000e+00 : f32
      %jit3A_90 = arith.constant 0.000000e+00 : f32
      %broadcast_in_dim3A_91 = vector.broadcast %jit3A_89 : f32 to vector<256x1xf32>
      %broadcast_in_dim3A_92 = vector.broadcast %jit3A_90 : f32 to vector<256x1xf32>
      %select_n3A_93 = arith.select %and3A_88, %broadcast_in_dim3A_91, %broadcast_in_dim3A_92 : vector<256x1xi1>, vector<256x1xf32>
      %get3A_94 = arith.index_cast %multiple_of3A : i32 to index
      %get3A_95 = arith.constant 0 : index
      %get3A_96 = vector.load %arg25[%get3A_94, %get3A_95] : memref<10240x128xf32, #tpu.memory_space<vmem>>, vector<256x128xf32>
      %mul3A_97 = vector.broadcast %get3A_26 : vector<256x1xf32> to vector<256x128xf32>
      %mul3A_98 = arith.mulf %get3A_96, %mul3A_97 : vector<256x128xf32>
      %mul3A_99 = vector.broadcast %select_n3A_93 : vector<256x1xf32> to vector<256x128xf32>
      %mul3A_100 = arith.mulf %mul3A_98, %mul3A_99 : vector<256x128xf32>
      %swap3A_101 = arith.constant 0 : index
      %swap3A_102 = arith.constant 0 : index
      %swap3A_103 = vector.load %arg17[%swap3A_101, %swap3A_102] : memref<256x128xf32, #tpu.memory_space<vmem>>, vector<256x128xf32>
      tpu.vector_store %arg17[%swap3A_101, %swap3A_102], %mul3A_100 {strides = array<i32>} : memref<256x128xf32, #tpu.memory_space<vmem>>, vector<256x128xf32>,
      %swap3A_104 = arith.constant 0 : index
      %swap3A_105 = arith.constant 0 : index
      %swap3A_106 = vector.load %arg18[%swap3A_104, %swap3A_105] : memref<256x1xf32, #tpu.memory_space<vmem>>, vector<256x1xf32>
      tpu.vector_store %arg18[%swap3A_104, %swap3A_105], %select_n3A_93 {strides = array<i32>} : memref<256x1xf32, #tpu.memory_space<vmem>>, vector<256x1xf32>,
      %get3A_107 = arith.constant 0 : index
      %get3A_108 = arith.constant 0 : index
      %get3A_109 = vector.load %arg15[%get3A_107, %get3A_108] : memref<256x256xf32, #tpu.memory_space<vmem>>, vector<256x256xf32>
      %dot_general3A_110 = arith.constant dense<0.000000e+00> : vector<1x256xf32>
      %dot_general3A_111 = tpu.matmul %select_n3A_93, %get3A_109, %dot_general3A_110 {dimension_numbers = #tpu.dot_dimension_numbers<[0], [0], [1], [1], [0, 1, 1, 1], [], []>, transpose_lhs_hint = false} : vector<256x1xf32>, vector<256x256xf32>, vector<1x256xf32> -> vector<1x256xf32>
      %swap3A_112 = arith.constant 0 : index
      %swap3A_113 = arith.constant 0 : index
      %swap3A_114 = vector.load %arg19[%swap3A_112, %swap3A_113] : memref<1x256xf32, #tpu.memory_space<vmem>>, vector<1x256xf32>
      tpu.vector_store %arg19[%swap3A_112, %swap3A_113], %dot_general3A_111 {strides = array<i32>} : memref<1x256xf32, #tpu.memory_space<vmem>>, vector<1x256xf32>,
      %and3A_115 = vector.broadcast %and3A_88 : vector<256x1xi1> to vector<256x64xi1>
      %and3A_116 = arith.andi %eq3A_72, %and3A_115 : vector<256x64xi1>
      %jit3A_117 = arith.constant 1.000000e+00 : f32
      %jit3A_118 = arith.constant 0.000000e+00 : f32
      %broadcast_in_dim3A_119 = vector.broadcast %jit3A_117 : f32 to vector<256x64xf32>
      %broadcast_in_dim3A_120 = vector.broadcast %jit3A_118 : f32 to vector<256x64xf32>
      %select_n3A_121 = arith.select %and3A_116, %broadcast_in_dim3A_119, %broadcast_in_dim3A_120 : vector<256x64xi1>, vector<256x64xf32>
      %dot_general3A_122 = arith.constant dense<0.000000e+00> : vector<64x128xf32>
      %dot_general3A_123 = tpu.matmul %select_n3A_121, %mul3A_100, %dot_general3A_122 {dimension_numbers = #tpu.dot_dimension_numbers<[0], [0], [1], [1], [0, 1, 1, 1], [], []>, transpose_lhs_hint = false} : vector<256x64xf32>, vector<256x128xf32>, vector<64x128xf32> -> vector<64x128xf32>
      %reduce_sum3A_124 = arith.constant dense<0.000000e+00> : vector<64xf32>
      %reduce_sum3A_125 = vector.multi_reduction <add>, %select_n3A_121, %reduce_sum3A_124 [0] : vector<256x64xf32> to vector<64xf32>
      %broadcast_in_dim3A_126 = vector.shape_cast %reduce_sum3A_125 : vector<64xf32> to vector<64x1xf32>
      %eq3A_127 = arith.constant 0 : i32
      %eq3A_128 = arith.cmpi eq, %arg1, %eq3A_127 : i32
      %convert_element_type3A_129 = arith.extui %eq3A_128 : i1 to i32
      %cond3A_130 = arith.constant 0 : i32
      %cond3A_131 = arith.cmpi ne, %convert_element_type3A_129, %cond3A_130 : i32
      scf.if %cond3A_131 {
        %broadcast_in_dim3A_165 = arith.constant 0.000000e+00 : f32
        %broadcast_in_dim3A_166 = vector.broadcast %broadcast_in_dim3A_165 : f32 to vector<64x128xf32>
        %swap3A_167 = arith.constant 0 : index
        %swap3A_168 = arith.constant 0 : index
        %swap3A_169 = vector.load %arg23[%swap3A_167, %swap3A_168] : memref<64x128xf32, #tpu.memory_space<vmem>>, vector<64x128xf32>
        tpu.vector_store %arg23[%swap3A_167, %swap3A_168], %broadcast_in_dim3A_166 {strides = array<i32>} : memref<64x128xf32, #tpu.memory_space<vmem>>, vector<64x128xf32>,
        %broadcast_in_dim3A_170 = arith.constant 0.000000e+00 : f32
        %broadcast_in_dim3A_171 = vector.broadcast %broadcast_in_dim3A_170 : f32 to vector<64x1xf32>
        %swap3A_172 = arith.constant 0 : index
        %swap3A_173 = arith.constant 0 : index
        %swap3A_174 = vector.load %arg24[%swap3A_172, %swap3A_173] : memref<64x1xf32, #tpu.memory_space<vmem>>, vector<64x1xf32>
        tpu.vector_store %arg24[%swap3A_172, %swap3A_173], %broadcast_in_dim3A_171 {strides = array<i32>} : memref<64x1xf32, #tpu.memory_space<vmem>>, vector<64x1xf32>,
        %broadcast_in_dim3A_175 = arith.constant -3.000000e+38 : f32
        %broadcast_in_dim3A_176 = vector.broadcast %broadcast_in_dim3A_175 : f32 to vector<64x128xf32>
        %swap3A_177 = arith.constant 0 : index
        %swap3A_178 = arith.constant 0 : index
        %swap3A_179 = vector.load %arg22[%swap3A_177, %swap3A_178] : memref<64x128xf32, #tpu.memory_space<vmem>>, vector<64x128xf32>
        tpu.vector_store %arg22[%swap3A_177, %swap3A_178], %broadcast_in_dim3A_176 {strides = array<i32>} : memref<64x128xf32, #tpu.memory_space<vmem>>, vector<64x128xf32>,
      } else {
      }
      %get3A_132 = arith.constant 0 : index
      %get3A_133 = arith.constant 0 : index
      %get3A_134 = vector.load %arg23[%get3A_132, %get3A_133] : memref<64x128xf32, #tpu.memory_space<vmem>>, vector<64x128xf32>
      %add3A = arith.addf %get3A_134, %dot_general3A_123 : vector<64x128xf32>
      %swap3A_135 = arith.constant 0 : index
      %swap3A_136 = arith.constant 0 : index
      %swap3A_137 = vector.load %arg23[%swap3A_135, %swap3A_136] : memref<64x128xf32, #tpu.memory_space<vmem>>, vector<64x128xf32>
      tpu.vector_store %arg23[%swap3A_135, %swap3A_136], %add3A {strides = array<i32>} : memref<64x128xf32, #tpu.memory_space<vmem>>, vector<64x128xf32>,
      %get3A_138 = arith.constant 0 : index
      %get3A_139 = arith.constant 0 : index
      %get3A_140 = vector.load %arg24[%get3A_138, %get3A_139] : memref<64x1xf32, #tpu.memory_space<vmem>>, vector<64x1xf32>
      %add3A_141 = arith.addf %get3A_140, %broadcast_in_dim3A_126 : vector<64x1xf32>
      %swap3A_142 = arith.constant 0 : index
      %swap3A_143 = arith.constant 0 : index
      %swap3A_144 = vector.load %arg24[%swap3A_142, %swap3A_143] : memref<64x1xf32, #tpu.memory_space<vmem>>, vector<64x1xf32>
      tpu.vector_store %arg24[%swap3A_142, %swap3A_143], %add3A_141 {strides = array<i32>} : memref<64x1xf32, #tpu.memory_space<vmem>>, vector<64x1xf32>,
      %reduce_min3A = vector.shape_cast %get3A_32 : vector<256x1xf32> to vector<1x256x1xf32>
      %reduce_min3A_145 = arith.constant dense<0x7F800000> : vector<1xf32>
      %reduce_min3A_146 = vector.multi_reduction <minimumf>, %reduce_min3A, %reduce_min3A_145 [1, 2] : vector<1x256x1xf32> to vector<1xf32>
      %reduce_min3A_147 = vector.shape_cast %reduce_min3A_146 : vector<1xf32> to vector<1x1x1xf32>
      %reduce_min3A_148 = vector.extract %reduce_min3A_147[0, 0, 0] : f32 from vector<1x1x1xf32>
      %convert_element_type3A_149 = arith.fptosi %reduce_min3A_148 : f32 to i32
      %reduce_max3A = vector.shape_cast %get3A_32 : vector<256x1xf32> to vector<1x256x1xf32>
      %reduce_max3A_150 = arith.constant dense<0xFF800000> : vector<1xf32>
      %reduce_max3A_151 = vector.multi_reduction <maximumf>, %reduce_max3A, %reduce_max3A_150 [1, 2] : vector<1x256x1xf32> to vector<1xf32>
      %reduce_max3A_152 = vector.shape_cast %reduce_max3A_151 : vector<1xf32> to vector<1x1x1xf32>
      %reduce_max3A_153 = vector.extract %reduce_max3A_152[0, 0, 0] : f32 from vector<1x1x1xf32>
      %convert_element_type3A_154 = arith.fptosi %reduce_max3A_153 : f32 to i32
      %add3A_155 = arith.constant 1 : i32
      %add3A_156 = arith.addi %convert_element_type3A_154, %add3A_155 : i32
      %while3A = arith.constant 0 : i32
      %while3A_157 = arith.subi %add3A_156, %convert_element_type3A_149 : i32
      %while3A_158 = arith.addi %convert_element_type3A_149, %while3A_157 : i32
      %while3A_159 = arith.constant 1 : i32
      %while3A_160 = arith.divsi %while3A_157, %while3A_159 : i32
      %while3A_161 = arith.muli %while3A_160, %while3A_159 : i32
      %while3A_162 = arith.addi %convert_element_type3A_149, %while3A_161 : i32
      %while3A_163 = arith.constant 1 : i32
      scf.for %while3A_165 = %convert_element_type3A_149 to %while3A_162 step %while3A_163  : i32 {
        %convert_element_type3A_166 = arith.sitofp %while3A_165 : i32 to f32
        %eq3A_167 = vector.broadcast %convert_element_type3A_166 : f32 to vector<256x1xf32>
        %eq3A_168 = arith.cmpf oeq, %get3A_32, %eq3A_167 : vector<256x1xf32>
        %and3A_169 = arith.andi %eq3A_168, %and3A_88 : vector<256x1xi1>
        %jit3A_170 = arith.constant -3.000000e+38 : f32
        %broadcast_in_dim3A_171 = vector.shape_cast %and3A_169 : vector<256x1xi1> to vector<256x1xi1>
        %broadcast_in_dim3A_172 = vector.broadcast %broadcast_in_dim3A_171 : vector<256x1xi1> to vector<256x128xi1>
        %broadcast_in_dim3A_173 = vector.broadcast %jit3A_170 : f32 to vector<256x128xf32>
        %select_n3A_174 = arith.select %broadcast_in_dim3A_172, %mul3A_100, %broadcast_in_dim3A_173 : vector<256x128xi1>, vector<256x128xf32>
        %reduce_max3A_175 = arith.constant dense<0xFF800000> : vector<128xf32>
        %reduce_max3A_176 = vector.multi_reduction <maximumf>, %select_n3A_174, %reduce_max3A_175 [0] : vector<256x128xf32> to vector<128xf32>
        %broadcast_in_dim3A_177 = vector.shape_cast %reduce_max3A_176 : vector<128xf32> to vector<1x128xf32>
        %get3A_178 = arith.index_cast %while3A_165 : i32 to index
        %get3A_179 = arith.constant 0 : index
        %get3A_180 = vector.load %arg22[%get3A_178, %get3A_179] : memref<64x128xf32, #tpu.memory_space<vmem>>, vector<1x128xf32>
        %max3A_181 = arith.maximumf %get3A_180, %broadcast_in_dim3A_177 : vector<1x128xf32>
        %swap3A_182 = arith.index_cast %while3A_165 : i32 to index
        %swap3A_183 = arith.constant 0 : index
        %swap3A_184 = vector.load %arg22[%swap3A_182, %swap3A_183] : memref<64x128xf32, #tpu.memory_space<vmem>>, vector<1x128xf32>
        tpu.vector_store %arg22[%swap3A_182, %swap3A_183], %max3A_181 {strides = array<i32>} : memref<64x128xf32, #tpu.memory_space<vmem>>, vector<1x128xf32>,
      }
      %while3A_164 = arith.constant 1 : i32
      scf.for %while3A_165 = %while3A_162 to %while3A_158 step %while3A_164  : i32 {
        %convert_element_type3A_166 = arith.sitofp %while3A_165 : i32 to f32
        %eq3A_167 = vector.broadcast %convert_element_type3A_166 : f32 to vector<256x1xf32>
        %eq3A_168 = arith.cmpf oeq, %get3A_32, %eq3A_167 : vector<256x1xf32>
        %and3A_169 = arith.andi %eq3A_168, %and3A_88 : vector<256x1xi1>
        %jit3A_170 = arith.constant -3.000000e+38 : f32
        %broadcast_in_dim3A_171 = vector.shape_cast %and3A_169 : vector<256x1xi1> to vector<256x1xi1>
        %broadcast_in_dim3A_172 = vector.broadcast %broadcast_in_dim3A_171 : vector<256x1xi1> to vector<256x128xi1>
        %broadcast_in_dim3A_173 = vector.broadcast %jit3A_170 : f32 to vector<256x128xf32>
        %select_n3A_174 = arith.select %broadcast_in_dim3A_172, %mul3A_100, %broadcast_in_dim3A_173 : vector<256x128xi1>, vector<256x128xf32>
        %reduce_max3A_175 = arith.constant dense<0xFF800000> : vector<128xf32>
        %reduce_max3A_176 = vector.multi_reduction <maximumf>, %select_n3A_174, %reduce_max3A_175 [0] : vector<256x128xf32> to vector<128xf32>
        %broadcast_in_dim3A_177 = vector.shape_cast %reduce_max3A_176 : vector<128xf32> to vector<1x128xf32>
        %get3A_178 = arith.index_cast %while3A_165 : i32 to index
        %get3A_179 = arith.constant 0 : index
        %get3A_180 = vector.load %arg22[%get3A_178, %get3A_179] : memref<64x128xf32, #tpu.memory_space<vmem>>, vector<1x128xf32>
        %max3A_181 = arith.maximumf %get3A_180, %broadcast_in_dim3A_177 : vector<1x128xf32>
        %swap3A_182 = arith.index_cast %while3A_165 : i32 to index
        %swap3A_183 = arith.constant 0 : index
        %swap3A_184 = vector.load %arg22[%swap3A_182, %swap3A_183] : memref<64x128xf32, #tpu.memory_space<vmem>>, vector<1x128xf32>
        tpu.vector_store %arg22[%swap3A_182, %swap3A_183], %max3A_181 {strides = array<i32>} : memref<64x128xf32, #tpu.memory_space<vmem>>, vector<1x128xf32>,
      }
    } else {
    }
    return
  }
  func.func @transform_0(%arg0: i32, %arg1: i32) -> (i32, i32, i32) {
    %sub3A = arith.constant 1 : i32
    %sub3A_0 = arith.subi %sub3A, %arg0 : i32
    %mul3A = arith.muli %arg1, %sub3A_0 : i32
    %c0_i32 = arith.constant 0 : i32
    %c0_i32_1 = arith.constant 0 : i32
    %c0_i32_2 = arith.constant 0 : i32
    return %c0_i32, %mul3A, %c0_i32_1 : i32, i32, i32
  }
  func.func @transform_1(%arg0: i32, %arg1: i32) -> (i32, i32) {
    %sub3A = arith.constant 1 : i32
    %sub3A_0 = arith.subi %sub3A, %arg0 : i32
    %mul3A = arith.muli %arg1, %sub3A_0 : i32
    %c0_i32 = arith.constant 0 : i32
    %c0_i32_1 = arith.constant 0 : i32
    return %c0_i32, %mul3A : i32, i32
  }
  func.func @transform_2(%arg0: i32, %arg1: i32) -> (i32, i32) {
    %c0_i32 = arith.constant 0 : i32
    %c0_i32_0 = arith.constant 0 : i32
    return %arg1, %c0_i32 : i32, i32
  }
  func.func @transform_3(%arg0: i32, %arg1: i32) -> (i32, i32) {
    %sub3A = arith.constant 1 : i32
    %sub3A_0 = arith.subi %sub3A, %arg0 : i32
    %mul3A = arith.muli %arg1, %sub3A_0 : i32
    %c0_i32 = arith.constant 0 : i32
    %c0_i32_1 = arith.constant 0 : i32
    return %mul3A, %c0_i32 : i32, i32
  }
  func.func @transform_4(%arg0: i32, %arg1: i32) -> (i32, i32) {
    %c0_i32 = arith.constant 0 : i32
    %c0_i32_0 = arith.constant 0 : i32
    return %arg1, %c0_i32 : i32, i32
  }
  func.func @transform_5(%arg0: i32, %arg1: i32) -> (i32, i32) {
    %c0_i32 = arith.constant 0 : i32
    %c0_i32_0 = arith.constant 0 : i32
    %c0_i32_1 = arith.constant 0 : i32
    return %c0_i32, %c0_i32_0 : i32, i32
  }
  func.func @transform_6(%arg0: i32, %arg1: i32) -> (i32, i32) {
    %c0_i32 = arith.constant 0 : i32
    %c0_i32_0 = arith.constant 0 : i32
    %c0_i32_1 = arith.constant 0 : i32
    return %c0_i32, %c0_i32_0 : i32, i32
  }
  func.func @transform_7(%arg0: i32, %arg1: i32) -> (i32, i32) {
    %c0_i32 = arith.constant 0 : i32
    %c0_i32_0 = arith.constant 0 : i32
    %c0_i32_1 = arith.constant 0 : i32
    return %c0_i32, %c0_i32_0 : i32, i32
  }
  func.func @transform_8(%arg0: i32, %arg1: i32) -> (i32, i32) {
    %c0_i32 = arith.constant 0 : i32
    %c0_i32_0 = arith.constant 0 : i32
    return %arg1, %c0_i32 : i32, i32
  }
  func.func @transform_9(%arg0: i32, %arg1: i32) -> (i32, i32) {
    %c0_i32 = arith.constant 0 : i32
    %c0_i32_0 = arith.constant 0 : i32
    %c0_i32_1 = arith.constant 0 : i32
    return %c0_i32, %c0_i32_0 : i32, i32
  }
  func.func @transform_10(%arg0: i32, %arg1: i32) -> (i32, i32) {
    %c0_i32 = arith.constant 0 : i32
    %c0_i32_0 = arith.constant 0 : i32
    %c0_i32_1 = arith.constant 0 : i32
    return %c0_i32, %c0_i32_0 : i32, i32
  }
  func.func @transform_11(%arg0: i32, %arg1: i32) -> (i32, i32) {
    %c0_i32 = arith.constant 0 : i32
    %c0_i32_0 = arith.constant 0 : i32
    %c0_i32_1 = arith.constant 0 : i32
    return %c0_i32, %c0_i32_0 : i32, i32
  }
  func.func @transform_12(%arg0: i32, %arg1: i32) -> (i32, i32) {
    %c0_i32 = arith.constant 0 : i32
    %c0_i32_0 = arith.constant 0 : i32
    %c0_i32_1 = arith.constant 0 : i32
    return %c0_i32, %c0_i32_0 : i32, i32
  }
  func.func @transform_13(%arg0: i32, %arg1: i32) -> (i32, i32) {
    %c0_i32 = arith.constant 0 : i32
    %c0_i32_0 = arith.constant 0 : i32
    %c0_i32_1 = arith.constant 0 : i32
    return %c0_i32, %c0_i32_0 : i32, i32
  }
  func.func @transform_14(%arg0: i32, %arg1: i32) -> (i32, i32) {
    %c0_i32 = arith.constant 0 : i32
    %c0_i32_0 = arith.constant 0 : i32
    %c0_i32_1 = arith.constant 0 : i32
    return %c0_i32, %c0_i32_0 : i32, i32
  }
  func.func @transform_15(%arg0: i32, %arg1: i32) -> (i32, i32) {
    %mul3A = arith.muli %arg1, %arg0 : i32
    %c0_i32 = arith.constant 0 : i32
    %c0_i32_0 = arith.constant 0 : i32
    return %mul3A, %c0_i32 : i32, i32
  }
  func.func @transform_16(%arg0: i32, %arg1: i32) -> (i32, i32) {
    %mul3A = arith.muli %arg1, %arg0 : i32
    %c0_i32 = arith.constant 0 : i32
    %c0_i32_0 = arith.constant 0 : i32
    return %mul3A, %c0_i32 : i32, i32
  }
  func.func @transform_17(%arg0: i32, %arg1: i32) -> (i32, i32) {
    %mul3A = arith.muli %arg1, %arg0 : i32
    %c0_i32 = arith.constant 0 : i32
    %c0_i32_0 = arith.constant 0 : i32
    return %c0_i32, %mul3A : i32, i32
  }
  func.func @transform_18(%arg0: i32, %arg1: i32) -> (i32, i32) {
    %mul3A = arith.muli %arg1, %arg0 : i32
    %c0_i32 = arith.constant 0 : i32
    %c0_i32_0 = arith.constant 0 : i32
    return %mul3A, %c0_i32 : i32, i32
  }
  func.func @transform_19(%arg0: i32, %arg1: i32) -> (i32, i32) {
    %mul3A = arith.muli %arg1, %arg0 : i32
    %c0_i32 = arith.constant 0 : i32
    %c0_i32_0 = arith.constant 0 : i32
    return %c0_i32, %mul3A : i32, i32
  }
  func.func @transform_20(%arg0: i32, %arg1: i32) -> (i32, i32) {
    %c0_i32 = arith.constant 0 : i32
    %c0_i32_0 = arith.constant 0 : i32
    %c0_i32_1 = arith.constant 0 : i32
    return %c0_i32, %c0_i32_0 : i32, i32
  }
  func.func @transform_21(%arg0: i32, %arg1: i32) -> (i32, i32) {
    %c0_i32 = arith.constant 0 : i32
    %c0_i32_0 = arith.constant 0 : i32
    %c0_i32_1 = arith.constant 0 : i32
    return %c0_i32, %c0_i32_0 : i32, i32
  }
  func.func @transform_22(%arg0: i32, %arg1: i32) -> (i32, i32) {
    %c0_i32 = arith.constant 0 : i32
    %c0_i32_0 = arith.constant 0 : i32
    %c0_i32_1 = arith.constant 0 : i32
    return %c0_i32, %c0_i32_0 : i32, i32
  }
}

module attributes {stable_mosaic.version = 14 : i64} {
  func.func @_lrs_body(%arg0: i32, %arg1: i32, %arg2: memref<2x256x128xf32, #tpu.memory_space<vmem>>, %arg3: memref<2x256xf32, #tpu.memory_space<vmem>>, %arg4: memref<256x1xf32, #tpu.memory_space<vmem>>, %arg5: memref<256x128xf32, #tpu.memory_space<vmem>>, %arg6: memref<256x1xf32, #tpu.memory_space<vmem>>, %arg7: memref<1x10240xf32, #tpu.memory_space<vmem>>, %arg8: memref<1x10240xf32, #tpu.memory_space<vmem>>, %arg9: memref<1x10240xf32, #tpu.memory_space<vmem>>, %arg10: memref<256x1xf32, #tpu.memory_space<vmem>>, %arg11: memref<128x128xf32, #tpu.memory_space<vmem>>, %arg12: memref<1x128xf32, #tpu.memory_space<vmem>>, %arg13: memref<128x128xf32, #tpu.memory_space<vmem>>, %arg14: memref<1x128xf32, #tpu.memory_space<vmem>>, %arg15: memref<256x256xf32, #tpu.memory_space<vmem>>, %arg16: memref<1x64xf32, #tpu.memory_space<vmem>>, %arg17: memref<256x128xf32, #tpu.memory_space<vmem>>, %arg18: memref<256x1xf32, #tpu.memory_space<vmem>>, %arg19: memref<1x256xf32, #tpu.memory_space<vmem>>, %arg20: memref<256x1xf32, #tpu.memory_space<vmem>>, %arg21: memref<1x256xf32, #tpu.memory_space<vmem>>, %arg22: memref<64x128xf32, #tpu.memory_space<vmem>>, %arg23: memref<64x128xf32, #tpu.memory_space<vmem>>, %arg24: memref<64x1xf32, #tpu.memory_space<vmem>>, %arg25: memref<10240x128xf32, #tpu.memory_space<vmem>>, %arg26: memref<10240x1xf32, #tpu.memory_space<vmem>>, %arg27: memref<1x10240xf32, #tpu.memory_space<vmem>>, %arg28: memref<1x64xf32, #tpu.memory_space<vmem>>) attributes {dimension_semantics = [#tpu.dimension_semantics<arbitrary>, #tpu.dimension_semantics<arbitrary>], iteration_bounds = array<i64: 2, 40>, scalar_prefetch = 0 : i64, scratch_operands = 4 : i64, tpu.core_type = #tpu.core_type<tc>, window_params = [{transform_indices = @transform_0, window_bounds = array<i64: 2, 256, 128>}, {transform_indices = @transform_1, window_bounds = array<i64: 2, 256>}, {transform_indices = @transform_2, window_bounds = array<i64: 256, 1>}, {transform_indices = @transform_3, window_bounds = array<i64: 256, 128>}, {transform_indices = @transform_4, window_bounds = array<i64: 256, 1>}, {pipeline_mode = #tpu.pipeline_mode<synchronous>, transform_indices = @transform_5, window_bounds = array<i64: 1, 10240>}, {pipeline_mode = #tpu.pipeline_mode<synchronous>, transform_indices = @transform_6, window_bounds = array<i64: 1, 10240>}, {pipeline_mode = #tpu.pipeline_mode<synchronous>, transform_indices = @transform_7, window_bounds = array<i64: 1, 10240>}, {transform_indices = @transform_8, window_bounds = array<i64: 256, 1>}, {pipeline_mode = #tpu.pipeline_mode<synchronous>, transform_indices = @transform_9, window_bounds = array<i64: 128, 128>}, {pipeline_mode = #tpu.pipeline_mode<synchronous>, transform_indices = @transform_10, window_bounds = array<i64: 1, 128>}, {pipeline_mode = #tpu.pipeline_mode<synchronous>, transform_indices = @transform_11, window_bounds = array<i64: 128, 128>}, {pipeline_mode = #tpu.pipeline_mode<synchronous>, transform_indices = @transform_12, window_bounds = array<i64: 1, 128>}, {pipeline_mode = #tpu.pipeline_mode<synchronous>, transform_indices = @transform_13, window_bounds = array<i64: 256, 256>}, {pipeline_mode = #tpu.pipeline_mode<synchronous>, transform_indices = @transform_14, window_bounds = array<i64: 1, 64>}, {transform_indices = @transform_15, window_bounds = array<i64: 256, 128>}, {transform_indices = @transform_16, window_bounds = array<i64: 256, 1>}, {transform_indices = @transform_17, window_bounds = array<i64: 1, 256>}, {transform_indices = @transform_18, window_bounds = array<i64: 256, 1>}, {transform_indices = @transform_19, window_bounds = array<i64: 1, 256>}, {pipeline_mode = #tpu.pipeline_mode<synchronous>, transform_indices = @transform_20, window_bounds = array<i64: 64, 128>}, {pipeline_mode = #tpu.pipeline_mode<synchronous>, transform_indices = @transform_21, window_bounds = array<i64: 64, 128>}, {pipeline_mode = #tpu.pipeline_mode<synchronous>, transform_indices = @transform_22, window_bounds = array<i64: 64, 1>}]} {
    %mul3A = arith.constant 256 : i32
    %mul3A_0 = arith.muli %arg1, %mul3A : i32
    %multiple_of3A = tpu.assume_multiple %mul3A_0, 128 : i32
    %eq3A = arith.constant 0 : i32
    %eq3A_1 = arith.cmpi eq, %arg0, %eq3A : i32
    %convert_element_type3A = arith.extui %eq3A_1 : i1 to i32
    %cond3A = arith.constant 0 : i32
    %cond3A_2 = arith.cmpi ne, %convert_element_type3A, %cond3A : i32
    scf.if %cond3A_2 {
      %get3A = arith.constant 0 : index
      %get3A_8 = arith.constant 0 : index
      %get3A_9 = arith.constant 0 : index
      %get3A_10 = vector.load %arg2[%get3A, %get3A_8, %get3A_9] : memref<2x256x128xf32, #tpu.memory_space<vmem>>, vector<1x256x128xf32>
      %get3A_11 = vector.shape_cast %get3A_10 : vector<1x256x128xf32> to vector<256x128xf32>
      %get3A_12 = arith.constant 1 : index
      %get3A_13 = arith.constant 0 : index
      %get3A_14 = arith.constant 0 : index
      %get3A_15 = vector.load %arg2[%get3A_12, %get3A_13, %get3A_14] : memref<2x256x128xf32, #tpu.memory_space<vmem>>, vector<1x256x128xf32>
      %get3A_16 = vector.shape_cast %get3A_15 : vector<1x256x128xf32> to vector<256x128xf32>
      %add3A = arith.addf %get3A_11, %get3A_16 : vector<256x128xf32>
      %get3A_17 = arith.constant 0 : index
      %get3A_18 = arith.constant 0 : index
      %get3A_19 = vector.load %arg3[%get3A_17, %get3A_18] : memref<2x256xf32, #tpu.memory_space<vmem>>, vector<1x256xf32>
      %get3A_20 = arith.constant 1 : index
      %get3A_21 = arith.constant 0 : index
      %get3A_22 = vector.load %arg3[%get3A_20, %get3A_21] : memref<2x256xf32, #tpu.memory_space<vmem>>, vector<1x256xf32>
      %add3A_23 = arith.addf %get3A_19, %get3A_22 : vector<1x256xf32>
      %get3A_24 = arith.constant 0 : index
      %get3A_25 = arith.constant 0 : index
      %get3A_26 = vector.load %arg15[%get3A_24, %get3A_25] : memref<256x256xf32, #tpu.memory_space<vmem>>, vector<256x256xf32>
      %dot_general3A = arith.constant dense<0.000000e+00> : vector<256x1xf32>
      %dot_general3A_27 = tpu.matmul %get3A_26, %add3A_23, %dot_general3A {dimension_numbers = #tpu.dot_dimension_numbers<[1], [1], [0], [0], [0, 0, 1, 0], [], []>, transpose_lhs_hint = false} : vector<256x256xf32>, vector<1x256xf32>, vector<256x1xf32> -> vector<256x1xf32>
      %get3A_28 = arith.constant 0 : index
      %get3A_29 = arith.constant 0 : index
      %get3A_30 = vector.load %arg4[%get3A_28, %get3A_29] : memref<256x1xf32, #tpu.memory_space<vmem>>, vector<256x1xf32>
      %mul3A_31 = vector.broadcast %get3A_30 : vector<256x1xf32> to vector<256x128xf32>
      %mul3A_32 = arith.mulf %add3A, %mul3A_31 : vector<256x128xf32>
      %max3A = arith.constant 1.000000e+00 : f32
      %max3A_33 = vector.broadcast %max3A : f32 to vector<256x1xf32>
      %max3A_34 = arith.maximumf %dot_general3A_27, %max3A_33 : vector<256x1xf32>
      %div3A = vector.broadcast %max3A_34 : vector<256x1xf32> to vector<256x128xf32>
      %div3A_35 = arith.divf %mul3A_32, %div3A : vector<256x128xf32>
      %get3A_36 = arith.constant 0 : index
      %get3A_37 = arith.constant 0 : index
      %get3A_38 = vector.load %arg11[%get3A_36, %get3A_37] : memref<128x128xf32, #tpu.memory_space<vmem>>, vector<128x128xf32>
      %dot_general3A_39 = arith.constant dense<0.000000e+00> : vector<256x128xf32>
      %dot_general3A_40 = tpu.matmul %div3A_35, %get3A_38, %dot_general3A_39 {dimension_numbers = #tpu.dot_dimension_numbers<[1], [1], [0], [0], [0, 0, 1, 0], [], []>, transpose_lhs_hint = false} : vector<256x128xf32>, vector<128x128xf32>, vector<256x128xf32> -> vector<256x128xf32>
      %get3A_41 = arith.constant 0 : index
      %get3A_42 = arith.constant 0 : index
      %get3A_43 = vector.load %arg12[%get3A_41, %get3A_42] : memref<1x128xf32, #tpu.memory_space<vmem>>, vector<1x128xf32>
      %add3A_44 = vector.broadcast %get3A_43 : vector<1x128xf32> to vector<256x128xf32>
      %add3A_45 = arith.addf %dot_general3A_40, %add3A_44 : vector<256x128xf32>
      %get3A_46 = arith.constant 0 : index
      %get3A_47 = arith.constant 0 : index
      %get3A_48 = vector.load %arg5[%get3A_46, %get3A_47] : memref<256x128xf32, #tpu.memory_space<vmem>>, vector<256x128xf32>
      %get3A_49 = arith.constant 0 : index
      %get3A_50 = arith.constant 0 : index
      %get3A_51 = vector.load %arg13[%get3A_49, %get3A_50] : memref<128x128xf32, #tpu.memory_space<vmem>>, vector<128x128xf32>
      %dot_general3A_52 = arith.constant dense<0.000000e+00> : vector<256x128xf32>
      %dot_general3A_53 = tpu.matmul %get3A_48, %get3A_51, %dot_general3A_52 {dimension_numbers = #tpu.dot_dimension_numbers<[1], [1], [0], [0], [0, 0, 1, 0], [], []>, transpose_lhs_hint = false} : vector<256x128xf32>, vector<128x128xf32>, vector<256x128xf32> -> vector<256x128xf32>
      %add3A_54 = arith.addf %add3A_45, %dot_general3A_53 : vector<256x128xf32>
      %max3A_55 = arith.constant 0.000000e+00 : f32
      %max3A_56 = vector.broadcast %max3A_55 : f32 to vector<256x128xf32>
      %max3A_57 = arith.maximumf %add3A_54, %max3A_56 : vector<256x128xf32>
      %swap3A = arith.index_cast %multiple_of3A : i32 to index
      %swap3A_58 = arith.constant 0 : index
      %swap3A_59 = vector.load %arg25[%swap3A, %swap3A_58] : memref<10240x128xf32, #tpu.memory_space<vmem>>, vector<256x128xf32>
      tpu.vector_store %arg25[%swap3A, %swap3A_58], %max3A_57 {strides = array<i32>} : memref<10240x128xf32, #tpu.memory_space<vmem>>, vector<256x128xf32>,
      %get3A_60 = arith.constant 0 : index
      %get3A_61 = arith.constant 0 : index
      %get3A_62 = vector.load %arg14[%get3A_60, %get3A_61] : memref<1x128xf32, #tpu.memory_space<vmem>>, vector<1x128xf32>
      %mul3A_63 = arith.mulf %get3A_62, %get3A_62 : vector<1x128xf32>
      %reduce_sum3A = vector.shape_cast %mul3A_63 : vector<1x128xf32> to vector<1x1x128xf32>
      %reduce_sum3A_64 = arith.constant dense<0.000000e+00> : vector<1xf32>
      %reduce_sum3A_65 = vector.multi_reduction <add>, %reduce_sum3A, %reduce_sum3A_64 [1, 2] : vector<1x1x128xf32> to vector<1xf32>
      %reduce_sum3A_66 = vector.shape_cast %reduce_sum3A_65 : vector<1xf32> to vector<1x1x1xf32>
      %reduce_sum3A_67 = vector.extract %reduce_sum3A_66[0, 0, 0] : f32 from vector<1x1x1xf32>
      %sqrt3A = math.sqrt %reduce_sum3A_67 : f32
      %mul3A_68 = vector.broadcast %get3A_62 : vector<1x128xf32> to vector<256x128xf32>
      %mul3A_69 = arith.mulf %max3A_57, %mul3A_68 : vector<256x128xf32>
      %reduce_sum3A_70 = arith.constant dense<0.000000e+00> : vector<256xf32>
      %reduce_sum3A_71 = vector.multi_reduction <add>, %mul3A_69, %reduce_sum3A_70 [1] : vector<256x128xf32> to vector<256xf32>
      %broadcast_in_dim3A = vector.shape_cast %reduce_sum3A_71 : vector<256xf32> to vector<256x1xf32>
      %div3A_72 = vector.broadcast %sqrt3A : f32 to vector<256x1xf32>
      %div3A_73 = arith.divf %broadcast_in_dim3A, %div3A_72 : vector<256x1xf32>
      %tanh3A = math.tanh %div3A_73 : vector<256x1xf32>
      %swap3A_74 = arith.index_cast %multiple_of3A : i32 to index
      %swap3A_75 = arith.constant 0 : index
      %swap3A_76 = vector.load %arg26[%swap3A_74, %swap3A_75] : memref<10240x1xf32, #tpu.memory_space<vmem>>, vector<256x1xf32>
      tpu.vector_store %arg26[%swap3A_74, %swap3A_75], %tanh3A {strides = array<i32>} : memref<10240x1xf32, #tpu.memory_space<vmem>>, vector<256x1xf32>,
      %get3A_77 = arith.constant 0 : index
      %get3A_78 = arith.constant 0 : index
      %get3A_79 = vector.load %arg15[%get3A_77, %get3A_78] : memref<256x256xf32, #tpu.memory_space<vmem>>, vector<256x256xf32>
      %dot_general3A_80 = arith.constant dense<0.000000e+00> : vector<1x256xf32>
      %dot_general3A_81 = tpu.matmul %tanh3A, %get3A_79, %dot_general3A_80 {dimension_numbers = #tpu.dot_dimension_numbers<[0], [0], [1], [1], [0, 1, 1, 1], [], []>, transpose_lhs_hint = false} : vector<256x1xf32>, vector<256x256xf32>, vector<1x256xf32> -> vector<1x256xf32>
      %swap3A_82 = arith.constant 0 : index
      %swap3A_83 = arith.index_cast %multiple_of3A : i32 to index
      %swap3A_84 = vector.load %arg27[%swap3A_82, %swap3A_83] : memref<1x10240xf32, #tpu.memory_space<vmem>>, vector<1x256xf32>
      tpu.vector_store %arg27[%swap3A_82, %swap3A_83], %dot_general3A_81 {strides = array<i32>} : memref<1x10240xf32, #tpu.memory_space<vmem>>, vector<1x256xf32>,
      %iota3A = tpu.iota {dimensions = array<i32: 1>} : vector<1x64xi32>
      %convert_element_type3A_85 = arith.sitofp %iota3A : vector<1x64xi32> to vector<1x64xf32>
      %get3A_86 = arith.constant 0 : index
      %get3A_87 = arith.constant 0 : index
      %get3A_88 = vector.load %arg6[%get3A_86, %get3A_87] : memref<256x1xf32, #tpu.memory_space<vmem>>, vector<256x1xf32>
      %eq3A_89 = vector.broadcast %get3A_88 : vector<256x1xf32> to vector<256x64xf32>
      %eq3A_90 = vector.broadcast %convert_element_type3A_85 : vector<1x64xf32> to vector<256x64xf32>
      %eq3A_91 = arith.cmpf oeq, %eq3A_89, %eq3A_90 : vector<256x64xf32>
      %gt3A = arith.constant 5.000000e-01 : f32
      %gt3A_92 = vector.broadcast %gt3A : f32 to vector<256x1xf32>
      %gt3A_93 = arith.cmpf ogt, %get3A_30, %gt3A_92 : vector<256x1xf32>
      %and3A = vector.broadcast %gt3A_93 : vector<256x1xi1> to vector<256x64xi1>
      %and3A_94 = arith.andi %eq3A_91, %and3A : vector<256x64xi1>
      %jit3A = arith.constant 1.000000e+00 : f32
      %jit3A_95 = arith.constant 0.000000e+00 : f32
      %broadcast_in_dim3A_96 = vector.broadcast %jit3A : f32 to vector<256x64xf32>
      %broadcast_in_dim3A_97 = vector.broadcast %jit3A_95 : f32 to vector<256x64xf32>
      %select_n3A = arith.select %and3A_94, %broadcast_in_dim3A_96, %broadcast_in_dim3A_97 : vector<256x64xi1>, vector<256x64xf32>
      %reduce_sum3A_98 = arith.constant dense<0.000000e+00> : vector<64xf32>
      %reduce_sum3A_99 = vector.multi_reduction <add>, %select_n3A, %reduce_sum3A_98 [0] : vector<256x64xf32> to vector<64xf32>
      %broadcast_in_dim3A_100 = vector.shape_cast %reduce_sum3A_99 : vector<64xf32> to vector<1x64xf32>
      %eq3A_101 = arith.constant 0 : i32
      %eq3A_102 = arith.cmpi eq, %arg1, %eq3A_101 : i32
      %convert_element_type3A_103 = arith.extui %eq3A_102 : i1 to i32
      %cond3A_104 = arith.constant 0 : i32
      %cond3A_105 = arith.cmpi ne, %convert_element_type3A_103, %cond3A_104 : i32
      scf.if %cond3A_105 {
        %get3A_113 = arith.constant 0 : index
        %get3A_114 = arith.constant 0 : index
        %get3A_115 = vector.load %arg16[%get3A_113, %get3A_114] : memref<1x64xf32, #tpu.memory_space<vmem>>, vector<1x64xf32>
        %swap3A_116 = arith.constant 0 : index
        %swap3A_117 = arith.constant 0 : index
        %swap3A_118 = vector.load %arg28[%swap3A_116, %swap3A_117] : memref<1x64xf32, #tpu.memory_space<vmem>>, vector<1x64xf32>
        tpu.vector_store %arg28[%swap3A_116, %swap3A_117], %get3A_115 {strides = array<i32>} : memref<1x64xf32, #tpu.memory_space<vmem>>, vector<1x64xf32>,
      } else {
      }
      %get3A_106 = arith.constant 0 : index
      %get3A_107 = arith.constant 0 : index
      %get3A_108 = vector.load %arg28[%get3A_106, %get3A_107] : memref<1x64xf32, #tpu.memory_space<vmem>>, vector<1x64xf32>
      %add3A_109 = arith.addf %get3A_108, %broadcast_in_dim3A_100 : vector<1x64xf32>
      %swap3A_110 = arith.constant 0 : index
      %swap3A_111 = arith.constant 0 : index
      %swap3A_112 = vector.load %arg28[%swap3A_110, %swap3A_111] : memref<1x64xf32, #tpu.memory_space<vmem>>, vector<1x64xf32>
      tpu.vector_store %arg28[%swap3A_110, %swap3A_111], %add3A_109 {strides = array<i32>} : memref<1x64xf32, #tpu.memory_space<vmem>>, vector<1x64xf32>,
    } else {
    }
    %eq3A_3 = arith.constant 1 : i32
    %eq3A_4 = arith.cmpi eq, %arg0, %eq3A_3 : i32
    %convert_element_type3A_5 = arith.extui %eq3A_4 : i1 to i32
    %cond3A_6 = arith.constant 0 : i32
    %cond3A_7 = arith.cmpi ne, %convert_element_type3A_5, %cond3A_6 : i32
    scf.if %cond3A_7 {
      %mul3A_8 = arith.constant 256 : i32
      %mul3A_9 = arith.muli %arg1, %mul3A_8 : i32
      %sub3A = arith.constant 256 : i32
      %sub3A_10 = arith.subi %mul3A_9, %sub3A : i32
      %jit3A = arith.constant 0 : i32
      %jit3A_11 = arith.constant 9472 : i32
      %max3A = arith.maxsi %jit3A, %sub3A_10 : i32
      %min3A = arith.minsi %jit3A_11, %max3A : i32
      %multiple_of3A_12 = tpu.assume_multiple %min3A, 128 : i32
      %get3A = arith.constant 0 : index
      %get3A_13 = arith.index_cast %multiple_of3A_12 : i32 to index
      %get3A_14 = vector.load %arg27[%get3A, %get3A_13] : memref<1x10240xf32, #tpu.memory_space<vmem>>, vector<1x768xf32>
      %get3A_15 = arith.constant 0 : index
      %get3A_16 = arith.index_cast %multiple_of3A_12 : i32 to index
      %get3A_17 = vector.load %arg7[%get3A_15, %get3A_16] : memref<1x10240xf32, #tpu.memory_space<vmem>>, vector<1x768xf32>
      %get3A_18 = arith.constant 0 : index
      %get3A_19 = arith.index_cast %multiple_of3A_12 : i32 to index
      %get3A_20 = vector.load %arg8[%get3A_18, %get3A_19] : memref<1x10240xf32, #tpu.memory_space<vmem>>, vector<1x768xf32>
      %get3A_21 = arith.constant 0 : index
      %get3A_22 = arith.index_cast %multiple_of3A_12 : i32 to index
      %get3A_23 = vector.load %arg9[%get3A_21, %get3A_22] : memref<1x10240xf32, #tpu.memory_space<vmem>>, vector<1x768xf32>
      %get3A_24 = arith.index_cast %multiple_of3A : i32 to index
      %get3A_25 = arith.constant 0 : index
      %get3A_26 = vector.load %arg26[%get3A_24, %get3A_25] : memref<10240x1xf32, #tpu.memory_space<vmem>>, vector<256x1xf32>
      %get3A_27 = arith.constant 0 : index
      %get3A_28 = arith.constant 0 : index
      %get3A_29 = vector.load %arg10[%get3A_27, %get3A_28] : memref<256x1xf32, #tpu.memory_space<vmem>>, vector<256x1xf32>
      %get3A_30 = arith.constant 0 : index
      %get3A_31 = arith.constant 0 : index
      %get3A_32 = vector.load %arg6[%get3A_30, %get3A_31] : memref<256x1xf32, #tpu.memory_space<vmem>>, vector<256x1xf32>
      %gt3A = vector.broadcast %get3A_14 : vector<1x768xf32> to vector<256x768xf32>
      %gt3A_33 = vector.broadcast %get3A_26 : vector<256x1xf32> to vector<256x768xf32>
      %gt3A_34 = arith.cmpf ogt, %gt3A, %gt3A_33 : vector<256x768xf32>
      %eq3A_35 = vector.broadcast %get3A_14 : vector<1x768xf32> to vector<256x768xf32>
      %eq3A_36 = vector.broadcast %get3A_26 : vector<256x1xf32> to vector<256x768xf32>
      %eq3A_37 = arith.cmpf oeq, %eq3A_35, %eq3A_36 : vector<256x768xf32>
      %lt3A = vector.broadcast %get3A_17 : vector<1x768xf32> to vector<256x768xf32>
      %lt3A_38 = vector.broadcast %get3A_29 : vector<256x1xf32> to vector<256x768xf32>
      %lt3A_39 = arith.cmpf olt, %lt3A, %lt3A_38 : vector<256x768xf32>
      %and3A = arith.andi %eq3A_37, %lt3A_39 : vector<256x768xi1>
      %or3A = arith.ori %gt3A_34, %and3A : vector<256x768xi1>
      %eq3A_40 = vector.broadcast %get3A_20 : vector<1x768xf32> to vector<256x768xf32>
      %eq3A_41 = vector.broadcast %get3A_32 : vector<256x1xf32> to vector<256x768xf32>
      %eq3A_42 = arith.cmpf oeq, %eq3A_40, %eq3A_41 : vector<256x768xf32>
      %gt3A_43 = arith.constant 5.000000e-01 : f32
      %gt3A_44 = vector.broadcast %gt3A_43 : f32 to vector<1x768xf32>
      %gt3A_45 = arith.cmpf ogt, %get3A_23, %gt3A_44 : vector<1x768xf32>
      %and3A_46 = vector.broadcast %gt3A_45 : vector<1x768xi1> to vector<256x768xi1>
      %and3A_47 = arith.andi %eq3A_42, %and3A_46 : vector<256x768xi1>
      %and3A_48 = arith.andi %or3A, %and3A_47 : vector<256x768xi1>
      %jit3A_49 = arith.constant 1.000000e+00 : f32
      %jit3A_50 = arith.constant 0.000000e+00 : f32
      %broadcast_in_dim3A = vector.broadcast %jit3A_49 : f32 to vector<256x768xf32>
      %broadcast_in_dim3A_51 = vector.broadcast %jit3A_50 : f32 to vector<256x768xf32>
      %select_n3A = arith.select %and3A_48, %broadcast_in_dim3A, %broadcast_in_dim3A_51 : vector<256x768xi1>, vector<256x768xf32>
      %reduce_sum3A = arith.constant dense<0.000000e+00> : vector<256xf32>
      %reduce_sum3A_52 = vector.multi_reduction <add>, %select_n3A, %reduce_sum3A [1] : vector<256x768xf32> to vector<256xf32>
      %broadcast_in_dim3A_53 = vector.shape_cast %reduce_sum3A_52 : vector<256xf32> to vector<256x1xf32>
      %swap3A = arith.constant 0 : index
      %swap3A_54 = arith.constant 0 : index
      %swap3A_55 = vector.load %arg20[%swap3A, %swap3A_54] : memref<256x1xf32, #tpu.memory_space<vmem>>, vector<256x1xf32>
      tpu.vector_store %arg20[%swap3A, %swap3A_54], %broadcast_in_dim3A_53 {strides = array<i32>} : memref<256x1xf32, #tpu.memory_space<vmem>>, vector<256x1xf32>,
      %get3A_56 = arith.constant 0 : index
      %get3A_57 = arith.constant 0 : index
      %get3A_58 = vector.load %arg15[%get3A_56, %get3A_57] : memref<256x256xf32, #tpu.memory_space<vmem>>, vector<256x256xf32>
      %dot_general3A = arith.constant dense<0.000000e+00> : vector<1x256xf32>
      %dot_general3A_59 = tpu.matmul %broadcast_in_dim3A_53, %get3A_58, %dot_general3A {dimension_numbers = #tpu.dot_dimension_numbers<[0], [0], [1], [1], [0, 1, 1, 1], [], []>, transpose_lhs_hint = false} : vector<256x1xf32>, vector<256x256xf32>, vector<1x256xf32> -> vector<1x256xf32>
      %swap3A_60 = arith.constant 0 : index
      %swap3A_61 = arith.constant 0 : index
      %swap3A_62 = vector.load %arg21[%swap3A_60, %swap3A_61] : memref<1x256xf32, #tpu.memory_space<vmem>>, vector<1x256xf32>
      tpu.vector_store %arg21[%swap3A_60, %swap3A_61], %dot_general3A_59 {strides = array<i32>} : memref<1x256xf32, #tpu.memory_space<vmem>>, vector<1x256xf32>,
      %get3A_63 = arith.constant 0 : index
      %get3A_64 = arith.constant 0 : index
      %get3A_65 = vector.load %arg28[%get3A_63, %get3A_64] : memref<1x64xf32, #tpu.memory_space<vmem>>, vector<1x64xf32>
      %mul3A_66 = arith.constant 5.000000e-01 : f32
      %mul3A_67 = vector.broadcast %mul3A_66 : f32 to vector<1x64xf32>
      %mul3A_68 = arith.mulf %mul3A_67, %get3A_65 : vector<1x64xf32>
      %ceil3A = math.ceil %mul3A_68 : vector<1x64xf32>
      %iota3A = tpu.iota {dimensions = array<i32: 1>} : vector<1x64xi32>
      %convert_element_type3A_69 = arith.sitofp %iota3A : vector<1x64xi32> to vector<1x64xf32>
      %eq3A_70 = vector.broadcast %get3A_32 : vector<256x1xf32> to vector<256x64xf32>
      %eq3A_71 = vector.broadcast %convert_element_type3A_69 : vector<1x64xf32> to vector<256x64xf32>
      %eq3A_72 = arith.cmpf oeq, %eq3A_70, %eq3A_71 : vector<256x64xf32>
      %jit3A_73 = arith.constant 0.000000e+00 : f32
      %broadcast_in_dim3A_74 = vector.shape_cast %ceil3A : vector<1x64xf32> to vector<1x64xf32>
      %broadcast_in_dim3A_75 = vector.broadcast %broadcast_in_dim3A_74 : vector<1x64xf32> to vector<256x64xf32>
      %broadcast_in_dim3A_76 = vector.broadcast %jit3A_73 : f32 to vector<256x64xf32>
      %select_n3A_77 = arith.select %eq3A_72, %broadcast_in_dim3A_75, %broadcast_in_dim3A_76 : vector<256x64xi1>, vector<256x64xf32>
      %reduce_sum3A_78 = arith.constant dense<0.000000e+00> : vector<256xf32>
      %reduce_sum3A_79 = vector.multi_reduction <add>, %select_n3A_77, %reduce_sum3A_78 [1] : vector<256x64xf32> to vector<256xf32>
      %broadcast_in_dim3A_80 = vector.shape_cast %reduce_sum3A_79 : vector<256xf32> to vector<256x1xf32>
      %get3A_81 = arith.constant 0 : index
      %get3A_82 = arith.constant 0 : index
      %get3A_83 = vector.load %arg4[%get3A_81, %get3A_82] : memref<256x1xf32, #tpu.memory_space<vmem>>, vector<256x1xf32>
      %gt3A_84 = arith.constant 5.000000e-01 : f32
      %gt3A_85 = vector.broadcast %gt3A_84 : f32 to vector<256x1xf32>
      %gt3A_86 = arith.cmpf ogt, %get3A_83, %gt3A_85 : vector<256x1xf32>
      %lt3A_87 = arith.cmpf olt, %broadcast_in_dim3A_53, %broadcast_in_dim3A_80 : vector<256x1xf32>
      %and3A_88 = arith.andi %gt3A_86, %lt3A_87 : vector<256x1xi1>
      %jit3A_89 = arith.constant 1.000000e+00 : f32
      %jit3A_90 = arith.constant 0.000000e+00 : f32
      %broadcast_in_dim3A_91 = vector.broadcast %jit3A_89 : f32 to vector<256x1xf32>
      %broadcast_in_dim3A_92 = vector.broadcast %jit3A_90 : f32 to vector<256x1xf32>
      %select_n3A_93 = arith.select %and3A_88, %broadcast_in_dim3A_91, %broadcast_in_dim3A_92 : vector<256x1xi1>, vector<256x1xf32>
      %get3A_94 = arith.index_cast %multiple_of3A : i32 to index
      %get3A_95 = arith.constant 0 : index
      %get3A_96 = vector.load %arg25[%get3A_94, %get3A_95] : memref<10240x128xf32, #tpu.memory_space<vmem>>, vector<256x128xf32>
      %mul3A_97 = vector.broadcast %get3A_26 : vector<256x1xf32> to vector<256x128xf32>
      %mul3A_98 = arith.mulf %get3A_96, %mul3A_97 : vector<256x128xf32>
      %mul3A_99 = vector.broadcast %select_n3A_93 : vector<256x1xf32> to vector<256x128xf32>
      %mul3A_100 = arith.mulf %mul3A_98, %mul3A_99 : vector<256x128xf32>
      %swap3A_101 = arith.constant 0 : index
      %swap3A_102 = arith.constant 0 : index
      %swap3A_103 = vector.load %arg17[%swap3A_101, %swap3A_102] : memref<256x128xf32, #tpu.memory_space<vmem>>, vector<256x128xf32>
      tpu.vector_store %arg17[%swap3A_101, %swap3A_102], %mul3A_100 {strides = array<i32>} : memref<256x128xf32, #tpu.memory_space<vmem>>, vector<256x128xf32>,
      %swap3A_104 = arith.constant 0 : index
      %swap3A_105 = arith.constant 0 : index
      %swap3A_106 = vector.load %arg18[%swap3A_104, %swap3A_105] : memref<256x1xf32, #tpu.memory_space<vmem>>, vector<256x1xf32>
      tpu.vector_store %arg18[%swap3A_104, %swap3A_105], %select_n3A_93 {strides = array<i32>} : memref<256x1xf32, #tpu.memory_space<vmem>>, vector<256x1xf32>,
      %get3A_107 = arith.constant 0 : index
      %get3A_108 = arith.constant 0 : index
      %get3A_109 = vector.load %arg15[%get3A_107, %get3A_108] : memref<256x256xf32, #tpu.memory_space<vmem>>, vector<256x256xf32>
      %dot_general3A_110 = arith.constant dense<0.000000e+00> : vector<1x256xf32>
      %dot_general3A_111 = tpu.matmul %select_n3A_93, %get3A_109, %dot_general3A_110 {dimension_numbers = #tpu.dot_dimension_numbers<[0], [0], [1], [1], [0, 1, 1, 1], [], []>, transpose_lhs_hint = false} : vector<256x1xf32>, vector<256x256xf32>, vector<1x256xf32> -> vector<1x256xf32>
      %swap3A_112 = arith.constant 0 : index
      %swap3A_113 = arith.constant 0 : index
      %swap3A_114 = vector.load %arg19[%swap3A_112, %swap3A_113] : memref<1x256xf32, #tpu.memory_space<vmem>>, vector<1x256xf32>
      tpu.vector_store %arg19[%swap3A_112, %swap3A_113], %dot_general3A_111 {strides = array<i32>} : memref<1x256xf32, #tpu.memory_space<vmem>>, vector<1x256xf32>,
      %and3A_115 = vector.broadcast %and3A_88 : vector<256x1xi1> to vector<256x64xi1>
      %and3A_116 = arith.andi %eq3A_72, %and3A_115 : vector<256x64xi1>
      %jit3A_117 = arith.constant 1.000000e+00 : f32
      %jit3A_118 = arith.constant 0.000000e+00 : f32
      %broadcast_in_dim3A_119 = vector.broadcast %jit3A_117 : f32 to vector<256x64xf32>
      %broadcast_in_dim3A_120 = vector.broadcast %jit3A_118 : f32 to vector<256x64xf32>
      %select_n3A_121 = arith.select %and3A_116, %broadcast_in_dim3A_119, %broadcast_in_dim3A_120 : vector<256x64xi1>, vector<256x64xf32>
      %dot_general3A_122 = arith.constant dense<0.000000e+00> : vector<64x128xf32>
      %dot_general3A_123 = tpu.matmul %select_n3A_121, %mul3A_100, %dot_general3A_122 {dimension_numbers = #tpu.dot_dimension_numbers<[0], [0], [1], [1], [0, 1, 1, 1], [], []>, transpose_lhs_hint = false} : vector<256x64xf32>, vector<256x128xf32>, vector<64x128xf32> -> vector<64x128xf32>
      %reduce_sum3A_124 = arith.constant dense<0.000000e+00> : vector<64xf32>
      %reduce_sum3A_125 = vector.multi_reduction <add>, %select_n3A_121, %reduce_sum3A_124 [0] : vector<256x64xf32> to vector<64xf32>
      %broadcast_in_dim3A_126 = vector.shape_cast %reduce_sum3A_125 : vector<64xf32> to vector<64x1xf32>
      %eq3A_127 = arith.constant 0 : i32
      %eq3A_128 = arith.cmpi eq, %arg1, %eq3A_127 : i32
      %convert_element_type3A_129 = arith.extui %eq3A_128 : i1 to i32
      %cond3A_130 = arith.constant 0 : i32
      %cond3A_131 = arith.cmpi ne, %convert_element_type3A_129, %cond3A_130 : i32
      scf.if %cond3A_131 {
        %broadcast_in_dim3A_165 = arith.constant 0.000000e+00 : f32
        %broadcast_in_dim3A_166 = vector.broadcast %broadcast_in_dim3A_165 : f32 to vector<64x128xf32>
        %swap3A_167 = arith.constant 0 : index
        %swap3A_168 = arith.constant 0 : index
        %swap3A_169 = vector.load %arg23[%swap3A_167, %swap3A_168] : memref<64x128xf32, #tpu.memory_space<vmem>>, vector<64x128xf32>
        tpu.vector_store %arg23[%swap3A_167, %swap3A_168], %broadcast_in_dim3A_166 {strides = array<i32>} : memref<64x128xf32, #tpu.memory_space<vmem>>, vector<64x128xf32>,
        %broadcast_in_dim3A_170 = arith.constant 0.000000e+00 : f32
        %broadcast_in_dim3A_171 = vector.broadcast %broadcast_in_dim3A_170 : f32 to vector<64x1xf32>
        %swap3A_172 = arith.constant 0 : index
        %swap3A_173 = arith.constant 0 : index
        %swap3A_174 = vector.load %arg24[%swap3A_172, %swap3A_173] : memref<64x1xf32, #tpu.memory_space<vmem>>, vector<64x1xf32>
        tpu.vector_store %arg24[%swap3A_172, %swap3A_173], %broadcast_in_dim3A_171 {strides = array<i32>} : memref<64x1xf32, #tpu.memory_space<vmem>>, vector<64x1xf32>,
        %broadcast_in_dim3A_175 = arith.constant -3.000000e+38 : f32
        %broadcast_in_dim3A_176 = vector.broadcast %broadcast_in_dim3A_175 : f32 to vector<64x128xf32>
        %swap3A_177 = arith.constant 0 : index
        %swap3A_178 = arith.constant 0 : index
        %swap3A_179 = vector.load %arg22[%swap3A_177, %swap3A_178] : memref<64x128xf32, #tpu.memory_space<vmem>>, vector<64x128xf32>
        tpu.vector_store %arg22[%swap3A_177, %swap3A_178], %broadcast_in_dim3A_176 {strides = array<i32>} : memref<64x128xf32, #tpu.memory_space<vmem>>, vector<64x128xf32>,
      } else {
      }
      %get3A_132 = arith.constant 0 : index
      %get3A_133 = arith.constant 0 : index
      %get3A_134 = vector.load %arg23[%get3A_132, %get3A_133] : memref<64x128xf32, #tpu.memory_space<vmem>>, vector<64x128xf32>
      %add3A = arith.addf %get3A_134, %dot_general3A_123 : vector<64x128xf32>
      %swap3A_135 = arith.constant 0 : index
      %swap3A_136 = arith.constant 0 : index
      %swap3A_137 = vector.load %arg23[%swap3A_135, %swap3A_136] : memref<64x128xf32, #tpu.memory_space<vmem>>, vector<64x128xf32>
      tpu.vector_store %arg23[%swap3A_135, %swap3A_136], %add3A {strides = array<i32>} : memref<64x128xf32, #tpu.memory_space<vmem>>, vector<64x128xf32>,
      %get3A_138 = arith.constant 0 : index
      %get3A_139 = arith.constant 0 : index
      %get3A_140 = vector.load %arg24[%get3A_138, %get3A_139] : memref<64x1xf32, #tpu.memory_space<vmem>>, vector<64x1xf32>
      %add3A_141 = arith.addf %get3A_140, %broadcast_in_dim3A_126 : vector<64x1xf32>
      %swap3A_142 = arith.constant 0 : index
      %swap3A_143 = arith.constant 0 : index
      %swap3A_144 = vector.load %arg24[%swap3A_142, %swap3A_143] : memref<64x1xf32, #tpu.memory_space<vmem>>, vector<64x1xf32>
      tpu.vector_store %arg24[%swap3A_142, %swap3A_143], %add3A_141 {strides = array<i32>} : memref<64x1xf32, #tpu.memory_space<vmem>>, vector<64x1xf32>,
      %reduce_min3A = vector.shape_cast %get3A_32 : vector<256x1xf32> to vector<1x256x1xf32>
      %reduce_min3A_145 = arith.constant dense<0x7F800000> : vector<1xf32>
      %reduce_min3A_146 = vector.multi_reduction <minimumf>, %reduce_min3A, %reduce_min3A_145 [1, 2] : vector<1x256x1xf32> to vector<1xf32>
      %reduce_min3A_147 = vector.shape_cast %reduce_min3A_146 : vector<1xf32> to vector<1x1x1xf32>
      %reduce_min3A_148 = vector.extract %reduce_min3A_147[0, 0, 0] : f32 from vector<1x1x1xf32>
      %convert_element_type3A_149 = arith.fptosi %reduce_min3A_148 : f32 to i32
      %reduce_max3A = vector.shape_cast %get3A_32 : vector<256x1xf32> to vector<1x256x1xf32>
      %reduce_max3A_150 = arith.constant dense<0xFF800000> : vector<1xf32>
      %reduce_max3A_151 = vector.multi_reduction <maximumf>, %reduce_max3A, %reduce_max3A_150 [1, 2] : vector<1x256x1xf32> to vector<1xf32>
      %reduce_max3A_152 = vector.shape_cast %reduce_max3A_151 : vector<1xf32> to vector<1x1x1xf32>
      %reduce_max3A_153 = vector.extract %reduce_max3A_152[0, 0, 0] : f32 from vector<1x1x1xf32>
      %convert_element_type3A_154 = arith.fptosi %reduce_max3A_153 : f32 to i32
      %add3A_155 = arith.constant 1 : i32
      %add3A_156 = arith.addi %convert_element_type3A_154, %add3A_155 : i32
      %while3A = arith.constant 0 : i32
      %while3A_157 = arith.subi %add3A_156, %convert_element_type3A_149 : i32
      %while3A_158 = arith.addi %convert_element_type3A_149, %while3A_157 : i32
      %while3A_159 = arith.constant 1 : i32
      %while3A_160 = arith.divsi %while3A_157, %while3A_159 : i32
      %while3A_161 = arith.muli %while3A_160, %while3A_159 : i32
      %while3A_162 = arith.addi %convert_element_type3A_149, %while3A_161 : i32
      %while3A_163 = arith.constant 1 : i32
      scf.for %while3A_165 = %convert_element_type3A_149 to %while3A_162 step %while3A_163  : i32 {
        %convert_element_type3A_166 = arith.sitofp %while3A_165 : i32 to f32
        %eq3A_167 = vector.broadcast %convert_element_type3A_166 : f32 to vector<256x1xf32>
        %eq3A_168 = arith.cmpf oeq, %get3A_32, %eq3A_167 : vector<256x1xf32>
        %and3A_169 = arith.andi %eq3A_168, %and3A_88 : vector<256x1xi1>
        %jit3A_170 = arith.constant -3.000000e+38 : f32
        %broadcast_in_dim3A_171 = vector.shape_cast %and3A_169 : vector<256x1xi1> to vector<256x1xi1>
        %broadcast_in_dim3A_172 = vector.broadcast %broadcast_in_dim3A_171 : vector<256x1xi1> to vector<256x128xi1>
        %broadcast_in_dim3A_173 = vector.broadcast %jit3A_170 : f32 to vector<256x128xf32>
        %select_n3A_174 = arith.select %broadcast_in_dim3A_172, %mul3A_100, %broadcast_in_dim3A_173 : vector<256x128xi1>, vector<256x128xf32>
        %reduce_max3A_175 = arith.constant dense<0xFF800000> : vector<128xf32>
        %reduce_max3A_176 = vector.multi_reduction <maximumf>, %select_n3A_174, %reduce_max3A_175 [0] : vector<256x128xf32> to vector<128xf32>
        %broadcast_in_dim3A_177 = vector.shape_cast %reduce_max3A_176 : vector<128xf32> to vector<1x128xf32>
        %get3A_178 = arith.index_cast %while3A_165 : i32 to index
        %get3A_179 = arith.constant 0 : index
        %get3A_180 = vector.load %arg22[%get3A_178, %get3A_179] : memref<64x128xf32, #tpu.memory_space<vmem>>, vector<1x128xf32>
        %max3A_181 = arith.maximumf %get3A_180, %broadcast_in_dim3A_177 : vector<1x128xf32>
        %swap3A_182 = arith.index_cast %while3A_165 : i32 to index
        %swap3A_183 = arith.constant 0 : index
        %swap3A_184 = vector.load %arg22[%swap3A_182, %swap3A_183] : memref<64x128xf32, #tpu.memory_space<vmem>>, vector<1x128xf32>
        tpu.vector_store %arg22[%swap3A_182, %swap3A_183], %max3A_181 {strides = array<i32>} : memref<64x128xf32, #tpu.memory_space<vmem>>, vector<1x128xf32>,
      }
      %while3A_164 = arith.constant 1 : i32
      scf.for %while3A_165 = %while3A_162 to %while3A_158 step %while3A_164  : i32 {
        %convert_element_type3A_166 = arith.sitofp %while3A_165 : i32 to f32
        %eq3A_167 = vector.broadcast %convert_element_type3A_166 : f32 to vector<256x1xf32>
        %eq3A_168 = arith.cmpf oeq, %get3A_32, %eq3A_167 : vector<256x1xf32>
        %and3A_169 = arith.andi %eq3A_168, %and3A_88 : vector<256x1xi1>
        %jit3A_170 = arith.constant -3.000000e+38 : f32
        %broadcast_in_dim3A_171 = vector.shape_cast %and3A_169 : vector<256x1xi1> to vector<256x1xi1>
        %broadcast_in_dim3A_172 = vector.broadcast %broadcast_in_dim3A_171 : vector<256x1xi1> to vector<256x128xi1>
        %broadcast_in_dim3A_173 = vector.broadcast %jit3A_170 : f32 to vector<256x128xf32>
        %select_n3A_174 = arith.select %broadcast_in_dim3A_172, %mul3A_100, %broadcast_in_dim3A_173 : vector<256x128xi1>, vector<256x128xf32>
        %reduce_max3A_175 = arith.constant dense<0xFF800000> : vector<128xf32>
        %reduce_max3A_176 = vector.multi_reduction <maximumf>, %select_n3A_174, %reduce_max3A_175 [0] : vector<256x128xf32> to vector<128xf32>
        %broadcast_in_dim3A_177 = vector.shape_cast %reduce_max3A_176 : vector<128xf32> to vector<1x128xf32>
        %get3A_178 = arith.index_cast %while3A_165 : i32 to index
        %get3A_179 = arith.constant 0 : index
        %get3A_180 = vector.load %arg22[%get3A_178, %get3A_179] : memref<64x128xf32, #tpu.memory_space<vmem>>, vector<1x128xf32>
        %max3A_181 = arith.maximumf %get3A_180, %broadcast_in_dim3A_177 : vector<1x128xf32>
        %swap3A_182 = arith.index_cast %while3A_165 : i32 to index
        %swap3A_183 = arith.constant 0 : index
        %swap3A_184 = vector.load %arg22[%swap3A_182, %swap3A_183] : memref<64x128xf32, #tpu.memory_space<vmem>>, vector<1x128xf32>
        tpu.vector_store %arg22[%swap3A_182, %swap3A_183], %max3A_181 {strides = array<i32>} : memref<64x128xf32, #tpu.memory_space<vmem>>, vector<1x128xf32>,
      }
    } else {
    }
    return
  }
  func.func @transform_0(%arg0: i32, %arg1: i32) -> (i32, i32, i32) {
    %sub3A = arith.constant 1 : i32
    %sub3A_0 = arith.subi %sub3A, %arg0 : i32
    %mul3A = arith.muli %arg1, %sub3A_0 : i32
    %c0_i32 = arith.constant 0 : i32
    %c0_i32_1 = arith.constant 0 : i32
    %c0_i32_2 = arith.constant 0 : i32
    return %c0_i32, %mul3A, %c0_i32_1 : i32, i32, i32
  }
  func.func @transform_1(%arg0: i32, %arg1: i32) -> (i32, i32) {
    %sub3A = arith.constant 1 : i32
    %sub3A_0 = arith.subi %sub3A, %arg0 : i32
    %mul3A = arith.muli %arg1, %sub3A_0 : i32
    %c0_i32 = arith.constant 0 : i32
    %c0_i32_1 = arith.constant 0 : i32
    return %c0_i32, %mul3A : i32, i32
  }
  func.func @transform_2(%arg0: i32, %arg1: i32) -> (i32, i32) {
    %c0_i32 = arith.constant 0 : i32
    %c0_i32_0 = arith.constant 0 : i32
    return %arg1, %c0_i32 : i32, i32
  }
  func.func @transform_3(%arg0: i32, %arg1: i32) -> (i32, i32) {
    %sub3A = arith.constant 1 : i32
    %sub3A_0 = arith.subi %sub3A, %arg0 : i32
    %mul3A = arith.muli %arg1, %sub3A_0 : i32
    %c0_i32 = arith.constant 0 : i32
    %c0_i32_1 = arith.constant 0 : i32
    return %mul3A, %c0_i32 : i32, i32
  }
  func.func @transform_4(%arg0: i32, %arg1: i32) -> (i32, i32) {
    %c0_i32 = arith.constant 0 : i32
    %c0_i32_0 = arith.constant 0 : i32
    return %arg1, %c0_i32 : i32, i32
  }
  func.func @transform_5(%arg0: i32, %arg1: i32) -> (i32, i32) {
    %c0_i32 = arith.constant 0 : i32
    %c0_i32_0 = arith.constant 0 : i32
    %c0_i32_1 = arith.constant 0 : i32
    return %c0_i32, %c0_i32_0 : i32, i32
  }
  func.func @transform_6(%arg0: i32, %arg1: i32) -> (i32, i32) {
    %c0_i32 = arith.constant 0 : i32
    %c0_i32_0 = arith.constant 0 : i32
    %c0_i32_1 = arith.constant 0 : i32
    return %c0_i32, %c0_i32_0 : i32, i32
  }
  func.func @transform_7(%arg0: i32, %arg1: i32) -> (i32, i32) {
    %c0_i32 = arith.constant 0 : i32
    %c0_i32_0 = arith.constant 0 : i32
    %c0_i32_1 = arith.constant 0 : i32
    return %c0_i32, %c0_i32_0 : i32, i32
  }
  func.func @transform_8(%arg0: i32, %arg1: i32) -> (i32, i32) {
    %c0_i32 = arith.constant 0 : i32
    %c0_i32_0 = arith.constant 0 : i32
    return %arg1, %c0_i32 : i32, i32
  }
  func.func @transform_9(%arg0: i32, %arg1: i32) -> (i32, i32) {
    %c0_i32 = arith.constant 0 : i32
    %c0_i32_0 = arith.constant 0 : i32
    %c0_i32_1 = arith.constant 0 : i32
    return %c0_i32, %c0_i32_0 : i32, i32
  }
  func.func @transform_10(%arg0: i32, %arg1: i32) -> (i32, i32) {
    %c0_i32 = arith.constant 0 : i32
    %c0_i32_0 = arith.constant 0 : i32
    %c0_i32_1 = arith.constant 0 : i32
    return %c0_i32, %c0_i32_0 : i32, i32
  }
  func.func @transform_11(%arg0: i32, %arg1: i32) -> (i32, i32) {
    %c0_i32 = arith.constant 0 : i32
    %c0_i32_0 = arith.constant 0 : i32
    %c0_i32_1 = arith.constant 0 : i32
    return %c0_i32, %c0_i32_0 : i32, i32
  }
  func.func @transform_12(%arg0: i32, %arg1: i32) -> (i32, i32) {
    %c0_i32 = arith.constant 0 : i32
    %c0_i32_0 = arith.constant 0 : i32
    %c0_i32_1 = arith.constant 0 : i32
    return %c0_i32, %c0_i32_0 : i32, i32
  }
  func.func @transform_13(%arg0: i32, %arg1: i32) -> (i32, i32) {
    %c0_i32 = arith.constant 0 : i32
    %c0_i32_0 = arith.constant 0 : i32
    %c0_i32_1 = arith.constant 0 : i32
    return %c0_i32, %c0_i32_0 : i32, i32
  }
  func.func @transform_14(%arg0: i32, %arg1: i32) -> (i32, i32) {
    %c0_i32 = arith.constant 0 : i32
    %c0_i32_0 = arith.constant 0 : i32
    %c0_i32_1 = arith.constant 0 : i32
    return %c0_i32, %c0_i32_0 : i32, i32
  }
  func.func @transform_15(%arg0: i32, %arg1: i32) -> (i32, i32) {
    %mul3A = arith.muli %arg1, %arg0 : i32
    %c0_i32 = arith.constant 0 : i32
    %c0_i32_0 = arith.constant 0 : i32
    return %mul3A, %c0_i32 : i32, i32
  }
  func.func @transform_16(%arg0: i32, %arg1: i32) -> (i32, i32) {
    %mul3A = arith.muli %arg1, %arg0 : i32
    %c0_i32 = arith.constant 0 : i32
    %c0_i32_0 = arith.constant 0 : i32
    return %mul3A, %c0_i32 : i32, i32
  }
  func.func @transform_17(%arg0: i32, %arg1: i32) -> (i32, i32) {
    %mul3A = arith.muli %arg1, %arg0 : i32
    %c0_i32 = arith.constant 0 : i32
    %c0_i32_0 = arith.constant 0 : i32
    return %c0_i32, %mul3A : i32, i32
  }
  func.func @transform_18(%arg0: i32, %arg1: i32) -> (i32, i32) {
    %mul3A = arith.muli %arg1, %arg0 : i32
    %c0_i32 = arith.constant 0 : i32
    %c0_i32_0 = arith.constant 0 : i32
    return %mul3A, %c0_i32 : i32, i32
  }
  func.func @transform_19(%arg0: i32, %arg1: i32) -> (i32, i32) {
    %mul3A = arith.muli %arg1, %arg0 : i32
    %c0_i32 = arith.constant 0 : i32
    %c0_i32_0 = arith.constant 0 : i32
    return %c0_i32, %mul3A : i32, i32
  }
  func.func @transform_20(%arg0: i32, %arg1: i32) -> (i32, i32) {
    %c0_i32 = arith.constant 0 : i32
    %c0_i32_0 = arith.constant 0 : i32
    %c0_i32_1 = arith.constant 0 : i32
    return %c0_i32, %c0_i32_0 : i32, i32
  }
  func.func @transform_21(%arg0: i32, %arg1: i32) -> (i32, i32) {
    %c0_i32 = arith.constant 0 : i32
    %c0_i32_0 = arith.constant 0 : i32
    %c0_i32_1 = arith.constant 0 : i32
    return %c0_i32, %c0_i32_0 : i32, i32
  }
  func.func @transform_22(%arg0: i32, %arg1: i32) -> (i32, i32) {
    %c0_i32 = arith.constant 0 : i32
    %c0_i32_0 = arith.constant 0 : i32
    %c0_i32_1 = arith.constant 0 : i32
    return %c0_i32, %c0_i32_0 : i32, i32
  }
}

module attributes {stable_mosaic.version = 14 : i64} {
  func.func @_head_body(%arg0: memref<64x128xf32, #tpu.memory_space<vmem>>, %arg1: memref<64x128xf32, #tpu.memory_space<vmem>>, %arg2: memref<64x1xf32, #tpu.memory_space<vmem>>, %arg3: memref<64x128xf32, #tpu.memory_space<vmem>>, %arg4: memref<64x128xf32, #tpu.memory_space<vmem>>, %arg5: memref<64x1xf32, #tpu.memory_space<vmem>>, %arg6: memref<64x128xf32, #tpu.memory_space<vmem>>, %arg7: memref<64x128xf32, #tpu.memory_space<vmem>>, %arg8: memref<64x1xf32, #tpu.memory_space<vmem>>, %arg9: memref<128x256xf32, #tpu.memory_space<vmem>>, %arg10: memref<1x128xf32, #tpu.memory_space<vmem>>, %arg11: memref<64x128xf32, #tpu.memory_space<vmem>>, %arg12: memref<1x64xf32, #tpu.memory_space<vmem>>, %arg13: memref<10x64xf32, #tpu.memory_space<vmem>>, %arg14: memref<1x10xf32, #tpu.memory_space<vmem>>, %arg15: memref<64x10xf32, #tpu.memory_space<vmem>>) attributes {dimension_semantics = [], scalar_prefetch = 0 : i64, scratch_operands = 0 : i64, tpu.core_type = #tpu.core_type<tc>} {
    %get3A = arith.constant 0 : index
    %get3A_0 = arith.constant 0 : index
    %get3A_1 = vector.load %arg2[%get3A, %get3A_0] : memref<64x1xf32, #tpu.memory_space<vmem>>, vector<64x1xf32>
    %gt3A = arith.constant 5.000000e-01 : f32
    %gt3A_2 = vector.broadcast %gt3A : f32 to vector<64x1xf32>
    %gt3A_3 = arith.cmpf ogt, %get3A_1, %gt3A_2 : vector<64x1xf32>
    %get3A_4 = arith.constant 0 : index
    %get3A_5 = arith.constant 0 : index
    %get3A_6 = vector.load %arg0[%get3A_4, %get3A_5] : memref<64x128xf32, #tpu.memory_space<vmem>>, vector<64x128xf32>
    %jit3A = arith.constant 0.000000e+00 : f32
    %broadcast_in_dim3A = vector.shape_cast %gt3A_3 : vector<64x1xi1> to vector<64x1xi1>
    %broadcast_in_dim3A_7 = vector.broadcast %broadcast_in_dim3A : vector<64x1xi1> to vector<64x128xi1>
    %broadcast_in_dim3A_8 = vector.broadcast %jit3A : f32 to vector<64x128xf32>
    %select_n3A = arith.select %broadcast_in_dim3A_7, %get3A_6, %broadcast_in_dim3A_8 : vector<64x128xi1>, vector<64x128xf32>
    %get3A_9 = arith.constant 0 : index
    %get3A_10 = arith.constant 0 : index
    %get3A_11 = vector.load %arg1[%get3A_9, %get3A_10] : memref<64x128xf32, #tpu.memory_space<vmem>>, vector<64x128xf32>
    %max3A = arith.constant 1.000000e+00 : f32
    %max3A_12 = vector.broadcast %max3A : f32 to vector<64x1xf32>
    %max3A_13 = arith.maximumf %get3A_1, %max3A_12 : vector<64x1xf32>
    %div3A = vector.broadcast %max3A_13 : vector<64x1xf32> to vector<64x128xf32>
    %div3A_14 = arith.divf %get3A_11, %div3A : vector<64x128xf32>
    %concatenate3A = tpu.concatenate %select_n3A, %div3A_14 in 1 : vector<64x128xf32>, vector<64x128xf32> -> vector<64x256xf32>
    %get3A_15 = arith.constant 0 : index
    %get3A_16 = arith.constant 0 : index
    %get3A_17 = vector.load %arg5[%get3A_15, %get3A_16] : memref<64x1xf32, #tpu.memory_space<vmem>>, vector<64x1xf32>
    %gt3A_18 = arith.constant 5.000000e-01 : f32
    %gt3A_19 = vector.broadcast %gt3A_18 : f32 to vector<64x1xf32>
    %gt3A_20 = arith.cmpf ogt, %get3A_17, %gt3A_19 : vector<64x1xf32>
    %get3A_21 = arith.constant 0 : index
    %get3A_22 = arith.constant 0 : index
    %get3A_23 = vector.load %arg3[%get3A_21, %get3A_22] : memref<64x128xf32, #tpu.memory_space<vmem>>, vector<64x128xf32>
    %jit3A_24 = arith.constant 0.000000e+00 : f32
    %broadcast_in_dim3A_25 = vector.shape_cast %gt3A_20 : vector<64x1xi1> to vector<64x1xi1>
    %broadcast_in_dim3A_26 = vector.broadcast %broadcast_in_dim3A_25 : vector<64x1xi1> to vector<64x128xi1>
    %broadcast_in_dim3A_27 = vector.broadcast %jit3A_24 : f32 to vector<64x128xf32>
    %select_n3A_28 = arith.select %broadcast_in_dim3A_26, %get3A_23, %broadcast_in_dim3A_27 : vector<64x128xi1>, vector<64x128xf32>
    %get3A_29 = arith.constant 0 : index
    %get3A_30 = arith.constant 0 : index
    %get3A_31 = vector.load %arg4[%get3A_29, %get3A_30] : memref<64x128xf32, #tpu.memory_space<vmem>>, vector<64x128xf32>
    %max3A_32 = arith.constant 1.000000e+00 : f32
    %max3A_33 = vector.broadcast %max3A_32 : f32 to vector<64x1xf32>
    %max3A_34 = arith.maximumf %get3A_17, %max3A_33 : vector<64x1xf32>
    %div3A_35 = vector.broadcast %max3A_34 : vector<64x1xf32> to vector<64x128xf32>
    %div3A_36 = arith.divf %get3A_31, %div3A_35 : vector<64x128xf32>
    %concatenate3A_37 = tpu.concatenate %select_n3A_28, %div3A_36 in 1 : vector<64x128xf32>, vector<64x128xf32> -> vector<64x256xf32>
    %add3A = arith.addf %concatenate3A, %concatenate3A_37 : vector<64x256xf32>
    %get3A_38 = arith.constant 0 : index
    %get3A_39 = arith.constant 0 : index
    %get3A_40 = vector.load %arg8[%get3A_38, %get3A_39] : memref<64x1xf32, #tpu.memory_space<vmem>>, vector<64x1xf32>
    %gt3A_41 = arith.constant 5.000000e-01 : f32
    %gt3A_42 = vector.broadcast %gt3A_41 : f32 to vector<64x1xf32>
    %gt3A_43 = arith.cmpf ogt, %get3A_40, %gt3A_42 : vector<64x1xf32>
    %get3A_44 = arith.constant 0 : index
    %get3A_45 = arith.constant 0 : index
    %get3A_46 = vector.load %arg6[%get3A_44, %get3A_45] : memref<64x128xf32, #tpu.memory_space<vmem>>, vector<64x128xf32>
    %jit3A_47 = arith.constant 0.000000e+00 : f32
    %broadcast_in_dim3A_48 = vector.shape_cast %gt3A_43 : vector<64x1xi1> to vector<64x1xi1>
    %broadcast_in_dim3A_49 = vector.broadcast %broadcast_in_dim3A_48 : vector<64x1xi1> to vector<64x128xi1>
    %broadcast_in_dim3A_50 = vector.broadcast %jit3A_47 : f32 to vector<64x128xf32>
    %select_n3A_51 = arith.select %broadcast_in_dim3A_49, %get3A_46, %broadcast_in_dim3A_50 : vector<64x128xi1>, vector<64x128xf32>
    %get3A_52 = arith.constant 0 : index
    %get3A_53 = arith.constant 0 : index
    %get3A_54 = vector.load %arg7[%get3A_52, %get3A_53] : memref<64x128xf32, #tpu.memory_space<vmem>>, vector<64x128xf32>
    %max3A_55 = arith.constant 1.000000e+00 : f32
    %max3A_56 = vector.broadcast %max3A_55 : f32 to vector<64x1xf32>
    %max3A_57 = arith.maximumf %get3A_40, %max3A_56 : vector<64x1xf32>
    %div3A_58 = vector.broadcast %max3A_57 : vector<64x1xf32> to vector<64x128xf32>
    %div3A_59 = arith.divf %get3A_54, %div3A_58 : vector<64x128xf32>
    %concatenate3A_60 = tpu.concatenate %select_n3A_51, %div3A_59 in 1 : vector<64x128xf32>, vector<64x128xf32> -> vector<64x256xf32>
    %add3A_61 = arith.addf %add3A, %concatenate3A_60 : vector<64x256xf32>
    %get3A_62 = arith.constant 0 : index
    %get3A_63 = arith.constant 0 : index
    %get3A_64 = vector.load %arg9[%get3A_62, %get3A_63] : memref<128x256xf32, #tpu.memory_space<vmem>>, vector<128x256xf32>
    %dot_general3A = arith.constant dense<0.000000e+00> : vector<64x128xf32>
    %dot_general3A_65 = tpu.matmul %add3A_61, %get3A_64, %dot_general3A {dimension_numbers = #tpu.dot_dimension_numbers<[1], [1], [0], [0], [0, 0, 1, 0], [], []>, transpose_lhs_hint = false} : vector<64x256xf32>, vector<128x256xf32>, vector<64x128xf32> -> vector<64x128xf32>
    %get3A_66 = arith.constant 0 : index
    %get3A_67 = arith.constant 0 : index
    %get3A_68 = vector.load %arg10[%get3A_66, %get3A_67] : memref<1x128xf32, #tpu.memory_space<vmem>>, vector<1x128xf32>
    %add3A_69 = vector.broadcast %get3A_68 : vector<1x128xf32> to vector<64x128xf32>
    %add3A_70 = arith.addf %dot_general3A_65, %add3A_69 : vector<64x128xf32>
    %max3A_71 = arith.constant 0.000000e+00 : f32
    %max3A_72 = vector.broadcast %max3A_71 : f32 to vector<64x128xf32>
    %max3A_73 = arith.maximumf %add3A_70, %max3A_72 : vector<64x128xf32>
    %get3A_74 = arith.constant 0 : index
    %get3A_75 = arith.constant 0 : index
    %get3A_76 = vector.load %arg11[%get3A_74, %get3A_75] : memref<64x128xf32, #tpu.memory_space<vmem>>, vector<64x128xf32>
    %dot_general3A_77 = arith.constant dense<0.000000e+00> : vector<64x64xf32>
    %dot_general3A_78 = tpu.matmul %max3A_73, %get3A_76, %dot_general3A_77 {dimension_numbers = #tpu.dot_dimension_numbers<[1], [1], [0], [0], [0, 0, 1, 0], [], []>, transpose_lhs_hint = false} : vector<64x128xf32>, vector<64x128xf32>, vector<64x64xf32> -> vector<64x64xf32>
    %get3A_79 = arith.constant 0 : index
    %get3A_80 = arith.constant 0 : index
    %get3A_81 = vector.load %arg12[%get3A_79, %get3A_80] : memref<1x64xf32, #tpu.memory_space<vmem>>, vector<1x64xf32>
    %add3A_82 = vector.broadcast %get3A_81 : vector<1x64xf32> to vector<64x64xf32>
    %add3A_83 = arith.addf %dot_general3A_78, %add3A_82 : vector<64x64xf32>
    %max3A_84 = arith.constant 0.000000e+00 : f32
    %max3A_85 = vector.broadcast %max3A_84 : f32 to vector<64x64xf32>
    %max3A_86 = arith.maximumf %add3A_83, %max3A_85 : vector<64x64xf32>
    %get3A_87 = arith.constant 0 : index
    %get3A_88 = arith.constant 0 : index
    %get3A_89 = vector.load %arg13[%get3A_87, %get3A_88] : memref<10x64xf32, #tpu.memory_space<vmem>>, vector<10x64xf32>
    %dot_general3A_90 = arith.constant dense<0.000000e+00> : vector<64x10xf32>
    %dot_general3A_91 = tpu.matmul %max3A_86, %get3A_89, %dot_general3A_90 {dimension_numbers = #tpu.dot_dimension_numbers<[1], [1], [0], [0], [0, 0, 1, 0], [], []>, transpose_lhs_hint = false} : vector<64x64xf32>, vector<10x64xf32>, vector<64x10xf32> -> vector<64x10xf32>
    %get3A_92 = arith.constant 0 : index
    %get3A_93 = arith.constant 0 : index
    %get3A_94 = vector.load %arg14[%get3A_92, %get3A_93] : memref<1x10xf32, #tpu.memory_space<vmem>>, vector<1x10xf32>
    %add3A_95 = vector.broadcast %get3A_94 : vector<1x10xf32> to vector<64x10xf32>
    %add3A_96 = arith.addf %dot_general3A_91, %add3A_95 : vector<64x10xf32>
    %reduce_max3A = arith.constant dense<0xFF800000> : vector<64xf32>
    %reduce_max3A_97 = vector.multi_reduction <maximumf>, %add3A_96, %reduce_max3A [1] : vector<64x10xf32> to vector<64xf32>
    %broadcast_in_dim3A_98 = vector.shape_cast %reduce_max3A_97 : vector<64xf32> to vector<64x1xf32>
    %sub3A = vector.broadcast %broadcast_in_dim3A_98 : vector<64x1xf32> to vector<64x10xf32>
    %sub3A_99 = arith.subf %add3A_96, %sub3A : vector<64x10xf32>
    %exp3A = math.exp %sub3A_99 : vector<64x10xf32>
    %reduce_sum3A = arith.constant dense<0.000000e+00> : vector<64xf32>
    %reduce_sum3A_100 = vector.multi_reduction <add>, %exp3A, %reduce_sum3A [1] : vector<64x10xf32> to vector<64xf32>
    %broadcast_in_dim3A_101 = vector.shape_cast %reduce_sum3A_100 : vector<64xf32> to vector<64x1xf32>
    %log3A = math.log %broadcast_in_dim3A_101 : vector<64x1xf32>
    %add3A_102 = arith.addf %broadcast_in_dim3A_98, %log3A : vector<64x1xf32>
    %sub3A_103 = vector.broadcast %add3A_102 : vector<64x1xf32> to vector<64x10xf32>
    %sub3A_104 = arith.subf %add3A_96, %sub3A_103 : vector<64x10xf32>
    %swap3A = arith.constant 0 : index
    %swap3A_105 = arith.constant 0 : index
    %swap3A_106 = vector.load %arg15[%swap3A, %swap3A_105] : memref<64x10xf32, #tpu.memory_space<vmem>>, vector<64x10xf32>
    tpu.vector_store %arg15[%swap3A, %swap3A_105], %sub3A_104 {strides = array<i32>} : memref<64x10xf32, #tpu.memory_space<vmem>>, vector<64x10xf32>,
    return
  }
}

</mosaic_0001>

<sc_bundles>
// kernel: kernel.12.cloned.1.call-start
scs
__scs_entry_jumppad:
0x0: {  	(pc) =	sbr.rel $0x88, $3  }
0x1: {  	(tag) =	ssettag $0x0;
	lr =	simm.s32 $0x1  }
0x2: {  	[smem:$0x3F8C] =	sst lr;
	_ =	strace $0xD0000000  }
0x3: {  	_ = 	snop  }
0x4: {  	_ = 	snop  }
0x5: {  	_ = 	snop  }
0x6: {  	_ = 	snop  }
0x7: {  	_ = 	snop  }
__scs_overlays_trampoline_lowered:
0x8: {  	[smem:$0x3F9B] =	sst s0  }
0x9: {  	[smem:$0x3F9C] =	sst s1  }
0xa: {  	[smem:$0x3F9D] =	sst s2  }
0xb: {  	[smem:$0x3F9E] =	sst s3  }
0xc: {  	[smem:$0x3F9F] =	sst s4  }
0xd: {  	[smem:$0x3FA0] =	sst s5  }
0xe: {  	[smem:$0x3FA1] =	sst s6  }
0xf: {  	[smem:$0x3FA2] =	sst s7  }
0x10: {  	[smem:$0x3FA3] =	sst s8  }
0x11: {  	[smem:$0x3FA4] =	sst s9;
	s0 =	simm.s32 @!p0 $0x0  }
0x12: {  	s1 =	sld [smem:$0x3F8A];
	s0 =	simm.s32 @p0 $0x1  }
0x13: {  	[smem:$0x3FA5] =	sst s0;
	s0 =	simm.s32 @!p1 $0x0  }
0x14: {  	s2 =	sld [smem:$0x3F89];
	s0 =	simm.s32 @p1 $0x1  }
0x15: {  	[smem:$0x3FA6] =	sst s0;
	s0 =	simm.s32 @!p2 $0x0  }
0x16: {  	s3 =	sld [smem:$0x3FDB];
	s0 =	simm.s32 @p2 $0x1  }
0x17: {  	s4 =	simm.s32 $0x1BF5;
	[smem:$0x3FA8] =	sst s0  }
0x18: {  	s0 =	sld [smem:$0x3F8B];
	_ =	swait.ge [sflag:s4], $0x0  }
0x19: {  	s7 =	sld [smem:$0x3F8C]  }
0x1a: {  	s8 =	sadd.s32 $0xFFFFE003, lr  }
0x1b: {  	s9 =	sadd.s32 $0xFFFFFEF7, lr;
	s5 =	simm.s32 $0xFFFFFFFF;
	p2 =	slt.u32 s8, $0xFFFFF086  }
0x1c: {  	p1 =	slt.u32 s9, $0xF7A;
	s5 =	simm.s32 @!p2 $0x0  }
0x1d: {  	s5 =	simm.s32 @p1 $0x1;
	p0 =	seq.s32 s7, s2  }
0x1e: {  	s7 =	smul.u32 @!p0 $0xF7A, s2;
	p2 =	seq.s32 @!p0 s5, $0x0  }
0x1f: {  	s9 =	smul.u32 $0xF7A, s1;
	s8 =	simm.s32 @!p0 $0x1BF5;
	p2 =	por !p2, p0  }
0x20: {  	[sflag:s8] =	ssyncset.s32 @!p0 $0xFFFFF086;
	s6 =	sadd.s32 @!p0 s3, s7;
	s7 =	simm.s32 @!p0 $0x108  }
0x21: {  	s3 =	sadd.s32 s3, s9;
	s6 =	sadd.s32 @!p0 $0x88, s6;
	s7 =	simm.s32 @p2 $0x1082  }
0x22: {  	[simem:s7], [sflag:s8] =	dma.local @!p0 [hbm:s6], $0xF7A  }
0x23: {  	s9 =	sor.u32 $0xD0000000, s2;
	s6 =	simm.s32 $0x108;
	_ =	swait.ge @!p0 [sflag:s8], $0x0  }
0x24: {  	s3 =	sadd.s32 $0x88, s3;
	s6 =	simm.s32 @!p1 $0x1082;
	[sflag:s4] =	ssyncset.s32 $0xFFFFF086  }
0x25: {  	[simem:s6], [sflag:s4] =	dma.local [hbm:s3], $0xF7A  }
0x26: {  	[smem:$0x3F8C] =	sst s1;
	(tag) =	ssettag s2;
	_ =	strace s9  }
0x27: {  	s1 =	sld [smem:$0x3F9C]  }
0x28: {  	s2 =	sld [smem:$0x3F9D]  }
0x29: {  	s4 =	sld [smem:$0x3F9F]  }
0x2a: {  	p0 =	seq.s32 s5, $0x0;
	s5 =	sld [smem:$0x3FA0]  }
0x2b: {  	s6 =	sld [smem:$0x3FA1]  }
0x2c: {  	s7 =	sld [smem:$0x3FA2]  }
0x2d: {  	s3 =	simm.s32 $0x108;
	s8 =	sld [smem:$0x3FA3]  }
0x2e: {  	s3 =	simm.s32 @!p0 $0x1082;
	s9 =	sld [smem:$0x3FA4]  }
0x2f: {  	lr =	sadd.s32 s0, s3;
	s0 =	sld [smem:$0x3F9B]  }
0x30: {  	s3 =	sld [smem:$0x3F9E]  }
0x31: {  	[smem:$0x3FA7] =	sst s10  }
0x32: {  	s10 =	sld [smem:$0x3FA5];
	_ =	sdelay $0x3  }
0x33: {  	p0 =	seq.s32 s10, $0x1;
	s10 =	sld [smem:$0x3FA7];
	_ =	sdelay $0x3  }
0x34: {  	[smem:$0x3FA7] =	sst s10  }
0x35: {  	s10 =	sld [smem:$0x3FA6];
	_ =	sdelay $0x3  }
0x36: {  	p1 =	seq.s32 s10, $0x1;
	s10 =	sld [smem:$0x3FA7];
	_ =	sdelay $0x3  }
0x37: {  	[smem:$0x3FA7] =	sst s10  }
0x38: {  	s10 =	sld [smem:$0x3FA8]  }
0x39: {  	_ = 	snop;
	(pc) =	sbr.ind lr, $3  }
0x3a: {  	_ = 	snop  }
0x3b: {  	_ = 	snop  }
0x3c: {  	p2 =	seq.s32 s10, $0x1;
	s10 =	sld [smem:$0x3FA7]  }
0x3d: {  	_ =	shalt  }
0x3e: {  	_ =	shalt  }
0x3f: {  	_ =	shalt  }
0x40: {  	_ =	shalt  }
0x41: {  	_ =	shalt  }
0x42: {  	_ =	shalt  }
0x43: {  	_ =	shalt  }
0x44: {  	_ =	shalt  }
0x45: {  	_ =	shalt  }
0x46: {  	_ =	shalt  }
0x47: {  	_ =	shalt  }
0x48: {  	_ =	shalt  }
0x49: {  	_ =	shalt  }
0x4a: {  	_ =	shalt  }
0x4b: {  	_ =	shalt  }
0x4c: {  	_ =	shalt  }
0x4d: {  	_ =	shalt  }
0x4e: {  	_ =	shalt  }
0x4f: {  	_ =	shalt  }
0x50: {  	_ =	shalt  }
0x51: {  	_ =	shalt  }
0x52: {  	_ =	shalt  }
0x53: {  	_ =	shalt  }
0x54: {  	_ =	shalt  }
0x55: {  	_ =	shalt  }
0x56: {  	_ =	shalt  }
0x57: {  	_ =	shalt  }
0x58: {  	_ =	shalt  }
0x59: {  	_ =	shalt  }
0x5a: {  	_ =	shalt  }
0x5b: {  	_ =	shalt  }
0x5c: {  	_ =	shalt  }
0x5d: {  	_ =	shalt  }
0x5e: {  	_ =	shalt  }
0x5f: {  	_ =	shalt  }
0x60: {  	_ =	shalt  }
0x61: {  	_ =	shalt  }
0x62: {  	_ =	shalt  }
0x63: {  	_ =	shalt  }
0x64: {  	_ =	shalt  }
0x65: {  	_ =	shalt  }
0x66: {  	_ =	shalt  }
0x67: {  	_ =	shalt  }
0x68: {  	_ =	shalt  }
0x69: {  	_ =	shalt  }
0x6a: {  	_ =	shalt  }
0x6b: {  	_ =	shalt  }
0x6c: {  	_ =	shalt  }
0x6d: {  	_ =	shalt  }
0x6e: {  	_ =	shalt  }
0x6f: {  	_ =	shalt  }
0x70: {  	_ =	shalt  }
0x71: {  	_ =	shalt  }
0x72: {  	_ =	shalt  }
0x73: {  	_ =	shalt  }
0x74: {  	_ =	shalt  }
0x75: {  	_ =	shalt  }
0x76: {  	_ =	shalt  }
0x77: {  	_ =	shalt  }
0x78: {  	_ =	shalt  }
0x79: {  	_ =	shalt  }
0x7a: {  	_ =	shalt  }
0x7b: {  	_ =	shalt  }
0x7c: {  	_ =	shalt  }
0x7d: {  	_ =	shalt  }
0x7e: {  	_ =	shalt  }
0x7f: {  	_ =	shalt  }
0x80: {  	_ =	shalt  }
0x81: {  	_ =	shalt  }
0x82: {  	_ =	shalt  }
0x83: {  	_ =	shalt  }
0x84: {  	_ =	shalt  }
0x85: {  	_ =	shalt  }
0x86: {  	_ =	shalt  }
0x87: {  	_ =	shalt  }
.Lfunc_end0:
.L_simem_size_0:
called_computation.1_lowered:
.L_overlay_start_0:
0x88: {  	s2 =	sld [smem:$0x3FD9]  }
0x89: {  	s3 =	sld [smem:$0x3FFE];
	_ =	sdelay $0x1  }
0x8a: {  	s1 =	srdreg.scid  }
0x8b: {  	s0 =	sand.u32 $0x1, s1  }
0x8c: {  	s16 =	sshll.u32 s0, $0xA;
	s2 =	sadd.s32 s3, s2  }
0x8d: {  	s2 =	sadd.s32 s2, s16  }
0x8e: {  	[smem:$0x3FB3] =	sst s2  }
0x8f: {  	_ = 	snop  }
0x90: {  	(tm) =	ssettm $0x1  }
0x91: {  	s17 =	sld [smem:$0x3FFB];
	_ =	sdelay $0x3  }
0x92: {  	_ =	strace s17  }
0x93: {  	s2 =	sld [smem:$0x3FFC];
	_ =	sdelay $0x3  }
0x94: {  	_ =	strace s2  }
0x95: {  	s2 =	sld [smem:$0x3FFD];
	_ =	sdelay $0x3  }
0x96: {  	_ =	strace s2  }
0x97: {  	_ =	strace $0x8FFFFFFF  }
0x98: {  	s18 =	sld [smem:$0x3FDB];
	_ =	sdelay $0x1  }
0x99: {  	s19 =	simm.s32 $_scs_section_size  }
0x9a: {  	s4 =	simm.s32 $_size__tile_overlayer_lowered;
	s5 =	simm.s32 $_tile_overlayer_lowered  }
0x9b: {  	s22 =	simm.s32 $0x1BFF;
	s21 =	sshll.u32 s5, $0x1;
	s2 =	sadd.s32 s19, s18  }
0x9c: {  	s6 =	simm.s32 $0x0;
	s20 =	sshll.u32 s4, $0x1;
	s4 =	sadd.s32 s21, s2  }
0x9d: {  	[timem:s6], [sflag:s22] =	dma.local [hbm:s4], s20  }
0x9e: {  	_ =	swait.ge [sflag:s22], s20  }
0x9f: {  	s3 =	ssub.s32 $0x0, s20;
	[sflag:s22] =	ssyncset.done $0x0  }
0xa0: {  	[sflag:s22] =	ssyncadd.s32 s3;
	_ =	sdelay $0x1  }
0xa1: {  	s23 =	simm.s32 $0x1B8B  }
0xa2: {  	_ =	swait.ge [sflag:s23], $0x1  }
0xa3: {  	[sflag:s23] =	ssyncset.done $0x0  }
0xa4: {  	s25 =	simm.s32 $0x1B8E;
	s24 =	sld [smem:$0x3FFE];
	[sflag:s23] =	ssyncadd.s32 $0xFFFFFFFF  }
0xa5: {  	s26 =	simm.s32 $execute0_lowered;
	[smem:$0x3FD2] =	sst s25  }
0xa6: {  	s4 =	sshll.u32 s26, $0x1;
	_ =	strace $0x80000049;
	[dreg:$0x1] =	wrdreg $0xFFFFFFFF  }
0xa7: {  	s28 =	simm.s32 $_size_execute0_lowered;
	s2 =	sadd.s32 s2, s4;
	[dreg:$0x0] =	wrdreg $0x0  }
0xa8: {  	s4 =	sshll.u32 s28, $0x1;
	[dreg:$0x2] =	wrdreg s2  }
0xa9: {  	[dreg:$0x3] =	wrdreg s4  }
0xaa: {  	[dreg:$0x4] =	wrdreg $0xC0  }
0xab: {  	_ =	task [dreg:s6], $0x5FFFF  }
0xac: {  	[dreg:$0x1] =	wrdreg $0xFFFFFFFF  }
0xad: {  	[dreg:$0x0] =	wrdreg $0x60  }
0xae: {  	[dreg:$0x2] =	wrdreg s24  }
0xaf: {  	[dreg:$0x3] =	wrdreg $0x98800  }
0xb0: {  	[dreg:$0x4] =	wrdreg $0x1D8800  }
0xb1: {  	[dreg:$0x5] =	wrdreg $0x96000  }
0xb2: {  	[dreg:$0x6] =	wrdreg $0x9  }
0xb3: {  	_ =	task.clear_ibuf [dreg:s6], $0x7FFFF;
	_ =	strace $0x90000049  }
0xb4: {  	s29 =	simm.s32 $0x9;
	_ =	strace $0x8000004B  }
0xb5: {  	_ =	swait.ge [sflag:s29], $0x1  }
0xb6: {  	[sflag:s29] =	ssyncadd.s32 $0xFFFFFFFF  }
0xb7: {  	_ =	strace $0x9000004B  }
0xb8: {  	_ =	sfence  }
0xb9: {  	s30 =	sld [smem:$0x0];
	_ =	sdelay $0x2  }
0xba: {  	s31 =	sshll.u32 s1, $0xD;
	s1 =	sshrl.u32 s1, $0x2  }
0xbb: {  	s3 =	sand.u32 $0x4000, s31;
	s1 =	sadd.s32 s1, s30  }
0xbc: {  	s0 =	sor.u32 s3, s0;
	s1 =	sshll.u32 s1, $0x11  }
0xbd: {  	s0 =	sor.u32 s1, s0  }
0xbe: {  	s0 =	sadd.s32 $0x8F2B, s0  }
0xbf: {  	[sflag:s0] =	ssyncadd.remote.s32 $0x1  }
0xc0: {  	_ =	sfence.sel $0xFFFF  }
0xc1: {  	[dreg:$0x0] =	wrdreg $0xFFFFFFFF;
	(pc) =	sbr.abs _section_cstart, $3  }
0xc2: {  	[dreg:$0x1] =	wrdreg $0xFFFFFFFF  }
0xc3: {  	_ =	task.clear_ibuf [dreg:s6], $0x2FFFF;
	_ =	strace $0x9FFFFFFF  }
0xc4: {  	(tm) =	ssettm $0x7FFFFFFF  }
0xc5: {  	_ =	shalt  }
tec
execute0_lowered:
.L_overlay_start_1:
0x0: {  	(tag) =	ssettag $0x1  }
0x1: {  	s0 =	rddreg [dreg:$0x0]  }
0x2: {  	s2 =	rddreg [dreg:$0x1]  }
0x3: {  	s21 =	rddreg [dreg:$0x2]  }
0x4: {  	s1 =	rddreg [dreg:$0x3];
	s5 =	simm.s32 $0x0  }
0x5: {  	s14 =	stileid.u32;
	s7 =	srdreg.scid;
	s31 =	simm.s32 $0x80  }
0x6: {  	s28 =	simm.s32 $0x5;
	s29 =	simm.s32 $0x6;
	s3 =	smul.u32 $0x280, s14  }
0x7: {  	[smem:$0x7FF] =	sst s5;
	s6 =	sadd.s32 $0x5600, s0;
	s8 =	smul.u32 $0x14000, s14  }
0x8: {  	s7 =	sand.u32 $0x1, s7;
	s15 =	sadd.s32 $0x37E00, s0;
	s11 =	smul.u32 $0x500, s14  }
0x9: {  	s16 =	sadd.s32 $0x2DC00, s0;
	s13 =	smul.u32 $0x50000, s14;
	s25 =	sshll.u32 s14, $0x6  }
0xa: {  	_ =	strace $0x8000004A;
	s10 =	smul.u32 $0x140000, s7;
	s20 =	sshll.u32 s7, $0x7  }
0xb: {  	s22 =	ssub.s32 $0x2, s7;
	s24 =	sshll.u32 s7, $0x4;
	[dreg:$0x6] =	wrdreg s16  }
0xc: {  	s7 =	smul.u32 $0x28800, s7;
	[dreg:$0x5] =	wrdreg s15;
	s9 =	sshrl.u32 s3, $0x3  }
0xd: {  	s12 =	sshrl.u32 s8, $0x3;
	s23 =	sshrl.u32 s22, $0x1;
	s13 =	sshrl.u32 s13, $0x2  }
0xe: {  	s26 =	sadd.s32 s3, s21;
	s3 =	sadd.s32 s3, s1;
	s1 =	smul.u32 $0x2880, s14  }
0xf: {  	s9 =	sadd.s32 s9, s0;
	s8 =	sadd.s32 s8, s10;
	s12 =	sadd.s32 s12, s0  }
0x10: {  	s10 =	sor.u32 s20, s11;
	s11 =	sor.u32 s14, s24;
	s13 =	sadd.s32 s13, s2  }
0x11: {  	[dreg:$0xa] =	wrdreg s26;
	s8 =	sshrl.u32 s8, $0x3;
	s10 =	sshrl.u32 s10, $0x3  }
0x12: {  	[dreg:$0x7] =	wrdreg s13;
	s12 =	sadd.s32 $0x42600, s12;
	s11 =	smul.u32 $0x2880, s11  }
0x13: {  	s30 =	sadd.s32 $0x42000, s9;
	s9 =	sadd.s32 $0x2D600, s9;
	s7 =	sadd.s32 s1, s7  }
0x14: {  	s8 =	sadd.s32 s8, s0;
	s0 =	sadd.s32 s10, s0;
	[dreg:$0x8] =	wrdreg s12  }
0x15: {  	s10 =	ssub.s32 s22, s23;
	s23 =	sor.u32 $0x1C0D, s25;
	[dreg:$0xb] =	wrdreg s30  }
0x16: {  	[dreg:$0xc] =	wrdreg s9;
	s17 =	sadd.s32 $0x180, s7;
	s19 =	sadd.s32 $0xC0, s7  }
0x17: {  	s24 =	sadd.s32 $0x120, s7;
	s30 =	sshrl.u32 s3, $0x3;
	s3 =	simm.s32 $0x1  }
0x18: {  	s12 =	simm.s32 $0x9400;
	s7 =	simm.s32 $0x9;
	[dreg:$0x16] =	wrdreg s24  }
0x19: {  	s11 =	sshrl.u32 s11, $0x3;
	s8 =	sadd.s32 $0xE3000, s8;
	[dreg:$0x19] =	wrdreg s30  }
0x1a: {  	s0 =	sadd.s32 $0x92600, s0;
	s18 =	sshrl.u32 s17, $0x3;
	[dreg:$0x9] =	wrdreg s23  }
0x1b: {  	s20 =	smax.u32 s10, $0x1;
	s17 =	simm.s32 $0x7;
	[dreg:$0x11] =	wrdreg s8  }
0x1c: {  	s4 =	sadd.s32 s15, s11;
	s13 =	sor.u32 $0xC, s11;
	[dreg:$0x12] =	wrdreg s0  }
0x1d: {  	s11 =	sadd.s32 s16, s11;
	[dreg:$0x13] =	wrdreg s20;
	s8 =	sshrl.u32 s19, $0x3  }
0x1e: {  	s22 =	sadd.s32 s18, s16;
	s0 =	sadd.s32 s18, s15;
	[dreg:$0xd] =	wrdreg s4  }
0x1f: {  	s18 =	simm.s32 $0x100;
	s19 =	simm.s32 $0x300;
	[dreg:$0xe] =	wrdreg s11  }
0x20: {  	s20 =	simm.s32 $0x3;
	s14 =	sadd.s32 s15, s13;
	[dreg:$0x14] =	wrdreg s22  }
0x21: {  	s9 =	sadd.s32 s16, s13;
	[dreg:$0x15] =	wrdreg s0;
	s25 =	sadd.s32 s8, s16  }
.Ltmp0:
0x22: {  	s26 =	sadd.s32 s8, s15;
	s4 =	simm.s32 $0x280;
	(pc) =	sbr.rel .LBB2_1-.Ltmp0, $4  }
0x23: {  	s13 =	simm.s32 $0x2;
	s11 =	simm.s32 $0x8;
	[dreg:$0xf] =	wrdreg s14  }
0x24: {  	s8 =	simm.s32 $0xA;
	s22 =	simm.s32 $0xB;
	[dreg:$0x10] =	wrdreg s9  }
0x25: {  	s0 =	simm.s32 $0x0;
	s15 =	simm.s32 $0x3400;
	[dreg:$0x17] =	wrdreg s25  }
0x26: {  	[dreg:$0x18] =	wrdreg s26;
	s26 =	simm.s32 $0xD;
	s9 =	simm.s32 $0x60  }
.LBB2_4:
0x27: {  	_ =	swait.ge [sflag:s29], $0x3000  }
0x28: {  	[sflag:s29] =	ssyncset.done $0x0  }
0x29: {  	[sflag:s29] =	ssyncadd.s32 $0xFFFFD000  }
0x2a: {  	_ =	swait.ge [sflag:s7], $0x60  }
0x2b: {  	[sflag:s7] =	ssyncset.done $0x0  }
0x2c: {  	[sflag:s7] =	ssyncadd.s32 $0xFFFFFFA0  }
0x2d: {  	[spmem:s2] =	stream.indirect.scatter.add.f32 [tilespmem:s10], [sflag:$0xC], $0x80, s19, s9, $0xb8;
	[tilespmem:$0x1DB00] =	vst v63  }
0x2e: {  	_ = 	snop  }
0x2f: {  	[spmem:s21] =	stream.indirect.scatter.add.f32 [tilespmem:s1], [sflag:$0xC], $0x1, s19, s9, $0xb8;
	[tilespmem:$0x1DB00] =	vst v63  }
0x30: {  	_ =	swait.ge [sflag:s8], $0x3000  }
0x31: {  	[sflag:s8] =	ssyncset.done $0x0  }
0x32: {  	[sflag:s8] =	ssyncadd.s32 $0xFFFFD000  }
0x33: {  	_ =	swait.ge [sflag:s8], $0x60  }
0x34: {  	[sflag:s8] =	ssyncset.done $0x0  }
0x35: {  	[sflag:s8] =	ssyncadd.s32 $0xFFFFFFA0  }
0x36: {  	_ =	swait.ge [sflag:s22], $0x3000  }
0x37: {  	[sflag:s22] =	ssyncset.done $0x0  }
0x38: {  	[sflag:s22] =	ssyncadd.s32 $0xFFFFD000  }
0x39: {  	_ =	swait.ge [sflag:s22], $0x60  }
0x3a: {  	[sflag:s22] =	ssyncset.done $0x0  }
0x3b: {  	s0 =	simm.s32 $0xC;
	[sflag:s22] =	ssyncadd.s32 $0xFFFFFFA0  }
0x3c: {  	_ =	swait.ge [sflag:s0], $0x3000  }
0x3d: {  	[sflag:s0] =	ssyncset.done $0x0  }
0x3e: {  	[sflag:s0] =	ssyncadd.s32 $0xFFFFD000  }
0x3f: {  	_ =	swait.ge [sflag:s0], $0x60  }
0x40: {  	[sflag:s0] =	ssyncset.done $0x0  }
0x41: {  	[sflag:s0] =	ssyncadd.s32 $0xFFFFFFA0  }
0x42: {  	[bflag:$0x0] =	sbarrier.arrive $0xFFFF  }
0x43: {  	s23 =	rddreg [dreg:$0x9]  }
0x44: {  	s1 =	rddreg [dreg:$0x11]  }
0x45: {  	s26 =	simm.s32 $0xD;
	s12 =	rddreg [dreg:$0x1b]  }
0x46: {  	[hbm:s1], [sflag:s23] =	dma.local [spmem:s12], $0x2800  }
0x47: {  	_ =	swait.ge [sflag:s26], $0x2800  }
0x48: {  	s16 =	simm.s32 $0x20;
	[sflag:s26] =	ssyncset.done $0x0;
	s14 =	rddreg [dreg:$0x12]  }
0x49: {  	s24 =	simm.s32 $0x10;
	s12 =	rddreg [dreg:$0x1c];
	[sflag:s26] =	ssyncadd.s32 $0xFFFFD800  }
0x4a: {  	[hbm:s14@s16], [sflag:s23] =	dma.strided [spmem:s12@s24], $0x50, s3, $0x10   }
0x4b: {  	_ =	swait.ge [sflag:s26], $0x50  }
0x4c: {  	s25 =	rddreg [dreg:$0x1a]  }
0x4d: {  	s30 =	rddreg [dreg:$0x13];
	s0 =	sadd.s32 $0x1, s25  }
0x4e: {  	p0 =	sne.s32 s0, s30  }
.Ltmp1:
0x4f: {  	_ = 	snop;
	(pc) =	sbr.rel @!p0 .LBB2_5-.Ltmp1, $3  }
0x50: {  	_ =	sdelay $0x1  }
0x51: {  	[sflag:s26] =	ssyncset.done $0x0  }
0x52: {  	s31 =	simm.s32 $0x80;
	s12 =	simm.s32 $0x9400;
	[sflag:s26] =	ssyncadd.s32 $0xFFFFFFB0  }
.LBB2_1:
0x53: {  	[dreg:$0x1a] =	wrdreg s0  }
0x54: {  	s10 =	rddreg [dreg:$0x7]  }
0x55: {  	s25 =	rddreg [dreg:$0x8];
	s24 =	sshrl.u32 s10, $0x3  }
0x56: {  	[dreg:$0x1b] =	wrdreg s24  }
0x57: {  	[spmem:s24], [sflag:s23] =	dma.local [hbm:s25], $0x2800  }
0x58: {  	_ =	swait.ge [sflag:s26], $0x2800  }
0x59: {  	s1 =	rddreg [dreg:$0xa]  }
0x5a: {  	[sflag:s26] =	ssyncset.done $0x0;
	s14 =	rddreg [dreg:$0xb];
	s10 =	sshrl.u32 s1, $0x3  }
0x5b: {  	[sflag:s26] =	ssyncadd.s32 $0xFFFFD800;
	[dreg:$0x1c] =	wrdreg s10  }
0x5c: {  	[spmem:s10], [sflag:s23] =	dma.local [hbm:s14], $0x50  }
0x5d: {  	_ =	swait.ge [sflag:s26], $0x50  }
0x5e: {  	[sflag:s26] =	ssyncset.done $0x0;
	s16 =	rddreg [dreg:$0xc]  }
0x5f: {  	s25 =	rddreg [dreg:$0x19];
	[sflag:s26] =	ssyncadd.s32 $0xFFFFFFB0  }
0x60: {  	[spmem:s25], [sflag:s23] =	dma.local [hbm:s16], $0x50  }
0x61: {  	_ =	swait.ge [sflag:s26], $0x50  }
0x62: {  	[sflag:s26] =	ssyncset.done $0x0  }
0x63: {  	[sflag:s26] =	ssyncadd.s32 $0xFFFFFFB0  }
0x64: {  	[bflag:$0x0] =	sbarrier.arrive $0xFFFF  }
0x65: {  	s23 =	rddreg [dreg:$0xd]  }
0x66: {  	[tilespmem:s5], [sflag:$0x1] =	stream.linear.gather [hbm4b:s23+s5], $0x60, $0x38;
	[tilespmem:$0x1DB00] =	vst v63  }
0x67: {  	s14 =	simm.s32 $0x200;
	s24 =	rddreg [dreg:$0xe]  }
0x68: {  	[tilespmem:s14], [sflag:$0x1] =	stream.linear.gather [hbm4b:s24+s5], $0x60, $0x38;
	[tilespmem:$0x1DB00] =	vst v63  }
0x69: {  	s25 =	rddreg [dreg:$0xf]  }
0x6a: {  	[tilespmem:s31], [sflag:$0x2] =	stream.linear.gather [hbm4b:s25+s5], $0x60, $0x38;
	[tilespmem:$0x1DB00] =	vst v63  }
0x6b: {  	s26 =	rddreg [dreg:$0x10]  }
0x6c: {  	[tilespmem:s4], [sflag:$0x2] =	stream.linear.gather [hbm4b:s26+s5], $0x60, $0x38;
	[tilespmem:$0x1DB00] =	vst v63  }
0x6d: {  	_ =	swait.ge [sflag:s3], $0x60  }
0x6e: {  	[sflag:s3] =	ssyncset.done $0x0  }
0x6f: {  	[sflag:s3] =	ssyncadd.s32 $0xFFFFFFA0  }
0x70: {  	_ =	swait.ge [sflag:s3], $0x60  }
0x71: {  	s1 =	simm.s32 $0x9500;
	s10 =	simm.s32 $0x400;
	[sflag:s3] =	ssyncset.done $0x0  }
0x72: {  	s16 =	simm.s32 $0x280;
	s23 =	rddreg [dreg:$0x16];
	[sflag:s3] =	ssyncadd.s32 $0xFFFFFFA0  }
0x73: {  	[tilespmem:s10], [sflag:$0x4] =	stream.indirect.gather [hbm4b:s6+s9], $0x80, s5, s9, $0xb8;
	[tilespmem:$0x1DB00] =	vst v63  }
0x74: {  	s24 =	simm.s32 $0x6400;
	s25 =	simm.s32 $0x0;
	s30 =	rddreg [dreg:$0x3]  }
0x75: {  	[tilespmem:s12], [sflag:$0x7] =	stream.indirect.gather [spmem:s30], $0x1, s5, s9, $0xb8;
	[tilespmem:$0x1DB00] =	vst v63  }
.LBB2_2:
0x76: {  	_ =	swait.ge [sflag:s13], $0x60  }
0x77: {  	[sflag:s13] =	ssyncset.done $0x0  }
0x78: {  	[sflag:s13] =	ssyncadd.s32 $0xFFFFFFA0  }
0x79: {  	_ =	swait.ge [sflag:s13], $0x60  }
0x7a: {  	[sflag:s13] =	ssyncset.done $0x0  }
0x7b: {  	[sflag:s13] =	ssyncadd.s32 $0xFFFFFFA0  }
0x7c: {  	[tilespmem:s15], [sflag:$0x5] =	stream.indirect.gather [hbm4b:s6+s9], $0x80, s31, s9, $0xb8;
	[tilespmem:$0x1DB00] =	vst v63  }
0x7d: {  	s4 =	simm.s32 $0x9480;
	s0 =	simm.s32 $0x4  }
0x7e: {  	[tilespmem:s4], [sflag:$0x8] =	stream.indirect.gather [spmem:s30], $0x1, s31, s9, $0xb8;
	[tilespmem:$0x1DB00] =	vst v63  }
0x7f: {  	_ =	swait.ge [sflag:s0], $0x3000  }
0x80: {  	[sflag:s0] =	ssyncset.done $0x0  }
0x81: {  	[sflag:s0] =	ssyncadd.s32 $0xFFFFD000  }
0x82: {  	_ =	swait.ge [sflag:s17], $0x60  }
0x83: {  	[sflag:s17] =	ssyncset.done $0x0  }
0x84: {  	p0 =	seq.s32 s25, $0x0;
	[sflag:s17] =	ssyncadd.s32 $0xFFFFFFA0  }
0x85: {  	[spmem:s2] =	stream.indirect.scatter.add.f32 [tilespmem:s10], [sflag:$0xA], $0x80, s14, s9, $0xb8;
	[tilespmem:$0x1DB00] =	vst v63  }
0x86: {  	s26 =	simm.s32 @!p0 $0xC  }
0x87: {  	[spmem:s21] =	stream.indirect.scatter.add.f32 [tilespmem:s12], [sflag:$0xA], $0x1, s14, s9, $0xb8;
	[tilespmem:$0x1DB00] =	vst v63  }
0x88: {  	_ =	swait.ge @!p0 [sflag:s26], $0x3000  }
0x89: {  	[sflag:s26] =	ssyncset.done @!p0 $0x0  }
0x8a: {  	[sflag:s26] =	ssyncadd.s32 @!p0 $0xFFFFD000  }
0x8b: {  	_ =	swait.ge @!p0 [sflag:s26], $0x60  }
0x8c: {  	[sflag:s26] =	ssyncset.done @!p0 $0x0  }
0x8d: {  	[sflag:s26] =	ssyncadd.s32 @!p0 $0xFFFFFFA0;
	s26 =	rddreg [dreg:$0x18]  }
0x8e: {  	s10 =	sadd.s32 s25, s26;
	s26 =	rddreg [dreg:$0x17]  }
0x8f: {  	[tilespmem:s18], [sflag:$0x3] =	stream.linear.gather [hbm4b:s10+s5], $0x60, $0x38;
	[tilespmem:$0x1DB00] =	vst v63  }
0x90: {  	s10 =	sadd.s32 s25, s26  }
0x91: {  	[tilespmem:s19], [sflag:$0x3] =	stream.linear.gather [hbm4b:s10+s5], $0x60, $0x38;
	[tilespmem:$0x1DB00] =	vst v63  }
0x92: {  	_ =	swait.ge [sflag:s20], $0x60  }
0x93: {  	[sflag:s20] =	ssyncset.done $0x0  }
0x94: {  	[sflag:s20] =	ssyncadd.s32 $0xFFFFFFA0  }
0x95: {  	_ =	swait.ge [sflag:s20], $0x60  }
0x96: {  	[sflag:s20] =	ssyncset.done $0x0  }
0x97: {  	[sflag:s20] =	ssyncadd.s32 $0xFFFFFFA0  }
0x98: {  	[tilespmem:s24], [sflag:$0x6] =	stream.indirect.gather [hbm4b:s6+s9], $0x80, s18, s9, $0xb8;
	[tilespmem:$0x1DB00] =	vst v63  }
0x99: {  	_ = 	snop  }
0x9a: {  	[tilespmem:s1], [sflag:$0x9] =	stream.indirect.gather [spmem:s30], $0x1, s18, s9, $0xb8;
	[tilespmem:$0x1DB00] =	vst v63  }
0x9b: {  	_ =	swait.ge [sflag:s28], $0x3000  }
0x9c: {  	[sflag:s28] =	ssyncset.done $0x0  }
0x9d: {  	[sflag:s28] =	ssyncadd.s32 $0xFFFFD000  }
0x9e: {  	_ =	swait.ge [sflag:s11], $0x60  }
0x9f: {  	p0 =	seq.s32 s25, $0x4EC;
	[sflag:s11] =	ssyncset.done $0x0  }
.Ltmp2:
0xa0: {  	s31 =	simm.s32 $0x200;
	[sflag:s11] =	ssyncadd.s32 $0xFFFFFFA0;
	(pc) =	sbr.rel @p0 .LBB2_4-.Ltmp2, $4  }
0xa1: {  	[spmem:s2] =	stream.indirect.scatter.add.f32 [tilespmem:s15], [sflag:$0xB], $0x80, s16, s9, $0xb8;
	[tilespmem:$0x1DB00] =	vst v63  }
0xa2: {  	s0 =	simm.s32 $0x80;
	s14 =	simm.s32 $0x9400;
	s12 =	simm.s32 $0x400  }
0xa3: {  	[spmem:s21] =	stream.indirect.scatter.add.f32 [tilespmem:s4], [sflag:$0xB], $0x1, s16, s9, $0xb8;
	[tilespmem:$0x1DB00] =	vst v63  }
0xa4: {  	s10 =	simm.s32 $0x6400;
	s1 =	simm.s32 $0x9500;
	s4 =	simm.s32 $0x280  }
0xa5: {  	_ =	swait.ge [sflag:s8], $0x3000  }
0xa6: {  	[sflag:s8] =	ssyncset.done $0x0  }
0xa7: {  	[sflag:s8] =	ssyncadd.s32 $0xFFFFD000  }
0xa8: {  	_ =	swait.ge [sflag:s8], $0x60  }
0xa9: {  	s26 =	sshrl.u32 s23, $0x3;
	[sflag:s8] =	ssyncset.done $0x0;
	s10 =	rddreg [dreg:$0x5]  }
0xaa: {  	s16 =	rddreg [dreg:$0x6];
	[sflag:s8] =	ssyncadd.s32 $0xFFFFFFA0;
	s10 =	sadd.s32 s10, s26  }
0xab: {  	[tilespmem:s5], [sflag:$0x1] =	stream.linear.gather [hbm4b:s10+s5], $0x60, $0x38;
	[tilespmem:$0x1DB00] =	vst v63  }
0xac: {  	s10 =	sadd.s32 s16, s26  }
0xad: {  	[tilespmem:s31], [sflag:$0x1] =	stream.linear.gather [hbm4b:s10+s5], $0x60, $0x38;
	[tilespmem:$0x1DB00] =	vst v63  }
0xae: {  	_ =	swait.ge [sflag:s3], $0x60  }
0xaf: {  	[sflag:s3] =	ssyncset.done $0x0  }
0xb0: {  	[sflag:s3] =	ssyncadd.s32 $0xFFFFFFA0  }
0xb1: {  	_ =	swait.ge [sflag:s3], $0x60  }
0xb2: {  	[sflag:s3] =	ssyncset.done $0x0  }
0xb3: {  	[sflag:s3] =	ssyncadd.s32 $0xFFFFFFA0  }
0xb4: {  	[tilespmem:s12], [sflag:$0x4] =	stream.indirect.gather [hbm4b:s6+s9], $0x80, s5, s9, $0xb8;
	[tilespmem:$0x1DB00] =	vst v63  }
0xb5: {  	_ = 	snop  }
0xb6: {  	[tilespmem:s14], [sflag:$0x7] =	stream.indirect.gather [spmem:s30], $0x1, s5, s9, $0xb8;
	[tilespmem:$0x1DB00] =	vst v63  }
0xb7: {  	_ =	swait.ge [sflag:s29], $0x3000  }
0xb8: {  	[sflag:s29] =	ssyncset.done $0x0  }
0xb9: {  	[sflag:s29] =	ssyncadd.s32 $0xFFFFD000  }
0xba: {  	_ =	swait.ge [sflag:s7], $0x60  }
0xbb: {  	[sflag:s7] =	ssyncset.done $0x0  }
0xbc: {  	s24 =	simm.s32 $0x6400;
	[sflag:s7] =	ssyncadd.s32 $0xFFFFFFA0  }
0xbd: {  	[spmem:s2] =	stream.indirect.scatter.add.f32 [tilespmem:s24], [sflag:$0xC], $0x80, s19, s9, $0xb8;
	[tilespmem:$0x1DB00] =	vst v63  }
0xbe: {  	s1 =	simm.s32 $0x9500  }
0xbf: {  	[spmem:s21] =	stream.indirect.scatter.add.f32 [tilespmem:s1], [sflag:$0xC], $0x1, s19, s9, $0xb8;
	[tilespmem:$0x1DB00] =	vst v63  }
0xc0: {  	_ =	swait.ge [sflag:s22], $0x3000  }
0xc1: {  	[sflag:s22] =	ssyncset.done $0x0  }
0xc2: {  	[sflag:s22] =	ssyncadd.s32 $0xFFFFD000  }
0xc3: {  	_ =	swait.ge [sflag:s22], $0x60  }
0xc4: {  	s23 =	sadd.s32 $0x120, s23;
	s16 =	rddreg [dreg:$0x15]  }
0xc5: {  	s31 =	simm.s32 $0x80;
	[sflag:s22] =	ssyncset.done $0x0;
	s26 =	rddreg [dreg:$0x14]  }
.Ltmp3:
0xc6: {  	[sflag:s22] =	ssyncadd.s32 $0xFFFFFFA0;
	s10 =	sadd.s32 s25, s16;
	(pc) =	sbr.rel .LBB2_2-.Ltmp3, $4  }
0xc7: {  	[tilespmem:s0], [sflag:$0x2] =	stream.linear.gather [hbm4b:s10+s5], $0x60, $0x38;
	[tilespmem:$0x1DB00] =	vst v63  }
0xc8: {  	s12 =	simm.s32 $0x9400;
	s14 =	simm.s32 $0x200;
	s10 =	sadd.s32 s25, s26  }
0xc9: {  	[tilespmem:s4], [sflag:$0x2] =	stream.linear.gather [hbm4b:s10+s5], $0x60, $0x38;
	[tilespmem:$0x1DB00] =	vst v63  }
0xca: {  	s16 =	simm.s32 $0x280;
	s25 =	sadd.s32 $0x24, s25;
	s10 =	simm.s32 $0x400  }
.LBB2_5:
0xcb: {  	_ =	sfence.sel $0x180000  }
0xcc: {  	[bflag:$0x0] =	sbarrier.arrive $0xFFFF  }
0xcd: {  	_ =	strace $0x9000004A  }
0xce: {  	s0 =	stileid.u32;
	[bflag:$0x2] =	sbarrier.arrive $0xFFFF  }
0xcf: {  	p0 =	sne.s32 s0, $0x0;
	s0 =	rddreg [dreg:$0x4]  }
0xd0: {  	s0 =	sadd.s32 @!p0 $0x100000, s0  }
0xd1: {  	[sflag:s0] =	ssyncadd.tile.s32 @!p0 $0x1;
	_ =	shalt  }
.Lfunc_end2:
_tile_overlayer_lowered:
.L_overlay_start_2:
0xd2: {  	(tag) =	ssettag $0x2  }
0xd3: {  	s0 =	rddreg [dreg:$0x0];
	s2 =	stileid.u32  }
0xd4: {  	s1 =	rddreg [dreg:$0x1];
	p0 =	sne.s32 s2, $0x0  }
0xd5: {  	s3 =	rddreg [dreg:$0x2];
	[bflag:$0x3] =	sbarrier.arrive $0xFFFF;
	s2 =	simm.s32 @!p0 $0x1C0D  }
0xd6: {  	[timem:s3], [sflag:s2] =	dma.local @!p0 [hbm:s0], s1  }
0xd7: {  	s0 =	simm.s32 @!p0 $0xD  }
0xd8: {  	_ =	swait.ge @!p0 [sflag:s0], s1  }
0xd9: {  	s1 =	ssub.s32 @!p0 $0x0, s1;
	[sflag:s0] =	ssyncset.done @!p0 $0x0  }
0xda: {  	[sflag:s0] =	ssyncadd.s32 @!p0 s1  }
0xdb: {  	[bflag:$0x3] =	sbarrier.arrive $0xFFFF  }
0xdc: {  	_ =	shalt  }

// kernel: kernel.15.cloned.1.call-start
scs
__scs_entry_jumppad:
0x0: {  	(pc) =	sbr.rel $0x88, $3  }
0x1: {  	(tag) =	ssettag $0x0;
	lr =	simm.s32 $0x1  }
0x2: {  	[smem:$0x3F8C] =	sst lr;
	_ =	strace $0xD0000000  }
0x3: {  	_ = 	snop  }
0x4: {  	_ = 	snop  }
0x5: {  	_ = 	snop  }
0x6: {  	_ = 	snop  }
0x7: {  	_ = 	snop  }
__scs_overlays_trampoline_lowered:
0x8: {  	[smem:$0x3F9B] =	sst s0  }
0x9: {  	[smem:$0x3F9C] =	sst s1  }
0xa: {  	[smem:$0x3F9D] =	sst s2  }
0xb: {  	[smem:$0x3F9E] =	sst s3  }
0xc: {  	[smem:$0x3F9F] =	sst s4  }
0xd: {  	[smem:$0x3FA0] =	sst s5  }
0xe: {  	[smem:$0x3FA1] =	sst s6  }
0xf: {  	[smem:$0x3FA2] =	sst s7  }
0x10: {  	[smem:$0x3FA3] =	sst s8  }
0x11: {  	[smem:$0x3FA4] =	sst s9;
	s0 =	simm.s32 @!p0 $0x0  }
0x12: {  	s1 =	sld [smem:$0x3F8A];
	s0 =	simm.s32 @p0 $0x1  }
0x13: {  	[smem:$0x3FA5] =	sst s0;
	s0 =	simm.s32 @!p1 $0x0  }
0x14: {  	s2 =	sld [smem:$0x3F89];
	s0 =	simm.s32 @p1 $0x1  }
0x15: {  	[smem:$0x3FA6] =	sst s0;
	s0 =	simm.s32 @!p2 $0x0  }
0x16: {  	s3 =	sld [smem:$0x3FDB];
	s0 =	simm.s32 @p2 $0x1  }
0x17: {  	s4 =	simm.s32 $0x1BF5;
	[smem:$0x3FA8] =	sst s0  }
0x18: {  	s0 =	sld [smem:$0x3F8B];
	_ =	swait.ge [sflag:s4], $0x0  }
0x19: {  	s7 =	sld [smem:$0x3F8C]  }
0x1a: {  	s8 =	sadd.s32 $0xFFFFE003, lr  }
0x1b: {  	s9 =	sadd.s32 $0xFFFFFEF7, lr;
	s5 =	simm.s32 $0xFFFFFFFF;
	p2 =	slt.u32 s8, $0xFFFFF086  }
0x1c: {  	p1 =	slt.u32 s9, $0xF7A;
	s5 =	simm.s32 @!p2 $0x0  }
0x1d: {  	s5 =	simm.s32 @p1 $0x1;
	p0 =	seq.s32 s7, s2  }
0x1e: {  	s7 =	smul.u32 @!p0 $0xF7A, s2;
	p2 =	seq.s32 @!p0 s5, $0x0  }
0x1f: {  	s9 =	smul.u32 $0xF7A, s1;
	s8 =	simm.s32 @!p0 $0x1BF5;
	p2 =	por !p2, p0  }
0x20: {  	[sflag:s8] =	ssyncset.s32 @!p0 $0xFFFFF086;
	s6 =	sadd.s32 @!p0 s3, s7;
	s7 =	simm.s32 @!p0 $0x108  }
0x21: {  	s3 =	sadd.s32 s3, s9;
	s6 =	sadd.s32 @!p0 $0x88, s6;
	s7 =	simm.s32 @p2 $0x1082  }
0x22: {  	[simem:s7], [sflag:s8] =	dma.local @!p0 [hbm:s6], $0xF7A  }
0x23: {  	s9 =	sor.u32 $0xD0000000, s2;
	s6 =	simm.s32 $0x108;
	_ =	swait.ge @!p0 [sflag:s8], $0x0  }
0x24: {  	s3 =	sadd.s32 $0x88, s3;
	s6 =	simm.s32 @!p1 $0x1082;
	[sflag:s4] =	ssyncset.s32 $0xFFFFF086  }
0x25: {  	[simem:s6], [sflag:s4] =	dma.local [hbm:s3], $0xF7A  }
0x26: {  	[smem:$0x3F8C] =	sst s1;
	(tag) =	ssettag s2;
	_ =	strace s9  }
0x27: {  	s1 =	sld [smem:$0x3F9C]  }
0x28: {  	s2 =	sld [smem:$0x3F9D]  }
0x29: {  	s4 =	sld [smem:$0x3F9F]  }
0x2a: {  	p0 =	seq.s32 s5, $0x0;
	s5 =	sld [smem:$0x3FA0]  }
0x2b: {  	s6 =	sld [smem:$0x3FA1]  }
0x2c: {  	s7 =	sld [smem:$0x3FA2]  }
0x2d: {  	s3 =	simm.s32 $0x108;
	s8 =	sld [smem:$0x3FA3]  }
0x2e: {  	s3 =	simm.s32 @!p0 $0x1082;
	s9 =	sld [smem:$0x3FA4]  }
0x2f: {  	lr =	sadd.s32 s0, s3;
	s0 =	sld [smem:$0x3F9B]  }
0x30: {  	s3 =	sld [smem:$0x3F9E]  }
0x31: {  	[smem:$0x3FA7] =	sst s10  }
0x32: {  	s10 =	sld [smem:$0x3FA5];
	_ =	sdelay $0x3  }
0x33: {  	p0 =	seq.s32 s10, $0x1;
	s10 =	sld [smem:$0x3FA7];
	_ =	sdelay $0x3  }
0x34: {  	[smem:$0x3FA7] =	sst s10  }
0x35: {  	s10 =	sld [smem:$0x3FA6];
	_ =	sdelay $0x3  }
0x36: {  	p1 =	seq.s32 s10, $0x1;
	s10 =	sld [smem:$0x3FA7];
	_ =	sdelay $0x3  }
0x37: {  	[smem:$0x3FA7] =	sst s10  }
0x38: {  	s10 =	sld [smem:$0x3FA8]  }
0x39: {  	_ = 	snop;
	(pc) =	sbr.ind lr, $3  }
0x3a: {  	_ = 	snop  }
0x3b: {  	_ = 	snop  }
0x3c: {  	p2 =	seq.s32 s10, $0x1;
	s10 =	sld [smem:$0x3FA7]  }
0x3d: {  	_ =	shalt  }
0x3e: {  	_ =	shalt  }
0x3f: {  	_ =	shalt  }
0x40: {  	_ =	shalt  }
0x41: {  	_ =	shalt  }
0x42: {  	_ =	shalt  }
0x43: {  	_ =	shalt  }
0x44: {  	_ =	shalt  }
0x45: {  	_ =	shalt  }
0x46: {  	_ =	shalt  }
0x47: {  	_ =	shalt  }
0x48: {  	_ =	shalt  }
0x49: {  	_ =	shalt  }
0x4a: {  	_ =	shalt  }
0x4b: {  	_ =	shalt  }
0x4c: {  	_ =	shalt  }
0x4d: {  	_ =	shalt  }
0x4e: {  	_ =	shalt  }
0x4f: {  	_ =	shalt  }
0x50: {  	_ =	shalt  }
0x51: {  	_ =	shalt  }
0x52: {  	_ =	shalt  }
0x53: {  	_ =	shalt  }
0x54: {  	_ =	shalt  }
0x55: {  	_ =	shalt  }
0x56: {  	_ =	shalt  }
0x57: {  	_ =	shalt  }
0x58: {  	_ =	shalt  }
0x59: {  	_ =	shalt  }
0x5a: {  	_ =	shalt  }
0x5b: {  	_ =	shalt  }
0x5c: {  	_ =	shalt  }
0x5d: {  	_ =	shalt  }
0x5e: {  	_ =	shalt  }
0x5f: {  	_ =	shalt  }
0x60: {  	_ =	shalt  }
0x61: {  	_ =	shalt  }
0x62: {  	_ =	shalt  }
0x63: {  	_ =	shalt  }
0x64: {  	_ =	shalt  }
0x65: {  	_ =	shalt  }
0x66: {  	_ =	shalt  }
0x67: {  	_ =	shalt  }
0x68: {  	_ =	shalt  }
0x69: {  	_ =	shalt  }
0x6a: {  	_ =	shalt  }
0x6b: {  	_ =	shalt  }
0x6c: {  	_ =	shalt  }
0x6d: {  	_ =	shalt  }
0x6e: {  	_ =	shalt  }
0x6f: {  	_ =	shalt  }
0x70: {  	_ =	shalt  }
0x71: {  	_ =	shalt  }
0x72: {  	_ =	shalt  }
0x73: {  	_ =	shalt  }
0x74: {  	_ =	shalt  }
0x75: {  	_ =	shalt  }
0x76: {  	_ =	shalt  }
0x77: {  	_ =	shalt  }
0x78: {  	_ =	shalt  }
0x79: {  	_ =	shalt  }
0x7a: {  	_ =	shalt  }
0x7b: {  	_ =	shalt  }
0x7c: {  	_ =	shalt  }
0x7d: {  	_ =	shalt  }
0x7e: {  	_ =	shalt  }
0x7f: {  	_ =	shalt  }
0x80: {  	_ =	shalt  }
0x81: {  	_ =	shalt  }
0x82: {  	_ =	shalt  }
0x83: {  	_ =	shalt  }
0x84: {  	_ =	shalt  }
0x85: {  	_ =	shalt  }
0x86: {  	_ =	shalt  }
0x87: {  	_ =	shalt  }
.Lfunc_end0:
.L_simem_size_0:
called_computation.2_lowered:
.L_overlay_start_0:
0x88: {  	s2 =	sld [smem:$0x3FD9]  }
0x89: {  	s3 =	sld [smem:$0x3FFE];
	_ =	sdelay $0x1  }
0x8a: {  	s1 =	srdreg.scid  }
0x8b: {  	s0 =	sand.u32 $0x1, s1  }
0x8c: {  	s16 =	sshll.u32 s0, $0xA;
	s2 =	sadd.s32 s3, s2  }
0x8d: {  	s2 =	sadd.s32 s2, s16  }
0x8e: {  	[smem:$0x3FB3] =	sst s2  }
0x8f: {  	_ = 	snop  }
0x90: {  	(tm) =	ssettm $0x1  }
0x91: {  	s17 =	sld [smem:$0x3FFB];
	_ =	sdelay $0x3  }
0x92: {  	_ =	strace s17  }
0x93: {  	s2 =	sld [smem:$0x3FFC];
	_ =	sdelay $0x3  }
0x94: {  	_ =	strace s2  }
0x95: {  	s2 =	sld [smem:$0x3FFD];
	_ =	sdelay $0x3  }
0x96: {  	_ =	strace s2  }
0x97: {  	_ =	strace $0x8FFFFFFF  }
0x98: {  	s18 =	sld [smem:$0x3FDB];
	_ =	sdelay $0x1  }
0x99: {  	s19 =	simm.s32 $_scs_section_size  }
0x9a: {  	s4 =	simm.s32 $_size__tile_overlayer_lowered;
	s5 =	simm.s32 $_tile_overlayer_lowered  }
0x9b: {  	s22 =	simm.s32 $0x1BFF;
	s21 =	sshll.u32 s5, $0x1;
	s2 =	sadd.s32 s19, s18  }
0x9c: {  	s6 =	simm.s32 $0x0;
	s20 =	sshll.u32 s4, $0x1;
	s4 =	sadd.s32 s21, s2  }
0x9d: {  	[timem:s6], [sflag:s22] =	dma.local [hbm:s4], s20  }
0x9e: {  	_ =	swait.ge [sflag:s22], s20  }
0x9f: {  	s3 =	ssub.s32 $0x0, s20;
	[sflag:s22] =	ssyncset.done $0x0  }
0xa0: {  	[sflag:s22] =	ssyncadd.s32 s3;
	_ =	sdelay $0x1  }
0xa1: {  	s23 =	simm.s32 $0x1B8B  }
0xa2: {  	_ =	swait.ge [sflag:s23], $0x1  }
0xa3: {  	[sflag:s23] =	ssyncset.done $0x0  }
0xa4: {  	s25 =	simm.s32 $0x1B8E;
	s24 =	sld [smem:$0x3FFE];
	[sflag:s23] =	ssyncadd.s32 $0xFFFFFFFF  }
0xa5: {  	s26 =	simm.s32 $execute0_lowered;
	[smem:$0x3FD2] =	sst s25  }
0xa6: {  	s4 =	sshll.u32 s26, $0x1;
	_ =	strace $0x8000004C;
	[dreg:$0x1] =	wrdreg $0xFFFFFFFF  }
0xa7: {  	s28 =	simm.s32 $_size_execute0_lowered;
	s2 =	sadd.s32 s2, s4;
	[dreg:$0x0] =	wrdreg $0x0  }
0xa8: {  	s4 =	sshll.u32 s28, $0x1;
	[dreg:$0x2] =	wrdreg s2  }
0xa9: {  	[dreg:$0x3] =	wrdreg s4  }
0xaa: {  	[dreg:$0x4] =	wrdreg $0xC0  }
0xab: {  	_ =	task [dreg:s6], $0x5FFFF  }
0xac: {  	[dreg:$0x1] =	wrdreg $0xFFFFFFFF  }
0xad: {  	[dreg:$0x0] =	wrdreg $0x60  }
0xae: {  	[dreg:$0x2] =	wrdreg s24  }
0xaf: {  	[dreg:$0x3] =	wrdreg $0x98800  }
0xb0: {  	[dreg:$0x4] =	wrdreg $0x1D8800  }
0xb1: {  	[dreg:$0x5] =	wrdreg $0x96000  }
0xb2: {  	[dreg:$0x6] =	wrdreg $0x9  }
0xb3: {  	_ =	task.clear_ibuf [dreg:s6], $0x7FFFF;
	_ =	strace $0x9000004C  }
0xb4: {  	s29 =	simm.s32 $0x9;
	_ =	strace $0x8000004E  }
0xb5: {  	_ =	swait.ge [sflag:s29], $0x1  }
0xb6: {  	[sflag:s29] =	ssyncadd.s32 $0xFFFFFFFF  }
0xb7: {  	_ =	strace $0x9000004E  }
0xb8: {  	_ =	sfence  }
0xb9: {  	s30 =	sld [smem:$0x0];
	_ =	sdelay $0x2  }
0xba: {  	s31 =	sshll.u32 s1, $0xD;
	s1 =	sshrl.u32 s1, $0x2  }
0xbb: {  	s3 =	sand.u32 $0x4000, s31;
	s1 =	sadd.s32 s1, s30  }
0xbc: {  	s0 =	sor.u32 s3, s0;
	s1 =	sshll.u32 s1, $0x11  }
0xbd: {  	s0 =	sor.u32 s1, s0  }
0xbe: {  	s0 =	sadd.s32 $0x8F2B, s0  }
0xbf: {  	[sflag:s0] =	ssyncadd.remote.s32 $0x1  }
0xc0: {  	_ =	sfence.sel $0xFFFF  }
0xc1: {  	[dreg:$0x0] =	wrdreg $0xFFFFFFFF;
	(pc) =	sbr.abs _section_cstart, $3  }
0xc2: {  	[dreg:$0x1] =	wrdreg $0xFFFFFFFF  }
0xc3: {  	_ =	task.clear_ibuf [dreg:s6], $0x2FFFF;
	_ =	strace $0x9FFFFFFF  }
0xc4: {  	(tm) =	ssettm $0x7FFFFFFF  }
0xc5: {  	_ =	shalt  }
tec
execute0_lowered:
.L_overlay_start_1:
0x0: {  	(tag) =	ssettag $0x1  }
0x1: {  	s0 =	rddreg [dreg:$0x0]  }
0x2: {  	s2 =	rddreg [dreg:$0x1]  }
0x3: {  	s21 =	rddreg [dreg:$0x2]  }
0x4: {  	s1 =	rddreg [dreg:$0x3];
	s5 =	simm.s32 $0x0  }
0x5: {  	s14 =	stileid.u32;
	s7 =	srdreg.scid;
	s31 =	simm.s32 $0x80  }
0x6: {  	s28 =	simm.s32 $0x5;
	s29 =	simm.s32 $0x6;
	s3 =	smul.u32 $0x280, s14  }
0x7: {  	[smem:$0x7FF] =	sst s5;
	s6 =	sadd.s32 $0x5600, s0;
	s8 =	smul.u32 $0x14000, s14  }
0x8: {  	s7 =	sand.u32 $0x1, s7;
	s15 =	sadd.s32 $0x37E00, s0;
	s11 =	smul.u32 $0x500, s14  }
0x9: {  	s16 =	sadd.s32 $0x2DC00, s0;
	s13 =	smul.u32 $0x50000, s14;
	s25 =	sshll.u32 s14, $0x6  }
0xa: {  	_ =	strace $0x8000004D;
	s10 =	smul.u32 $0x140000, s7;
	s20 =	sshll.u32 s7, $0x7  }
0xb: {  	s22 =	ssub.s32 $0x2, s7;
	s24 =	sshll.u32 s7, $0x4;
	[dreg:$0x6] =	wrdreg s16  }
0xc: {  	s7 =	smul.u32 $0x28800, s7;
	[dreg:$0x5] =	wrdreg s15;
	s9 =	sshrl.u32 s3, $0x3  }
0xd: {  	s12 =	sshrl.u32 s8, $0x3;
	s23 =	sshrl.u32 s22, $0x1;
	s13 =	sshrl.u32 s13, $0x2  }
0xe: {  	s26 =	sadd.s32 s3, s21;
	s3 =	sadd.s32 s3, s1;
	s1 =	smul.u32 $0x2880, s14  }
0xf: {  	s9 =	sadd.s32 s9, s0;
	s8 =	sadd.s32 s8, s10;
	s12 =	sadd.s32 s12, s0  }
0x10: {  	s10 =	sor.u32 s20, s11;
	s11 =	sor.u32 s14, s24;
	s13 =	sadd.s32 s13, s2  }
0x11: {  	[dreg:$0xa] =	wrdreg s26;
	s8 =	sshrl.u32 s8, $0x3;
	s10 =	sshrl.u32 s10, $0x3  }
0x12: {  	[dreg:$0x7] =	wrdreg s13;
	s12 =	sadd.s32 $0x42600, s12;
	s11 =	smul.u32 $0x2880, s11  }
0x13: {  	s30 =	sadd.s32 $0x42000, s9;
	s9 =	sadd.s32 $0x2D600, s9;
	s7 =	sadd.s32 s1, s7  }
0x14: {  	s8 =	sadd.s32 s8, s0;
	s0 =	sadd.s32 s10, s0;
	[dreg:$0x8] =	wrdreg s12  }
0x15: {  	s10 =	ssub.s32 s22, s23;
	s23 =	sor.u32 $0x1C0D, s25;
	[dreg:$0xb] =	wrdreg s30  }
0x16: {  	[dreg:$0xc] =	wrdreg s9;
	s17 =	sadd.s32 $0x180, s7;
	s19 =	sadd.s32 $0xC0, s7  }
0x17: {  	s24 =	sadd.s32 $0x120, s7;
	s30 =	sshrl.u32 s3, $0x3;
	s3 =	simm.s32 $0x1  }
0x18: {  	s12 =	simm.s32 $0x9400;
	s7 =	simm.s32 $0x9;
	[dreg:$0x16] =	wrdreg s24  }
0x19: {  	s11 =	sshrl.u32 s11, $0x3;
	s8 =	sadd.s32 $0xE3000, s8;
	[dreg:$0x19] =	wrdreg s30  }
0x1a: {  	s0 =	sadd.s32 $0x92600, s0;
	s18 =	sshrl.u32 s17, $0x3;
	[dreg:$0x9] =	wrdreg s23  }
0x1b: {  	s20 =	smax.u32 s10, $0x1;
	s17 =	simm.s32 $0x7;
	[dreg:$0x11] =	wrdreg s8  }
0x1c: {  	s4 =	sadd.s32 s15, s11;
	s13 =	sor.u32 $0xC, s11;
	[dreg:$0x12] =	wrdreg s0  }
0x1d: {  	s11 =	sadd.s32 s16, s11;
	[dreg:$0x13] =	wrdreg s20;
	s8 =	sshrl.u32 s19, $0x3  }
0x1e: {  	s22 =	sadd.s32 s18, s16;
	s0 =	sadd.s32 s18, s15;
	[dreg:$0xd] =	wrdreg s4  }
0x1f: {  	s18 =	simm.s32 $0x100;
	s19 =	simm.s32 $0x300;
	[dreg:$0xe] =	wrdreg s11  }
0x20: {  	s20 =	simm.s32 $0x3;
	s14 =	sadd.s32 s15, s13;
	[dreg:$0x14] =	wrdreg s22  }
0x21: {  	s9 =	sadd.s32 s16, s13;
	[dreg:$0x15] =	wrdreg s0;
	s25 =	sadd.s32 s8, s16  }
.Ltmp0:
0x22: {  	s26 =	sadd.s32 s8, s15;
	s4 =	simm.s32 $0x280;
	(pc) =	sbr.rel .LBB2_1-.Ltmp0, $4  }
0x23: {  	s13 =	simm.s32 $0x2;
	s11 =	simm.s32 $0x8;
	[dreg:$0xf] =	wrdreg s14  }
0x24: {  	s8 =	simm.s32 $0xA;
	s22 =	simm.s32 $0xB;
	[dreg:$0x10] =	wrdreg s9  }
0x25: {  	s0 =	simm.s32 $0x0;
	s15 =	simm.s32 $0x3400;
	[dreg:$0x17] =	wrdreg s25  }
0x26: {  	[dreg:$0x18] =	wrdreg s26;
	s26 =	simm.s32 $0xD;
	s9 =	simm.s32 $0x60  }
.LBB2_4:
0x27: {  	_ =	swait.ge [sflag:s29], $0x3000  }
0x28: {  	[sflag:s29] =	ssyncset.done $0x0  }
0x29: {  	[sflag:s29] =	ssyncadd.s32 $0xFFFFD000  }
0x2a: {  	_ =	swait.ge [sflag:s7], $0x60  }
0x2b: {  	[sflag:s7] =	ssyncset.done $0x0  }
0x2c: {  	[sflag:s7] =	ssyncadd.s32 $0xFFFFFFA0  }
0x2d: {  	[spmem:s2] =	stream.indirect.scatter.add.f32 [tilespmem:s10], [sflag:$0xC], $0x80, s19, s9, $0xb8;
	[tilespmem:$0x1DB00] =	vst v63  }
0x2e: {  	_ = 	snop  }
0x2f: {  	[spmem:s21] =	stream.indirect.scatter.add.f32 [tilespmem:s1], [sflag:$0xC], $0x1, s19, s9, $0xb8;
	[tilespmem:$0x1DB00] =	vst v63  }
0x30: {  	_ =	swait.ge [sflag:s8], $0x3000  }
0x31: {  	[sflag:s8] =	ssyncset.done $0x0  }
0x32: {  	[sflag:s8] =	ssyncadd.s32 $0xFFFFD000  }
0x33: {  	_ =	swait.ge [sflag:s8], $0x60  }
0x34: {  	[sflag:s8] =	ssyncset.done $0x0  }
0x35: {  	[sflag:s8] =	ssyncadd.s32 $0xFFFFFFA0  }
0x36: {  	_ =	swait.ge [sflag:s22], $0x3000  }
0x37: {  	[sflag:s22] =	ssyncset.done $0x0  }
0x38: {  	[sflag:s22] =	ssyncadd.s32 $0xFFFFD000  }
0x39: {  	_ =	swait.ge [sflag:s22], $0x60  }
0x3a: {  	[sflag:s22] =	ssyncset.done $0x0  }
0x3b: {  	s0 =	simm.s32 $0xC;
	[sflag:s22] =	ssyncadd.s32 $0xFFFFFFA0  }
0x3c: {  	_ =	swait.ge [sflag:s0], $0x3000  }
0x3d: {  	[sflag:s0] =	ssyncset.done $0x0  }
0x3e: {  	[sflag:s0] =	ssyncadd.s32 $0xFFFFD000  }
0x3f: {  	_ =	swait.ge [sflag:s0], $0x60  }
0x40: {  	[sflag:s0] =	ssyncset.done $0x0  }
0x41: {  	[sflag:s0] =	ssyncadd.s32 $0xFFFFFFA0  }
0x42: {  	[bflag:$0x0] =	sbarrier.arrive $0xFFFF  }
0x43: {  	s23 =	rddreg [dreg:$0x9]  }
0x44: {  	s1 =	rddreg [dreg:$0x11]  }
0x45: {  	s26 =	simm.s32 $0xD;
	s12 =	rddreg [dreg:$0x1b]  }
0x46: {  	[hbm:s1], [sflag:s23] =	dma.local [spmem:s12], $0x2800  }
0x47: {  	_ =	swait.ge [sflag:s26], $0x2800  }
0x48: {  	s16 =	simm.s32 $0x20;
	[sflag:s26] =	ssyncset.done $0x0;
	s14 =	rddreg [dreg:$0x12]  }
0x49: {  	s24 =	simm.s32 $0x10;
	s12 =	rddreg [dreg:$0x1c];
	[sflag:s26] =	ssyncadd.s32 $0xFFFFD800  }
0x4a: {  	[hbm:s14@s16], [sflag:s23] =	dma.strided [spmem:s12@s24], $0x50, s3, $0x10   }
0x4b: {  	_ =	swait.ge [sflag:s26], $0x50  }
0x4c: {  	s25 =	rddreg [dreg:$0x1a]  }
0x4d: {  	s30 =	rddreg [dreg:$0x13];
	s0 =	sadd.s32 $0x1, s25  }
0x4e: {  	p0 =	sne.s32 s0, s30  }
.Ltmp1:
0x4f: {  	_ = 	snop;
	(pc) =	sbr.rel @!p0 .LBB2_5-.Ltmp1, $3  }
0x50: {  	_ =	sdelay $0x1  }
0x51: {  	[sflag:s26] =	ssyncset.done $0x0  }
0x52: {  	s31 =	simm.s32 $0x80;
	s12 =	simm.s32 $0x9400;
	[sflag:s26] =	ssyncadd.s32 $0xFFFFFFB0  }
.LBB2_1:
0x53: {  	[dreg:$0x1a] =	wrdreg s0  }
0x54: {  	s10 =	rddreg [dreg:$0x7]  }
0x55: {  	s25 =	rddreg [dreg:$0x8];
	s24 =	sshrl.u32 s10, $0x3  }
0x56: {  	[dreg:$0x1b] =	wrdreg s24  }
0x57: {  	[spmem:s24], [sflag:s23] =	dma.local [hbm:s25], $0x2800  }
0x58: {  	_ =	swait.ge [sflag:s26], $0x2800  }
0x59: {  	s1 =	rddreg [dreg:$0xa]  }
0x5a: {  	[sflag:s26] =	ssyncset.done $0x0;
	s14 =	rddreg [dreg:$0xb];
	s10 =	sshrl.u32 s1, $0x3  }
0x5b: {  	[sflag:s26] =	ssyncadd.s32 $0xFFFFD800;
	[dreg:$0x1c] =	wrdreg s10  }
0x5c: {  	[spmem:s10], [sflag:s23] =	dma.local [hbm:s14], $0x50  }
0x5d: {  	_ =	swait.ge [sflag:s26], $0x50  }
0x5e: {  	[sflag:s26] =	ssyncset.done $0x0;
	s16 =	rddreg [dreg:$0xc]  }
0x5f: {  	s25 =	rddreg [dreg:$0x19];
	[sflag:s26] =	ssyncadd.s32 $0xFFFFFFB0  }
0x60: {  	[spmem:s25], [sflag:s23] =	dma.local [hbm:s16], $0x50  }
0x61: {  	_ =	swait.ge [sflag:s26], $0x50  }
0x62: {  	[sflag:s26] =	ssyncset.done $0x0  }
0x63: {  	[sflag:s26] =	ssyncadd.s32 $0xFFFFFFB0  }
0x64: {  	[bflag:$0x0] =	sbarrier.arrive $0xFFFF  }
0x65: {  	s23 =	rddreg [dreg:$0xd]  }
0x66: {  	[tilespmem:s5], [sflag:$0x1] =	stream.linear.gather [hbm4b:s23+s5], $0x60, $0x38;
	[tilespmem:$0x1DB00] =	vst v63  }
0x67: {  	s14 =	simm.s32 $0x200;
	s24 =	rddreg [dreg:$0xe]  }
0x68: {  	[tilespmem:s14], [sflag:$0x1] =	stream.linear.gather [hbm4b:s24+s5], $0x60, $0x38;
	[tilespmem:$0x1DB00] =	vst v63  }
0x69: {  	s25 =	rddreg [dreg:$0xf]  }
0x6a: {  	[tilespmem:s31], [sflag:$0x2] =	stream.linear.gather [hbm4b:s25+s5], $0x60, $0x38;
	[tilespmem:$0x1DB00] =	vst v63  }
0x6b: {  	s26 =	rddreg [dreg:$0x10]  }
0x6c: {  	[tilespmem:s4], [sflag:$0x2] =	stream.linear.gather [hbm4b:s26+s5], $0x60, $0x38;
	[tilespmem:$0x1DB00] =	vst v63  }
0x6d: {  	_ =	swait.ge [sflag:s3], $0x60  }
0x6e: {  	[sflag:s3] =	ssyncset.done $0x0  }
0x6f: {  	[sflag:s3] =	ssyncadd.s32 $0xFFFFFFA0  }
0x70: {  	_ =	swait.ge [sflag:s3], $0x60  }
0x71: {  	s1 =	simm.s32 $0x9500;
	s10 =	simm.s32 $0x400;
	[sflag:s3] =	ssyncset.done $0x0  }
0x72: {  	s16 =	simm.s32 $0x280;
	s23 =	rddreg [dreg:$0x16];
	[sflag:s3] =	ssyncadd.s32 $0xFFFFFFA0  }
0x73: {  	[tilespmem:s10], [sflag:$0x4] =	stream.indirect.gather [hbm4b:s6+s9], $0x80, s5, s9, $0xb8;
	[tilespmem:$0x1DB00] =	vst v63  }
0x74: {  	s24 =	simm.s32 $0x6400;
	s25 =	simm.s32 $0x0;
	s30 =	rddreg [dreg:$0x3]  }
0x75: {  	[tilespmem:s12], [sflag:$0x7] =	stream.indirect.gather [spmem:s30], $0x1, s5, s9, $0xb8;
	[tilespmem:$0x1DB00] =	vst v63  }
.LBB2_2:
0x76: {  	_ =	swait.ge [sflag:s13], $0x60  }
0x77: {  	[sflag:s13] =	ssyncset.done $0x0  }
0x78: {  	[sflag:s13] =	ssyncadd.s32 $0xFFFFFFA0  }
0x79: {  	_ =	swait.ge [sflag:s13], $0x60  }
0x7a: {  	[sflag:s13] =	ssyncset.done $0x0  }
0x7b: {  	[sflag:s13] =	ssyncadd.s32 $0xFFFFFFA0  }
0x7c: {  	[tilespmem:s15], [sflag:$0x5] =	stream.indirect.gather [hbm4b:s6+s9], $0x80, s31, s9, $0xb8;
	[tilespmem:$0x1DB00] =	vst v63  }
0x7d: {  	s4 =	simm.s32 $0x9480;
	s0 =	simm.s32 $0x4  }
0x7e: {  	[tilespmem:s4], [sflag:$0x8] =	stream.indirect.gather [spmem:s30], $0x1, s31, s9, $0xb8;
	[tilespmem:$0x1DB00] =	vst v63  }
0x7f: {  	_ =	swait.ge [sflag:s0], $0x3000  }
0x80: {  	[sflag:s0] =	ssyncset.done $0x0  }
0x81: {  	[sflag:s0] =	ssyncadd.s32 $0xFFFFD000  }
0x82: {  	_ =	swait.ge [sflag:s17], $0x60  }
0x83: {  	[sflag:s17] =	ssyncset.done $0x0  }
0x84: {  	p0 =	seq.s32 s25, $0x0;
	[sflag:s17] =	ssyncadd.s32 $0xFFFFFFA0  }
0x85: {  	[spmem:s2] =	stream.indirect.scatter.add.f32 [tilespmem:s10], [sflag:$0xA], $0x80, s14, s9, $0xb8;
	[tilespmem:$0x1DB00] =	vst v63  }
0x86: {  	s26 =	simm.s32 @!p0 $0xC  }
0x87: {  	[spmem:s21] =	stream.indirect.scatter.add.f32 [tilespmem:s12], [sflag:$0xA], $0x1, s14, s9, $0xb8;
	[tilespmem:$0x1DB00] =	vst v63  }
0x88: {  	_ =	swait.ge @!p0 [sflag:s26], $0x3000  }
0x89: {  	[sflag:s26] =	ssyncset.done @!p0 $0x0  }
0x8a: {  	[sflag:s26] =	ssyncadd.s32 @!p0 $0xFFFFD000  }
0x8b: {  	_ =	swait.ge @!p0 [sflag:s26], $0x60  }
0x8c: {  	[sflag:s26] =	ssyncset.done @!p0 $0x0  }
0x8d: {  	[sflag:s26] =	ssyncadd.s32 @!p0 $0xFFFFFFA0;
	s26 =	rddreg [dreg:$0x18]  }
0x8e: {  	s10 =	sadd.s32 s25, s26;
	s26 =	rddreg [dreg:$0x17]  }
0x8f: {  	[tilespmem:s18], [sflag:$0x3] =	stream.linear.gather [hbm4b:s10+s5], $0x60, $0x38;
	[tilespmem:$0x1DB00] =	vst v63  }
0x90: {  	s10 =	sadd.s32 s25, s26  }
0x91: {  	[tilespmem:s19], [sflag:$0x3] =	stream.linear.gather [hbm4b:s10+s5], $0x60, $0x38;
	[tilespmem:$0x1DB00] =	vst v63  }
0x92: {  	_ =	swait.ge [sflag:s20], $0x60  }
0x93: {  	[sflag:s20] =	ssyncset.done $0x0  }
0x94: {  	[sflag:s20] =	ssyncadd.s32 $0xFFFFFFA0  }
0x95: {  	_ =	swait.ge [sflag:s20], $0x60  }
0x96: {  	[sflag:s20] =	ssyncset.done $0x0  }
0x97: {  	[sflag:s20] =	ssyncadd.s32 $0xFFFFFFA0  }
0x98: {  	[tilespmem:s24], [sflag:$0x6] =	stream.indirect.gather [hbm4b:s6+s9], $0x80, s18, s9, $0xb8;
	[tilespmem:$0x1DB00] =	vst v63  }
0x99: {  	_ = 	snop  }
0x9a: {  	[tilespmem:s1], [sflag:$0x9] =	stream.indirect.gather [spmem:s30], $0x1, s18, s9, $0xb8;
	[tilespmem:$0x1DB00] =	vst v63  }
0x9b: {  	_ =	swait.ge [sflag:s28], $0x3000  }
0x9c: {  	[sflag:s28] =	ssyncset.done $0x0  }
0x9d: {  	[sflag:s28] =	ssyncadd.s32 $0xFFFFD000  }
0x9e: {  	_ =	swait.ge [sflag:s11], $0x60  }
0x9f: {  	p0 =	seq.s32 s25, $0x4EC;
	[sflag:s11] =	ssyncset.done $0x0  }
.Ltmp2:
0xa0: {  	s31 =	simm.s32 $0x200;
	[sflag:s11] =	ssyncadd.s32 $0xFFFFFFA0;
	(pc) =	sbr.rel @p0 .LBB2_4-.Ltmp2, $4  }
0xa1: {  	[spmem:s2] =	stream.indirect.scatter.add.f32 [tilespmem:s15], [sflag:$0xB], $0x80, s16, s9, $0xb8;
	[tilespmem:$0x1DB00] =	vst v63  }
0xa2: {  	s0 =	simm.s32 $0x80;
	s14 =	simm.s32 $0x9400;
	s12 =	simm.s32 $0x400  }
0xa3: {  	[spmem:s21] =	stream.indirect.scatter.add.f32 [tilespmem:s4], [sflag:$0xB], $0x1, s16, s9, $0xb8;
	[tilespmem:$0x1DB00] =	vst v63  }
0xa4: {  	s10 =	simm.s32 $0x6400;
	s1 =	simm.s32 $0x9500;
	s4 =	simm.s32 $0x280  }
0xa5: {  	_ =	swait.ge [sflag:s8], $0x3000  }
0xa6: {  	[sflag:s8] =	ssyncset.done $0x0  }
0xa7: {  	[sflag:s8] =	ssyncadd.s32 $0xFFFFD000  }
0xa8: {  	_ =	swait.ge [sflag:s8], $0x60  }
0xa9: {  	s26 =	sshrl.u32 s23, $0x3;
	[sflag:s8] =	ssyncset.done $0x0;
	s10 =	rddreg [dreg:$0x5]  }
0xaa: {  	s16 =	rddreg [dreg:$0x6];
	[sflag:s8] =	ssyncadd.s32 $0xFFFFFFA0;
	s10 =	sadd.s32 s10, s26  }
0xab: {  	[tilespmem:s5], [sflag:$0x1] =	stream.linear.gather [hbm4b:s10+s5], $0x60, $0x38;
	[tilespmem:$0x1DB00] =	vst v63  }
0xac: {  	s10 =	sadd.s32 s16, s26  }
0xad: {  	[tilespmem:s31], [sflag:$0x1] =	stream.linear.gather [hbm4b:s10+s5], $0x60, $0x38;
	[tilespmem:$0x1DB00] =	vst v63  }
0xae: {  	_ =	swait.ge [sflag:s3], $0x60  }
0xaf: {  	[sflag:s3] =	ssyncset.done $0x0  }
0xb0: {  	[sflag:s3] =	ssyncadd.s32 $0xFFFFFFA0  }
0xb1: {  	_ =	swait.ge [sflag:s3], $0x60  }
0xb2: {  	[sflag:s3] =	ssyncset.done $0x0  }
0xb3: {  	[sflag:s3] =	ssyncadd.s32 $0xFFFFFFA0  }
0xb4: {  	[tilespmem:s12], [sflag:$0x4] =	stream.indirect.gather [hbm4b:s6+s9], $0x80, s5, s9, $0xb8;
	[tilespmem:$0x1DB00] =	vst v63  }
0xb5: {  	_ = 	snop  }
0xb6: {  	[tilespmem:s14], [sflag:$0x7] =	stream.indirect.gather [spmem:s30], $0x1, s5, s9, $0xb8;
	[tilespmem:$0x1DB00] =	vst v63  }
0xb7: {  	_ =	swait.ge [sflag:s29], $0x3000  }
0xb8: {  	[sflag:s29] =	ssyncset.done $0x0  }
0xb9: {  	[sflag:s29] =	ssyncadd.s32 $0xFFFFD000  }
0xba: {  	_ =	swait.ge [sflag:s7], $0x60  }
0xbb: {  	[sflag:s7] =	ssyncset.done $0x0  }
0xbc: {  	s24 =	simm.s32 $0x6400;
	[sflag:s7] =	ssyncadd.s32 $0xFFFFFFA0  }
0xbd: {  	[spmem:s2] =	stream.indirect.scatter.add.f32 [tilespmem:s24], [sflag:$0xC], $0x80, s19, s9, $0xb8;
	[tilespmem:$0x1DB00] =	vst v63  }
0xbe: {  	s1 =	simm.s32 $0x9500  }
0xbf: {  	[spmem:s21] =	stream.indirect.scatter.add.f32 [tilespmem:s1], [sflag:$0xC], $0x1, s19, s9, $0xb8;
	[tilespmem:$0x1DB00] =	vst v63  }
0xc0: {  	_ =	swait.ge [sflag:s22], $0x3000  }
0xc1: {  	[sflag:s22] =	ssyncset.done $0x0  }
0xc2: {  	[sflag:s22] =	ssyncadd.s32 $0xFFFFD000  }
0xc3: {  	_ =	swait.ge [sflag:s22], $0x60  }
0xc4: {  	s23 =	sadd.s32 $0x120, s23;
	s16 =	rddreg [dreg:$0x15]  }
0xc5: {  	s31 =	simm.s32 $0x80;
	[sflag:s22] =	ssyncset.done $0x0;
	s26 =	rddreg [dreg:$0x14]  }
.Ltmp3:
0xc6: {  	[sflag:s22] =	ssyncadd.s32 $0xFFFFFFA0;
	s10 =	sadd.s32 s25, s16;
	(pc) =	sbr.rel .LBB2_2-.Ltmp3, $4  }
0xc7: {  	[tilespmem:s0], [sflag:$0x2] =	stream.linear.gather [hbm4b:s10+s5], $0x60, $0x38;
	[tilespmem:$0x1DB00] =	vst v63  }
0xc8: {  	s12 =	simm.s32 $0x9400;
	s14 =	simm.s32 $0x200;
	s10 =	sadd.s32 s25, s26  }
0xc9: {  	[tilespmem:s4], [sflag:$0x2] =	stream.linear.gather [hbm4b:s10+s5], $0x60, $0x38;
	[tilespmem:$0x1DB00] =	vst v63  }
0xca: {  	s16 =	simm.s32 $0x280;
	s25 =	sadd.s32 $0x24, s25;
	s10 =	simm.s32 $0x400  }
.LBB2_5:
0xcb: {  	_ =	sfence.sel $0x180000  }
0xcc: {  	[bflag:$0x0] =	sbarrier.arrive $0xFFFF  }
0xcd: {  	_ =	strace $0x9000004D  }
0xce: {  	s0 =	stileid.u32;
	[bflag:$0x2] =	sbarrier.arrive $0xFFFF  }
0xcf: {  	p0 =	sne.s32 s0, $0x0;
	s0 =	rddreg [dreg:$0x4]  }
0xd0: {  	s0 =	sadd.s32 @!p0 $0x100000, s0  }
0xd1: {  	[sflag:s0] =	ssyncadd.tile.s32 @!p0 $0x1;
	_ =	shalt  }
.Lfunc_end2:
_tile_overlayer_lowered:
.L_overlay_start_2:
0xd2: {  	(tag) =	ssettag $0x2  }
0xd3: {  	s0 =	rddreg [dreg:$0x0];
	s2 =	stileid.u32  }
0xd4: {  	s1 =	rddreg [dreg:$0x1];
	p0 =	sne.s32 s2, $0x0  }
0xd5: {  	s3 =	rddreg [dreg:$0x2];
	[bflag:$0x3] =	sbarrier.arrive $0xFFFF;
	s2 =	simm.s32 @!p0 $0x1C0D  }
0xd6: {  	[timem:s3], [sflag:s2] =	dma.local @!p0 [hbm:s0], s1  }
0xd7: {  	s0 =	simm.s32 @!p0 $0xD  }
0xd8: {  	_ =	swait.ge @!p0 [sflag:s0], s1  }
0xd9: {  	s1 =	ssub.s32 @!p0 $0x0, s1;
	[sflag:s0] =	ssyncset.done @!p0 $0x0  }
0xda: {  	[sflag:s0] =	ssyncadd.s32 @!p0 s1  }
0xdb: {  	[bflag:$0x3] =	sbarrier.arrive $0xFFFF  }
0xdc: {  	_ =	shalt  }

// kernel: kernel.9.cloned.1.call-start
scs
__scs_entry_jumppad:
0x0: {  	(pc) =	sbr.rel $0x88, $3  }
0x1: {  	(tag) =	ssettag $0x0;
	lr =	simm.s32 $0x1  }
0x2: {  	[smem:$0x3F8C] =	sst lr;
	_ =	strace $0xD0000000  }
0x3: {  	_ = 	snop  }
0x4: {  	_ = 	snop  }
0x5: {  	_ = 	snop  }
0x6: {  	_ = 	snop  }
0x7: {  	_ = 	snop  }
__scs_overlays_trampoline_lowered:
0x8: {  	[smem:$0x3F9B] =	sst s0  }
0x9: {  	[smem:$0x3F9C] =	sst s1  }
0xa: {  	[smem:$0x3F9D] =	sst s2  }
0xb: {  	[smem:$0x3F9E] =	sst s3  }
0xc: {  	[smem:$0x3F9F] =	sst s4  }
0xd: {  	[smem:$0x3FA0] =	sst s5  }
0xe: {  	[smem:$0x3FA1] =	sst s6  }
0xf: {  	[smem:$0x3FA2] =	sst s7  }
0x10: {  	[smem:$0x3FA3] =	sst s8  }
0x11: {  	[smem:$0x3FA4] =	sst s9;
	s0 =	simm.s32 @!p0 $0x0  }
0x12: {  	s1 =	sld [smem:$0x3F8A];
	s0 =	simm.s32 @p0 $0x1  }
0x13: {  	[smem:$0x3FA5] =	sst s0;
	s0 =	simm.s32 @!p1 $0x0  }
0x14: {  	s2 =	sld [smem:$0x3F89];
	s0 =	simm.s32 @p1 $0x1  }
0x15: {  	[smem:$0x3FA6] =	sst s0;
	s0 =	simm.s32 @!p2 $0x0  }
0x16: {  	s3 =	sld [smem:$0x3FDB];
	s0 =	simm.s32 @p2 $0x1  }
0x17: {  	s4 =	simm.s32 $0x1BF5;
	[smem:$0x3FA8] =	sst s0  }
0x18: {  	s0 =	sld [smem:$0x3F8B];
	_ =	swait.ge [sflag:s4], $0x0  }
0x19: {  	s7 =	sld [smem:$0x3F8C]  }
0x1a: {  	s8 =	sadd.s32 $0xFFFFE003, lr  }
0x1b: {  	s9 =	sadd.s32 $0xFFFFFEF7, lr;
	s5 =	simm.s32 $0xFFFFFFFF;
	p2 =	slt.u32 s8, $0xFFFFF086  }
0x1c: {  	p1 =	slt.u32 s9, $0xF7A;
	s5 =	simm.s32 @!p2 $0x0  }
0x1d: {  	s5 =	simm.s32 @p1 $0x1;
	p0 =	seq.s32 s7, s2  }
0x1e: {  	s7 =	smul.u32 @!p0 $0xF7A, s2;
	p2 =	seq.s32 @!p0 s5, $0x0  }
0x1f: {  	s9 =	smul.u32 $0xF7A, s1;
	s8 =	simm.s32 @!p0 $0x1BF5;
	p2 =	por !p2, p0  }
0x20: {  	[sflag:s8] =	ssyncset.s32 @!p0 $0xFFFFF086;
	s6 =	sadd.s32 @!p0 s3, s7;
	s7 =	simm.s32 @!p0 $0x108  }
0x21: {  	s3 =	sadd.s32 s3, s9;
	s6 =	sadd.s32 @!p0 $0x88, s6;
	s7 =	simm.s32 @p2 $0x1082  }
0x22: {  	[simem:s7], [sflag:s8] =	dma.local @!p0 [hbm:s6], $0xF7A  }
0x23: {  	s9 =	sor.u32 $0xD0000000, s2;
	s6 =	simm.s32 $0x108;
	_ =	swait.ge @!p0 [sflag:s8], $0x0  }
0x24: {  	s3 =	sadd.s32 $0x88, s3;
	s6 =	simm.s32 @!p1 $0x1082;
	[sflag:s4] =	ssyncset.s32 $0xFFFFF086  }
0x25: {  	[simem:s6], [sflag:s4] =	dma.local [hbm:s3], $0xF7A  }
0x26: {  	[smem:$0x3F8C] =	sst s1;
	(tag) =	ssettag s2;
	_ =	strace s9  }
0x27: {  	s1 =	sld [smem:$0x3F9C]  }
0x28: {  	s2 =	sld [smem:$0x3F9D]  }
0x29: {  	s4 =	sld [smem:$0x3F9F]  }
0x2a: {  	p0 =	seq.s32 s5, $0x0;
	s5 =	sld [smem:$0x3FA0]  }
0x2b: {  	s6 =	sld [smem:$0x3FA1]  }
0x2c: {  	s7 =	sld [smem:$0x3FA2]  }
0x2d: {  	s3 =	simm.s32 $0x108;
	s8 =	sld [smem:$0x3FA3]  }
0x2e: {  	s3 =	simm.s32 @!p0 $0x1082;
	s9 =	sld [smem:$0x3FA4]  }
0x2f: {  	lr =	sadd.s32 s0, s3;
	s0 =	sld [smem:$0x3F9B]  }
0x30: {  	s3 =	sld [smem:$0x3F9E]  }
0x31: {  	[smem:$0x3FA7] =	sst s10  }
0x32: {  	s10 =	sld [smem:$0x3FA5];
	_ =	sdelay $0x3  }
0x33: {  	p0 =	seq.s32 s10, $0x1;
	s10 =	sld [smem:$0x3FA7];
	_ =	sdelay $0x3  }
0x34: {  	[smem:$0x3FA7] =	sst s10  }
0x35: {  	s10 =	sld [smem:$0x3FA6];
	_ =	sdelay $0x3  }
0x36: {  	p1 =	seq.s32 s10, $0x1;
	s10 =	sld [smem:$0x3FA7];
	_ =	sdelay $0x3  }
0x37: {  	[smem:$0x3FA7] =	sst s10  }
0x38: {  	s10 =	sld [smem:$0x3FA8]  }
0x39: {  	_ = 	snop;
	(pc) =	sbr.ind lr, $3  }
0x3a: {  	_ = 	snop  }
0x3b: {  	_ = 	snop  }
0x3c: {  	p2 =	seq.s32 s10, $0x1;
	s10 =	sld [smem:$0x3FA7]  }
0x3d: {  	_ =	shalt  }
0x3e: {  	_ =	shalt  }
0x3f: {  	_ =	shalt  }
0x40: {  	_ =	shalt  }
0x41: {  	_ =	shalt  }
0x42: {  	_ =	shalt  }
0x43: {  	_ =	shalt  }
0x44: {  	_ =	shalt  }
0x45: {  	_ =	shalt  }
0x46: {  	_ =	shalt  }
0x47: {  	_ =	shalt  }
0x48: {  	_ =	shalt  }
0x49: {  	_ =	shalt  }
0x4a: {  	_ =	shalt  }
0x4b: {  	_ =	shalt  }
0x4c: {  	_ =	shalt  }
0x4d: {  	_ =	shalt  }
0x4e: {  	_ =	shalt  }
0x4f: {  	_ =	shalt  }
0x50: {  	_ =	shalt  }
0x51: {  	_ =	shalt  }
0x52: {  	_ =	shalt  }
0x53: {  	_ =	shalt  }
0x54: {  	_ =	shalt  }
0x55: {  	_ =	shalt  }
0x56: {  	_ =	shalt  }
0x57: {  	_ =	shalt  }
0x58: {  	_ =	shalt  }
0x59: {  	_ =	shalt  }
0x5a: {  	_ =	shalt  }
0x5b: {  	_ =	shalt  }
0x5c: {  	_ =	shalt  }
0x5d: {  	_ =	shalt  }
0x5e: {  	_ =	shalt  }
0x5f: {  	_ =	shalt  }
0x60: {  	_ =	shalt  }
0x61: {  	_ =	shalt  }
0x62: {  	_ =	shalt  }
0x63: {  	_ =	shalt  }
0x64: {  	_ =	shalt  }
0x65: {  	_ =	shalt  }
0x66: {  	_ =	shalt  }
0x67: {  	_ =	shalt  }
0x68: {  	_ =	shalt  }
0x69: {  	_ =	shalt  }
0x6a: {  	_ =	shalt  }
0x6b: {  	_ =	shalt  }
0x6c: {  	_ =	shalt  }
0x6d: {  	_ =	shalt  }
0x6e: {  	_ =	shalt  }
0x6f: {  	_ =	shalt  }
0x70: {  	_ =	shalt  }
0x71: {  	_ =	shalt  }
0x72: {  	_ =	shalt  }
0x73: {  	_ =	shalt  }
0x74: {  	_ =	shalt  }
0x75: {  	_ =	shalt  }
0x76: {  	_ =	shalt  }
0x77: {  	_ =	shalt  }
0x78: {  	_ =	shalt  }
0x79: {  	_ =	shalt  }
0x7a: {  	_ =	shalt  }
0x7b: {  	_ =	shalt  }
0x7c: {  	_ =	shalt  }
0x7d: {  	_ =	shalt  }
0x7e: {  	_ =	shalt  }
0x7f: {  	_ =	shalt  }
0x80: {  	_ =	shalt  }
0x81: {  	_ =	shalt  }
0x82: {  	_ =	shalt  }
0x83: {  	_ =	shalt  }
0x84: {  	_ =	shalt  }
0x85: {  	_ =	shalt  }
0x86: {  	_ =	shalt  }
0x87: {  	_ =	shalt  }
.Lfunc_end0:
.L_simem_size_0:
called_computation_lowered:
.L_overlay_start_0:
0x88: {  	s2 =	sld [smem:$0x3FD9]  }
0x89: {  	s3 =	sld [smem:$0x3FFE];
	_ =	sdelay $0x1  }
0x8a: {  	s1 =	srdreg.scid  }
0x8b: {  	s0 =	sand.u32 $0x1, s1  }
0x8c: {  	s16 =	sshll.u32 s0, $0xA;
	s2 =	sadd.s32 s3, s2  }
0x8d: {  	s2 =	sadd.s32 s2, s16  }
0x8e: {  	[smem:$0x3FB3] =	sst s2  }
0x8f: {  	_ = 	snop  }
0x90: {  	(tm) =	ssettm $0x1  }
0x91: {  	s17 =	sld [smem:$0x3FFB];
	_ =	sdelay $0x3  }
0x92: {  	_ =	strace s17  }
0x93: {  	s2 =	sld [smem:$0x3FFC];
	_ =	sdelay $0x3  }
0x94: {  	_ =	strace s2  }
0x95: {  	s2 =	sld [smem:$0x3FFD];
	_ =	sdelay $0x3  }
0x96: {  	_ =	strace s2  }
0x97: {  	_ =	strace $0x8FFFFFFF  }
0x98: {  	s18 =	sld [smem:$0x3FDB];
	_ =	sdelay $0x1  }
0x99: {  	s19 =	simm.s32 $_scs_section_size  }
0x9a: {  	s4 =	simm.s32 $_size__tile_overlayer_lowered;
	s5 =	simm.s32 $_tile_overlayer_lowered  }
0x9b: {  	s22 =	simm.s32 $0x1BFF;
	s21 =	sshll.u32 s5, $0x1;
	s2 =	sadd.s32 s19, s18  }
0x9c: {  	s6 =	simm.s32 $0x0;
	s20 =	sshll.u32 s4, $0x1;
	s4 =	sadd.s32 s21, s2  }
0x9d: {  	[timem:s6], [sflag:s22] =	dma.local [hbm:s4], s20  }
0x9e: {  	_ =	swait.ge [sflag:s22], s20  }
0x9f: {  	s3 =	ssub.s32 $0x0, s20;
	[sflag:s22] =	ssyncset.done $0x0  }
0xa0: {  	[sflag:s22] =	ssyncadd.s32 s3;
	_ =	sdelay $0x1  }
0xa1: {  	s23 =	simm.s32 $0x1B8B  }
0xa2: {  	_ =	swait.ge [sflag:s23], $0x1  }
0xa3: {  	[sflag:s23] =	ssyncset.done $0x0  }
0xa4: {  	s25 =	simm.s32 $0x1B8E;
	s24 =	sld [smem:$0x3FFE];
	[sflag:s23] =	ssyncadd.s32 $0xFFFFFFFF  }
0xa5: {  	s26 =	simm.s32 $execute0_lowered;
	[smem:$0x3FD2] =	sst s25  }
0xa6: {  	s4 =	sshll.u32 s26, $0x1;
	_ =	strace $0x80000046;
	[dreg:$0x1] =	wrdreg $0xFFFFFFFF  }
0xa7: {  	s28 =	simm.s32 $_size_execute0_lowered;
	s2 =	sadd.s32 s2, s4;
	[dreg:$0x0] =	wrdreg $0x0  }
0xa8: {  	s4 =	sshll.u32 s28, $0x1;
	[dreg:$0x2] =	wrdreg s2  }
0xa9: {  	[dreg:$0x3] =	wrdreg s4  }
0xaa: {  	[dreg:$0x4] =	wrdreg $0xC0  }
0xab: {  	_ =	task [dreg:s6], $0x5FFFF  }
0xac: {  	[dreg:$0x1] =	wrdreg $0xFFFFFFFF  }
0xad: {  	[dreg:$0x0] =	wrdreg $0x60  }
0xae: {  	[dreg:$0x2] =	wrdreg s24  }
0xaf: {  	[dreg:$0x3] =	wrdreg $0x98800  }
0xb0: {  	[dreg:$0x4] =	wrdreg $0x1D8800  }
0xb1: {  	[dreg:$0x5] =	wrdreg $0x96000  }
0xb2: {  	[dreg:$0x6] =	wrdreg $0x9  }
0xb3: {  	_ =	task.clear_ibuf [dreg:s6], $0x7FFFF;
	_ =	strace $0x90000046  }
0xb4: {  	s29 =	simm.s32 $0x9;
	_ =	strace $0x80000048  }
0xb5: {  	_ =	swait.ge [sflag:s29], $0x1  }
0xb6: {  	[sflag:s29] =	ssyncadd.s32 $0xFFFFFFFF  }
0xb7: {  	_ =	strace $0x90000048  }
0xb8: {  	_ =	sfence  }
0xb9: {  	s30 =	sld [smem:$0x0];
	_ =	sdelay $0x2  }
0xba: {  	s31 =	sshll.u32 s1, $0xD;
	s1 =	sshrl.u32 s1, $0x2  }
0xbb: {  	s3 =	sand.u32 $0x4000, s31;
	s1 =	sadd.s32 s1, s30  }
0xbc: {  	s0 =	sor.u32 s3, s0;
	s1 =	sshll.u32 s1, $0x11  }
0xbd: {  	s0 =	sor.u32 s1, s0  }
0xbe: {  	s0 =	sadd.s32 $0x8F2B, s0  }
0xbf: {  	[sflag:s0] =	ssyncadd.remote.s32 $0x1  }
0xc0: {  	_ =	sfence.sel $0xFFFF  }
0xc1: {  	[dreg:$0x0] =	wrdreg $0xFFFFFFFF;
	(pc) =	sbr.abs _section_cstart, $3  }
0xc2: {  	[dreg:$0x1] =	wrdreg $0xFFFFFFFF  }
0xc3: {  	_ =	task.clear_ibuf [dreg:s6], $0x2FFFF;
	_ =	strace $0x9FFFFFFF  }
0xc4: {  	(tm) =	ssettm $0x7FFFFFFF  }
0xc5: {  	_ =	shalt  }
tec
execute0_lowered:
.L_overlay_start_1:
0x0: {  	(tag) =	ssettag $0x1  }
0x1: {  	s0 =	rddreg [dreg:$0x0]  }
0x2: {  	s2 =	rddreg [dreg:$0x1]  }
0x3: {  	s21 =	rddreg [dreg:$0x2]  }
0x4: {  	s1 =	rddreg [dreg:$0x3];
	s5 =	simm.s32 $0x0  }
0x5: {  	s14 =	stileid.u32;
	s7 =	srdreg.scid;
	s31 =	simm.s32 $0x80  }
0x6: {  	s28 =	simm.s32 $0x5;
	s29 =	simm.s32 $0x6;
	s3 =	smul.u32 $0x280, s14  }
0x7: {  	[smem:$0x7FF] =	sst s5;
	s6 =	sadd.s32 $0x5C00, s0;
	s8 =	smul.u32 $0x14000, s14  }
0x8: {  	s7 =	sand.u32 $0x1, s7;
	s15 =	sadd.s32 $0x37E00, s0;
	s11 =	smul.u32 $0x500, s14  }
0x9: {  	s16 =	sadd.s32 $0x2DC00, s0;
	s13 =	smul.u32 $0x50000, s14;
	s25 =	sshll.u32 s14, $0x6  }
0xa: {  	_ =	strace $0x80000047;
	s10 =	smul.u32 $0x140000, s7;
	s20 =	sshll.u32 s7, $0x7  }
0xb: {  	s22 =	ssub.s32 $0x2, s7;
	s24 =	sshll.u32 s7, $0x4;
	[dreg:$0x6] =	wrdreg s16  }
0xc: {  	s7 =	smul.u32 $0x28800, s7;
	[dreg:$0x5] =	wrdreg s15;
	s9 =	sshrl.u32 s3, $0x3  }
0xd: {  	s12 =	sshrl.u32 s8, $0x3;
	s23 =	sshrl.u32 s22, $0x1;
	s13 =	sshrl.u32 s13, $0x2  }
0xe: {  	s26 =	sadd.s32 s3, s21;
	s3 =	sadd.s32 s3, s1;
	s1 =	smul.u32 $0x2880, s14  }
0xf: {  	s9 =	sadd.s32 s9, s0;
	s8 =	sadd.s32 s8, s10;
	s12 =	sadd.s32 s12, s0  }
0x10: {  	s10 =	sor.u32 s20, s11;
	s11 =	sor.u32 s14, s24;
	s13 =	sadd.s32 s13, s2  }
0x11: {  	[dreg:$0xa] =	wrdreg s26;
	s8 =	sshrl.u32 s8, $0x3;
	s10 =	sshrl.u32 s10, $0x3  }
0x12: {  	[dreg:$0x7] =	wrdreg s13;
	s12 =	sadd.s32 $0x42600, s12;
	s11 =	smul.u32 $0x2880, s11  }
0x13: {  	s30 =	sadd.s32 $0x42000, s9;
	s9 =	sadd.s32 $0x5600, s9;
	s7 =	sadd.s32 s1, s7  }
0x14: {  	s8 =	sadd.s32 s8, s0;
	s0 =	sadd.s32 s10, s0;
	[dreg:$0x8] =	wrdreg s12  }
0x15: {  	s10 =	ssub.s32 s22, s23;
	s23 =	sor.u32 $0x1C0D, s25;
	[dreg:$0xb] =	wrdreg s30  }
0x16: {  	[dreg:$0xc] =	wrdreg s9;
	s17 =	sadd.s32 $0x180, s7;
	s19 =	sadd.s32 $0xC0, s7  }
0x17: {  	s24 =	sadd.s32 $0x120, s7;
	s30 =	sshrl.u32 s3, $0x3;
	s3 =	simm.s32 $0x1  }
0x18: {  	s12 =	simm.s32 $0x9400;
	s7 =	simm.s32 $0x9;
	[dreg:$0x16] =	wrdreg s24  }
0x19: {  	s11 =	sshrl.u32 s11, $0x3;
	s8 =	sadd.s32 $0x6B000, s8;
	[dreg:$0x19] =	wrdreg s30  }
0x1a: {  	s0 =	sadd.s32 $0x6A600, s0;
	s18 =	sshrl.u32 s17, $0x3;
	[dreg:$0x9] =	wrdreg s23  }
0x1b: {  	s20 =	smax.u32 s10, $0x1;
	s17 =	simm.s32 $0x7;
	[dreg:$0x11] =	wrdreg s8  }
0x1c: {  	s4 =	sadd.s32 s15, s11;
	s13 =	sor.u32 $0xC, s11;
	[dreg:$0x12] =	wrdreg s0  }
0x1d: {  	s11 =	sadd.s32 s16, s11;
	[dreg:$0x13] =	wrdreg s20;
	s8 =	sshrl.u32 s19, $0x3  }
0x1e: {  	s22 =	sadd.s32 s18, s16;
	s0 =	sadd.s32 s18, s15;
	[dreg:$0xd] =	wrdreg s4  }
0x1f: {  	s18 =	simm.s32 $0x100;
	s19 =	simm.s32 $0x300;
	[dreg:$0xe] =	wrdreg s11  }
0x20: {  	s20 =	simm.s32 $0x3;
	s14 =	sadd.s32 s15, s13;
	[dreg:$0x14] =	wrdreg s22  }
0x21: {  	s9 =	sadd.s32 s16, s13;
	[dreg:$0x15] =	wrdreg s0;
	s25 =	sadd.s32 s8, s16  }
.Ltmp0:
0x22: {  	s26 =	sadd.s32 s8, s15;
	s4 =	simm.s32 $0x280;
	(pc) =	sbr.rel .LBB2_1-.Ltmp0, $4  }
0x23: {  	s13 =	simm.s32 $0x2;
	s11 =	simm.s32 $0x8;
	[dreg:$0xf] =	wrdreg s14  }
0x24: {  	s8 =	simm.s32 $0xA;
	s22 =	simm.s32 $0xB;
	[dreg:$0x10] =	wrdreg s9  }
0x25: {  	s0 =	simm.s32 $0x0;
	s15 =	simm.s32 $0x3400;
	[dreg:$0x17] =	wrdreg s25  }
0x26: {  	[dreg:$0x18] =	wrdreg s26;
	s26 =	simm.s32 $0xD;
	s9 =	simm.s32 $0x60  }
.LBB2_4:
0x27: {  	_ =	swait.ge [sflag:s29], $0x3000  }
0x28: {  	[sflag:s29] =	ssyncset.done $0x0  }
0x29: {  	[sflag:s29] =	ssyncadd.s32 $0xFFFFD000  }
0x2a: {  	_ =	swait.ge [sflag:s7], $0x60  }
0x2b: {  	[sflag:s7] =	ssyncset.done $0x0  }
0x2c: {  	[sflag:s7] =	ssyncadd.s32 $0xFFFFFFA0  }
0x2d: {  	[spmem:s2] =	stream.indirect.scatter.add.f32 [tilespmem:s10], [sflag:$0xC], $0x80, s19, s9, $0xb8;
	[tilespmem:$0x1DB00] =	vst v63  }
0x2e: {  	_ = 	snop  }
0x2f: {  	[spmem:s21] =	stream.indirect.scatter.add.f32 [tilespmem:s1], [sflag:$0xC], $0x1, s19, s9, $0xb8;
	[tilespmem:$0x1DB00] =	vst v63  }
0x30: {  	_ =	swait.ge [sflag:s8], $0x3000  }
0x31: {  	[sflag:s8] =	ssyncset.done $0x0  }
0x32: {  	[sflag:s8] =	ssyncadd.s32 $0xFFFFD000  }
0x33: {  	_ =	swait.ge [sflag:s8], $0x60  }
0x34: {  	[sflag:s8] =	ssyncset.done $0x0  }
0x35: {  	[sflag:s8] =	ssyncadd.s32 $0xFFFFFFA0  }
0x36: {  	_ =	swait.ge [sflag:s22], $0x3000  }
0x37: {  	[sflag:s22] =	ssyncset.done $0x0  }
0x38: {  	[sflag:s22] =	ssyncadd.s32 $0xFFFFD000  }
0x39: {  	_ =	swait.ge [sflag:s22], $0x60  }
0x3a: {  	[sflag:s22] =	ssyncset.done $0x0  }
0x3b: {  	s0 =	simm.s32 $0xC;
	[sflag:s22] =	ssyncadd.s32 $0xFFFFFFA0  }
0x3c: {  	_ =	swait.ge [sflag:s0], $0x3000  }
0x3d: {  	[sflag:s0] =	ssyncset.done $0x0  }
0x3e: {  	[sflag:s0] =	ssyncadd.s32 $0xFFFFD000  }
0x3f: {  	_ =	swait.ge [sflag:s0], $0x60  }
0x40: {  	[sflag:s0] =	ssyncset.done $0x0  }
0x41: {  	[sflag:s0] =	ssyncadd.s32 $0xFFFFFFA0  }
0x42: {  	[bflag:$0x0] =	sbarrier.arrive $0xFFFF  }
0x43: {  	s23 =	rddreg [dreg:$0x9]  }
0x44: {  	s1 =	rddreg [dreg:$0x11]  }
0x45: {  	s26 =	simm.s32 $0xD;
	s12 =	rddreg [dreg:$0x1b]  }
0x46: {  	[hbm:s1], [sflag:s23] =	dma.local [spmem:s12], $0x2800  }
0x47: {  	_ =	swait.ge [sflag:s26], $0x2800  }
0x48: {  	s16 =	simm.s32 $0x20;
	[sflag:s26] =	ssyncset.done $0x0;
	s14 =	rddreg [dreg:$0x12]  }
0x49: {  	s24 =	simm.s32 $0x10;
	s12 =	rddreg [dreg:$0x1c];
	[sflag:s26] =	ssyncadd.s32 $0xFFFFD800  }
0x4a: {  	[hbm:s14@s16], [sflag:s23] =	dma.strided [spmem:s12@s24], $0x50, s3, $0x10   }
0x4b: {  	_ =	swait.ge [sflag:s26], $0x50  }
0x4c: {  	s25 =	rddreg [dreg:$0x1a]  }
0x4d: {  	s30 =	rddreg [dreg:$0x13];
	s0 =	sadd.s32 $0x1, s25  }
0x4e: {  	p0 =	sne.s32 s0, s30  }
.Ltmp1:
0x4f: {  	_ = 	snop;
	(pc) =	sbr.rel @!p0 .LBB2_5-.Ltmp1, $3  }
0x50: {  	_ =	sdelay $0x1  }
0x51: {  	[sflag:s26] =	ssyncset.done $0x0  }
0x52: {  	s31 =	simm.s32 $0x80;
	s12 =	simm.s32 $0x9400;
	[sflag:s26] =	ssyncadd.s32 $0xFFFFFFB0  }
.LBB2_1:
0x53: {  	[dreg:$0x1a] =	wrdreg s0  }
0x54: {  	s10 =	rddreg [dreg:$0x7]  }
0x55: {  	s25 =	rddreg [dreg:$0x8];
	s24 =	sshrl.u32 s10, $0x3  }
0x56: {  	[dreg:$0x1b] =	wrdreg s24  }
0x57: {  	[spmem:s24], [sflag:s23] =	dma.local [hbm:s25], $0x2800  }
0x58: {  	_ =	swait.ge [sflag:s26], $0x2800  }
0x59: {  	s1 =	rddreg [dreg:$0xa]  }
0x5a: {  	[sflag:s26] =	ssyncset.done $0x0;
	s14 =	rddreg [dreg:$0xb];
	s10 =	sshrl.u32 s1, $0x3  }
0x5b: {  	[sflag:s26] =	ssyncadd.s32 $0xFFFFD800;
	[dreg:$0x1c] =	wrdreg s10  }
0x5c: {  	[spmem:s10], [sflag:s23] =	dma.local [hbm:s14], $0x50  }
0x5d: {  	_ =	swait.ge [sflag:s26], $0x50  }
0x5e: {  	[sflag:s26] =	ssyncset.done $0x0;
	s16 =	rddreg [dreg:$0xc]  }
0x5f: {  	s25 =	rddreg [dreg:$0x19];
	[sflag:s26] =	ssyncadd.s32 $0xFFFFFFB0  }
0x60: {  	[spmem:s25], [sflag:s23] =	dma.local [hbm:s16], $0x50  }
0x61: {  	_ =	swait.ge [sflag:s26], $0x50  }
0x62: {  	[sflag:s26] =	ssyncset.done $0x0  }
0x63: {  	[sflag:s26] =	ssyncadd.s32 $0xFFFFFFB0  }
0x64: {  	[bflag:$0x0] =	sbarrier.arrive $0xFFFF  }
0x65: {  	s23 =	rddreg [dreg:$0xd]  }
0x66: {  	[tilespmem:s5], [sflag:$0x1] =	stream.linear.gather [hbm4b:s23+s5], $0x60, $0x38;
	[tilespmem:$0x1DB00] =	vst v63  }
0x67: {  	s14 =	simm.s32 $0x200;
	s24 =	rddreg [dreg:$0xe]  }
0x68: {  	[tilespmem:s14], [sflag:$0x1] =	stream.linear.gather [hbm4b:s24+s5], $0x60, $0x38;
	[tilespmem:$0x1DB00] =	vst v63  }
0x69: {  	s25 =	rddreg [dreg:$0xf]  }
0x6a: {  	[tilespmem:s31], [sflag:$0x2] =	stream.linear.gather [hbm4b:s25+s5], $0x60, $0x38;
	[tilespmem:$0x1DB00] =	vst v63  }
0x6b: {  	s26 =	rddreg [dreg:$0x10]  }
0x6c: {  	[tilespmem:s4], [sflag:$0x2] =	stream.linear.gather [hbm4b:s26+s5], $0x60, $0x38;
	[tilespmem:$0x1DB00] =	vst v63  }
0x6d: {  	_ =	swait.ge [sflag:s3], $0x60  }
0x6e: {  	[sflag:s3] =	ssyncset.done $0x0  }
0x6f: {  	[sflag:s3] =	ssyncadd.s32 $0xFFFFFFA0  }
0x70: {  	_ =	swait.ge [sflag:s3], $0x60  }
0x71: {  	s1 =	simm.s32 $0x9500;
	s10 =	simm.s32 $0x400;
	[sflag:s3] =	ssyncset.done $0x0  }
0x72: {  	s16 =	simm.s32 $0x280;
	s23 =	rddreg [dreg:$0x16];
	[sflag:s3] =	ssyncadd.s32 $0xFFFFFFA0  }
0x73: {  	[tilespmem:s10], [sflag:$0x4] =	stream.indirect.gather [hbm4b:s6+s9], $0x80, s5, s9, $0xb8;
	[tilespmem:$0x1DB00] =	vst v63  }
0x74: {  	s24 =	simm.s32 $0x6400;
	s25 =	simm.s32 $0x0;
	s30 =	rddreg [dreg:$0x3]  }
0x75: {  	[tilespmem:s12], [sflag:$0x7] =	stream.indirect.gather [spmem:s30], $0x1, s5, s9, $0xb8;
	[tilespmem:$0x1DB00] =	vst v63  }
.LBB2_2:
0x76: {  	_ =	swait.ge [sflag:s13], $0x60  }
0x77: {  	[sflag:s13] =	ssyncset.done $0x0  }
0x78: {  	[sflag:s13] =	ssyncadd.s32 $0xFFFFFFA0  }
0x79: {  	_ =	swait.ge [sflag:s13], $0x60  }
0x7a: {  	[sflag:s13] =	ssyncset.done $0x0  }
0x7b: {  	[sflag:s13] =	ssyncadd.s32 $0xFFFFFFA0  }
0x7c: {  	[tilespmem:s15], [sflag:$0x5] =	stream.indirect.gather [hbm4b:s6+s9], $0x80, s31, s9, $0xb8;
	[tilespmem:$0x1DB00] =	vst v63  }
0x7d: {  	s4 =	simm.s32 $0x9480;
	s0 =	simm.s32 $0x4  }
0x7e: {  	[tilespmem:s4], [sflag:$0x8] =	stream.indirect.gather [spmem:s30], $0x1, s31, s9, $0xb8;
	[tilespmem:$0x1DB00] =	vst v63  }
0x7f: {  	_ =	swait.ge [sflag:s0], $0x3000  }
0x80: {  	[sflag:s0] =	ssyncset.done $0x0  }
0x81: {  	[sflag:s0] =	ssyncadd.s32 $0xFFFFD000  }
0x82: {  	_ =	swait.ge [sflag:s17], $0x60  }
0x83: {  	[sflag:s17] =	ssyncset.done $0x0  }
0x84: {  	p0 =	seq.s32 s25, $0x0;
	[sflag:s17] =	ssyncadd.s32 $0xFFFFFFA0  }
0x85: {  	[spmem:s2] =	stream.indirect.scatter.add.f32 [tilespmem:s10], [sflag:$0xA], $0x80, s14, s9, $0xb8;
	[tilespmem:$0x1DB00] =	vst v63  }
0x86: {  	s26 =	simm.s32 @!p0 $0xC  }
0x87: {  	[spmem:s21] =	stream.indirect.scatter.add.f32 [tilespmem:s12], [sflag:$0xA], $0x1, s14, s9, $0xb8;
	[tilespmem:$0x1DB00] =	vst v63  }
0x88: {  	_ =	swait.ge @!p0 [sflag:s26], $0x3000  }
0x89: {  	[sflag:s26] =	ssyncset.done @!p0 $0x0  }
0x8a: {  	[sflag:s26] =	ssyncadd.s32 @!p0 $0xFFFFD000  }
0x8b: {  	_ =	swait.ge @!p0 [sflag:s26], $0x60  }
0x8c: {  	[sflag:s26] =	ssyncset.done @!p0 $0x0  }
0x8d: {  	[sflag:s26] =	ssyncadd.s32 @!p0 $0xFFFFFFA0;
	s26 =	rddreg [dreg:$0x18]  }
0x8e: {  	s10 =	sadd.s32 s25, s26;
	s26 =	rddreg [dreg:$0x17]  }
0x8f: {  	[tilespmem:s18], [sflag:$0x3] =	stream.linear.gather [hbm4b:s10+s5], $0x60, $0x38;
	[tilespmem:$0x1DB00] =	vst v63  }
0x90: {  	s10 =	sadd.s32 s25, s26  }
0x91: {  	[tilespmem:s19], [sflag:$0x3] =	stream.linear.gather [hbm4b:s10+s5], $0x60, $0x38;
	[tilespmem:$0x1DB00] =	vst v63  }
0x92: {  	_ =	swait.ge [sflag:s20], $0x60  }
0x93: {  	[sflag:s20] =	ssyncset.done $0x0  }
0x94: {  	[sflag:s20] =	ssyncadd.s32 $0xFFFFFFA0  }
0x95: {  	_ =	swait.ge [sflag:s20], $0x60  }
0x96: {  	[sflag:s20] =	ssyncset.done $0x0  }
0x97: {  	[sflag:s20] =	ssyncadd.s32 $0xFFFFFFA0  }
0x98: {  	[tilespmem:s24], [sflag:$0x6] =	stream.indirect.gather [hbm4b:s6+s9], $0x80, s18, s9, $0xb8;
	[tilespmem:$0x1DB00] =	vst v63  }
0x99: {  	_ = 	snop  }
0x9a: {  	[tilespmem:s1], [sflag:$0x9] =	stream.indirect.gather [spmem:s30], $0x1, s18, s9, $0xb8;
	[tilespmem:$0x1DB00] =	vst v63  }
0x9b: {  	_ =	swait.ge [sflag:s28], $0x3000  }
0x9c: {  	[sflag:s28] =	ssyncset.done $0x0  }
0x9d: {  	[sflag:s28] =	ssyncadd.s32 $0xFFFFD000  }
0x9e: {  	_ =	swait.ge [sflag:s11], $0x60  }
0x9f: {  	p0 =	seq.s32 s25, $0x4EC;
	[sflag:s11] =	ssyncset.done $0x0  }
.Ltmp2:
0xa0: {  	s31 =	simm.s32 $0x200;
	[sflag:s11] =	ssyncadd.s32 $0xFFFFFFA0;
	(pc) =	sbr.rel @p0 .LBB2_4-.Ltmp2, $4  }
0xa1: {  	[spmem:s2] =	stream.indirect.scatter.add.f32 [tilespmem:s15], [sflag:$0xB], $0x80, s16, s9, $0xb8;
	[tilespmem:$0x1DB00] =	vst v63  }
0xa2: {  	s0 =	simm.s32 $0x80;
	s14 =	simm.s32 $0x9400;
	s12 =	simm.s32 $0x400  }
0xa3: {  	[spmem:s21] =	stream.indirect.scatter.add.f32 [tilespmem:s4], [sflag:$0xB], $0x1, s16, s9, $0xb8;
	[tilespmem:$0x1DB00] =	vst v63  }
0xa4: {  	s10 =	simm.s32 $0x6400;
	s1 =	simm.s32 $0x9500;
	s4 =	simm.s32 $0x280  }
0xa5: {  	_ =	swait.ge [sflag:s8], $0x3000  }
0xa6: {  	[sflag:s8] =	ssyncset.done $0x0  }
0xa7: {  	[sflag:s8] =	ssyncadd.s32 $0xFFFFD000  }
0xa8: {  	_ =	swait.ge [sflag:s8], $0x60  }
0xa9: {  	s26 =	sshrl.u32 s23, $0x3;
	[sflag:s8] =	ssyncset.done $0x0;
	s10 =	rddreg [dreg:$0x5]  }
0xaa: {  	s16 =	rddreg [dreg:$0x6];
	[sflag:s8] =	ssyncadd.s32 $0xFFFFFFA0;
	s10 =	sadd.s32 s10, s26  }
0xab: {  	[tilespmem:s5], [sflag:$0x1] =	stream.linear.gather [hbm4b:s10+s5], $0x60, $0x38;
	[tilespmem:$0x1DB00] =	vst v63  }
0xac: {  	s10 =	sadd.s32 s16, s26  }
0xad: {  	[tilespmem:s31], [sflag:$0x1] =	stream.linear.gather [hbm4b:s10+s5], $0x60, $0x38;
	[tilespmem:$0x1DB00] =	vst v63  }
0xae: {  	_ =	swait.ge [sflag:s3], $0x60  }
0xaf: {  	[sflag:s3] =	ssyncset.done $0x0  }
0xb0: {  	[sflag:s3] =	ssyncadd.s32 $0xFFFFFFA0  }
0xb1: {  	_ =	swait.ge [sflag:s3], $0x60  }
0xb2: {  	[sflag:s3] =	ssyncset.done $0x0  }
0xb3: {  	[sflag:s3] =	ssyncadd.s32 $0xFFFFFFA0  }
0xb4: {  	[tilespmem:s12], [sflag:$0x4] =	stream.indirect.gather [hbm4b:s6+s9], $0x80, s5, s9, $0xb8;
	[tilespmem:$0x1DB00] =	vst v63  }
0xb5: {  	_ = 	snop  }
0xb6: {  	[tilespmem:s14], [sflag:$0x7] =	stream.indirect.gather [spmem:s30], $0x1, s5, s9, $0xb8;
	[tilespmem:$0x1DB00] =	vst v63  }
0xb7: {  	_ =	swait.ge [sflag:s29], $0x3000  }
0xb8: {  	[sflag:s29] =	ssyncset.done $0x0  }
0xb9: {  	[sflag:s29] =	ssyncadd.s32 $0xFFFFD000  }
0xba: {  	_ =	swait.ge [sflag:s7], $0x60  }
0xbb: {  	[sflag:s7] =	ssyncset.done $0x0  }
0xbc: {  	s24 =	simm.s32 $0x6400;
	[sflag:s7] =	ssyncadd.s32 $0xFFFFFFA0  }
0xbd: {  	[spmem:s2] =	stream.indirect.scatter.add.f32 [tilespmem:s24], [sflag:$0xC], $0x80, s19, s9, $0xb8;
	[tilespmem:$0x1DB00] =	vst v63  }
0xbe: {  	s1 =	simm.s32 $0x9500  }
0xbf: {  	[spmem:s21] =	stream.indirect.scatter.add.f32 [tilespmem:s1], [sflag:$0xC], $0x1, s19, s9, $0xb8;
	[tilespmem:$0x1DB00] =	vst v63  }
0xc0: {  	_ =	swait.ge [sflag:s22], $0x3000  }
0xc1: {  	[sflag:s22] =	ssyncset.done $0x0  }
0xc2: {  	[sflag:s22] =	ssyncadd.s32 $0xFFFFD000  }
0xc3: {  	_ =	swait.ge [sflag:s22], $0x60  }
0xc4: {  	s23 =	sadd.s32 $0x120, s23;
	s16 =	rddreg [dreg:$0x15]  }
0xc5: {  	s31 =	simm.s32 $0x80;
	[sflag:s22] =	ssyncset.done $0x0;
	s26 =	rddreg [dreg:$0x14]  }
.Ltmp3:
0xc6: {  	[sflag:s22] =	ssyncadd.s32 $0xFFFFFFA0;
	s10 =	sadd.s32 s25, s16;
	(pc) =	sbr.rel .LBB2_2-.Ltmp3, $4  }
0xc7: {  	[tilespmem:s0], [sflag:$0x2] =	stream.linear.gather [hbm4b:s10+s5], $0x60, $0x38;
	[tilespmem:$0x1DB00] =	vst v63  }
0xc8: {  	s12 =	simm.s32 $0x9400;
	s14 =	simm.s32 $0x200;
	s10 =	sadd.s32 s25, s26  }
0xc9: {  	[tilespmem:s4], [sflag:$0x2] =	stream.linear.gather [hbm4b:s10+s5], $0x60, $0x38;
	[tilespmem:$0x1DB00] =	vst v63  }
0xca: {  	s16 =	simm.s32 $0x280;
	s25 =	sadd.s32 $0x24, s25;
	s10 =	simm.s32 $0x400  }
.LBB2_5:
0xcb: {  	_ =	sfence.sel $0x180000  }
0xcc: {  	[bflag:$0x0] =	sbarrier.arrive $0xFFFF  }
0xcd: {  	_ =	strace $0x90000047  }
0xce: {  	s0 =	stileid.u32;
	[bflag:$0x2] =	sbarrier.arrive $0xFFFF  }
0xcf: {  	p0 =	sne.s32 s0, $0x0;
	s0 =	rddreg [dreg:$0x4]  }
0xd0: {  	s0 =	sadd.s32 @!p0 $0x100000, s0  }
0xd1: {  	[sflag:s0] =	ssyncadd.tile.s32 @!p0 $0x1;
	_ =	shalt  }
.Lfunc_end2:
_tile_overlayer_lowered:
.L_overlay_start_2:
0xd2: {  	(tag) =	ssettag $0x2  }
0xd3: {  	s0 =	rddreg [dreg:$0x0];
	s2 =	stileid.u32  }
0xd4: {  	s1 =	rddreg [dreg:$0x1];
	p0 =	sne.s32 s2, $0x0  }
0xd5: {  	s3 =	rddreg [dreg:$0x2];
	[bflag:$0x3] =	sbarrier.arrive $0xFFFF;
	s2 =	simm.s32 @!p0 $0x1C0D  }
0xd6: {  	[timem:s3], [sflag:s2] =	dma.local @!p0 [hbm:s0], s1  }
0xd7: {  	s0 =	simm.s32 @!p0 $0xD  }
0xd8: {  	_ =	swait.ge @!p0 [sflag:s0], s1  }
0xd9: {  	s1 =	ssub.s32 @!p0 $0x0, s1;
	[sflag:s0] =	ssyncset.done @!p0 $0x0  }
0xda: {  	[sflag:s0] =	ssyncadd.s32 @!p0 s1  }
0xdb: {  	[bflag:$0x3] =	sbarrier.arrive $0xFFFF  }
0xdc: {  	_ =	shalt  }

</sc_bundles>
